<compile_context>
chip_gen: v7x
topology: tpu7x:2x2x1
jax: 0.10.2.dev20260603
libtpu: 0.0.44.dev20260713+nightly
codegen_flags: <defaults>
</compile_context>

<pallas_src>
import jax
import jax.numpy as jnp
import numpy as np
from jax import lax
from jax.experimental import pallas as pl
from jax.experimental.pallas import tpu as pltpu
from jax.experimental.pallas import tpu_sc as plsc

N = 10000
E = 320000
H = 128
T = 13
L = 6
EPS = 1e-5
BN_SCALE = 1.0 / np.sqrt(1.0 + EPS)

NC = 2
NS = 16
NW = NC * NS
IPC = 128
CPT = 80
EPT = IPC * CPT
EPAD = EPT * NW
NP = 10240
RPT = NP // NS

ROWB = 2048
GRID = NP // ROWB


def _mesh():
    return plsc.VectorSubcoreMesh(
        core_axis_name="c", subcore_axis_name="s", num_cores=NC, num_subcores=NS
    )



DW = 128


def _deg_body(col_hbm, zeros_hbm, ones_hbm, out_hbm, cidx, ones_buf, acc,
              ss0, ss1):
    c = lax.axis_index("c")
    s = lax.axis_index("s")
    ss = (ss0, ss1)

    pltpu.sync_copy(zeros_hbm.at[pl.ds(s * RPT, RPT)],
                    acc.at[pl.ds(s * RPT, RPT)])
    pltpu.sync_copy(ones_hbm, ones_buf)
    tb = (c * NS + s) * CPT
    pltpu.sync_copy(col_hbm.at[pl.ds(tb, CPT)], cidx)
    plsc.subcore_barrier()

    def fire(j, p):
        pltpu.async_copy(ones_buf, acc.at[cidx.at[j]], ss[p], add=True)

    def wait(j, p):
        pltpu.make_async_copy(ones_buf, acc.at[cidx.at[j]], ss[p]).wait()

    fire(0, 0)
    fire(1, 1)

    def body(t, _):
        j = 2 * t
        wait(j, 0)

        @pl.when(j + 2 < CPT)
        def _():
            fire(j + 2, 0)

        wait(j + 1, 1)

        @pl.when(j + 3 < CPT)
        def _():
            fire(j + 3, 1)

        return 0

    lax.fori_loop(0, CPT // 2, body, 0)
    plsc.subcore_barrier()
    pltpu.sync_copy(acc.at[pl.ds(s * RPT, RPT)],
                    out_hbm.at[pl.ds(c * NP + s * RPT, RPT)])


def _deg_call(col2d, zeros16, ones16):
    k = pl.kernel(
        _deg_body,
        out_type=jax.ShapeDtypeStruct((2 * NP, DW), jnp.float32),
        mesh=_mesh(),
        scratch_types=[
            pltpu.VMEM((CPT, IPC), jnp.int32),
            pltpu.VMEM((IPC, DW), jnp.float32),
            pltpu.VMEM_SHARED((NP, DW), jnp.float32),
            pltpu.SemaphoreType.DMA,
            pltpu.SemaphoreType.DMA,
        ],
    )
    return k(col2d, zeros16, ones16)



def _spmm_body(ms_hbm, row_hbm, col_hbm, zeros_hbm, out_hbm,
               cidx, rixr, rb0, rb1, acc,
               si0, si1, sg0, sg1, ss0, ss1):
    c = lax.axis_index("c")
    s = lax.axis_index("s")
    rows = (rb0, rb1)
    si = (si0, si1)
    sg = (sg0, sg1)
    ss = (ss0, ss1)

    @pl.when(c == 0)
    def _():
        pltpu.sync_copy(ms_hbm.at[pl.ds(s * RPT, RPT)],
                        acc.at[pl.ds(s * RPT, RPT)])

    @pl.when(c == 1)
    def _():
        pltpu.sync_copy(zeros_hbm.at[pl.ds(s * RPT, RPT)],
                        acc.at[pl.ds(s * RPT, RPT)])

    tb = (c * NS + s) * CPT
    pltpu.sync_copy(col_hbm.at[pl.ds(tb, CPT)], cidx)
    plsc.subcore_barrier()

    def fire_ridx(j, p):
        pltpu.async_copy(row_hbm.at[tb + j], rixr.at[p], si[p])

    def wait_ridx(j, p):
        pltpu.make_async_copy(row_hbm.at[tb + j], rixr.at[p], si[p]).wait()

    def fire_gather(p):
        pltpu.async_copy(ms_hbm.at[rixr.at[p]], rows[p], sg[p])

    def wait_gather(p):
        pltpu.make_async_copy(ms_hbm.at[rixr.at[p]], rows[p], sg[p]).wait()

    def fire_scatter(j, p):
        pltpu.async_copy(rows[p], acc.at[cidx.at[j]], ss[p], add=True)

    def wait_scatter(j, p):
        pltpu.make_async_copy(rows[p], acc.at[cidx.at[j]], ss[p]).wait()

    fire_ridx(0, 0)
    fire_ridx(1, 1)
    wait_ridx(0, 0)
    fire_gather(0)

    def half(j, p):
        q = 1 - p
        wait_gather(p)
        fire_scatter(j, p)

        @pl.when(j + 2 < CPT)
        def _():
            fire_ridx(j + 2, p)

        @pl.when(j > 0)
        def _():
            wait_scatter(j - 1, q)

        @pl.when(j + 1 < CPT)
        def _():
            wait_ridx(j + 1, q)
            fire_gather(q)

    def body(t, _):
        half(2 * t, 0)
        half(2 * t + 1, 1)
        return 0

    lax.fori_loop(0, CPT // 2, body, 0)
    wait_scatter(CPT - 1, 1)
    plsc.subcore_barrier()
    pltpu.sync_copy(acc.at[pl.ds(s * RPT, RPT)],
                    out_hbm.at[pl.ds(c * NP + s * RPT, RPT)])


def _spmm_call(ms, row2d, col2d, zeros128):
    k = pl.kernel(
        _spmm_body,
        out_type=jax.ShapeDtypeStruct((2 * NP, H), jnp.float32),
        mesh=_mesh(),
        scratch_types=[
            pltpu.VMEM((CPT, IPC), jnp.int32),
            pltpu.VMEM((2, IPC), jnp.int32),
            pltpu.VMEM((IPC, H), jnp.float32),
            pltpu.VMEM((IPC, H), jnp.float32),
            pltpu.VMEM_SHARED((NP, H), jnp.float32),
            pltpu.SemaphoreType.DMA,
            pltpu.SemaphoreType.DMA,
            pltpu.SemaphoreType.DMA,
            pltpu.SemaphoreType.DMA,
            pltpu.SemaphoreType.DMA,
            pltpu.SemaphoreType.DMA,
        ],
    )
    return k(ms, row2d, col2d, zeros128)



def _t1_body(x_ref, win_ref, bin_ref, wg0_ref, d0_ref, d1_ref,
             h0_ref, ms0_ref, dinv_ref):
    deg = 1.0 + d0_ref[:, 0:1] + d1_ref[:, 0:1]
    dv = lax.rsqrt(deg)
    h0 = jnp.dot(x_ref[...], win_ref[...],
                 preferred_element_type=jnp.float32) + bin_ref[...]
    h0_ref[...] = h0
    ms0_ref[...] = jnp.dot(h0, wg0_ref[...],
                           preferred_element_type=jnp.float32) * dv
    dinv_ref[...] = dv


def _t1_call(xp, W_in, b_in2, Wg0, degp):
    return pl.pallas_call(
        _t1_body,
        grid=(GRID,),
        in_specs=[
            pl.BlockSpec((ROWB, H), lambda i: (i, 0)),
            pl.BlockSpec((H, H), lambda i: (0, 0)),
            pl.BlockSpec((1, H), lambda i: (0, 0)),
            pl.BlockSpec((H, H), lambda i: (0, 0)),
            pl.BlockSpec((ROWB, DW), lambda i: (i, 0)),
            pl.BlockSpec((ROWB, DW), lambda i: (GRID + i, 0)),
        ],
        out_specs=[
            pl.BlockSpec((ROWB, H), lambda i: (i, 0)),
            pl.BlockSpec((ROWB, H), lambda i: (i, 0)),
            pl.BlockSpec((ROWB, 1), lambda i: (i, 0)),
        ],
        out_shape=[
            jax.ShapeDtypeStruct((NP, H), jnp.float32),
            jax.ShapeDtypeStruct((NP, H), jnp.float32),
            jax.ShapeDtypeStruct((NP, 1), jnp.float32),
        ],
    )(xp, W_in, b_in2, Wg0, degp, degp)


def _t2_body(p0_ref, p1_ref, h_ref, dinv_ref, bg_ref, gm_ref, bt_ref,
             wn_ref, hn_ref, msn_ref):
    dv = dinv_ref[...]
    agg = dv * (p0_ref[...] + p1_ref[...]) + bg_ref[...]
    hb = agg * BN_SCALE * gm_ref[...] + bt_ref[...]
    hn = jnp.maximum(hb, 0.0) + h_ref[...]
    hn_ref[...] = hn
    msn_ref[...] = jnp.dot(hn, wn_ref[...],
                           preferred_element_type=jnp.float32) * dv


def _t2_call(P, h, dinv, bg2, gm2, bt2, Wnext):
    return pl.pallas_call(
        _t2_body,
        grid=(GRID,),
        in_specs=[
            pl.BlockSpec((ROWB, H), lambda i: (i, 0)),
            pl.BlockSpec((ROWB, H), lambda i: (GRID + i, 0)),
            pl.BlockSpec((ROWB, H), lambda i: (i, 0)),
            pl.BlockSpec((ROWB, 1), lambda i: (i, 0)),
            pl.BlockSpec((1, H), lambda i: (0, 0)),
            pl.BlockSpec((1, H), lambda i: (0, 0)),
            pl.BlockSpec((1, H), lambda i: (0, 0)),
            pl.BlockSpec((H, H), lambda i: (0, 0)),
        ],
        out_specs=[
            pl.BlockSpec((ROWB, H), lambda i: (i, 0)),
            pl.BlockSpec((ROWB, H), lambda i: (i, 0)),
        ],
        out_shape=[
            jax.ShapeDtypeStruct((NP, H), jnp.float32),
            jax.ShapeDtypeStruct((NP, H), jnp.float32),
        ],
    )(P, P, h, dinv, bg2, gm2, bt2, Wnext)


def _t3_body(p0_ref, p1_ref, h_ref, dinv_ref, bg_ref, gm_ref, bt_ref,
             wo1_ref, bo1_ref, wo2_ref, bo2_ref, out_ref, acc):
    i = pl.program_id(0)
    dv = dinv_ref[...]
    agg = dv * (p0_ref[...] + p1_ref[...]) + bg_ref[...]
    hb = agg * BN_SCALE * gm_ref[...] + bt_ref[...]
    hn = jnp.maximum(hb, 0.0) + h_ref[...]
    rid = i * ROWB + lax.broadcasted_iota(jnp.int32, (ROWB, 1), 0)
    hn = jnp.where(rid < N, hn, 0.0)
    bsum = jnp.sum(hn, axis=0, keepdims=True)

    @pl.when(i == 0)
    def _():
        acc[...] = bsum

    @pl.when(i > 0)
    def _():
        acc[...] = acc[...] + bsum

    @pl.when(i == pl.num_programs(0) - 1)
    def _():
        pooled = acc[...] * (1.0 / N)
        o = jnp.maximum(
            jnp.dot(pooled, wo1_ref[...],
                    preferred_element_type=jnp.float32) + bo1_ref[...], 0.0)
        out_ref[...] = jnp.dot(o, wo2_ref[...],
                               preferred_element_type=jnp.float32) + bo2_ref[...]


def _t3_call(P, h, dinv, bg2, gm2, bt2, Wo1p, bo1p, Wo2p, bo2p):
    return pl.pallas_call(
        _t3_body,
        grid=(GRID,),
        in_specs=[
            pl.BlockSpec((ROWB, H), lambda i: (i, 0)),
            pl.BlockSpec((ROWB, H), lambda i: (GRID + i, 0)),
            pl.BlockSpec((ROWB, H), lambda i: (i, 0)),
            pl.BlockSpec((ROWB, 1), lambda i: (i, 0)),
            pl.BlockSpec((1, H), lambda i: (0, 0)),
            pl.BlockSpec((1, H), lambda i: (0, 0)),
            pl.BlockSpec((1, H), lambda i: (0, 0)),
            pl.BlockSpec((H, H), lambda i: (0, 0)),
            pl.BlockSpec((1, H), lambda i: (0, 0)),
            pl.BlockSpec((H, H), lambda i: (0, 0)),
            pl.BlockSpec((1, H), lambda i: (0, 0)),
        ],
        out_specs=pl.BlockSpec((1, H), lambda i: (0, 0)),
        out_shape=jax.ShapeDtypeStruct((1, H), jnp.float32),
        scratch_shapes=[pltpu.VMEM((1, H), jnp.float32)],
    )(P, P, h, dinv, bg2, gm2, bt2, Wo1p, bo1p, Wo2p, bo2p)



def kernel(x, edge_index, W_in, b_in, Wg, bg, gamma, beta, Wo1, bo1, Wo2, bo2):
    pad = EPAD - E
    pidx = jnp.arange(pad, dtype=jnp.int32)
    row = jnp.concatenate([edge_index[0], pidx % np.int32(N)])
    col = jnp.concatenate([edge_index[1], N + pidx % np.int32(NP - N)])
    row2d = row.reshape(EPAD // IPC, IPC)
    col2d = col.reshape(EPAD // IPC, IPC)
    zeros128 = jnp.zeros((NP, H), jnp.float32)
    ones16 = jnp.ones((IPC, DW), jnp.float32)
    xp = jnp.zeros((NP, H), jnp.float32).at[:N].set(x)

    b_in2 = b_in.reshape(1, H)
    bg2 = bg.reshape(L, 1, H)
    gm2 = gamma.reshape(L, 1, H)
    bt2 = beta.reshape(L, 1, H)
    Wo1p = jnp.zeros((H, H), jnp.float32).at[:, : H // 2].set(Wo1)
    bo1p = jnp.zeros((1, H), jnp.float32).at[:, : H // 2].set(bo1)
    Wo2p = jnp.zeros((H, H), jnp.float32).at[: H // 2, :T].set(Wo2)
    bo2p = jnp.zeros((1, H), jnp.float32).at[:, :T].set(bo2)

    degp = _deg_call(col2d, zeros128, ones16)
    h, ms, dinv = _t1_call(xp, W_in, b_in2, Wg[0], degp)
    for l in range(L - 1):
        P = _spmm_call(ms, row2d, col2d, zeros128)
        h, ms = _t2_call(P, h, dinv, bg2[l], gm2[l], bt2[l], Wg[l + 1])
    P = _spmm_call(ms, row2d, col2d, zeros128)
    out = _t3_call(P, h, dinv, bg2[L - 1], gm2[L - 1], bt2[L - 1],
                   Wo1p, bo1p, Wo2p, bo2p)
    return out[:, :T]

# --- scband reference (transcript-rebuilt; emitter-appended) ---
"""Pipeline reference for scband-gnnregressor-5059471475393 (READ-ONLY COPY).

The authoritative reference and input builder live on the scoring server;
editing this copy changes nothing except your own understanding.
"""

import jax, jax.numpy as jnp
import numpy as np

N = 10000
E = 320000
D = 128
H = 128
L = 6
T = 13
EPS = 1e-5


def setup_inputs(seed: int = 0) -> dict:
    key = jax.random.key(seed)
    ks = jax.random.split(key, 12)
    x = jax.random.normal(ks[0], (N, D), dtype=jnp.float32)
    edge_index = jax.random.randint(ks[1], (2, E), 0, N, dtype=jnp.int32)
    W_in = jax.random.normal(ks[2], (D, H), dtype=jnp.float32) * 0.05
    b_in = jnp.zeros((H,), dtype=jnp.float32)
    Wg = jax.random.normal(ks[3], (L, H, H), dtype=jnp.float32) * 0.05
    bg = jnp.zeros((L, H), dtype=jnp.float32)
    gamma = jnp.ones((L, H), dtype=jnp.float32)
    beta = jnp.zeros((L, H), dtype=jnp.float32)
    Wo1 = jax.random.normal(ks[4], (H, H // 2), dtype=jnp.float32) * 0.05
    bo1 = jnp.zeros((H // 2,), dtype=jnp.float32)
    Wo2 = jax.random.normal(ks[5], (H // 2, T), dtype=jnp.float32) * 0.05
    bo2 = jnp.zeros((T,), dtype=jnp.float32)
    return {"x": x, "edge_index": edge_index, "W_in": W_in, "b_in": b_in,
            "Wg": Wg, "bg": bg, "gamma": gamma, "beta": beta,
            "Wo1": Wo1, "bo1": bo1, "Wo2": Wo2, "bo2": bo2}


def reference(x, edge_index, W_in, b_in, Wg, bg, gamma, beta, Wo1, bo1, Wo2, bo2):
    # GCNConv (PyG semantics): add self-loops, symmetric normalization
    row = edge_index[0]
    col = edge_index[1]
    loops = jnp.arange(N, dtype=row.dtype)
    row = jnp.concatenate([row, loops])
    col = jnp.concatenate([col, loops])
    deg = jnp.zeros((N,), dtype=x.dtype).at[col].add(1.0)
    dinv = jnp.where(deg > 0, jax.lax.rsqrt(deg), 0.0)
    norm = dinv[row] * dinv[col]

    h = x @ W_in + b_in
    bn_scale = 1.0 / np.sqrt(1.0 + EPS)  # eval-mode BN: running_mean=0, running_var=1
    for l in range(L):
        res = h
        m = h @ Wg[l]
        msgs = m[row] * norm[:, None]          # gather (SparseCore-friendly)
        agg = jnp.zeros((N, H), dtype=h.dtype).at[col].add(msgs)  # scatter-add
        agg = agg + bg[l]
        hb = agg * bn_scale * gamma[l] + beta[l]
        hb = jax.nn.relu(hb)
        h = hb + res  # residual (shapes match); dropout p=0.0 is identity

    pooled = jnp.mean(h, axis=0, keepdims=True)  # batch=None path
    o = jax.nn.relu(pooled @ Wo1 + bo1)
    out = o @ Wo2 + bo2
    return out

if __name__ == "__main__":
    import jax
    _d = setup_inputs()
    print(jax.jit(kernel)(*tuple(_d.values())))

</pallas_src>

<mosaic_0001>
#map = affine_map<(d0, d1) -> (0, 0)>
module attributes {stable_mosaic.version = 14 : i64} {
  func.func @_deg_body(%arg0: i32, %arg1: i32, %arg2: memref<2560x128xi32, #tpu.memory_space<hbm>>, %arg3: memref<10240x128xf32, #tpu.memory_space<hbm>>, %arg4: memref<128x128xf32, #tpu.memory_space<hbm>>, %arg5: memref<20480x128xf32, #tpu.memory_space<hbm>>, %arg6: memref<80x128xi32, #tpu.memory_space<vmem>>, %arg7: memref<128x128xf32, #tpu.memory_space<vmem>>, %arg8: memref<10240x128xf32, #tpu.memory_space<vmem_shared>>, %arg9: memref<!tpu.dma_semaphore, #tpu.memory_space<semaphore_mem>>, %arg10: memref<!tpu.dma_semaphore, #tpu.memory_space<semaphore_mem>>) attributes {dimension_semantics = [#tpu.dimension_semantics<core_parallel>, #tpu.dimension_semantics<subcore_parallel>], iteration_bounds = array<i64: 2, 16>, scalar_prefetch = 0 : i64, scratch_operands = 5 : i64, tpu.core_type = #tpu.core_type<sc_vector_subcore>, window_params = [{transform_indices = #map}, {transform_indices = #map}, {transform_indices = #map}, {transform_indices = #map}]} {
    %mul3A = arith.constant 640 : i32
    %mul3A_0 = arith.muli %arg1, %mul3A : i32
    %mul3A_1 = arith.constant 640 : i32
    %mul3A_2 = arith.muli %arg1, %mul3A_1 : i32
    "tpu.region"() ({
      %run_scoped3A = tpu.sem_alloc : memref<!tpu.dma_semaphore, #tpu.memory_space<semaphore_mem>>
      %dma_start3A_34 = arith.constant 0 : i32
      %dma_start3A_35 = tpu.memref_slice %arg8[%mul3A_2, %dma_start3A_34] : memref<10240x128xf32, #tpu.memory_space<vmem_shared>> -> memref<640x128xf32, #tpu.memory_space<vmem_shared>>
      %dma_start3A_36 = arith.constant 0 : i32
      %dma_start3A_37 = tpu.memref_slice %arg3[%mul3A_0, %dma_start3A_36] : memref<10240x128xf32, #tpu.memory_space<hbm>> -> memref<640x128xf32, #tpu.memory_space<hbm>>
      tpu.enqueue_dma source(%dma_start3A_37 : memref<640x128xf32, #tpu.memory_space<hbm>>) target(%dma_start3A_35 : memref<640x128xf32, #tpu.memory_space<vmem_shared>>) target_semaphore(%run_scoped3A : memref<!tpu.dma_semaphore, #tpu.memory_space<semaphore_mem>>)
      %dma_wait3A = arith.constant 0 : i32
      %dma_wait3A_38 = tpu.memref_slice %arg8[%mul3A_2, %dma_wait3A] : memref<10240x128xf32, #tpu.memory_space<vmem_shared>> -> memref<640x128xf32, #tpu.memory_space<vmem_shared>>
      %dma_wait3A_39 = arith.constant 0 : i32
      %dma_wait3A_40 = tpu.memref_slice %arg3[%mul3A_0, %dma_wait3A_39] : memref<10240x128xf32, #tpu.memory_space<hbm>> -> memref<640x128xf32, #tpu.memory_space<hbm>>
      tpu.wait_dma2 semaphore(%run_scoped3A : memref<!tpu.dma_semaphore, #tpu.memory_space<semaphore_mem>>) src(%dma_wait3A_40 : memref<640x128xf32, #tpu.memory_space<hbm>>) dst(%dma_wait3A_38 : memref<640x128xf32, #tpu.memory_space<vmem_shared>>)
      tpu.yield
    }) : () -> ()
    "tpu.region"() ({
      %run_scoped3A = tpu.sem_alloc : memref<!tpu.dma_semaphore, #tpu.memory_space<semaphore_mem>>
      tpu.enqueue_dma source(%arg4 : memref<128x128xf32, #tpu.memory_space<hbm>>) target(%arg7 : memref<128x128xf32, #tpu.memory_space<vmem>>) target_semaphore(%run_scoped3A : memref<!tpu.dma_semaphore, #tpu.memory_space<semaphore_mem>>)
      tpu.wait_dma2 semaphore(%run_scoped3A : memref<!tpu.dma_semaphore, #tpu.memory_space<semaphore_mem>>) src(%arg4 : memref<128x128xf32, #tpu.memory_space<hbm>>) dst(%arg7 : memref<128x128xf32, #tpu.memory_space<vmem>>)
      tpu.yield
    }) : () -> ()
    %mul3A_3 = arith.constant 16 : i32
    %mul3A_4 = arith.muli %arg0, %mul3A_3 : i32
    %add3A = arith.addi %mul3A_4, %arg1 : i32
    %mul3A_5 = arith.constant 80 : i32
    %mul3A_6 = arith.muli %add3A, %mul3A_5 : i32
    "tpu.region"() ({
      %run_scoped3A = tpu.sem_alloc : memref<!tpu.dma_semaphore, #tpu.memory_space<semaphore_mem>>
      %dma_start3A_34 = arith.constant 0 : i32
      %dma_start3A_35 = tpu.memref_slice %arg2[%mul3A_6, %dma_start3A_34] : memref<2560x128xi32, #tpu.memory_space<hbm>> -> memref<80x128xi32, #tpu.memory_space<hbm>>
      %dma_start3A_36 = arith.constant 0 : i32
      %dma_start3A_37 = tpu.memref_slice %arg2[%mul3A_6, %dma_start3A_36] : memref<2560x128xi32, #tpu.memory_space<hbm>> -> memref<80x128xi32, #tpu.memory_space<hbm>>
      tpu.enqueue_dma source(%dma_start3A_37 : memref<80x128xi32, #tpu.memory_space<hbm>>) target(%arg6 : memref<80x128xi32, #tpu.memory_space<vmem>>) target_semaphore(%run_scoped3A : memref<!tpu.dma_semaphore, #tpu.memory_space<semaphore_mem>>)
      %dma_wait3A = arith.constant 0 : i32
      %dma_wait3A_38 = tpu.memref_slice %arg2[%mul3A_6, %dma_wait3A] : memref<2560x128xi32, #tpu.memory_space<hbm>> -> memref<80x128xi32, #tpu.memory_space<hbm>>
      %dma_wait3A_39 = arith.constant 0 : i32
      %dma_wait3A_40 = tpu.memref_slice %arg2[%mul3A_6, %dma_wait3A_39] : memref<2560x128xi32, #tpu.memory_space<hbm>> -> memref<80x128xi32, #tpu.memory_space<hbm>>
      tpu.wait_dma2 semaphore(%run_scoped3A : memref<!tpu.dma_semaphore, #tpu.memory_space<semaphore_mem>>) src(%dma_wait3A_40 : memref<80x128xi32, #tpu.memory_space<hbm>>) dst(%arg6 : memref<80x128xi32, #tpu.memory_space<vmem>>)
      tpu.yield
    }) : () -> ()
    %barrier3A = arith.constant 0 : index
    tpu.barrier barrier_id(%barrier3A)
    %dma_start3A = arith.constant 0 : i32
    %dma_start3A_7 = arith.constant 0 : i32
    %dma_start3A_8 = tpu.memref_slice %arg6[%dma_start3A, %dma_start3A_7] : memref<80x128xi32, #tpu.memory_space<vmem>> -> memref<1x128xi32, #tpu.memory_space<vmem>>
    %dma_start3A_9 = tpu.memref_squeeze %dma_start3A_8 : memref<1x128xi32, #tpu.memory_space<vmem>> -> memref<128xi32, #tpu.memory_space<vmem>>
    %dma_start3A_10 = arith.constant 0 : i32
    %dma_start3A_11 = arith.constant 0 : i32
    %dma_start3A_12 = tpu.memref_slice %arg8[%dma_start3A_10, %dma_start3A_11] : memref<10240x128xf32, #tpu.memory_space<vmem_shared>> -> memref<10240x128xf32, #tpu.memory_space<vmem_shared>>
    tpu.enqueue_indirect_dma source(%arg7 : memref<128x128xf32, #tpu.memory_space<vmem>>) target(%dma_start3A_12 : memref<10240x128xf32, #tpu.memory_space<vmem_shared>>) offsets(%dma_start3A_9 : memref<128xi32, #tpu.memory_space<vmem>>) semaphore(%arg9 : memref<!tpu.dma_semaphore, #tpu.memory_space<semaphore_mem>>) {add = true}
    %dma_start3A_13 = arith.constant 1 : i32
    %dma_start3A_14 = arith.constant 0 : i32
    %dma_start3A_15 = tpu.memref_slice %arg6[%dma_start3A_13, %dma_start3A_14] : memref<80x128xi32, #tpu.memory_space<vmem>> -> memref<1x128xi32, #tpu.memory_space<vmem>>
    %dma_start3A_16 = tpu.memref_squeeze %dma_start3A_15 : memref<1x128xi32, #tpu.memory_space<vmem>> -> memref<128xi32, #tpu.memory_space<vmem>>
    %dma_start3A_17 = arith.constant 0 : i32
    %dma_start3A_18 = arith.constant 0 : i32
    %dma_start3A_19 = tpu.memref_slice %arg8[%dma_start3A_17, %dma_start3A_18] : memref<10240x128xf32, #tpu.memory_space<vmem_shared>> -> memref<10240x128xf32, #tpu.memory_space<vmem_shared>>
    tpu.enqueue_indirect_dma source(%arg7 : memref<128x128xf32, #tpu.memory_space<vmem>>) target(%dma_start3A_19 : memref<10240x128xf32, #tpu.memory_space<vmem_shared>>) offsets(%dma_start3A_16 : memref<128xi32, #tpu.memory_space<vmem>>) semaphore(%arg10 : memref<!tpu.dma_semaphore, #tpu.memory_space<semaphore_mem>>) {add = true}
    %scan3A = arith.constant 0 : i32
    %scan3A_20 = arith.constant 0 : i32
    %scan3A_21 = arith.constant 40 : i32
    %scan3A_22 = arith.addi %scan3A_20, %scan3A_21 : i32
    %scan3A_23 = arith.constant 1 : i32
    %scan3A_24 = scf.for %scan3A_34 = %scan3A_20 to %scan3A_22 step %scan3A_23 iter_args(%scan3A_35 = %scan3A) -> (i32)  : i32 {
      %mul3A_36 = arith.constant 2 : i32
      %mul3A_37 = arith.muli %mul3A_36, %scan3A_34 : i32
      %dma_wait3A = arith.constant 0 : i32
      %dma_wait3A_38 = tpu.memref_slice %arg6[%mul3A_37, %dma_wait3A] : memref<80x128xi32, #tpu.memory_space<vmem>> -> memref<1x128xi32, #tpu.memory_space<vmem>>
      %dma_wait3A_39 = tpu.memref_squeeze %dma_wait3A_38 : memref<1x128xi32, #tpu.memory_space<vmem>> -> memref<128xi32, #tpu.memory_space<vmem>>
      %dma_wait3A_40 = arith.constant 0 : i32
      %dma_wait3A_41 = arith.constant 0 : i32
      %dma_wait3A_42 = tpu.memref_slice %arg8[%dma_wait3A_40, %dma_wait3A_41] : memref<10240x128xf32, #tpu.memory_space<vmem_shared>> -> memref<10240x128xf32, #tpu.memory_space<vmem_shared>>
      tpu.wait_indirect_dma semaphore(%arg9 : memref<!tpu.dma_semaphore, #tpu.memory_space<semaphore_mem>>) src(%arg7 : memref<128x128xf32, #tpu.memory_space<vmem>>) dst(%dma_wait3A_42 : memref<10240x128xf32, #tpu.memory_space<vmem_shared>>)
      %add3A_43 = arith.constant 2 : i32
      %add3A_44 = arith.addi %mul3A_37, %add3A_43 : i32
      %lt3A = arith.constant 80 : i32
      %lt3A_45 = arith.cmpi slt, %add3A_44, %lt3A : i32
      %convert_element_type3A = arith.extui %lt3A_45 : i1 to i32
      %cond3A = arith.constant 0 : i32
      %cond3A_46 = arith.cmpi ne, %convert_element_type3A, %cond3A : i32
      scf.if %cond3A_46 {
        %add3A_63 = arith.constant 2 : i32
        %add3A_64 = arith.addi %mul3A_37, %add3A_63 : i32
        %dma_start3A_65 = arith.constant 0 : i32
        %dma_start3A_66 = tpu.memref_slice %arg6[%add3A_64, %dma_start3A_65] : memref<80x128xi32, #tpu.memory_space<vmem>> -> memref<1x128xi32, #tpu.memory_space<vmem>>
        %dma_start3A_67 = tpu.memref_squeeze %dma_start3A_66 : memref<1x128xi32, #tpu.memory_space<vmem>> -> memref<128xi32, #tpu.memory_space<vmem>>
        %dma_start3A_68 = arith.constant 0 : i32
        %dma_start3A_69 = arith.constant 0 : i32
        %dma_start3A_70 = tpu.memref_slice %arg8[%dma_start3A_68, %dma_start3A_69] : memref<10240x128xf32, #tpu.memory_space<vmem_shared>> -> memref<10240x128xf32, #tpu.memory_space<vmem_shared>>
        tpu.enqueue_indirect_dma source(%arg7 : memref<128x128xf32, #tpu.memory_space<vmem>>) target(%dma_start3A_70 : memref<10240x128xf32, #tpu.memory_space<vmem_shared>>) offsets(%dma_start3A_67 : memref<128xi32, #tpu.memory_space<vmem>>) semaphore(%arg9 : memref<!tpu.dma_semaphore, #tpu.memory_space<semaphore_mem>>) {add = true}
      } else {
      }
      %add3A_47 = arith.constant 1 : i32
      %add3A_48 = arith.addi %mul3A_37, %add3A_47 : i32
      %dma_wait3A_49 = arith.constant 0 : i32
      %dma_wait3A_50 = tpu.memref_slice %arg6[%add3A_48, %dma_wait3A_49] : memref<80x128xi32, #tpu.memory_space<vmem>> -> memref<1x128xi32, #tpu.memory_space<vmem>>
      %dma_wait3A_51 = tpu.memref_squeeze %dma_wait3A_50 : memref<1x128xi32, #tpu.memory_space<vmem>> -> memref<128xi32, #tpu.memory_space<vmem>>
      %dma_wait3A_52 = arith.constant 0 : i32
      %dma_wait3A_53 = arith.constant 0 : i32
      %dma_wait3A_54 = tpu.memref_slice %arg8[%dma_wait3A_52, %dma_wait3A_53] : memref<10240x128xf32, #tpu.memory_space<vmem_shared>> -> memref<10240x128xf32, #tpu.memory_space<vmem_shared>>
      tpu.wait_indirect_dma semaphore(%arg10 : memref<!tpu.dma_semaphore, #tpu.memory_space<semaphore_mem>>) src(%arg7 : memref<128x128xf32, #tpu.memory_space<vmem>>) dst(%dma_wait3A_54 : memref<10240x128xf32, #tpu.memory_space<vmem_shared>>)
      %add3A_55 = arith.constant 3 : i32
      %add3A_56 = arith.addi %mul3A_37, %add3A_55 : i32
      %lt3A_57 = arith.constant 80 : i32
      %lt3A_58 = arith.cmpi slt, %add3A_56, %lt3A_57 : i32
      %convert_element_type3A_59 = arith.extui %lt3A_58 : i1 to i32
      %cond3A_60 = arith.constant 0 : i32
      %cond3A_61 = arith.cmpi ne, %convert_element_type3A_59, %cond3A_60 : i32
      scf.if %cond3A_61 {
        %add3A_63 = arith.constant 3 : i32
        %add3A_64 = arith.addi %mul3A_37, %add3A_63 : i32
        %dma_start3A_65 = arith.constant 0 : i32
        %dma_start3A_66 = tpu.memref_slice %arg6[%add3A_64, %dma_start3A_65] : memref<80x128xi32, #tpu.memory_space<vmem>> -> memref<1x128xi32, #tpu.memory_space<vmem>>
        %dma_start3A_67 = tpu.memref_squeeze %dma_start3A_66 : memref<1x128xi32, #tpu.memory_space<vmem>> -> memref<128xi32, #tpu.memory_space<vmem>>
        %dma_start3A_68 = arith.constant 0 : i32
        %dma_start3A_69 = arith.constant 0 : i32
        %dma_start3A_70 = tpu.memref_slice %arg8[%dma_start3A_68, %dma_start3A_69] : memref<10240x128xf32, #tpu.memory_space<vmem_shared>> -> memref<10240x128xf32, #tpu.memory_space<vmem_shared>>
        tpu.enqueue_indirect_dma source(%arg7 : memref<128x128xf32, #tpu.memory_space<vmem>>) target(%dma_start3A_70 : memref<10240x128xf32, #tpu.memory_space<vmem_shared>>) offsets(%dma_start3A_67 : memref<128xi32, #tpu.memory_space<vmem>>) semaphore(%arg10 : memref<!tpu.dma_semaphore, #tpu.memory_space<semaphore_mem>>) {add = true}
      } else {
      }
      %scan3A_62 = arith.constant 0 : i32
      scf.yield %scan3A_62 : i32
    }
    %scan3A_25 = arith.constant 40 : i32
    %barrier3A_26 = arith.constant 0 : index
    tpu.barrier barrier_id(%barrier3A_26)
    %mul3A_27 = arith.constant 640 : i32
    %mul3A_28 = arith.muli %arg1, %mul3A_27 : i32
    %mul3A_29 = arith.constant 10240 : i32
    %mul3A_30 = arith.muli %arg0, %mul3A_29 : i32
    %mul3A_31 = arith.constant 640 : i32
    %mul3A_32 = arith.muli %arg1, %mul3A_31 : i32
    %add3A_33 = arith.addi %mul3A_30, %mul3A_32 : i32
    "tpu.region"() ({
      %run_scoped3A = tpu.sem_alloc : memref<!tpu.dma_semaphore, #tpu.memory_space<semaphore_mem>>
      %dma_start3A_34 = arith.constant 0 : i32
      %dma_start3A_35 = tpu.memref_slice %arg5[%add3A_33, %dma_start3A_34] : memref<20480x128xf32, #tpu.memory_space<hbm>> -> memref<640x128xf32, #tpu.memory_space<hbm>>
      %dma_start3A_36 = arith.constant 0 : i32
      %dma_start3A_37 = tpu.memref_slice %arg8[%mul3A_28, %dma_start3A_36] : memref<10240x128xf32, #tpu.memory_space<vmem_shared>> -> memref<640x128xf32, #tpu.memory_space<vmem_shared>>
      tpu.enqueue_dma source(%dma_start3A_37 : memref<640x128xf32, #tpu.memory_space<vmem_shared>>) target(%dma_start3A_35 : memref<640x128xf32, #tpu.memory_space<hbm>>) target_semaphore(%run_scoped3A : memref<!tpu.dma_semaphore, #tpu.memory_space<semaphore_mem>>)
      %dma_wait3A = arith.constant 0 : i32
      %dma_wait3A_38 = tpu.memref_slice %arg5[%add3A_33, %dma_wait3A] : memref<20480x128xf32, #tpu.memory_space<hbm>> -> memref<640x128xf32, #tpu.memory_space<hbm>>
      %dma_wait3A_39 = arith.constant 0 : i32
      %dma_wait3A_40 = tpu.memref_slice %arg8[%mul3A_28, %dma_wait3A_39] : memref<10240x128xf32, #tpu.memory_space<vmem_shared>> -> memref<640x128xf32, #tpu.memory_space<vmem_shared>>
      tpu.wait_dma2 semaphore(%run_scoped3A : memref<!tpu.dma_semaphore, #tpu.memory_space<semaphore_mem>>) src(%dma_wait3A_40 : memref<640x128xf32, #tpu.memory_space<vmem_shared>>) dst(%dma_wait3A_38 : memref<640x128xf32, #tpu.memory_space<hbm>>)
      tpu.yield
    }) : () -> ()
    return
  }
}

#map = affine_map<(d0, d1) -> (0, 0)>
module attributes {stable_mosaic.version = 14 : i64} {
  func.func @_spmm_body(%arg0: i32, %arg1: i32, %arg2: memref<10240x128xf32, #tpu.memory_space<hbm>>, %arg3: memref<2560x128xi32, #tpu.memory_space<hbm>>, %arg4: memref<2560x128xi32, #tpu.memory_space<hbm>>, %arg5: memref<10240x128xf32, #tpu.memory_space<hbm>>, %arg6: memref<20480x128xf32, #tpu.memory_space<hbm>>, %arg7: memref<80x128xi32, #tpu.memory_space<vmem>>, %arg8: memref<2x128xi32, #tpu.memory_space<vmem>>, %arg9: memref<128x128xf32, #tpu.memory_space<vmem>>, %arg10: memref<128x128xf32, #tpu.memory_space<vmem>>, %arg11: memref<10240x128xf32, #tpu.memory_space<vmem_shared>>, %arg12: memref<!tpu.dma_semaphore, #tpu.memory_space<semaphore_mem>>, %arg13: memref<!tpu.dma_semaphore, #tpu.memory_space<semaphore_mem>>, %arg14: memref<!tpu.dma_semaphore, #tpu.memory_space<semaphore_mem>>, %arg15: memref<!tpu.dma_semaphore, #tpu.memory_space<semaphore_mem>>, %arg16: memref<!tpu.dma_semaphore, #tpu.memory_space<semaphore_mem>>, %arg17: memref<!tpu.dma_semaphore, #tpu.memory_space<semaphore_mem>>) attributes {dimension_semantics = [#tpu.dimension_semantics<core_parallel>, #tpu.dimension_semantics<subcore_parallel>], iteration_bounds = array<i64: 2, 16>, scalar_prefetch = 0 : i64, scratch_operands = 11 : i64, tpu.core_type = #tpu.core_type<sc_vector_subcore>, window_params = [{transform_indices = #map}, {transform_indices = #map}, {transform_indices = #map}, {transform_indices = #map}, {transform_indices = #map}]} {
    %eq3A = arith.constant 0 : i32
    %eq3A_0 = arith.cmpi eq, %arg0, %eq3A : i32
    %convert_element_type3A = arith.extui %eq3A_0 : i1 to i32
    %cond3A = arith.constant 0 : i32
    %cond3A_1 = arith.cmpi ne, %convert_element_type3A, %cond3A : i32
    scf.if %cond3A_1 {
      %mul3A_81 = arith.constant 640 : i32
      %mul3A_82 = arith.muli %arg1, %mul3A_81 : i32
      %mul3A_83 = arith.constant 640 : i32
      %mul3A_84 = arith.muli %arg1, %mul3A_83 : i32
      "tpu.region"() ({
        %run_scoped3A = tpu.sem_alloc : memref<!tpu.dma_semaphore, #tpu.memory_space<semaphore_mem>>
        %dma_start3A_85 = arith.constant 0 : i32
        %dma_start3A_86 = tpu.memref_slice %arg11[%mul3A_84, %dma_start3A_85] : memref<10240x128xf32, #tpu.memory_space<vmem_shared>> -> memref<640x128xf32, #tpu.memory_space<vmem_shared>>
        %dma_start3A_87 = arith.constant 0 : i32
        %dma_start3A_88 = tpu.memref_slice %arg2[%mul3A_82, %dma_start3A_87] : memref<10240x128xf32, #tpu.memory_space<hbm>> -> memref<640x128xf32, #tpu.memory_space<hbm>>
        tpu.enqueue_dma source(%dma_start3A_88 : memref<640x128xf32, #tpu.memory_space<hbm>>) target(%dma_start3A_86 : memref<640x128xf32, #tpu.memory_space<vmem_shared>>) target_semaphore(%run_scoped3A : memref<!tpu.dma_semaphore, #tpu.memory_space<semaphore_mem>>)
        %dma_wait3A_89 = arith.constant 0 : i32
        %dma_wait3A_90 = tpu.memref_slice %arg11[%mul3A_84, %dma_wait3A_89] : memref<10240x128xf32, #tpu.memory_space<vmem_shared>> -> memref<640x128xf32, #tpu.memory_space<vmem_shared>>
        %dma_wait3A_91 = arith.constant 0 : i32
        %dma_wait3A_92 = tpu.memref_slice %arg2[%mul3A_82, %dma_wait3A_91] : memref<10240x128xf32, #tpu.memory_space<hbm>> -> memref<640x128xf32, #tpu.memory_space<hbm>>
        tpu.wait_dma2 semaphore(%run_scoped3A : memref<!tpu.dma_semaphore, #tpu.memory_space<semaphore_mem>>) src(%dma_wait3A_92 : memref<640x128xf32, #tpu.memory_space<hbm>>) dst(%dma_wait3A_90 : memref<640x128xf32, #tpu.memory_space<vmem_shared>>)
        tpu.yield
      }) : () -> ()
    } else {
    }
    %eq3A_2 = arith.constant 1 : i32
    %eq3A_3 = arith.cmpi eq, %arg0, %eq3A_2 : i32
    %convert_element_type3A_4 = arith.extui %eq3A_3 : i1 to i32
    %cond3A_5 = arith.constant 0 : i32
    %cond3A_6 = arith.cmpi ne, %convert_element_type3A_4, %cond3A_5 : i32
    scf.if %cond3A_6 {
      %mul3A_81 = arith.constant 640 : i32
      %mul3A_82 = arith.muli %arg1, %mul3A_81 : i32
      %mul3A_83 = arith.constant 640 : i32
      %mul3A_84 = arith.muli %arg1, %mul3A_83 : i32
      "tpu.region"() ({
        %run_scoped3A = tpu.sem_alloc : memref<!tpu.dma_semaphore, #tpu.memory_space<semaphore_mem>>
        %dma_start3A_85 = arith.constant 0 : i32
        %dma_start3A_86 = tpu.memref_slice %arg11[%mul3A_84, %dma_start3A_85] : memref<10240x128xf32, #tpu.memory_space<vmem_shared>> -> memref<640x128xf32, #tpu.memory_space<vmem_shared>>
        %dma_start3A_87 = arith.constant 0 : i32
        %dma_start3A_88 = tpu.memref_slice %arg5[%mul3A_82, %dma_start3A_87] : memref<10240x128xf32, #tpu.memory_space<hbm>> -> memref<640x128xf32, #tpu.memory_space<hbm>>
        tpu.enqueue_dma source(%dma_start3A_88 : memref<640x128xf32, #tpu.memory_space<hbm>>) target(%dma_start3A_86 : memref<640x128xf32, #tpu.memory_space<vmem_shared>>) target_semaphore(%run_scoped3A : memref<!tpu.dma_semaphore, #tpu.memory_space<semaphore_mem>>)
        %dma_wait3A_89 = arith.constant 0 : i32
        %dma_wait3A_90 = tpu.memref_slice %arg11[%mul3A_84, %dma_wait3A_89] : memref<10240x128xf32, #tpu.memory_space<vmem_shared>> -> memref<640x128xf32, #tpu.memory_space<vmem_shared>>
        %dma_wait3A_91 = arith.constant 0 : i32
        %dma_wait3A_92 = tpu.memref_slice %arg5[%mul3A_82, %dma_wait3A_91] : memref<10240x128xf32, #tpu.memory_space<hbm>> -> memref<640x128xf32, #tpu.memory_space<hbm>>
        tpu.wait_dma2 semaphore(%run_scoped3A : memref<!tpu.dma_semaphore, #tpu.memory_space<semaphore_mem>>) src(%dma_wait3A_92 : memref<640x128xf32, #tpu.memory_space<hbm>>) dst(%dma_wait3A_90 : memref<640x128xf32, #tpu.memory_space<vmem_shared>>)
        tpu.yield
      }) : () -> ()
    } else {
    }
    %mul3A = arith.constant 16 : i32
    %mul3A_7 = arith.muli %arg0, %mul3A : i32
    %add3A = arith.addi %mul3A_7, %arg1 : i32
    %mul3A_8 = arith.constant 80 : i32
    %mul3A_9 = arith.muli %add3A, %mul3A_8 : i32
    "tpu.region"() ({
      %run_scoped3A = tpu.sem_alloc : memref<!tpu.dma_semaphore, #tpu.memory_space<semaphore_mem>>
      %dma_start3A_81 = arith.constant 0 : i32
      %dma_start3A_82 = tpu.memref_slice %arg4[%mul3A_9, %dma_start3A_81] : memref<2560x128xi32, #tpu.memory_space<hbm>> -> memref<80x128xi32, #tpu.memory_space<hbm>>
      %dma_start3A_83 = arith.constant 0 : i32
      %dma_start3A_84 = tpu.memref_slice %arg4[%mul3A_9, %dma_start3A_83] : memref<2560x128xi32, #tpu.memory_space<hbm>> -> memref<80x128xi32, #tpu.memory_space<hbm>>
      tpu.enqueue_dma source(%dma_start3A_84 : memref<80x128xi32, #tpu.memory_space<hbm>>) target(%arg7 : memref<80x128xi32, #tpu.memory_space<vmem>>) target_semaphore(%run_scoped3A : memref<!tpu.dma_semaphore, #tpu.memory_space<semaphore_mem>>)
      %dma_wait3A_85 = arith.constant 0 : i32
      %dma_wait3A_86 = tpu.memref_slice %arg4[%mul3A_9, %dma_wait3A_85] : memref<2560x128xi32, #tpu.memory_space<hbm>> -> memref<80x128xi32, #tpu.memory_space<hbm>>
      %dma_wait3A_87 = arith.constant 0 : i32
      %dma_wait3A_88 = tpu.memref_slice %arg4[%mul3A_9, %dma_wait3A_87] : memref<2560x128xi32, #tpu.memory_space<hbm>> -> memref<80x128xi32, #tpu.memory_space<hbm>>
      tpu.wait_dma2 semaphore(%run_scoped3A : memref<!tpu.dma_semaphore, #tpu.memory_space<semaphore_mem>>) src(%dma_wait3A_88 : memref<80x128xi32, #tpu.memory_space<hbm>>) dst(%arg7 : memref<80x128xi32, #tpu.memory_space<vmem>>)
      tpu.yield
    }) : () -> ()
    %barrier3A = arith.constant 0 : index
    tpu.barrier barrier_id(%barrier3A)
    %add3A_10 = arith.constant 0 : i32
    %add3A_11 = arith.addi %mul3A_9, %add3A_10 : i32
    %dma_start3A = arith.constant 0 : i32
    %dma_start3A_12 = arith.constant 0 : i32
    %dma_start3A_13 = tpu.memref_slice %arg8[%dma_start3A, %dma_start3A_12] : memref<2x128xi32, #tpu.memory_space<vmem>> -> memref<1x128xi32, #tpu.memory_space<vmem>>
    %dma_start3A_14 = tpu.memref_squeeze %dma_start3A_13 : memref<1x128xi32, #tpu.memory_space<vmem>> -> memref<128xi32, #tpu.memory_space<vmem>>
    %dma_start3A_15 = arith.constant 0 : i32
    %dma_start3A_16 = tpu.memref_slice %arg3[%add3A_11, %dma_start3A_15] : memref<2560x128xi32, #tpu.memory_space<hbm>> -> memref<1x128xi32, #tpu.memory_space<hbm>>
    %dma_start3A_17 = tpu.memref_squeeze %dma_start3A_16 : memref<1x128xi32, #tpu.memory_space<hbm>> -> memref<128xi32, #tpu.memory_space<hbm>>
    %dma_start3A_18 = arith.constant 0 : i32
    %dma_start3A_19 = tpu.memref_slice %arg8[%dma_start3A, %dma_start3A_18] : memref<2x128xi32, #tpu.memory_space<vmem>> -> memref<1x128xi32, #tpu.memory_space<vmem>>
    %dma_start3A_20 = tpu.memref_squeeze %dma_start3A_19 : memref<1x128xi32, #tpu.memory_space<vmem>> -> memref<128xi32, #tpu.memory_space<vmem>>
    %dma_start3A_21 = arith.constant 0 : i32
    %dma_start3A_22 = tpu.memref_slice %arg3[%add3A_11, %dma_start3A_21] : memref<2560x128xi32, #tpu.memory_space<hbm>> -> memref<1x128xi32, #tpu.memory_space<hbm>>
    %dma_start3A_23 = tpu.memref_squeeze %dma_start3A_22 : memref<1x128xi32, #tpu.memory_space<hbm>> -> memref<128xi32, #tpu.memory_space<hbm>>
    tpu.enqueue_dma source(%dma_start3A_23 : memref<128xi32, #tpu.memory_space<hbm>>) target(%dma_start3A_20 : memref<128xi32, #tpu.memory_space<vmem>>) target_semaphore(%arg12 : memref<!tpu.dma_semaphore, #tpu.memory_space<semaphore_mem>>)
    %add3A_24 = arith.constant 1 : i32
    %add3A_25 = arith.addi %mul3A_9, %add3A_24 : i32
    %dma_start3A_26 = arith.constant 1 : i32
    %dma_start3A_27 = arith.constant 0 : i32
    %dma_start3A_28 = tpu.memref_slice %arg8[%dma_start3A_26, %dma_start3A_27] : memref<2x128xi32, #tpu.memory_space<vmem>> -> memref<1x128xi32, #tpu.memory_space<vmem>>
    %dma_start3A_29 = tpu.memref_squeeze %dma_start3A_28 : memref<1x128xi32, #tpu.memory_space<vmem>> -> memref<128xi32, #tpu.memory_space<vmem>>
    %dma_start3A_30 = arith.constant 0 : i32
    %dma_start3A_31 = tpu.memref_slice %arg3[%add3A_25, %dma_start3A_30] : memref<2560x128xi32, #tpu.memory_space<hbm>> -> memref<1x128xi32, #tpu.memory_space<hbm>>
    %dma_start3A_32 = tpu.memref_squeeze %dma_start3A_31 : memref<1x128xi32, #tpu.memory_space<hbm>> -> memref<128xi32, #tpu.memory_space<hbm>>
    %dma_start3A_33 = arith.constant 0 : i32
    %dma_start3A_34 = tpu.memref_slice %arg8[%dma_start3A_26, %dma_start3A_33] : memref<2x128xi32, #tpu.memory_space<vmem>> -> memref<1x128xi32, #tpu.memory_space<vmem>>
    %dma_start3A_35 = tpu.memref_squeeze %dma_start3A_34 : memref<1x128xi32, #tpu.memory_space<vmem>> -> memref<128xi32, #tpu.memory_space<vmem>>
    %dma_start3A_36 = arith.constant 0 : i32
    %dma_start3A_37 = tpu.memref_slice %arg3[%add3A_25, %dma_start3A_36] : memref<2560x128xi32, #tpu.memory_space<hbm>> -> memref<1x128xi32, #tpu.memory_space<hbm>>
    %dma_start3A_38 = tpu.memref_squeeze %dma_start3A_37 : memref<1x128xi32, #tpu.memory_space<hbm>> -> memref<128xi32, #tpu.memory_space<hbm>>
    tpu.enqueue_dma source(%dma_start3A_38 : memref<128xi32, #tpu.memory_space<hbm>>) target(%dma_start3A_35 : memref<128xi32, #tpu.memory_space<vmem>>) target_semaphore(%arg13 : memref<!tpu.dma_semaphore, #tpu.memory_space<semaphore_mem>>)
    %add3A_39 = arith.constant 0 : i32
    %add3A_40 = arith.addi %mul3A_9, %add3A_39 : i32
    %dma_wait3A = arith.constant 0 : i32
    %dma_wait3A_41 = arith.constant 0 : i32
    %dma_wait3A_42 = tpu.memref_slice %arg8[%dma_wait3A, %dma_wait3A_41] : memref<2x128xi32, #tpu.memory_space<vmem>> -> memref<1x128xi32, #tpu.memory_space<vmem>>
    %dma_wait3A_43 = tpu.memref_squeeze %dma_wait3A_42 : memref<1x128xi32, #tpu.memory_space<vmem>> -> memref<128xi32, #tpu.memory_space<vmem>>
    %dma_wait3A_44 = arith.constant 0 : i32
    %dma_wait3A_45 = tpu.memref_slice %arg3[%add3A_40, %dma_wait3A_44] : memref<2560x128xi32, #tpu.memory_space<hbm>> -> memref<1x128xi32, #tpu.memory_space<hbm>>
    %dma_wait3A_46 = tpu.memref_squeeze %dma_wait3A_45 : memref<1x128xi32, #tpu.memory_space<hbm>> -> memref<128xi32, #tpu.memory_space<hbm>>
    %dma_wait3A_47 = arith.constant 0 : i32
    %dma_wait3A_48 = tpu.memref_slice %arg8[%dma_wait3A, %dma_wait3A_47] : memref<2x128xi32, #tpu.memory_space<vmem>> -> memref<1x128xi32, #tpu.memory_space<vmem>>
    %dma_wait3A_49 = tpu.memref_squeeze %dma_wait3A_48 : memref<1x128xi32, #tpu.memory_space<vmem>> -> memref<128xi32, #tpu.memory_space<vmem>>
    %dma_wait3A_50 = arith.constant 0 : i32
    %dma_wait3A_51 = tpu.memref_slice %arg3[%add3A_40, %dma_wait3A_50] : memref<2560x128xi32, #tpu.memory_space<hbm>> -> memref<1x128xi32, #tpu.memory_space<hbm>>
    %dma_wait3A_52 = tpu.memref_squeeze %dma_wait3A_51 : memref<1x128xi32, #tpu.memory_space<hbm>> -> memref<128xi32, #tpu.memory_space<hbm>>
    tpu.wait_dma2 semaphore(%arg12 : memref<!tpu.dma_semaphore, #tpu.memory_space<semaphore_mem>>) src(%dma_wait3A_52 : memref<128xi32, #tpu.memory_space<hbm>>) dst(%dma_wait3A_49 : memref<128xi32, #tpu.memory_space<vmem>>)
    %dma_start3A_53 = arith.constant 0 : i32
    %dma_start3A_54 = arith.constant 0 : i32
    %dma_start3A_55 = tpu.memref_slice %arg8[%dma_start3A_53, %dma_start3A_54] : memref<2x128xi32, #tpu.memory_space<vmem>> -> memref<1x128xi32, #tpu.memory_space<vmem>>
    %dma_start3A_56 = tpu.memref_squeeze %dma_start3A_55 : memref<1x128xi32, #tpu.memory_space<vmem>> -> memref<128xi32, #tpu.memory_space<vmem>>
    %dma_start3A_57 = arith.constant 0 : i32
    %dma_start3A_58 = arith.constant 0 : i32
    %dma_start3A_59 = tpu.memref_slice %arg2[%dma_start3A_57, %dma_start3A_58] : memref<10240x128xf32, #tpu.memory_space<hbm>> -> memref<10240x128xf32, #tpu.memory_space<hbm>>
    tpu.enqueue_indirect_dma source(%dma_start3A_59 : memref<10240x128xf32, #tpu.memory_space<hbm>>) target(%arg9 : memref<128x128xf32, #tpu.memory_space<vmem>>) offsets(%dma_start3A_56 : memref<128xi32, #tpu.memory_space<vmem>>) semaphore(%arg14 : memref<!tpu.dma_semaphore, #tpu.memory_space<semaphore_mem>>)
    %scan3A = arith.constant 0 : i32
    %scan3A_60 = arith.constant 0 : i32
    %scan3A_61 = arith.constant 40 : i32
    %scan3A_62 = arith.addi %scan3A_60, %scan3A_61 : i32
    %scan3A_63 = arith.constant 1 : i32
    %scan3A_64 = scf.for %scan3A_81 = %scan3A_60 to %scan3A_62 step %scan3A_63 iter_args(%scan3A_82 = %scan3A) -> (i32)  : i32 {
      %mul3A_83 = arith.constant 2 : i32
      %mul3A_84 = arith.muli %mul3A_83, %scan3A_81 : i32
      %dma_wait3A_85 = arith.constant 0 : i32
      %dma_wait3A_86 = arith.constant 0 : i32
      %dma_wait3A_87 = tpu.memref_slice %arg8[%dma_wait3A_85, %dma_wait3A_86] : memref<2x128xi32, #tpu.memory_space<vmem>> -> memref<1x128xi32, #tpu.memory_space<vmem>>
      %dma_wait3A_88 = tpu.memref_squeeze %dma_wait3A_87 : memref<1x128xi32, #tpu.memory_space<vmem>> -> memref<128xi32, #tpu.memory_space<vmem>>
      %dma_wait3A_89 = arith.constant 0 : i32
      %dma_wait3A_90 = arith.constant 0 : i32
      %dma_wait3A_91 = tpu.memref_slice %arg2[%dma_wait3A_89, %dma_wait3A_90] : memref<10240x128xf32, #tpu.memory_space<hbm>> -> memref<10240x128xf32, #tpu.memory_space<hbm>>
      tpu.wait_indirect_dma semaphore(%arg14 : memref<!tpu.dma_semaphore, #tpu.memory_space<semaphore_mem>>) src(%dma_wait3A_91 : memref<10240x128xf32, #tpu.memory_space<hbm>>) dst(%arg9 : memref<128x128xf32, #tpu.memory_space<vmem>>)
      %dma_start3A_92 = arith.constant 0 : i32
      %dma_start3A_93 = tpu.memref_slice %arg7[%mul3A_84, %dma_start3A_92] : memref<80x128xi32, #tpu.memory_space<vmem>> -> memref<1x128xi32, #tpu.memory_space<vmem>>
      %dma_start3A_94 = tpu.memref_squeeze %dma_start3A_93 : memref<1x128xi32, #tpu.memory_space<vmem>> -> memref<128xi32, #tpu.memory_space<vmem>>
      %dma_start3A_95 = arith.constant 0 : i32
      %dma_start3A_96 = arith.constant 0 : i32
      %dma_start3A_97 = tpu.memref_slice %arg11[%dma_start3A_95, %dma_start3A_96] : memref<10240x128xf32, #tpu.memory_space<vmem_shared>> -> memref<10240x128xf32, #tpu.memory_space<vmem_shared>>
      tpu.enqueue_indirect_dma source(%arg9 : memref<128x128xf32, #tpu.memory_space<vmem>>) target(%dma_start3A_97 : memref<10240x128xf32, #tpu.memory_space<vmem_shared>>) offsets(%dma_start3A_94 : memref<128xi32, #tpu.memory_space<vmem>>) semaphore(%arg16 : memref<!tpu.dma_semaphore, #tpu.memory_space<semaphore_mem>>) {add = true}
      %add3A_98 = arith.constant 2 : i32
      %add3A_99 = arith.addi %mul3A_84, %add3A_98 : i32
      %lt3A = arith.constant 80 : i32
      %lt3A_100 = arith.cmpi slt, %add3A_99, %lt3A : i32
      %convert_element_type3A_101 = arith.extui %lt3A_100 : i1 to i32
      %cond3A_102 = arith.constant 0 : i32
      %cond3A_103 = arith.cmpi ne, %convert_element_type3A_101, %cond3A_102 : i32
      scf.if %cond3A_103 {
        %add3A_152 = arith.constant 2 : i32
        %add3A_153 = arith.addi %mul3A_84, %add3A_152 : i32
        %add3A_154 = arith.addi %mul3A_9, %add3A_153 : i32
        %dma_start3A_155 = arith.constant 0 : i32
        %dma_start3A_156 = arith.constant 0 : i32
        %dma_start3A_157 = tpu.memref_slice %arg8[%dma_start3A_155, %dma_start3A_156] : memref<2x128xi32, #tpu.memory_space<vmem>> -> memref<1x128xi32, #tpu.memory_space<vmem>>
        %dma_start3A_158 = tpu.memref_squeeze %dma_start3A_157 : memref<1x128xi32, #tpu.memory_space<vmem>> -> memref<128xi32, #tpu.memory_space<vmem>>
        %dma_start3A_159 = arith.constant 0 : i32
        %dma_start3A_160 = tpu.memref_slice %arg3[%add3A_154, %dma_start3A_159] : memref<2560x128xi32, #tpu.memory_space<hbm>> -> memref<1x128xi32, #tpu.memory_space<hbm>>
        %dma_start3A_161 = tpu.memref_squeeze %dma_start3A_160 : memref<1x128xi32, #tpu.memory_space<hbm>> -> memref<128xi32, #tpu.memory_space<hbm>>
        %dma_start3A_162 = arith.constant 0 : i32
        %dma_start3A_163 = tpu.memref_slice %arg8[%dma_start3A_155, %dma_start3A_162] : memref<2x128xi32, #tpu.memory_space<vmem>> -> memref<1x128xi32, #tpu.memory_space<vmem>>
        %dma_start3A_164 = tpu.memref_squeeze %dma_start3A_163 : memref<1x128xi32, #tpu.memory_space<vmem>> -> memref<128xi32, #tpu.memory_space<vmem>>
        %dma_start3A_165 = arith.constant 0 : i32
        %dma_start3A_166 = tpu.memref_slice %arg3[%add3A_154, %dma_start3A_165] : memref<2560x128xi32, #tpu.memory_space<hbm>> -> memref<1x128xi32, #tpu.memory_space<hbm>>
        %dma_start3A_167 = tpu.memref_squeeze %dma_start3A_166 : memref<1x128xi32, #tpu.memory_space<hbm>> -> memref<128xi32, #tpu.memory_space<hbm>>
        tpu.enqueue_dma source(%dma_start3A_167 : memref<128xi32, #tpu.memory_space<hbm>>) target(%dma_start3A_164 : memref<128xi32, #tpu.memory_space<vmem>>) target_semaphore(%arg12 : memref<!tpu.dma_semaphore, #tpu.memory_space<semaphore_mem>>)
      } else {
      }
      %gt3A = arith.constant 0 : i32
      %gt3A_104 = arith.cmpi sgt, %mul3A_84, %gt3A : i32
      %convert_element_type3A_105 = arith.extui %gt3A_104 : i1 to i32
      %cond3A_106 = arith.constant 0 : i32
      %cond3A_107 = arith.cmpi ne, %convert_element_type3A_105, %cond3A_106 : i32
      scf.if %cond3A_107 {
        %sub3A = arith.constant 1 : i32
        %sub3A_152 = arith.subi %mul3A_84, %sub3A : i32
        %dma_wait3A_153 = arith.constant 0 : i32
        %dma_wait3A_154 = tpu.memref_slice %arg7[%sub3A_152, %dma_wait3A_153] : memref<80x128xi32, #tpu.memory_space<vmem>> -> memref<1x128xi32, #tpu.memory_space<vmem>>
        %dma_wait3A_155 = tpu.memref_squeeze %dma_wait3A_154 : memref<1x128xi32, #tpu.memory_space<vmem>> -> memref<128xi32, #tpu.memory_space<vmem>>
        %dma_wait3A_156 = arith.constant 0 : i32
        %dma_wait3A_157 = arith.constant 0 : i32
        %dma_wait3A_158 = tpu.memref_slice %arg11[%dma_wait3A_156, %dma_wait3A_157] : memref<10240x128xf32, #tpu.memory_space<vmem_shared>> -> memref<10240x128xf32, #tpu.memory_space<vmem_shared>>
        tpu.wait_indirect_dma semaphore(%arg17 : memref<!tpu.dma_semaphore, #tpu.memory_space<semaphore_mem>>) src(%arg10 : memref<128x128xf32, #tpu.memory_space<vmem>>) dst(%dma_wait3A_158 : memref<10240x128xf32, #tpu.memory_space<vmem_shared>>)
      } else {
      }
      %add3A_108 = arith.constant 1 : i32
      %add3A_109 = arith.addi %mul3A_84, %add3A_108 : i32
      %lt3A_110 = arith.constant 80 : i32
      %lt3A_111 = arith.cmpi slt, %add3A_109, %lt3A_110 : i32
      %convert_element_type3A_112 = arith.extui %lt3A_111 : i1 to i32
      %cond3A_113 = arith.constant 0 : i32
      %cond3A_114 = arith.cmpi ne, %convert_element_type3A_112, %cond3A_113 : i32
      scf.if %cond3A_114 {
        %add3A_152 = arith.constant 1 : i32
        %add3A_153 = arith.addi %mul3A_84, %add3A_152 : i32
        %add3A_154 = arith.addi %mul3A_9, %add3A_153 : i32
        %dma_wait3A_155 = arith.constant 1 : i32
        %dma_wait3A_156 = arith.constant 0 : i32
        %dma_wait3A_157 = tpu.memref_slice %arg8[%dma_wait3A_155, %dma_wait3A_156] : memref<2x128xi32, #tpu.memory_space<vmem>> -> memref<1x128xi32, #tpu.memory_space<vmem>>
        %dma_wait3A_158 = tpu.memref_squeeze %dma_wait3A_157 : memref<1x128xi32, #tpu.memory_space<vmem>> -> memref<128xi32, #tpu.memory_space<vmem>>
        %dma_wait3A_159 = arith.constant 0 : i32
        %dma_wait3A_160 = tpu.memref_slice %arg3[%add3A_154, %dma_wait3A_159] : memref<2560x128xi32, #tpu.memory_space<hbm>> -> memref<1x128xi32, #tpu.memory_space<hbm>>
        %dma_wait3A_161 = tpu.memref_squeeze %dma_wait3A_160 : memref<1x128xi32, #tpu.memory_space<hbm>> -> memref<128xi32, #tpu.memory_space<hbm>>
        %dma_wait3A_162 = arith.constant 0 : i32
        %dma_wait3A_163 = tpu.memref_slice %arg8[%dma_wait3A_155, %dma_wait3A_162] : memref<2x128xi32, #tpu.memory_space<vmem>> -> memref<1x128xi32, #tpu.memory_space<vmem>>
        %dma_wait3A_164 = tpu.memref_squeeze %dma_wait3A_163 : memref<1x128xi32, #tpu.memory_space<vmem>> -> memref<128xi32, #tpu.memory_space<vmem>>
        %dma_wait3A_165 = arith.constant 0 : i32
        %dma_wait3A_166 = tpu.memref_slice %arg3[%add3A_154, %dma_wait3A_165] : memref<2560x128xi32, #tpu.memory_space<hbm>> -> memref<1x128xi32, #tpu.memory_space<hbm>>
        %dma_wait3A_167 = tpu.memref_squeeze %dma_wait3A_166 : memref<1x128xi32, #tpu.memory_space<hbm>> -> memref<128xi32, #tpu.memory_space<hbm>>
        tpu.wait_dma2 semaphore(%arg13 : memref<!tpu.dma_semaphore, #tpu.memory_space<semaphore_mem>>) src(%dma_wait3A_167 : memref<128xi32, #tpu.memory_space<hbm>>) dst(%dma_wait3A_164 : memref<128xi32, #tpu.memory_space<vmem>>)
        %dma_start3A_168 = arith.constant 1 : i32
        %dma_start3A_169 = arith.constant 0 : i32
        %dma_start3A_170 = tpu.memref_slice %arg8[%dma_start3A_168, %dma_start3A_169] : memref<2x128xi32, #tpu.memory_space<vmem>> -> memref<1x128xi32, #tpu.memory_space<vmem>>
        %dma_start3A_171 = tpu.memref_squeeze %dma_start3A_170 : memref<1x128xi32, #tpu.memory_space<vmem>> -> memref<128xi32, #tpu.memory_space<vmem>>
        %dma_start3A_172 = arith.constant 0 : i32
        %dma_start3A_173 = arith.constant 0 : i32
        %dma_start3A_174 = tpu.memref_slice %arg2[%dma_start3A_172, %dma_start3A_173] : memref<10240x128xf32, #tpu.memory_space<hbm>> -> memref<10240x128xf32, #tpu.memory_space<hbm>>
        tpu.enqueue_indirect_dma source(%dma_start3A_174 : memref<10240x128xf32, #tpu.memory_space<hbm>>) target(%arg10 : memref<128x128xf32, #tpu.memory_space<vmem>>) offsets(%dma_start3A_171 : memref<128xi32, #tpu.memory_space<vmem>>) semaphore(%arg15 : memref<!tpu.dma_semaphore, #tpu.memory_space<semaphore_mem>>)
      } else {
      }
      %mul3A_115 = arith.constant 2 : i32
      %mul3A_116 = arith.muli %mul3A_115, %scan3A_81 : i32
      %add3A_117 = arith.constant 1 : i32
      %add3A_118 = arith.addi %mul3A_116, %add3A_117 : i32
      %dma_wait3A_119 = arith.constant 1 : i32
      %dma_wait3A_120 = arith.constant 0 : i32
      %dma_wait3A_121 = tpu.memref_slice %arg8[%dma_wait3A_119, %dma_wait3A_120] : memref<2x128xi32, #tpu.memory_space<vmem>> -> memref<1x128xi32, #tpu.memory_space<vmem>>
      %dma_wait3A_122 = tpu.memref_squeeze %dma_wait3A_121 : memref<1x128xi32, #tpu.memory_space<vmem>> -> memref<128xi32, #tpu.memory_space<vmem>>
      %dma_wait3A_123 = arith.constant 0 : i32
      %dma_wait3A_124 = arith.constant 0 : i32
      %dma_wait3A_125 = tpu.memref_slice %arg2[%dma_wait3A_123, %dma_wait3A_124] : memref<10240x128xf32, #tpu.memory_space<hbm>> -> memref<10240x128xf32, #tpu.memory_space<hbm>>
      tpu.wait_indirect_dma semaphore(%arg15 : memref<!tpu.dma_semaphore, #tpu.memory_space<semaphore_mem>>) src(%dma_wait3A_125 : memref<10240x128xf32, #tpu.memory_space<hbm>>) dst(%arg10 : memref<128x128xf32, #tpu.memory_space<vmem>>)
      %dma_start3A_126 = arith.constant 0 : i32
      %dma_start3A_127 = tpu.memref_slice %arg7[%add3A_118, %dma_start3A_126] : memref<80x128xi32, #tpu.memory_space<vmem>> -> memref<1x128xi32, #tpu.memory_space<vmem>>
      %dma_start3A_128 = tpu.memref_squeeze %dma_start3A_127 : memref<1x128xi32, #tpu.memory_space<vmem>> -> memref<128xi32, #tpu.memory_space<vmem>>
      %dma_start3A_129 = arith.constant 0 : i32
      %dma_start3A_130 = arith.constant 0 : i32
      %dma_start3A_131 = tpu.memref_slice %arg11[%dma_start3A_129, %dma_start3A_130] : memref<10240x128xf32, #tpu.memory_space<vmem_shared>> -> memref<10240x128xf32, #tpu.memory_space<vmem_shared>>
      tpu.enqueue_indirect_dma source(%arg10 : memref<128x128xf32, #tpu.memory_space<vmem>>) target(%dma_start3A_131 : memref<10240x128xf32, #tpu.memory_space<vmem_shared>>) offsets(%dma_start3A_128 : memref<128xi32, #tpu.memory_space<vmem>>) semaphore(%arg17 : memref<!tpu.dma_semaphore, #tpu.memory_space<semaphore_mem>>) {add = true}
      %add3A_132 = arith.constant 2 : i32
      %add3A_133 = arith.addi %add3A_118, %add3A_132 : i32
      %lt3A_134 = arith.constant 80 : i32
      %lt3A_135 = arith.cmpi slt, %add3A_133, %lt3A_134 : i32
      %convert_element_type3A_136 = arith.extui %lt3A_135 : i1 to i32
      %cond3A_137 = arith.constant 0 : i32
      %cond3A_138 = arith.cmpi ne, %convert_element_type3A_136, %cond3A_137 : i32
      scf.if %cond3A_138 {
        %add3A_152 = arith.constant 2 : i32
        %add3A_153 = arith.addi %add3A_118, %add3A_152 : i32
        %add3A_154 = arith.addi %mul3A_9, %add3A_153 : i32
        %dma_start3A_155 = arith.constant 1 : i32
        %dma_start3A_156 = arith.constant 0 : i32
        %dma_start3A_157 = tpu.memref_slice %arg8[%dma_start3A_155, %dma_start3A_156] : memref<2x128xi32, #tpu.memory_space<vmem>> -> memref<1x128xi32, #tpu.memory_space<vmem>>
        %dma_start3A_158 = tpu.memref_squeeze %dma_start3A_157 : memref<1x128xi32, #tpu.memory_space<vmem>> -> memref<128xi32, #tpu.memory_space<vmem>>
        %dma_start3A_159 = arith.constant 0 : i32
        %dma_start3A_160 = tpu.memref_slice %arg3[%add3A_154, %dma_start3A_159] : memref<2560x128xi32, #tpu.memory_space<hbm>> -> memref<1x128xi32, #tpu.memory_space<hbm>>
        %dma_start3A_161 = tpu.memref_squeeze %dma_start3A_160 : memref<1x128xi32, #tpu.memory_space<hbm>> -> memref<128xi32, #tpu.memory_space<hbm>>
        %dma_start3A_162 = arith.constant 0 : i32
        %dma_start3A_163 = tpu.memref_slice %arg8[%dma_start3A_155, %dma_start3A_162] : memref<2x128xi32, #tpu.memory_space<vmem>> -> memref<1x128xi32, #tpu.memory_space<vmem>>
        %dma_start3A_164 = tpu.memref_squeeze %dma_start3A_163 : memref<1x128xi32, #tpu.memory_space<vmem>> -> memref<128xi32, #tpu.memory_space<vmem>>
        %dma_start3A_165 = arith.constant 0 : i32
        %dma_start3A_166 = tpu.memref_slice %arg3[%add3A_154, %dma_start3A_165] : memref<2560x128xi32, #tpu.memory_space<hbm>> -> memref<1x128xi32, #tpu.memory_space<hbm>>
        %dma_start3A_167 = tpu.memref_squeeze %dma_start3A_166 : memref<1x128xi32, #tpu.memory_space<hbm>> -> memref<128xi32, #tpu.memory_space<hbm>>
        tpu.enqueue_dma source(%dma_start3A_167 : memref<128xi32, #tpu.memory_space<hbm>>) target(%dma_start3A_164 : memref<128xi32, #tpu.memory_space<vmem>>) target_semaphore(%arg13 : memref<!tpu.dma_semaphore, #tpu.memory_space<semaphore_mem>>)
      } else {
      }
      %gt3A_139 = arith.constant 0 : i32
      %gt3A_140 = arith.cmpi sgt, %add3A_118, %gt3A_139 : i32
      %convert_element_type3A_141 = arith.extui %gt3A_140 : i1 to i32
      %cond3A_142 = arith.constant 0 : i32
      %cond3A_143 = arith.cmpi ne, %convert_element_type3A_141, %cond3A_142 : i32
      scf.if %cond3A_143 {
        %sub3A = arith.constant 1 : i32
        %sub3A_152 = arith.subi %add3A_118, %sub3A : i32
        %dma_wait3A_153 = arith.constant 0 : i32
        %dma_wait3A_154 = tpu.memref_slice %arg7[%sub3A_152, %dma_wait3A_153] : memref<80x128xi32, #tpu.memory_space<vmem>> -> memref<1x128xi32, #tpu.memory_space<vmem>>
        %dma_wait3A_155 = tpu.memref_squeeze %dma_wait3A_154 : memref<1x128xi32, #tpu.memory_space<vmem>> -> memref<128xi32, #tpu.memory_space<vmem>>
        %dma_wait3A_156 = arith.constant 0 : i32
        %dma_wait3A_157 = arith.constant 0 : i32
        %dma_wait3A_158 = tpu.memref_slice %arg11[%dma_wait3A_156, %dma_wait3A_157] : memref<10240x128xf32, #tpu.memory_space<vmem_shared>> -> memref<10240x128xf32, #tpu.memory_space<vmem_shared>>
        tpu.wait_indirect_dma semaphore(%arg16 : memref<!tpu.dma_semaphore, #tpu.memory_space<semaphore_mem>>) src(%arg9 : memref<128x128xf32, #tpu.memory_space<vmem>>) dst(%dma_wait3A_158 : memref<10240x128xf32, #tpu.memory_space<vmem_shared>>)
      } else {
      }
      %add3A_144 = arith.constant 1 : i32
      %add3A_145 = arith.addi %add3A_118, %add3A_144 : i32
      %lt3A_146 = arith.constant 80 : i32
      %lt3A_147 = arith.cmpi slt, %add3A_145, %lt3A_146 : i32
      %convert_element_type3A_148 = arith.extui %lt3A_147 : i1 to i32
      %cond3A_149 = arith.constant 0 : i32
      %cond3A_150 = arith.cmpi ne, %convert_element_type3A_148, %cond3A_149 : i32
      scf.if %cond3A_150 {
        %add3A_152 = arith.constant 1 : i32
        %add3A_153 = arith.addi %add3A_118, %add3A_152 : i32
        %add3A_154 = arith.addi %mul3A_9, %add3A_153 : i32
        %dma_wait3A_155 = arith.constant 0 : i32
        %dma_wait3A_156 = arith.constant 0 : i32
        %dma_wait3A_157 = tpu.memref_slice %arg8[%dma_wait3A_155, %dma_wait3A_156] : memref<2x128xi32, #tpu.memory_space<vmem>> -> memref<1x128xi32, #tpu.memory_space<vmem>>
        %dma_wait3A_158 = tpu.memref_squeeze %dma_wait3A_157 : memref<1x128xi32, #tpu.memory_space<vmem>> -> memref<128xi32, #tpu.memory_space<vmem>>
        %dma_wait3A_159 = arith.constant 0 : i32
        %dma_wait3A_160 = tpu.memref_slice %arg3[%add3A_154, %dma_wait3A_159] : memref<2560x128xi32, #tpu.memory_space<hbm>> -> memref<1x128xi32, #tpu.memory_space<hbm>>
        %dma_wait3A_161 = tpu.memref_squeeze %dma_wait3A_160 : memref<1x128xi32, #tpu.memory_space<hbm>> -> memref<128xi32, #tpu.memory_space<hbm>>
        %dma_wait3A_162 = arith.constant 0 : i32
        %dma_wait3A_163 = tpu.memref_slice %arg8[%dma_wait3A_155, %dma_wait3A_162] : memref<2x128xi32, #tpu.memory_space<vmem>> -> memref<1x128xi32, #tpu.memory_space<vmem>>
        %dma_wait3A_164 = tpu.memref_squeeze %dma_wait3A_163 : memref<1x128xi32, #tpu.memory_space<vmem>> -> memref<128xi32, #tpu.memory_space<vmem>>
        %dma_wait3A_165 = arith.constant 0 : i32
        %dma_wait3A_166 = tpu.memref_slice %arg3[%add3A_154, %dma_wait3A_165] : memref<2560x128xi32, #tpu.memory_space<hbm>> -> memref<1x128xi32, #tpu.memory_space<hbm>>
        %dma_wait3A_167 = tpu.memref_squeeze %dma_wait3A_166 : memref<1x128xi32, #tpu.memory_space<hbm>> -> memref<128xi32, #tpu.memory_space<hbm>>
        tpu.wait_dma2 semaphore(%arg12 : memref<!tpu.dma_semaphore, #tpu.memory_space<semaphore_mem>>) src(%dma_wait3A_167 : memref<128xi32, #tpu.memory_space<hbm>>) dst(%dma_wait3A_164 : memref<128xi32, #tpu.memory_space<vmem>>)
        %dma_start3A_168 = arith.constant 0 : i32
        %dma_start3A_169 = arith.constant 0 : i32
        %dma_start3A_170 = tpu.memref_slice %arg8[%dma_start3A_168, %dma_start3A_169] : memref<2x128xi32, #tpu.memory_space<vmem>> -> memref<1x128xi32, #tpu.memory_space<vmem>>
        %dma_start3A_171 = tpu.memref_squeeze %dma_start3A_170 : memref<1x128xi32, #tpu.memory_space<vmem>> -> memref<128xi32, #tpu.memory_space<vmem>>
        %dma_start3A_172 = arith.constant 0 : i32
        %dma_start3A_173 = arith.constant 0 : i32
        %dma_start3A_174 = tpu.memref_slice %arg2[%dma_start3A_172, %dma_start3A_173] : memref<10240x128xf32, #tpu.memory_space<hbm>> -> memref<10240x128xf32, #tpu.memory_space<hbm>>
        tpu.enqueue_indirect_dma source(%dma_start3A_174 : memref<10240x128xf32, #tpu.memory_space<hbm>>) target(%arg9 : memref<128x128xf32, #tpu.memory_space<vmem>>) offsets(%dma_start3A_171 : memref<128xi32, #tpu.memory_space<vmem>>) semaphore(%arg14 : memref<!tpu.dma_semaphore, #tpu.memory_space<semaphore_mem>>)
      } else {
      }
      %scan3A_151 = arith.constant 0 : i32
      scf.yield %scan3A_151 : i32
    }
    %scan3A_65 = arith.constant 40 : i32
    %dma_wait3A_66 = arith.constant 79 : i32
    %dma_wait3A_67 = arith.constant 0 : i32
    %dma_wait3A_68 = tpu.memref_slice %arg7[%dma_wait3A_66, %dma_wait3A_67] : memref<80x128xi32, #tpu.memory_space<vmem>> -> memref<1x128xi32, #tpu.memory_space<vmem>>
    %dma_wait3A_69 = tpu.memref_squeeze %dma_wait3A_68 : memref<1x128xi32, #tpu.memory_space<vmem>> -> memref<128xi32, #tpu.memory_space<vmem>>
    %dma_wait3A_70 = arith.constant 0 : i32
    %dma_wait3A_71 = arith.constant 0 : i32
    %dma_wait3A_72 = tpu.memref_slice %arg11[%dma_wait3A_70, %dma_wait3A_71] : memref<10240x128xf32, #tpu.memory_space<vmem_shared>> -> memref<10240x128xf32, #tpu.memory_space<vmem_shared>>
    tpu.wait_indirect_dma semaphore(%arg17 : memref<!tpu.dma_semaphore, #tpu.memory_space<semaphore_mem>>) src(%arg10 : memref<128x128xf32, #tpu.memory_space<vmem>>) dst(%dma_wait3A_72 : memref<10240x128xf32, #tpu.memory_space<vmem_shared>>)
    %barrier3A_73 = arith.constant 0 : index
    tpu.barrier barrier_id(%barrier3A_73)
    %mul3A_74 = arith.constant 640 : i32
    %mul3A_75 = arith.muli %arg1, %mul3A_74 : i32
    %mul3A_76 = arith.constant 10240 : i32
    %mul3A_77 = arith.muli %arg0, %mul3A_76 : i32
    %mul3A_78 = arith.constant 640 : i32
    %mul3A_79 = arith.muli %arg1, %mul3A_78 : i32
    %add3A_80 = arith.addi %mul3A_77, %mul3A_79 : i32
    "tpu.region"() ({
      %run_scoped3A = tpu.sem_alloc : memref<!tpu.dma_semaphore, #tpu.memory_space<semaphore_mem>>
      %dma_start3A_81 = arith.constant 0 : i32
      %dma_start3A_82 = tpu.memref_slice %arg6[%add3A_80, %dma_start3A_81] : memref<20480x128xf32, #tpu.memory_space<hbm>> -> memref<640x128xf32, #tpu.memory_space<hbm>>
      %dma_start3A_83 = arith.constant 0 : i32
      %dma_start3A_84 = tpu.memref_slice %arg11[%mul3A_75, %dma_start3A_83] : memref<10240x128xf32, #tpu.memory_space<vmem_shared>> -> memref<640x128xf32, #tpu.memory_space<vmem_shared>>
      tpu.enqueue_dma source(%dma_start3A_84 : memref<640x128xf32, #tpu.memory_space<vmem_shared>>) target(%dma_start3A_82 : memref<640x128xf32, #tpu.memory_space<hbm>>) target_semaphore(%run_scoped3A : memref<!tpu.dma_semaphore, #tpu.memory_space<semaphore_mem>>)
      %dma_wait3A_85 = arith.constant 0 : i32
      %dma_wait3A_86 = tpu.memref_slice %arg6[%add3A_80, %dma_wait3A_85] : memref<20480x128xf32, #tpu.memory_space<hbm>> -> memref<640x128xf32, #tpu.memory_space<hbm>>
      %dma_wait3A_87 = arith.constant 0 : i32
      %dma_wait3A_88 = tpu.memref_slice %arg11[%mul3A_75, %dma_wait3A_87] : memref<10240x128xf32, #tpu.memory_space<vmem_shared>> -> memref<640x128xf32, #tpu.memory_space<vmem_shared>>
      tpu.wait_dma2 semaphore(%run_scoped3A : memref<!tpu.dma_semaphore, #tpu.memory_space<semaphore_mem>>) src(%dma_wait3A_88 : memref<640x128xf32, #tpu.memory_space<vmem_shared>>) dst(%dma_wait3A_86 : memref<640x128xf32, #tpu.memory_space<hbm>>)
      tpu.yield
    }) : () -> ()
    return
  }
}

#map = affine_map<(d0, d1) -> (0, 0)>
module attributes {stable_mosaic.version = 14 : i64} {
  func.func @_spmm_body(%arg0: i32, %arg1: i32, %arg2: memref<10240x128xf32, #tpu.memory_space<hbm>>, %arg3: memref<2560x128xi32, #tpu.memory_space<hbm>>, %arg4: memref<2560x128xi32, #tpu.memory_space<hbm>>, %arg5: memref<10240x128xf32, #tpu.memory_space<hbm>>, %arg6: memref<20480x128xf32, #tpu.memory_space<hbm>>, %arg7: memref<80x128xi32, #tpu.memory_space<vmem>>, %arg8: memref<2x128xi32, #tpu.memory_space<vmem>>, %arg9: memref<128x128xf32, #tpu.memory_space<vmem>>, %arg10: memref<128x128xf32, #tpu.memory_space<vmem>>, %arg11: memref<10240x128xf32, #tpu.memory_space<vmem_shared>>, %arg12: memref<!tpu.dma_semaphore, #tpu.memory_space<semaphore_mem>>, %arg13: memref<!tpu.dma_semaphore, #tpu.memory_space<semaphore_mem>>, %arg14: memref<!tpu.dma_semaphore, #tpu.memory_space<semaphore_mem>>, %arg15: memref<!tpu.dma_semaphore, #tpu.memory_space<semaphore_mem>>, %arg16: memref<!tpu.dma_semaphore, #tpu.memory_space<semaphore_mem>>, %arg17: memref<!tpu.dma_semaphore, #tpu.memory_space<semaphore_mem>>) attributes {dimension_semantics = [#tpu.dimension_semantics<core_parallel>, #tpu.dimension_semantics<subcore_parallel>], iteration_bounds = array<i64: 2, 16>, scalar_prefetch = 0 : i64, scratch_operands = 11 : i64, tpu.core_type = #tpu.core_type<sc_vector_subcore>, window_params = [{transform_indices = #map}, {transform_indices = #map}, {transform_indices = #map}, {transform_indices = #map}, {transform_indices = #map}]} {
    %eq3A = arith.constant 0 : i32
    %eq3A_0 = arith.cmpi eq, %arg0, %eq3A : i32
    %convert_element_type3A = arith.extui %eq3A_0 : i1 to i32
    %cond3A = arith.constant 0 : i32
    %cond3A_1 = arith.cmpi ne, %convert_element_type3A, %cond3A : i32
    scf.if %cond3A_1 {
      %mul3A_81 = arith.constant 640 : i32
      %mul3A_82 = arith.muli %arg1, %mul3A_81 : i32
      %mul3A_83 = arith.constant 640 : i32
      %mul3A_84 = arith.muli %arg1, %mul3A_83 : i32
      "tpu.region"() ({
        %run_scoped3A = tpu.sem_alloc : memref<!tpu.dma_semaphore, #tpu.memory_space<semaphore_mem>>
        %dma_start3A_85 = arith.constant 0 : i32
        %dma_start3A_86 = tpu.memref_slice %arg11[%mul3A_84, %dma_start3A_85] : memref<10240x128xf32, #tpu.memory_space<vmem_shared>> -> memref<640x128xf32, #tpu.memory_space<vmem_shared>>
        %dma_start3A_87 = arith.constant 0 : i32
        %dma_start3A_88 = tpu.memref_slice %arg2[%mul3A_82, %dma_start3A_87] : memref<10240x128xf32, #tpu.memory_space<hbm>> -> memref<640x128xf32, #tpu.memory_space<hbm>>
        tpu.enqueue_dma source(%dma_start3A_88 : memref<640x128xf32, #tpu.memory_space<hbm>>) target(%dma_start3A_86 : memref<640x128xf32, #tpu.memory_space<vmem_shared>>) target_semaphore(%run_scoped3A : memref<!tpu.dma_semaphore, #tpu.memory_space<semaphore_mem>>)
        %dma_wait3A_89 = arith.constant 0 : i32
        %dma_wait3A_90 = tpu.memref_slice %arg11[%mul3A_84, %dma_wait3A_89] : memref<10240x128xf32, #tpu.memory_space<vmem_shared>> -> memref<640x128xf32, #tpu.memory_space<vmem_shared>>
        %dma_wait3A_91 = arith.constant 0 : i32
        %dma_wait3A_92 = tpu.memref_slice %arg2[%mul3A_82, %dma_wait3A_91] : memref<10240x128xf32, #tpu.memory_space<hbm>> -> memref<640x128xf32, #tpu.memory_space<hbm>>
        tpu.wait_dma2 semaphore(%run_scoped3A : memref<!tpu.dma_semaphore, #tpu.memory_space<semaphore_mem>>) src(%dma_wait3A_92 : memref<640x128xf32, #tpu.memory_space<hbm>>) dst(%dma_wait3A_90 : memref<640x128xf32, #tpu.memory_space<vmem_shared>>)
        tpu.yield
      }) : () -> ()
    } else {
    }
    %eq3A_2 = arith.constant 1 : i32
    %eq3A_3 = arith.cmpi eq, %arg0, %eq3A_2 : i32
    %convert_element_type3A_4 = arith.extui %eq3A_3 : i1 to i32
    %cond3A_5 = arith.constant 0 : i32
    %cond3A_6 = arith.cmpi ne, %convert_element_type3A_4, %cond3A_5 : i32
    scf.if %cond3A_6 {
      %mul3A_81 = arith.constant 640 : i32
      %mul3A_82 = arith.muli %arg1, %mul3A_81 : i32
      %mul3A_83 = arith.constant 640 : i32
      %mul3A_84 = arith.muli %arg1, %mul3A_83 : i32
      "tpu.region"() ({
        %run_scoped3A = tpu.sem_alloc : memref<!tpu.dma_semaphore, #tpu.memory_space<semaphore_mem>>
        %dma_start3A_85 = arith.constant 0 : i32
        %dma_start3A_86 = tpu.memref_slice %arg11[%mul3A_84, %dma_start3A_85] : memref<10240x128xf32, #tpu.memory_space<vmem_shared>> -> memref<640x128xf32, #tpu.memory_space<vmem_shared>>
        %dma_start3A_87 = arith.constant 0 : i32
        %dma_start3A_88 = tpu.memref_slice %arg5[%mul3A_82, %dma_start3A_87] : memref<10240x128xf32, #tpu.memory_space<hbm>> -> memref<640x128xf32, #tpu.memory_space<hbm>>
        tpu.enqueue_dma source(%dma_start3A_88 : memref<640x128xf32, #tpu.memory_space<hbm>>) target(%dma_start3A_86 : memref<640x128xf32, #tpu.memory_space<vmem_shared>>) target_semaphore(%run_scoped3A : memref<!tpu.dma_semaphore, #tpu.memory_space<semaphore_mem>>)
        %dma_wait3A_89 = arith.constant 0 : i32
        %dma_wait3A_90 = tpu.memref_slice %arg11[%mul3A_84, %dma_wait3A_89] : memref<10240x128xf32, #tpu.memory_space<vmem_shared>> -> memref<640x128xf32, #tpu.memory_space<vmem_shared>>
        %dma_wait3A_91 = arith.constant 0 : i32
        %dma_wait3A_92 = tpu.memref_slice %arg5[%mul3A_82, %dma_wait3A_91] : memref<10240x128xf32, #tpu.memory_space<hbm>> -> memref<640x128xf32, #tpu.memory_space<hbm>>
        tpu.wait_dma2 semaphore(%run_scoped3A : memref<!tpu.dma_semaphore, #tpu.memory_space<semaphore_mem>>) src(%dma_wait3A_92 : memref<640x128xf32, #tpu.memory_space<hbm>>) dst(%dma_wait3A_90 : memref<640x128xf32, #tpu.memory_space<vmem_shared>>)
        tpu.yield
      }) : () -> ()
    } else {
    }
    %mul3A = arith.constant 16 : i32
    %mul3A_7 = arith.muli %arg0, %mul3A : i32
    %add3A = arith.addi %mul3A_7, %arg1 : i32
    %mul3A_8 = arith.constant 80 : i32
    %mul3A_9 = arith.muli %add3A, %mul3A_8 : i32
    "tpu.region"() ({
      %run_scoped3A = tpu.sem_alloc : memref<!tpu.dma_semaphore, #tpu.memory_space<semaphore_mem>>
      %dma_start3A_81 = arith.constant 0 : i32
      %dma_start3A_82 = tpu.memref_slice %arg4[%mul3A_9, %dma_start3A_81] : memref<2560x128xi32, #tpu.memory_space<hbm>> -> memref<80x128xi32, #tpu.memory_space<hbm>>
      %dma_start3A_83 = arith.constant 0 : i32
      %dma_start3A_84 = tpu.memref_slice %arg4[%mul3A_9, %dma_start3A_83] : memref<2560x128xi32, #tpu.memory_space<hbm>> -> memref<80x128xi32, #tpu.memory_space<hbm>>
      tpu.enqueue_dma source(%dma_start3A_84 : memref<80x128xi32, #tpu.memory_space<hbm>>) target(%arg7 : memref<80x128xi32, #tpu.memory_space<vmem>>) target_semaphore(%run_scoped3A : memref<!tpu.dma_semaphore, #tpu.memory_space<semaphore_mem>>)
      %dma_wait3A_85 = arith.constant 0 : i32
      %dma_wait3A_86 = tpu.memref_slice %arg4[%mul3A_9, %dma_wait3A_85] : memref<2560x128xi32, #tpu.memory_space<hbm>> -> memref<80x128xi32, #tpu.memory_space<hbm>>
      %dma_wait3A_87 = arith.constant 0 : i32
      %dma_wait3A_88 = tpu.memref_slice %arg4[%mul3A_9, %dma_wait3A_87] : memref<2560x128xi32, #tpu.memory_space<hbm>> -> memref<80x128xi32, #tpu.memory_space<hbm>>
      tpu.wait_dma2 semaphore(%run_scoped3A : memref<!tpu.dma_semaphore, #tpu.memory_space<semaphore_mem>>) src(%dma_wait3A_88 : memref<80x128xi32, #tpu.memory_space<hbm>>) dst(%arg7 : memref<80x128xi32, #tpu.memory_space<vmem>>)
      tpu.yield
    }) : () -> ()
    %barrier3A = arith.constant 0 : index
    tpu.barrier barrier_id(%barrier3A)
    %add3A_10 = arith.constant 0 : i32
    %add3A_11 = arith.addi %mul3A_9, %add3A_10 : i32
    %dma_start3A = arith.constant 0 : i32
    %dma_start3A_12 = arith.constant 0 : i32
    %dma_start3A_13 = tpu.memref_slice %arg8[%dma_start3A, %dma_start3A_12] : memref<2x128xi32, #tpu.memory_space<vmem>> -> memref<1x128xi32, #tpu.memory_space<vmem>>
    %dma_start3A_14 = tpu.memref_squeeze %dma_start3A_13 : memref<1x128xi32, #tpu.memory_space<vmem>> -> memref<128xi32, #tpu.memory_space<vmem>>
    %dma_start3A_15 = arith.constant 0 : i32
    %dma_start3A_16 = tpu.memref_slice %arg3[%add3A_11, %dma_start3A_15] : memref<2560x128xi32, #tpu.memory_space<hbm>> -> memref<1x128xi32, #tpu.memory_space<hbm>>
    %dma_start3A_17 = tpu.memref_squeeze %dma_start3A_16 : memref<1x128xi32, #tpu.memory_space<hbm>> -> memref<128xi32, #tpu.memory_space<hbm>>
    %dma_start3A_18 = arith.constant 0 : i32
    %dma_start3A_19 = tpu.memref_slice %arg8[%dma_start3A, %dma_start3A_18] : memref<2x128xi32, #tpu.memory_space<vmem>> -> memref<1x128xi32, #tpu.memory_space<vmem>>
    %dma_start3A_20 = tpu.memref_squeeze %dma_start3A_19 : memref<1x128xi32, #tpu.memory_space<vmem>> -> memref<128xi32, #tpu.memory_space<vmem>>
    %dma_start3A_21 = arith.constant 0 : i32
    %dma_start3A_22 = tpu.memref_slice %arg3[%add3A_11, %dma_start3A_21] : memref<2560x128xi32, #tpu.memory_space<hbm>> -> memref<1x128xi32, #tpu.memory_space<hbm>>
    %dma_start3A_23 = tpu.memref_squeeze %dma_start3A_22 : memref<1x128xi32, #tpu.memory_space<hbm>> -> memref<128xi32, #tpu.memory_space<hbm>>
    tpu.enqueue_dma source(%dma_start3A_23 : memref<128xi32, #tpu.memory_space<hbm>>) target(%dma_start3A_20 : memref<128xi32, #tpu.memory_space<vmem>>) target_semaphore(%arg12 : memref<!tpu.dma_semaphore, #tpu.memory_space<semaphore_mem>>)
    %add3A_24 = arith.constant 1 : i32
    %add3A_25 = arith.addi %mul3A_9, %add3A_24 : i32
    %dma_start3A_26 = arith.constant 1 : i32
    %dma_start3A_27 = arith.constant 0 : i32
    %dma_start3A_28 = tpu.memref_slice %arg8[%dma_start3A_26, %dma_start3A_27] : memref<2x128xi32, #tpu.memory_space<vmem>> -> memref<1x128xi32, #tpu.memory_space<vmem>>
    %dma_start3A_29 = tpu.memref_squeeze %dma_start3A_28 : memref<1x128xi32, #tpu.memory_space<vmem>> -> memref<128xi32, #tpu.memory_space<vmem>>
    %dma_start3A_30 = arith.constant 0 : i32
    %dma_start3A_31 = tpu.memref_slice %arg3[%add3A_25, %dma_start3A_30] : memref<2560x128xi32, #tpu.memory_space<hbm>> -> memref<1x128xi32, #tpu.memory_space<hbm>>
    %dma_start3A_32 = tpu.memref_squeeze %dma_start3A_31 : memref<1x128xi32, #tpu.memory_space<hbm>> -> memref<128xi32, #tpu.memory_space<hbm>>
    %dma_start3A_33 = arith.constant 0 : i32
    %dma_start3A_34 = tpu.memref_slice %arg8[%dma_start3A_26, %dma_start3A_33] : memref<2x128xi32, #tpu.memory_space<vmem>> -> memref<1x128xi32, #tpu.memory_space<vmem>>
    %dma_start3A_35 = tpu.memref_squeeze %dma_start3A_34 : memref<1x128xi32, #tpu.memory_space<vmem>> -> memref<128xi32, #tpu.memory_space<vmem>>
    %dma_start3A_36 = arith.constant 0 : i32
    %dma_start3A_37 = tpu.memref_slice %arg3[%add3A_25, %dma_start3A_36] : memref<2560x128xi32, #tpu.memory_space<hbm>> -> memref<1x128xi32, #tpu.memory_space<hbm>>
    %dma_start3A_38 = tpu.memref_squeeze %dma_start3A_37 : memref<1x128xi32, #tpu.memory_space<hbm>> -> memref<128xi32, #tpu.memory_space<hbm>>
    tpu.enqueue_dma source(%dma_start3A_38 : memref<128xi32, #tpu.memory_space<hbm>>) target(%dma_start3A_35 : memref<128xi32, #tpu.memory_space<vmem>>) target_semaphore(%arg13 : memref<!tpu.dma_semaphore, #tpu.memory_space<semaphore_mem>>)
    %add3A_39 = arith.constant 0 : i32
    %add3A_40 = arith.addi %mul3A_9, %add3A_39 : i32
    %dma_wait3A = arith.constant 0 : i32
    %dma_wait3A_41 = arith.constant 0 : i32
    %dma_wait3A_42 = tpu.memref_slice %arg8[%dma_wait3A, %dma_wait3A_41] : memref<2x128xi32, #tpu.memory_space<vmem>> -> memref<1x128xi32, #tpu.memory_space<vmem>>
    %dma_wait3A_43 = tpu.memref_squeeze %dma_wait3A_42 : memref<1x128xi32, #tpu.memory_space<vmem>> -> memref<128xi32, #tpu.memory_space<vmem>>
    %dma_wait3A_44 = arith.constant 0 : i32
    %dma_wait3A_45 = tpu.memref_slice %arg3[%add3A_40, %dma_wait3A_44] : memref<2560x128xi32, #tpu.memory_space<hbm>> -> memref<1x128xi32, #tpu.memory_space<hbm>>
    %dma_wait3A_46 = tpu.memref_squeeze %dma_wait3A_45 : memref<1x128xi32, #tpu.memory_space<hbm>> -> memref<128xi32, #tpu.memory_space<hbm>>
    %dma_wait3A_47 = arith.constant 0 : i32
    %dma_wait3A_48 = tpu.memref_slice %arg8[%dma_wait3A, %dma_wait3A_47] : memref<2x128xi32, #tpu.memory_space<vmem>> -> memref<1x128xi32, #tpu.memory_space<vmem>>
    %dma_wait3A_49 = tpu.memref_squeeze %dma_wait3A_48 : memref<1x128xi32, #tpu.memory_space<vmem>> -> memref<128xi32, #tpu.memory_space<vmem>>
    %dma_wait3A_50 = arith.constant 0 : i32
    %dma_wait3A_51 = tpu.memref_slice %arg3[%add3A_40, %dma_wait3A_50] : memref<2560x128xi32, #tpu.memory_space<hbm>> -> memref<1x128xi32, #tpu.memory_space<hbm>>
    %dma_wait3A_52 = tpu.memref_squeeze %dma_wait3A_51 : memref<1x128xi32, #tpu.memory_space<hbm>> -> memref<128xi32, #tpu.memory_space<hbm>>
    tpu.wait_dma2 semaphore(%arg12 : memref<!tpu.dma_semaphore, #tpu.memory_space<semaphore_mem>>) src(%dma_wait3A_52 : memref<128xi32, #tpu.memory_space<hbm>>) dst(%dma_wait3A_49 : memref<128xi32, #tpu.memory_space<vmem>>)
    %dma_start3A_53 = arith.constant 0 : i32
    %dma_start3A_54 = arith.constant 0 : i32
    %dma_start3A_55 = tpu.memref_slice %arg8[%dma_start3A_53, %dma_start3A_54] : memref<2x128xi32, #tpu.memory_space<vmem>> -> memref<1x128xi32, #tpu.memory_space<vmem>>
    %dma_start3A_56 = tpu.memref_squeeze %dma_start3A_55 : memref<1x128xi32, #tpu.memory_space<vmem>> -> memref<128xi32, #tpu.memory_space<vmem>>
    %dma_start3A_57 = arith.constant 0 : i32
    %dma_start3A_58 = arith.constant 0 : i32
    %dma_start3A_59 = tpu.memref_slice %arg2[%dma_start3A_57, %dma_start3A_58] : memref<10240x128xf32, #tpu.memory_space<hbm>> -> memref<10240x128xf32, #tpu.memory_space<hbm>>
    tpu.enqueue_indirect_dma source(%dma_start3A_59 : memref<10240x128xf32, #tpu.memory_space<hbm>>) target(%arg9 : memref<128x128xf32, #tpu.memory_space<vmem>>) offsets(%dma_start3A_56 : memref<128xi32, #tpu.memory_space<vmem>>) semaphore(%arg14 : memref<!tpu.dma_semaphore, #tpu.memory_space<semaphore_mem>>)
    %scan3A = arith.constant 0 : i32
    %scan3A_60 = arith.constant 0 : i32
    %scan3A_61 = arith.constant 40 : i32
    %scan3A_62 = arith.addi %scan3A_60, %scan3A_61 : i32
    %scan3A_63 = arith.constant 1 : i32
    %scan3A_64 = scf.for %scan3A_81 = %scan3A_60 to %scan3A_62 step %scan3A_63 iter_args(%scan3A_82 = %scan3A) -> (i32)  : i32 {
      %mul3A_83 = arith.constant 2 : i32
      %mul3A_84 = arith.muli %mul3A_83, %scan3A_81 : i32
      %dma_wait3A_85 = arith.constant 0 : i32
      %dma_wait3A_86 = arith.constant 0 : i32
      %dma_wait3A_87 = tpu.memref_slice %arg8[%dma_wait3A_85, %dma_wait3A_86] : memref<2x128xi32, #tpu.memory_space<vmem>> -> memref<1x128xi32, #tpu.memory_space<vmem>>
      %dma_wait3A_88 = tpu.memref_squeeze %dma_wait3A_87 : memref<1x128xi32, #tpu.memory_space<vmem>> -> memref<128xi32, #tpu.memory_space<vmem>>
      %dma_wait3A_89 = arith.constant 0 : i32
      %dma_wait3A_90 = arith.constant 0 : i32
      %dma_wait3A_91 = tpu.memref_slice %arg2[%dma_wait3A_89, %dma_wait3A_90] : memref<10240x128xf32, #tpu.memory_space<hbm>> -> memref<10240x128xf32, #tpu.memory_space<hbm>>
      tpu.wait_indirect_dma semaphore(%arg14 : memref<!tpu.dma_semaphore, #tpu.memory_space<semaphore_mem>>) src(%dma_wait3A_91 : memref<10240x128xf32, #tpu.memory_space<hbm>>) dst(%arg9 : memref<128x128xf32, #tpu.memory_space<vmem>>)
      %dma_start3A_92 = arith.constant 0 : i32
      %dma_start3A_93 = tpu.memref_slice %arg7[%mul3A_84, %dma_start3A_92] : memref<80x128xi32, #tpu.memory_space<vmem>> -> memref<1x128xi32, #tpu.memory_space<vmem>>
      %dma_start3A_94 = tpu.memref_squeeze %dma_start3A_93 : memref<1x128xi32, #tpu.memory_space<vmem>> -> memref<128xi32, #tpu.memory_space<vmem>>
      %dma_start3A_95 = arith.constant 0 : i32
      %dma_start3A_96 = arith.constant 0 : i32
      %dma_start3A_97 = tpu.memref_slice %arg11[%dma_start3A_95, %dma_start3A_96] : memref<10240x128xf32, #tpu.memory_space<vmem_shared>> -> memref<10240x128xf32, #tpu.memory_space<vmem_shared>>
      tpu.enqueue_indirect_dma source(%arg9 : memref<128x128xf32, #tpu.memory_space<vmem>>) target(%dma_start3A_97 : memref<10240x128xf32, #tpu.memory_space<vmem_shared>>) offsets(%dma_start3A_94 : memref<128xi32, #tpu.memory_space<vmem>>) semaphore(%arg16 : memref<!tpu.dma_semaphore, #tpu.memory_space<semaphore_mem>>) {add = true}
      %add3A_98 = arith.constant 2 : i32
      %add3A_99 = arith.addi %mul3A_84, %add3A_98 : i32
      %lt3A = arith.constant 80 : i32
      %lt3A_100 = arith.cmpi slt, %add3A_99, %lt3A : i32
      %convert_element_type3A_101 = arith.extui %lt3A_100 : i1 to i32
      %cond3A_102 = arith.constant 0 : i32
      %cond3A_103 = arith.cmpi ne, %convert_element_type3A_101, %cond3A_102 : i32
      scf.if %cond3A_103 {
        %add3A_152 = arith.constant 2 : i32
        %add3A_153 = arith.addi %mul3A_84, %add3A_152 : i32
        %add3A_154 = arith.addi %mul3A_9, %add3A_153 : i32
        %dma_start3A_155 = arith.constant 0 : i32
        %dma_start3A_156 = arith.constant 0 : i32
        %dma_start3A_157 = tpu.memref_slice %arg8[%dma_start3A_155, %dma_start3A_156] : memref<2x128xi32, #tpu.memory_space<vmem>> -> memref<1x128xi32, #tpu.memory_space<vmem>>
        %dma_start3A_158 = tpu.memref_squeeze %dma_start3A_157 : memref<1x128xi32, #tpu.memory_space<vmem>> -> memref<128xi32, #tpu.memory_space<vmem>>
        %dma_start3A_159 = arith.constant 0 : i32
        %dma_start3A_160 = tpu.memref_slice %arg3[%add3A_154, %dma_start3A_159] : memref<2560x128xi32, #tpu.memory_space<hbm>> -> memref<1x128xi32, #tpu.memory_space<hbm>>
        %dma_start3A_161 = tpu.memref_squeeze %dma_start3A_160 : memref<1x128xi32, #tpu.memory_space<hbm>> -> memref<128xi32, #tpu.memory_space<hbm>>
        %dma_start3A_162 = arith.constant 0 : i32
        %dma_start3A_163 = tpu.memref_slice %arg8[%dma_start3A_155, %dma_start3A_162] : memref<2x128xi32, #tpu.memory_space<vmem>> -> memref<1x128xi32, #tpu.memory_space<vmem>>
        %dma_start3A_164 = tpu.memref_squeeze %dma_start3A_163 : memref<1x128xi32, #tpu.memory_space<vmem>> -> memref<128xi32, #tpu.memory_space<vmem>>
        %dma_start3A_165 = arith.constant 0 : i32
        %dma_start3A_166 = tpu.memref_slice %arg3[%add3A_154, %dma_start3A_165] : memref<2560x128xi32, #tpu.memory_space<hbm>> -> memref<1x128xi32, #tpu.memory_space<hbm>>
        %dma_start3A_167 = tpu.memref_squeeze %dma_start3A_166 : memref<1x128xi32, #tpu.memory_space<hbm>> -> memref<128xi32, #tpu.memory_space<hbm>>
        tpu.enqueue_dma source(%dma_start3A_167 : memref<128xi32, #tpu.memory_space<hbm>>) target(%dma_start3A_164 : memref<128xi32, #tpu.memory_space<vmem>>) target_semaphore(%arg12 : memref<!tpu.dma_semaphore, #tpu.memory_space<semaphore_mem>>)
      } else {
      }
      %gt3A = arith.constant 0 : i32
      %gt3A_104 = arith.cmpi sgt, %mul3A_84, %gt3A : i32
      %convert_element_type3A_105 = arith.extui %gt3A_104 : i1 to i32
      %cond3A_106 = arith.constant 0 : i32
      %cond3A_107 = arith.cmpi ne, %convert_element_type3A_105, %cond3A_106 : i32
      scf.if %cond3A_107 {
        %sub3A = arith.constant 1 : i32
        %sub3A_152 = arith.subi %mul3A_84, %sub3A : i32
        %dma_wait3A_153 = arith.constant 0 : i32
        %dma_wait3A_154 = tpu.memref_slice %arg7[%sub3A_152, %dma_wait3A_153] : memref<80x128xi32, #tpu.memory_space<vmem>> -> memref<1x128xi32, #tpu.memory_space<vmem>>
        %dma_wait3A_155 = tpu.memref_squeeze %dma_wait3A_154 : memref<1x128xi32, #tpu.memory_space<vmem>> -> memref<128xi32, #tpu.memory_space<vmem>>
        %dma_wait3A_156 = arith.constant 0 : i32
        %dma_wait3A_157 = arith.constant 0 : i32
        %dma_wait3A_158 = tpu.memref_slice %arg11[%dma_wait3A_156, %dma_wait3A_157] : memref<10240x128xf32, #tpu.memory_space<vmem_shared>> -> memref<10240x128xf32, #tpu.memory_space<vmem_shared>>
        tpu.wait_indirect_dma semaphore(%arg17 : memref<!tpu.dma_semaphore, #tpu.memory_space<semaphore_mem>>) src(%arg10 : memref<128x128xf32, #tpu.memory_space<vmem>>) dst(%dma_wait3A_158 : memref<10240x128xf32, #tpu.memory_space<vmem_shared>>)
      } else {
      }
      %add3A_108 = arith.constant 1 : i32
      %add3A_109 = arith.addi %mul3A_84, %add3A_108 : i32
      %lt3A_110 = arith.constant 80 : i32
      %lt3A_111 = arith.cmpi slt, %add3A_109, %lt3A_110 : i32
      %convert_element_type3A_112 = arith.extui %lt3A_111 : i1 to i32
      %cond3A_113 = arith.constant 0 : i32
      %cond3A_114 = arith.cmpi ne, %convert_element_type3A_112, %cond3A_113 : i32
      scf.if %cond3A_114 {
        %add3A_152 = arith.constant 1 : i32
        %add3A_153 = arith.addi %mul3A_84, %add3A_152 : i32
        %add3A_154 = arith.addi %mul3A_9, %add3A_153 : i32
        %dma_wait3A_155 = arith.constant 1 : i32
        %dma_wait3A_156 = arith.constant 0 : i32
        %dma_wait3A_157 = tpu.memref_slice %arg8[%dma_wait3A_155, %dma_wait3A_156] : memref<2x128xi32, #tpu.memory_space<vmem>> -> memref<1x128xi32, #tpu.memory_space<vmem>>
        %dma_wait3A_158 = tpu.memref_squeeze %dma_wait3A_157 : memref<1x128xi32, #tpu.memory_space<vmem>> -> memref<128xi32, #tpu.memory_space<vmem>>
        %dma_wait3A_159 = arith.constant 0 : i32
        %dma_wait3A_160 = tpu.memref_slice %arg3[%add3A_154, %dma_wait3A_159] : memref<2560x128xi32, #tpu.memory_space<hbm>> -> memref<1x128xi32, #tpu.memory_space<hbm>>
        %dma_wait3A_161 = tpu.memref_squeeze %dma_wait3A_160 : memref<1x128xi32, #tpu.memory_space<hbm>> -> memref<128xi32, #tpu.memory_space<hbm>>
        %dma_wait3A_162 = arith.constant 0 : i32
        %dma_wait3A_163 = tpu.memref_slice %arg8[%dma_wait3A_155, %dma_wait3A_162] : memref<2x128xi32, #tpu.memory_space<vmem>> -> memref<1x128xi32, #tpu.memory_space<vmem>>
        %dma_wait3A_164 = tpu.memref_squeeze %dma_wait3A_163 : memref<1x128xi32, #tpu.memory_space<vmem>> -> memref<128xi32, #tpu.memory_space<vmem>>
        %dma_wait3A_165 = arith.constant 0 : i32
        %dma_wait3A_166 = tpu.memref_slice %arg3[%add3A_154, %dma_wait3A_165] : memref<2560x128xi32, #tpu.memory_space<hbm>> -> memref<1x128xi32, #tpu.memory_space<hbm>>
        %dma_wait3A_167 = tpu.memref_squeeze %dma_wait3A_166 : memref<1x128xi32, #tpu.memory_space<hbm>> -> memref<128xi32, #tpu.memory_space<hbm>>
        tpu.wait_dma2 semaphore(%arg13 : memref<!tpu.dma_semaphore, #tpu.memory_space<semaphore_mem>>) src(%dma_wait3A_167 : memref<128xi32, #tpu.memory_space<hbm>>) dst(%dma_wait3A_164 : memref<128xi32, #tpu.memory_space<vmem>>)
        %dma_start3A_168 = arith.constant 1 : i32
        %dma_start3A_169 = arith.constant 0 : i32
        %dma_start3A_170 = tpu.memref_slice %arg8[%dma_start3A_168, %dma_start3A_169] : memref<2x128xi32, #tpu.memory_space<vmem>> -> memref<1x128xi32, #tpu.memory_space<vmem>>
        %dma_start3A_171 = tpu.memref_squeeze %dma_start3A_170 : memref<1x128xi32, #tpu.memory_space<vmem>> -> memref<128xi32, #tpu.memory_space<vmem>>
        %dma_start3A_172 = arith.constant 0 : i32
        %dma_start3A_173 = arith.constant 0 : i32
        %dma_start3A_174 = tpu.memref_slice %arg2[%dma_start3A_172, %dma_start3A_173] : memref<10240x128xf32, #tpu.memory_space<hbm>> -> memref<10240x128xf32, #tpu.memory_space<hbm>>
        tpu.enqueue_indirect_dma source(%dma_start3A_174 : memref<10240x128xf32, #tpu.memory_space<hbm>>) target(%arg10 : memref<128x128xf32, #tpu.memory_space<vmem>>) offsets(%dma_start3A_171 : memref<128xi32, #tpu.memory_space<vmem>>) semaphore(%arg15 : memref<!tpu.dma_semaphore, #tpu.memory_space<semaphore_mem>>)
      } else {
      }
      %mul3A_115 = arith.constant 2 : i32
      %mul3A_116 = arith.muli %mul3A_115, %scan3A_81 : i32
      %add3A_117 = arith.constant 1 : i32
      %add3A_118 = arith.addi %mul3A_116, %add3A_117 : i32
      %dma_wait3A_119 = arith.constant 1 : i32
      %dma_wait3A_120 = arith.constant 0 : i32
      %dma_wait3A_121 = tpu.memref_slice %arg8[%dma_wait3A_119, %dma_wait3A_120] : memref<2x128xi32, #tpu.memory_space<vmem>> -> memref<1x128xi32, #tpu.memory_space<vmem>>
      %dma_wait3A_122 = tpu.memref_squeeze %dma_wait3A_121 : memref<1x128xi32, #tpu.memory_space<vmem>> -> memref<128xi32, #tpu.memory_space<vmem>>
      %dma_wait3A_123 = arith.constant 0 : i32
      %dma_wait3A_124 = arith.constant 0 : i32
      %dma_wait3A_125 = tpu.memref_slice %arg2[%dma_wait3A_123, %dma_wait3A_124] : memref<10240x128xf32, #tpu.memory_space<hbm>> -> memref<10240x128xf32, #tpu.memory_space<hbm>>
      tpu.wait_indirect_dma semaphore(%arg15 : memref<!tpu.dma_semaphore, #tpu.memory_space<semaphore_mem>>) src(%dma_wait3A_125 : memref<10240x128xf32, #tpu.memory_space<hbm>>) dst(%arg10 : memref<128x128xf32, #tpu.memory_space<vmem>>)
      %dma_start3A_126 = arith.constant 0 : i32
      %dma_start3A_127 = tpu.memref_slice %arg7[%add3A_118, %dma_start3A_126] : memref<80x128xi32, #tpu.memory_space<vmem>> -> memref<1x128xi32, #tpu.memory_space<vmem>>
      %dma_start3A_128 = tpu.memref_squeeze %dma_start3A_127 : memref<1x128xi32, #tpu.memory_space<vmem>> -> memref<128xi32, #tpu.memory_space<vmem>>
      %dma_start3A_129 = arith.constant 0 : i32
      %dma_start3A_130 = arith.constant 0 : i32
      %dma_start3A_131 = tpu.memref_slice %arg11[%dma_start3A_129, %dma_start3A_130] : memref<10240x128xf32, #tpu.memory_space<vmem_shared>> -> memref<10240x128xf32, #tpu.memory_space<vmem_shared>>
      tpu.enqueue_indirect_dma source(%arg10 : memref<128x128xf32, #tpu.memory_space<vmem>>) target(%dma_start3A_131 : memref<10240x128xf32, #tpu.memory_space<vmem_shared>>) offsets(%dma_start3A_128 : memref<128xi32, #tpu.memory_space<vmem>>) semaphore(%arg17 : memref<!tpu.dma_semaphore, #tpu.memory_space<semaphore_mem>>) {add = true}
      %add3A_132 = arith.constant 2 : i32
      %add3A_133 = arith.addi %add3A_118, %add3A_132 : i32
      %lt3A_134 = arith.constant 80 : i32
      %lt3A_135 = arith.cmpi slt, %add3A_133, %lt3A_134 : i32
      %convert_element_type3A_136 = arith.extui %lt3A_135 : i1 to i32
      %cond3A_137 = arith.constant 0 : i32
      %cond3A_138 = arith.cmpi ne, %convert_element_type3A_136, %cond3A_137 : i32
      scf.if %cond3A_138 {
        %add3A_152 = arith.constant 2 : i32
        %add3A_153 = arith.addi %add3A_118, %add3A_152 : i32
        %add3A_154 = arith.addi %mul3A_9, %add3A_153 : i32
        %dma_start3A_155 = arith.constant 1 : i32
        %dma_start3A_156 = arith.constant 0 : i32
        %dma_start3A_157 = tpu.memref_slice %arg8[%dma_start3A_155, %dma_start3A_156] : memref<2x128xi32, #tpu.memory_space<vmem>> -> memref<1x128xi32, #tpu.memory_space<vmem>>
        %dma_start3A_158 = tpu.memref_squeeze %dma_start3A_157 : memref<1x128xi32, #tpu.memory_space<vmem>> -> memref<128xi32, #tpu.memory_space<vmem>>
        %dma_start3A_159 = arith.constant 0 : i32
        %dma_start3A_160 = tpu.memref_slice %arg3[%add3A_154, %dma_start3A_159] : memref<2560x128xi32, #tpu.memory_space<hbm>> -> memref<1x128xi32, #tpu.memory_space<hbm>>
        %dma_start3A_161 = tpu.memref_squeeze %dma_start3A_160 : memref<1x128xi32, #tpu.memory_space<hbm>> -> memref<128xi32, #tpu.memory_space<hbm>>
        %dma_start3A_162 = arith.constant 0 : i32
        %dma_start3A_163 = tpu.memref_slice %arg8[%dma_start3A_155, %dma_start3A_162] : memref<2x128xi32, #tpu.memory_space<vmem>> -> memref<1x128xi32, #tpu.memory_space<vmem>>
        %dma_start3A_164 = tpu.memref_squeeze %dma_start3A_163 : memref<1x128xi32, #tpu.memory_space<vmem>> -> memref<128xi32, #tpu.memory_space<vmem>>
        %dma_start3A_165 = arith.constant 0 : i32
        %dma_start3A_166 = tpu.memref_slice %arg3[%add3A_154, %dma_start3A_165] : memref<2560x128xi32, #tpu.memory_space<hbm>> -> memref<1x128xi32, #tpu.memory_space<hbm>>
        %dma_start3A_167 = tpu.memref_squeeze %dma_start3A_166 : memref<1x128xi32, #tpu.memory_space<hbm>> -> memref<128xi32, #tpu.memory_space<hbm>>
        tpu.enqueue_dma source(%dma_start3A_167 : memref<128xi32, #tpu.memory_space<hbm>>) target(%dma_start3A_164 : memref<128xi32, #tpu.memory_space<vmem>>) target_semaphore(%arg13 : memref<!tpu.dma_semaphore, #tpu.memory_space<semaphore_mem>>)
      } else {
      }
      %gt3A_139 = arith.constant 0 : i32
      %gt3A_140 = arith.cmpi sgt, %add3A_118, %gt3A_139 : i32
      %convert_element_type3A_141 = arith.extui %gt3A_140 : i1 to i32
      %cond3A_142 = arith.constant 0 : i32
      %cond3A_143 = arith.cmpi ne, %convert_element_type3A_141, %cond3A_142 : i32
      scf.if %cond3A_143 {
        %sub3A = arith.constant 1 : i32
        %sub3A_152 = arith.subi %add3A_118, %sub3A : i32
        %dma_wait3A_153 = arith.constant 0 : i32
        %dma_wait3A_154 = tpu.memref_slice %arg7[%sub3A_152, %dma_wait3A_153] : memref<80x128xi32, #tpu.memory_space<vmem>> -> memref<1x128xi32, #tpu.memory_space<vmem>>
        %dma_wait3A_155 = tpu.memref_squeeze %dma_wait3A_154 : memref<1x128xi32, #tpu.memory_space<vmem>> -> memref<128xi32, #tpu.memory_space<vmem>>
        %dma_wait3A_156 = arith.constant 0 : i32
        %dma_wait3A_157 = arith.constant 0 : i32
        %dma_wait3A_158 = tpu.memref_slice %arg11[%dma_wait3A_156, %dma_wait3A_157] : memref<10240x128xf32, #tpu.memory_space<vmem_shared>> -> memref<10240x128xf32, #tpu.memory_space<vmem_shared>>
        tpu.wait_indirect_dma semaphore(%arg16 : memref<!tpu.dma_semaphore, #tpu.memory_space<semaphore_mem>>) src(%arg9 : memref<128x128xf32, #tpu.memory_space<vmem>>) dst(%dma_wait3A_158 : memref<10240x128xf32, #tpu.memory_space<vmem_shared>>)
      } else {
      }
      %add3A_144 = arith.constant 1 : i32
      %add3A_145 = arith.addi %add3A_118, %add3A_144 : i32
      %lt3A_146 = arith.constant 80 : i32
      %lt3A_147 = arith.cmpi slt, %add3A_145, %lt3A_146 : i32
      %convert_element_type3A_148 = arith.extui %lt3A_147 : i1 to i32
      %cond3A_149 = arith.constant 0 : i32
      %cond3A_150 = arith.cmpi ne, %convert_element_type3A_148, %cond3A_149 : i32
      scf.if %cond3A_150 {
        %add3A_152 = arith.constant 1 : i32
        %add3A_153 = arith.addi %add3A_118, %add3A_152 : i32
        %add3A_154 = arith.addi %mul3A_9, %add3A_153 : i32
        %dma_wait3A_155 = arith.constant 0 : i32
        %dma_wait3A_156 = arith.constant 0 : i32
        %dma_wait3A_157 = tpu.memref_slice %arg8[%dma_wait3A_155, %dma_wait3A_156] : memref<2x128xi32, #tpu.memory_space<vmem>> -> memref<1x128xi32, #tpu.memory_space<vmem>>
        %dma_wait3A_158 = tpu.memref_squeeze %dma_wait3A_157 : memref<1x128xi32, #tpu.memory_space<vmem>> -> memref<128xi32, #tpu.memory_space<vmem>>
        %dma_wait3A_159 = arith.constant 0 : i32
        %dma_wait3A_160 = tpu.memref_slice %arg3[%add3A_154, %dma_wait3A_159] : memref<2560x128xi32, #tpu.memory_space<hbm>> -> memref<1x128xi32, #tpu.memory_space<hbm>>
        %dma_wait3A_161 = tpu.memref_squeeze %dma_wait3A_160 : memref<1x128xi32, #tpu.memory_space<hbm>> -> memref<128xi32, #tpu.memory_space<hbm>>
        %dma_wait3A_162 = arith.constant 0 : i32
        %dma_wait3A_163 = tpu.memref_slice %arg8[%dma_wait3A_155, %dma_wait3A_162] : memref<2x128xi32, #tpu.memory_space<vmem>> -> memref<1x128xi32, #tpu.memory_space<vmem>>
        %dma_wait3A_164 = tpu.memref_squeeze %dma_wait3A_163 : memref<1x128xi32, #tpu.memory_space<vmem>> -> memref<128xi32, #tpu.memory_space<vmem>>
        %dma_wait3A_165 = arith.constant 0 : i32
        %dma_wait3A_166 = tpu.memref_slice %arg3[%add3A_154, %dma_wait3A_165] : memref<2560x128xi32, #tpu.memory_space<hbm>> -> memref<1x128xi32, #tpu.memory_space<hbm>>
        %dma_wait3A_167 = tpu.memref_squeeze %dma_wait3A_166 : memref<1x128xi32, #tpu.memory_space<hbm>> -> memref<128xi32, #tpu.memory_space<hbm>>
        tpu.wait_dma2 semaphore(%arg12 : memref<!tpu.dma_semaphore, #tpu.memory_space<semaphore_mem>>) src(%dma_wait3A_167 : memref<128xi32, #tpu.memory_space<hbm>>) dst(%dma_wait3A_164 : memref<128xi32, #tpu.memory_space<vmem>>)
        %dma_start3A_168 = arith.constant 0 : i32
        %dma_start3A_169 = arith.constant 0 : i32
        %dma_start3A_170 = tpu.memref_slice %arg8[%dma_start3A_168, %dma_start3A_169] : memref<2x128xi32, #tpu.memory_space<vmem>> -> memref<1x128xi32, #tpu.memory_space<vmem>>
        %dma_start3A_171 = tpu.memref_squeeze %dma_start3A_170 : memref<1x128xi32, #tpu.memory_space<vmem>> -> memref<128xi32, #tpu.memory_space<vmem>>
        %dma_start3A_172 = arith.constant 0 : i32
        %dma_start3A_173 = arith.constant 0 : i32
        %dma_start3A_174 = tpu.memref_slice %arg2[%dma_start3A_172, %dma_start3A_173] : memref<10240x128xf32, #tpu.memory_space<hbm>> -> memref<10240x128xf32, #tpu.memory_space<hbm>>
        tpu.enqueue_indirect_dma source(%dma_start3A_174 : memref<10240x128xf32, #tpu.memory_space<hbm>>) target(%arg9 : memref<128x128xf32, #tpu.memory_space<vmem>>) offsets(%dma_start3A_171 : memref<128xi32, #tpu.memory_space<vmem>>) semaphore(%arg14 : memref<!tpu.dma_semaphore, #tpu.memory_space<semaphore_mem>>)
      } else {
      }
      %scan3A_151 = arith.constant 0 : i32
      scf.yield %scan3A_151 : i32
    }
    %scan3A_65 = arith.constant 40 : i32
    %dma_wait3A_66 = arith.constant 79 : i32
    %dma_wait3A_67 = arith.constant 0 : i32
    %dma_wait3A_68 = tpu.memref_slice %arg7[%dma_wait3A_66, %dma_wait3A_67] : memref<80x128xi32, #tpu.memory_space<vmem>> -> memref<1x128xi32, #tpu.memory_space<vmem>>
    %dma_wait3A_69 = tpu.memref_squeeze %dma_wait3A_68 : memref<1x128xi32, #tpu.memory_space<vmem>> -> memref<128xi32, #tpu.memory_space<vmem>>
    %dma_wait3A_70 = arith.constant 0 : i32
    %dma_wait3A_71 = arith.constant 0 : i32
    %dma_wait3A_72 = tpu.memref_slice %arg11[%dma_wait3A_70, %dma_wait3A_71] : memref<10240x128xf32, #tpu.memory_space<vmem_shared>> -> memref<10240x128xf32, #tpu.memory_space<vmem_shared>>
    tpu.wait_indirect_dma semaphore(%arg17 : memref<!tpu.dma_semaphore, #tpu.memory_space<semaphore_mem>>) src(%arg10 : memref<128x128xf32, #tpu.memory_space<vmem>>) dst(%dma_wait3A_72 : memref<10240x128xf32, #tpu.memory_space<vmem_shared>>)
    %barrier3A_73 = arith.constant 0 : index
    tpu.barrier barrier_id(%barrier3A_73)
    %mul3A_74 = arith.constant 640 : i32
    %mul3A_75 = arith.muli %arg1, %mul3A_74 : i32
    %mul3A_76 = arith.constant 10240 : i32
    %mul3A_77 = arith.muli %arg0, %mul3A_76 : i32
    %mul3A_78 = arith.constant 640 : i32
    %mul3A_79 = arith.muli %arg1, %mul3A_78 : i32
    %add3A_80 = arith.addi %mul3A_77, %mul3A_79 : i32
    "tpu.region"() ({
      %run_scoped3A = tpu.sem_alloc : memref<!tpu.dma_semaphore, #tpu.memory_space<semaphore_mem>>
      %dma_start3A_81 = arith.constant 0 : i32
      %dma_start3A_82 = tpu.memref_slice %arg6[%add3A_80, %dma_start3A_81] : memref<20480x128xf32, #tpu.memory_space<hbm>> -> memref<640x128xf32, #tpu.memory_space<hbm>>
      %dma_start3A_83 = arith.constant 0 : i32
      %dma_start3A_84 = tpu.memref_slice %arg11[%mul3A_75, %dma_start3A_83] : memref<10240x128xf32, #tpu.memory_space<vmem_shared>> -> memref<640x128xf32, #tpu.memory_space<vmem_shared>>
      tpu.enqueue_dma source(%dma_start3A_84 : memref<640x128xf32, #tpu.memory_space<vmem_shared>>) target(%dma_start3A_82 : memref<640x128xf32, #tpu.memory_space<hbm>>) target_semaphore(%run_scoped3A : memref<!tpu.dma_semaphore, #tpu.memory_space<semaphore_mem>>)
      %dma_wait3A_85 = arith.constant 0 : i32
      %dma_wait3A_86 = tpu.memref_slice %arg6[%add3A_80, %dma_wait3A_85] : memref<20480x128xf32, #tpu.memory_space<hbm>> -> memref<640x128xf32, #tpu.memory_space<hbm>>
      %dma_wait3A_87 = arith.constant 0 : i32
      %dma_wait3A_88 = tpu.memref_slice %arg11[%mul3A_75, %dma_wait3A_87] : memref<10240x128xf32, #tpu.memory_space<vmem_shared>> -> memref<640x128xf32, #tpu.memory_space<vmem_shared>>
      tpu.wait_dma2 semaphore(%run_scoped3A : memref<!tpu.dma_semaphore, #tpu.memory_space<semaphore_mem>>) src(%dma_wait3A_88 : memref<640x128xf32, #tpu.memory_space<vmem_shared>>) dst(%dma_wait3A_86 : memref<640x128xf32, #tpu.memory_space<hbm>>)
      tpu.yield
    }) : () -> ()
    return
  }
}

#map = affine_map<(d0, d1) -> (0, 0)>
module attributes {stable_mosaic.version = 14 : i64} {
  func.func @_spmm_body(%arg0: i32, %arg1: i32, %arg2: memref<10240x128xf32, #tpu.memory_space<hbm>>, %arg3: memref<2560x128xi32, #tpu.memory_space<hbm>>, %arg4: memref<2560x128xi32, #tpu.memory_space<hbm>>, %arg5: memref<10240x128xf32, #tpu.memory_space<hbm>>, %arg6: memref<20480x128xf32, #tpu.memory_space<hbm>>, %arg7: memref<80x128xi32, #tpu.memory_space<vmem>>, %arg8: memref<2x128xi32, #tpu.memory_space<vmem>>, %arg9: memref<128x128xf32, #tpu.memory_space<vmem>>, %arg10: memref<128x128xf32, #tpu.memory_space<vmem>>, %arg11: memref<10240x128xf32, #tpu.memory_space<vmem_shared>>, %arg12: memref<!tpu.dma_semaphore, #tpu.memory_space<semaphore_mem>>, %arg13: memref<!tpu.dma_semaphore, #tpu.memory_space<semaphore_mem>>, %arg14: memref<!tpu.dma_semaphore, #tpu.memory_space<semaphore_mem>>, %arg15: memref<!tpu.dma_semaphore, #tpu.memory_space<semaphore_mem>>, %arg16: memref<!tpu.dma_semaphore, #tpu.memory_space<semaphore_mem>>, %arg17: memref<!tpu.dma_semaphore, #tpu.memory_space<semaphore_mem>>) attributes {dimension_semantics = [#tpu.dimension_semantics<core_parallel>, #tpu.dimension_semantics<subcore_parallel>], iteration_bounds = array<i64: 2, 16>, scalar_prefetch = 0 : i64, scratch_operands = 11 : i64, tpu.core_type = #tpu.core_type<sc_vector_subcore>, window_params = [{transform_indices = #map}, {transform_indices = #map}, {transform_indices = #map}, {transform_indices = #map}, {transform_indices = #map}]} {
    %eq3A = arith.constant 0 : i32
    %eq3A_0 = arith.cmpi eq, %arg0, %eq3A : i32
    %convert_element_type3A = arith.extui %eq3A_0 : i1 to i32
    %cond3A = arith.constant 0 : i32
    %cond3A_1 = arith.cmpi ne, %convert_element_type3A, %cond3A : i32
    scf.if %cond3A_1 {
      %mul3A_81 = arith.constant 640 : i32
      %mul3A_82 = arith.muli %arg1, %mul3A_81 : i32
      %mul3A_83 = arith.constant 640 : i32
      %mul3A_84 = arith.muli %arg1, %mul3A_83 : i32
      "tpu.region"() ({
        %run_scoped3A = tpu.sem_alloc : memref<!tpu.dma_semaphore, #tpu.memory_space<semaphore_mem>>
        %dma_start3A_85 = arith.constant 0 : i32
        %dma_start3A_86 = tpu.memref_slice %arg11[%mul3A_84, %dma_start3A_85] : memref<10240x128xf32, #tpu.memory_space<vmem_shared>> -> memref<640x128xf32, #tpu.memory_space<vmem_shared>>
        %dma_start3A_87 = arith.constant 0 : i32
        %dma_start3A_88 = tpu.memref_slice %arg2[%mul3A_82, %dma_start3A_87] : memref<10240x128xf32, #tpu.memory_space<hbm>> -> memref<640x128xf32, #tpu.memory_space<hbm>>
        tpu.enqueue_dma source(%dma_start3A_88 : memref<640x128xf32, #tpu.memory_space<hbm>>) target(%dma_start3A_86 : memref<640x128xf32, #tpu.memory_space<vmem_shared>>) target_semaphore(%run_scoped3A : memref<!tpu.dma_semaphore, #tpu.memory_space<semaphore_mem>>)
        %dma_wait3A_89 = arith.constant 0 : i32
        %dma_wait3A_90 = tpu.memref_slice %arg11[%mul3A_84, %dma_wait3A_89] : memref<10240x128xf32, #tpu.memory_space<vmem_shared>> -> memref<640x128xf32, #tpu.memory_space<vmem_shared>>
        %dma_wait3A_91 = arith.constant 0 : i32
        %dma_wait3A_92 = tpu.memref_slice %arg2[%mul3A_82, %dma_wait3A_91] : memref<10240x128xf32, #tpu.memory_space<hbm>> -> memref<640x128xf32, #tpu.memory_space<hbm>>
        tpu.wait_dma2 semaphore(%run_scoped3A : memref<!tpu.dma_semaphore, #tpu.memory_space<semaphore_mem>>) src(%dma_wait3A_92 : memref<640x128xf32, #tpu.memory_space<hbm>>) dst(%dma_wait3A_90 : memref<640x128xf32, #tpu.memory_space<vmem_shared>>)
        tpu.yield
      }) : () -> ()
    } else {
    }
    %eq3A_2 = arith.constant 1 : i32
    %eq3A_3 = arith.cmpi eq, %arg0, %eq3A_2 : i32
    %convert_element_type3A_4 = arith.extui %eq3A_3 : i1 to i32
    %cond3A_5 = arith.constant 0 : i32
    %cond3A_6 = arith.cmpi ne, %convert_element_type3A_4, %cond3A_5 : i32
    scf.if %cond3A_6 {
      %mul3A_81 = arith.constant 640 : i32
      %mul3A_82 = arith.muli %arg1, %mul3A_81 : i32
      %mul3A_83 = arith.constant 640 : i32
      %mul3A_84 = arith.muli %arg1, %mul3A_83 : i32
      "tpu.region"() ({
        %run_scoped3A = tpu.sem_alloc : memref<!tpu.dma_semaphore, #tpu.memory_space<semaphore_mem>>
        %dma_start3A_85 = arith.constant 0 : i32
        %dma_start3A_86 = tpu.memref_slice %arg11[%mul3A_84, %dma_start3A_85] : memref<10240x128xf32, #tpu.memory_space<vmem_shared>> -> memref<640x128xf32, #tpu.memory_space<vmem_shared>>
        %dma_start3A_87 = arith.constant 0 : i32
        %dma_start3A_88 = tpu.memref_slice %arg5[%mul3A_82, %dma_start3A_87] : memref<10240x128xf32, #tpu.memory_space<hbm>> -> memref<640x128xf32, #tpu.memory_space<hbm>>
        tpu.enqueue_dma source(%dma_start3A_88 : memref<640x128xf32, #tpu.memory_space<hbm>>) target(%dma_start3A_86 : memref<640x128xf32, #tpu.memory_space<vmem_shared>>) target_semaphore(%run_scoped3A : memref<!tpu.dma_semaphore, #tpu.memory_space<semaphore_mem>>)
        %dma_wait3A_89 = arith.constant 0 : i32
        %dma_wait3A_90 = tpu.memref_slice %arg11[%mul3A_84, %dma_wait3A_89] : memref<10240x128xf32, #tpu.memory_space<vmem_shared>> -> memref<640x128xf32, #tpu.memory_space<vmem_shared>>
        %dma_wait3A_91 = arith.constant 0 : i32
        %dma_wait3A_92 = tpu.memref_slice %arg5[%mul3A_82, %dma_wait3A_91] : memref<10240x128xf32, #tpu.memory_space<hbm>> -> memref<640x128xf32, #tpu.memory_space<hbm>>
        tpu.wait_dma2 semaphore(%run_scoped3A : memref<!tpu.dma_semaphore, #tpu.memory_space<semaphore_mem>>) src(%dma_wait3A_92 : memref<640x128xf32, #tpu.memory_space<hbm>>) dst(%dma_wait3A_90 : memref<640x128xf32, #tpu.memory_space<vmem_shared>>)
        tpu.yield
      }) : () -> ()
    } else {
    }
    %mul3A = arith.constant 16 : i32
    %mul3A_7 = arith.muli %arg0, %mul3A : i32
    %add3A = arith.addi %mul3A_7, %arg1 : i32
    %mul3A_8 = arith.constant 80 : i32
    %mul3A_9 = arith.muli %add3A, %mul3A_8 : i32
    "tpu.region"() ({
      %run_scoped3A = tpu.sem_alloc : memref<!tpu.dma_semaphore, #tpu.memory_space<semaphore_mem>>
      %dma_start3A_81 = arith.constant 0 : i32
      %dma_start3A_82 = tpu.memref_slice %arg4[%mul3A_9, %dma_start3A_81] : memref<2560x128xi32, #tpu.memory_space<hbm>> -> memref<80x128xi32, #tpu.memory_space<hbm>>
      %dma_start3A_83 = arith.constant 0 : i32
      %dma_start3A_84 = tpu.memref_slice %arg4[%mul3A_9, %dma_start3A_83] : memref<2560x128xi32, #tpu.memory_space<hbm>> -> memref<80x128xi32, #tpu.memory_space<hbm>>
      tpu.enqueue_dma source(%dma_start3A_84 : memref<80x128xi32, #tpu.memory_space<hbm>>) target(%arg7 : memref<80x128xi32, #tpu.memory_space<vmem>>) target_semaphore(%run_scoped3A : memref<!tpu.dma_semaphore, #tpu.memory_space<semaphore_mem>>)
      %dma_wait3A_85 = arith.constant 0 : i32
      %dma_wait3A_86 = tpu.memref_slice %arg4[%mul3A_9, %dma_wait3A_85] : memref<2560x128xi32, #tpu.memory_space<hbm>> -> memref<80x128xi32, #tpu.memory_space<hbm>>
      %dma_wait3A_87 = arith.constant 0 : i32
      %dma_wait3A_88 = tpu.memref_slice %arg4[%mul3A_9, %dma_wait3A_87] : memref<2560x128xi32, #tpu.memory_space<hbm>> -> memref<80x128xi32, #tpu.memory_space<hbm>>
      tpu.wait_dma2 semaphore(%run_scoped3A : memref<!tpu.dma_semaphore, #tpu.memory_space<semaphore_mem>>) src(%dma_wait3A_88 : memref<80x128xi32, #tpu.memory_space<hbm>>) dst(%arg7 : memref<80x128xi32, #tpu.memory_space<vmem>>)
      tpu.yield
    }) : () -> ()
    %barrier3A = arith.constant 0 : index
    tpu.barrier barrier_id(%barrier3A)
    %add3A_10 = arith.constant 0 : i32
    %add3A_11 = arith.addi %mul3A_9, %add3A_10 : i32
    %dma_start3A = arith.constant 0 : i32
    %dma_start3A_12 = arith.constant 0 : i32
    %dma_start3A_13 = tpu.memref_slice %arg8[%dma_start3A, %dma_start3A_12] : memref<2x128xi32, #tpu.memory_space<vmem>> -> memref<1x128xi32, #tpu.memory_space<vmem>>
    %dma_start3A_14 = tpu.memref_squeeze %dma_start3A_13 : memref<1x128xi32, #tpu.memory_space<vmem>> -> memref<128xi32, #tpu.memory_space<vmem>>
    %dma_start3A_15 = arith.constant 0 : i32
    %dma_start3A_16 = tpu.memref_slice %arg3[%add3A_11, %dma_start3A_15] : memref<2560x128xi32, #tpu.memory_space<hbm>> -> memref<1x128xi32, #tpu.memory_space<hbm>>
    %dma_start3A_17 = tpu.memref_squeeze %dma_start3A_16 : memref<1x128xi32, #tpu.memory_space<hbm>> -> memref<128xi32, #tpu.memory_space<hbm>>
    %dma_start3A_18 = arith.constant 0 : i32
    %dma_start3A_19 = tpu.memref_slice %arg8[%dma_start3A, %dma_start3A_18] : memref<2x128xi32, #tpu.memory_space<vmem>> -> memref<1x128xi32, #tpu.memory_space<vmem>>
    %dma_start3A_20 = tpu.memref_squeeze %dma_start3A_19 : memref<1x128xi32, #tpu.memory_space<vmem>> -> memref<128xi32, #tpu.memory_space<vmem>>
    %dma_start3A_21 = arith.constant 0 : i32
    %dma_start3A_22 = tpu.memref_slice %arg3[%add3A_11, %dma_start3A_21] : memref<2560x128xi32, #tpu.memory_space<hbm>> -> memref<1x128xi32, #tpu.memory_space<hbm>>
    %dma_start3A_23 = tpu.memref_squeeze %dma_start3A_22 : memref<1x128xi32, #tpu.memory_space<hbm>> -> memref<128xi32, #tpu.memory_space<hbm>>
    tpu.enqueue_dma source(%dma_start3A_23 : memref<128xi32, #tpu.memory_space<hbm>>) target(%dma_start3A_20 : memref<128xi32, #tpu.memory_space<vmem>>) target_semaphore(%arg12 : memref<!tpu.dma_semaphore, #tpu.memory_space<semaphore_mem>>)
    %add3A_24 = arith.constant 1 : i32
    %add3A_25 = arith.addi %mul3A_9, %add3A_24 : i32
    %dma_start3A_26 = arith.constant 1 : i32
    %dma_start3A_27 = arith.constant 0 : i32
    %dma_start3A_28 = tpu.memref_slice %arg8[%dma_start3A_26, %dma_start3A_27] : memref<2x128xi32, #tpu.memory_space<vmem>> -> memref<1x128xi32, #tpu.memory_space<vmem>>
    %dma_start3A_29 = tpu.memref_squeeze %dma_start3A_28 : memref<1x128xi32, #tpu.memory_space<vmem>> -> memref<128xi32, #tpu.memory_space<vmem>>
    %dma_start3A_30 = arith.constant 0 : i32
    %dma_start3A_31 = tpu.memref_slice %arg3[%add3A_25, %dma_start3A_30] : memref<2560x128xi32, #tpu.memory_space<hbm>> -> memref<1x128xi32, #tpu.memory_space<hbm>>
    %dma_start3A_32 = tpu.memref_squeeze %dma_start3A_31 : memref<1x128xi32, #tpu.memory_space<hbm>> -> memref<128xi32, #tpu.memory_space<hbm>>
    %dma_start3A_33 = arith.constant 0 : i32
    %dma_start3A_34 = tpu.memref_slice %arg8[%dma_start3A_26, %dma_start3A_33] : memref<2x128xi32, #tpu.memory_space<vmem>> -> memref<1x128xi32, #tpu.memory_space<vmem>>
    %dma_start3A_35 = tpu.memref_squeeze %dma_start3A_34 : memref<1x128xi32, #tpu.memory_space<vmem>> -> memref<128xi32, #tpu.memory_space<vmem>>
    %dma_start3A_36 = arith.constant 0 : i32
    %dma_start3A_37 = tpu.memref_slice %arg3[%add3A_25, %dma_start3A_36] : memref<2560x128xi32, #tpu.memory_space<hbm>> -> memref<1x128xi32, #tpu.memory_space<hbm>>
    %dma_start3A_38 = tpu.memref_squeeze %dma_start3A_37 : memref<1x128xi32, #tpu.memory_space<hbm>> -> memref<128xi32, #tpu.memory_space<hbm>>
    tpu.enqueue_dma source(%dma_start3A_38 : memref<128xi32, #tpu.memory_space<hbm>>) target(%dma_start3A_35 : memref<128xi32, #tpu.memory_space<vmem>>) target_semaphore(%arg13 : memref<!tpu.dma_semaphore, #tpu.memory_space<semaphore_mem>>)
    %add3A_39 = arith.constant 0 : i32
    %add3A_40 = arith.addi %mul3A_9, %add3A_39 : i32
    %dma_wait3A = arith.constant 0 : i32
    %dma_wait3A_41 = arith.constant 0 : i32
    %dma_wait3A_42 = tpu.memref_slice %arg8[%dma_wait3A, %dma_wait3A_41] : memref<2x128xi32, #tpu.memory_space<vmem>> -> memref<1x128xi32, #tpu.memory_space<vmem>>
    %dma_wait3A_43 = tpu.memref_squeeze %dma_wait3A_42 : memref<1x128xi32, #tpu.memory_space<vmem>> -> memref<128xi32, #tpu.memory_space<vmem>>
    %dma_wait3A_44 = arith.constant 0 : i32
    %dma_wait3A_45 = tpu.memref_slice %arg3[%add3A_40, %dma_wait3A_44] : memref<2560x128xi32, #tpu.memory_space<hbm>> -> memref<1x128xi32, #tpu.memory_space<hbm>>
    %dma_wait3A_46 = tpu.memref_squeeze %dma_wait3A_45 : memref<1x128xi32, #tpu.memory_space<hbm>> -> memref<128xi32, #tpu.memory_space<hbm>>
    %dma_wait3A_47 = arith.constant 0 : i32
    %dma_wait3A_48 = tpu.memref_slice %arg8[%dma_wait3A, %dma_wait3A_47] : memref<2x128xi32, #tpu.memory_space<vmem>> -> memref<1x128xi32, #tpu.memory_space<vmem>>
    %dma_wait3A_49 = tpu.memref_squeeze %dma_wait3A_48 : memref<1x128xi32, #tpu.memory_space<vmem>> -> memref<128xi32, #tpu.memory_space<vmem>>
    %dma_wait3A_50 = arith.constant 0 : i32
    %dma_wait3A_51 = tpu.memref_slice %arg3[%add3A_40, %dma_wait3A_50] : memref<2560x128xi32, #tpu.memory_space<hbm>> -> memref<1x128xi32, #tpu.memory_space<hbm>>
    %dma_wait3A_52 = tpu.memref_squeeze %dma_wait3A_51 : memref<1x128xi32, #tpu.memory_space<hbm>> -> memref<128xi32, #tpu.memory_space<hbm>>
    tpu.wait_dma2 semaphore(%arg12 : memref<!tpu.dma_semaphore, #tpu.memory_space<semaphore_mem>>) src(%dma_wait3A_52 : memref<128xi32, #tpu.memory_space<hbm>>) dst(%dma_wait3A_49 : memref<128xi32, #tpu.memory_space<vmem>>)
    %dma_start3A_53 = arith.constant 0 : i32
    %dma_start3A_54 = arith.constant 0 : i32
    %dma_start3A_55 = tpu.memref_slice %arg8[%dma_start3A_53, %dma_start3A_54] : memref<2x128xi32, #tpu.memory_space<vmem>> -> memref<1x128xi32, #tpu.memory_space<vmem>>
    %dma_start3A_56 = tpu.memref_squeeze %dma_start3A_55 : memref<1x128xi32, #tpu.memory_space<vmem>> -> memref<128xi32, #tpu.memory_space<vmem>>
    %dma_start3A_57 = arith.constant 0 : i32
    %dma_start3A_58 = arith.constant 0 : i32
    %dma_start3A_59 = tpu.memref_slice %arg2[%dma_start3A_57, %dma_start3A_58] : memref<10240x128xf32, #tpu.memory_space<hbm>> -> memref<10240x128xf32, #tpu.memory_space<hbm>>
    tpu.enqueue_indirect_dma source(%dma_start3A_59 : memref<10240x128xf32, #tpu.memory_space<hbm>>) target(%arg9 : memref<128x128xf32, #tpu.memory_space<vmem>>) offsets(%dma_start3A_56 : memref<128xi32, #tpu.memory_space<vmem>>) semaphore(%arg14 : memref<!tpu.dma_semaphore, #tpu.memory_space<semaphore_mem>>)
    %scan3A = arith.constant 0 : i32
    %scan3A_60 = arith.constant 0 : i32
    %scan3A_61 = arith.constant 40 : i32
    %scan3A_62 = arith.addi %scan3A_60, %scan3A_61 : i32
    %scan3A_63 = arith.constant 1 : i32
    %scan3A_64 = scf.for %scan3A_81 = %scan3A_60 to %scan3A_62 step %scan3A_63 iter_args(%scan3A_82 = %scan3A) -> (i32)  : i32 {
      %mul3A_83 = arith.constant 2 : i32
      %mul3A_84 = arith.muli %mul3A_83, %scan3A_81 : i32
      %dma_wait3A_85 = arith.constant 0 : i32
      %dma_wait3A_86 = arith.constant 0 : i32
      %dma_wait3A_87 = tpu.memref_slice %arg8[%dma_wait3A_85, %dma_wait3A_86] : memref<2x128xi32, #tpu.memory_space<vmem>> -> memref<1x128xi32, #tpu.memory_space<vmem>>
      %dma_wait3A_88 = tpu.memref_squeeze %dma_wait3A_87 : memref<1x128xi32, #tpu.memory_space<vmem>> -> memref<128xi32, #tpu.memory_space<vmem>>
      %dma_wait3A_89 = arith.constant 0 : i32
      %dma_wait3A_90 = arith.constant 0 : i32
      %dma_wait3A_91 = tpu.memref_slice %arg2[%dma_wait3A_89, %dma_wait3A_90] : memref<10240x128xf32, #tpu.memory_space<hbm>> -> memref<10240x128xf32, #tpu.memory_space<hbm>>
      tpu.wait_indirect_dma semaphore(%arg14 : memref<!tpu.dma_semaphore, #tpu.memory_space<semaphore_mem>>) src(%dma_wait3A_91 : memref<10240x128xf32, #tpu.memory_space<hbm>>) dst(%arg9 : memref<128x128xf32, #tpu.memory_space<vmem>>)
      %dma_start3A_92 = arith.constant 0 : i32
      %dma_start3A_93 = tpu.memref_slice %arg7[%mul3A_84, %dma_start3A_92] : memref<80x128xi32, #tpu.memory_space<vmem>> -> memref<1x128xi32, #tpu.memory_space<vmem>>
      %dma_start3A_94 = tpu.memref_squeeze %dma_start3A_93 : memref<1x128xi32, #tpu.memory_space<vmem>> -> memref<128xi32, #tpu.memory_space<vmem>>
      %dma_start3A_95 = arith.constant 0 : i32
      %dma_start3A_96 = arith.constant 0 : i32
      %dma_start3A_97 = tpu.memref_slice %arg11[%dma_start3A_95, %dma_start3A_96] : memref<10240x128xf32, #tpu.memory_space<vmem_shared>> -> memref<10240x128xf32, #tpu.memory_space<vmem_shared>>
      tpu.enqueue_indirect_dma source(%arg9 : memref<128x128xf32, #tpu.memory_space<vmem>>) target(%dma_start3A_97 : memref<10240x128xf32, #tpu.memory_space<vmem_shared>>) offsets(%dma_start3A_94 : memref<128xi32, #tpu.memory_space<vmem>>) semaphore(%arg16 : memref<!tpu.dma_semaphore, #tpu.memory_space<semaphore_mem>>) {add = true}
      %add3A_98 = arith.constant 2 : i32
      %add3A_99 = arith.addi %mul3A_84, %add3A_98 : i32
      %lt3A = arith.constant 80 : i32
      %lt3A_100 = arith.cmpi slt, %add3A_99, %lt3A : i32
      %convert_element_type3A_101 = arith.extui %lt3A_100 : i1 to i32
      %cond3A_102 = arith.constant 0 : i32
      %cond3A_103 = arith.cmpi ne, %convert_element_type3A_101, %cond3A_102 : i32
      scf.if %cond3A_103 {
        %add3A_152 = arith.constant 2 : i32
        %add3A_153 = arith.addi %mul3A_84, %add3A_152 : i32
        %add3A_154 = arith.addi %mul3A_9, %add3A_153 : i32
        %dma_start3A_155 = arith.constant 0 : i32
        %dma_start3A_156 = arith.constant 0 : i32
        %dma_start3A_157 = tpu.memref_slice %arg8[%dma_start3A_155, %dma_start3A_156] : memref<2x128xi32, #tpu.memory_space<vmem>> -> memref<1x128xi32, #tpu.memory_space<vmem>>
        %dma_start3A_158 = tpu.memref_squeeze %dma_start3A_157 : memref<1x128xi32, #tpu.memory_space<vmem>> -> memref<128xi32, #tpu.memory_space<vmem>>
        %dma_start3A_159 = arith.constant 0 : i32
        %dma_start3A_160 = tpu.memref_slice %arg3[%add3A_154, %dma_start3A_159] : memref<2560x128xi32, #tpu.memory_space<hbm>> -> memref<1x128xi32, #tpu.memory_space<hbm>>
        %dma_start3A_161 = tpu.memref_squeeze %dma_start3A_160 : memref<1x128xi32, #tpu.memory_space<hbm>> -> memref<128xi32, #tpu.memory_space<hbm>>
        %dma_start3A_162 = arith.constant 0 : i32
        %dma_start3A_163 = tpu.memref_slice %arg8[%dma_start3A_155, %dma_start3A_162] : memref<2x128xi32, #tpu.memory_space<vmem>> -> memref<1x128xi32, #tpu.memory_space<vmem>>
        %dma_start3A_164 = tpu.memref_squeeze %dma_start3A_163 : memref<1x128xi32, #tpu.memory_space<vmem>> -> memref<128xi32, #tpu.memory_space<vmem>>
        %dma_start3A_165 = arith.constant 0 : i32
        %dma_start3A_166 = tpu.memref_slice %arg3[%add3A_154, %dma_start3A_165] : memref<2560x128xi32, #tpu.memory_space<hbm>> -> memref<1x128xi32, #tpu.memory_space<hbm>>
        %dma_start3A_167 = tpu.memref_squeeze %dma_start3A_166 : memref<1x128xi32, #tpu.memory_space<hbm>> -> memref<128xi32, #tpu.memory_space<hbm>>
        tpu.enqueue_dma source(%dma_start3A_167 : memref<128xi32, #tpu.memory_space<hbm>>) target(%dma_start3A_164 : memref<128xi32, #tpu.memory_space<vmem>>) target_semaphore(%arg12 : memref<!tpu.dma_semaphore, #tpu.memory_space<semaphore_mem>>)
      } else {
      }
      %gt3A = arith.constant 0 : i32
      %gt3A_104 = arith.cmpi sgt, %mul3A_84, %gt3A : i32
      %convert_element_type3A_105 = arith.extui %gt3A_104 : i1 to i32
      %cond3A_106 = arith.constant 0 : i32
      %cond3A_107 = arith.cmpi ne, %convert_element_type3A_105, %cond3A_106 : i32
      scf.if %cond3A_107 {
        %sub3A = arith.constant 1 : i32
        %sub3A_152 = arith.subi %mul3A_84, %sub3A : i32
        %dma_wait3A_153 = arith.constant 0 : i32
        %dma_wait3A_154 = tpu.memref_slice %arg7[%sub3A_152, %dma_wait3A_153] : memref<80x128xi32, #tpu.memory_space<vmem>> -> memref<1x128xi32, #tpu.memory_space<vmem>>
        %dma_wait3A_155 = tpu.memref_squeeze %dma_wait3A_154 : memref<1x128xi32, #tpu.memory_space<vmem>> -> memref<128xi32, #tpu.memory_space<vmem>>
        %dma_wait3A_156 = arith.constant 0 : i32
        %dma_wait3A_157 = arith.constant 0 : i32
        %dma_wait3A_158 = tpu.memref_slice %arg11[%dma_wait3A_156, %dma_wait3A_157] : memref<10240x128xf32, #tpu.memory_space<vmem_shared>> -> memref<10240x128xf32, #tpu.memory_space<vmem_shared>>
        tpu.wait_indirect_dma semaphore(%arg17 : memref<!tpu.dma_semaphore, #tpu.memory_space<semaphore_mem>>) src(%arg10 : memref<128x128xf32, #tpu.memory_space<vmem>>) dst(%dma_wait3A_158 : memref<10240x128xf32, #tpu.memory_space<vmem_shared>>)
      } else {
      }
      %add3A_108 = arith.constant 1 : i32
      %add3A_109 = arith.addi %mul3A_84, %add3A_108 : i32
      %lt3A_110 = arith.constant 80 : i32
      %lt3A_111 = arith.cmpi slt, %add3A_109, %lt3A_110 : i32
      %convert_element_type3A_112 = arith.extui %lt3A_111 : i1 to i32
      %cond3A_113 = arith.constant 0 : i32
      %cond3A_114 = arith.cmpi ne, %convert_element_type3A_112, %cond3A_113 : i32
      scf.if %cond3A_114 {
        %add3A_152 = arith.constant 1 : i32
        %add3A_153 = arith.addi %mul3A_84, %add3A_152 : i32
        %add3A_154 = arith.addi %mul3A_9, %add3A_153 : i32
        %dma_wait3A_155 = arith.constant 1 : i32
        %dma_wait3A_156 = arith.constant 0 : i32
        %dma_wait3A_157 = tpu.memref_slice %arg8[%dma_wait3A_155, %dma_wait3A_156] : memref<2x128xi32, #tpu.memory_space<vmem>> -> memref<1x128xi32, #tpu.memory_space<vmem>>
        %dma_wait3A_158 = tpu.memref_squeeze %dma_wait3A_157 : memref<1x128xi32, #tpu.memory_space<vmem>> -> memref<128xi32, #tpu.memory_space<vmem>>
        %dma_wait3A_159 = arith.constant 0 : i32
        %dma_wait3A_160 = tpu.memref_slice %arg3[%add3A_154, %dma_wait3A_159] : memref<2560x128xi32, #tpu.memory_space<hbm>> -> memref<1x128xi32, #tpu.memory_space<hbm>>
        %dma_wait3A_161 = tpu.memref_squeeze %dma_wait3A_160 : memref<1x128xi32, #tpu.memory_space<hbm>> -> memref<128xi32, #tpu.memory_space<hbm>>
        %dma_wait3A_162 = arith.constant 0 : i32
        %dma_wait3A_163 = tpu.memref_slice %arg8[%dma_wait3A_155, %dma_wait3A_162] : memref<2x128xi32, #tpu.memory_space<vmem>> -> memref<1x128xi32, #tpu.memory_space<vmem>>
        %dma_wait3A_164 = tpu.memref_squeeze %dma_wait3A_163 : memref<1x128xi32, #tpu.memory_space<vmem>> -> memref<128xi32, #tpu.memory_space<vmem>>
        %dma_wait3A_165 = arith.constant 0 : i32
        %dma_wait3A_166 = tpu.memref_slice %arg3[%add3A_154, %dma_wait3A_165] : memref<2560x128xi32, #tpu.memory_space<hbm>> -> memref<1x128xi32, #tpu.memory_space<hbm>>
        %dma_wait3A_167 = tpu.memref_squeeze %dma_wait3A_166 : memref<1x128xi32, #tpu.memory_space<hbm>> -> memref<128xi32, #tpu.memory_space<hbm>>
        tpu.wait_dma2 semaphore(%arg13 : memref<!tpu.dma_semaphore, #tpu.memory_space<semaphore_mem>>) src(%dma_wait3A_167 : memref<128xi32, #tpu.memory_space<hbm>>) dst(%dma_wait3A_164 : memref<128xi32, #tpu.memory_space<vmem>>)
        %dma_start3A_168 = arith.constant 1 : i32
        %dma_start3A_169 = arith.constant 0 : i32
        %dma_start3A_170 = tpu.memref_slice %arg8[%dma_start3A_168, %dma_start3A_169] : memref<2x128xi32, #tpu.memory_space<vmem>> -> memref<1x128xi32, #tpu.memory_space<vmem>>
        %dma_start3A_171 = tpu.memref_squeeze %dma_start3A_170 : memref<1x128xi32, #tpu.memory_space<vmem>> -> memref<128xi32, #tpu.memory_space<vmem>>
        %dma_start3A_172 = arith.constant 0 : i32
        %dma_start3A_173 = arith.constant 0 : i32
        %dma_start3A_174 = tpu.memref_slice %arg2[%dma_start3A_172, %dma_start3A_173] : memref<10240x128xf32, #tpu.memory_space<hbm>> -> memref<10240x128xf32, #tpu.memory_space<hbm>>
        tpu.enqueue_indirect_dma source(%dma_start3A_174 : memref<10240x128xf32, #tpu.memory_space<hbm>>) target(%arg10 : memref<128x128xf32, #tpu.memory_space<vmem>>) offsets(%dma_start3A_171 : memref<128xi32, #tpu.memory_space<vmem>>) semaphore(%arg15 : memref<!tpu.dma_semaphore, #tpu.memory_space<semaphore_mem>>)
      } else {
      }
      %mul3A_115 = arith.constant 2 : i32
      %mul3A_116 = arith.muli %mul3A_115, %scan3A_81 : i32
      %add3A_117 = arith.constant 1 : i32
      %add3A_118 = arith.addi %mul3A_116, %add3A_117 : i32
      %dma_wait3A_119 = arith.constant 1 : i32
      %dma_wait3A_120 = arith.constant 0 : i32
      %dma_wait3A_121 = tpu.memref_slice %arg8[%dma_wait3A_119, %dma_wait3A_120] : memref<2x128xi32, #tpu.memory_space<vmem>> -> memref<1x128xi32, #tpu.memory_space<vmem>>
      %dma_wait3A_122 = tpu.memref_squeeze %dma_wait3A_121 : memref<1x128xi32, #tpu.memory_space<vmem>> -> memref<128xi32, #tpu.memory_space<vmem>>
      %dma_wait3A_123 = arith.constant 0 : i32
      %dma_wait3A_124 = arith.constant 0 : i32
      %dma_wait3A_125 = tpu.memref_slice %arg2[%dma_wait3A_123, %dma_wait3A_124] : memref<10240x128xf32, #tpu.memory_space<hbm>> -> memref<10240x128xf32, #tpu.memory_space<hbm>>
      tpu.wait_indirect_dma semaphore(%arg15 : memref<!tpu.dma_semaphore, #tpu.memory_space<semaphore_mem>>) src(%dma_wait3A_125 : memref<10240x128xf32, #tpu.memory_space<hbm>>) dst(%arg10 : memref<128x128xf32, #tpu.memory_space<vmem>>)
      %dma_start3A_126 = arith.constant 0 : i32
      %dma_start3A_127 = tpu.memref_slice %arg7[%add3A_118, %dma_start3A_126] : memref<80x128xi32, #tpu.memory_space<vmem>> -> memref<1x128xi32, #tpu.memory_space<vmem>>
      %dma_start3A_128 = tpu.memref_squeeze %dma_start3A_127 : memref<1x128xi32, #tpu.memory_space<vmem>> -> memref<128xi32, #tpu.memory_space<vmem>>
      %dma_start3A_129 = arith.constant 0 : i32
      %dma_start3A_130 = arith.constant 0 : i32
      %dma_start3A_131 = tpu.memref_slice %arg11[%dma_start3A_129, %dma_start3A_130] : memref<10240x128xf32, #tpu.memory_space<vmem_shared>> -> memref<10240x128xf32, #tpu.memory_space<vmem_shared>>
      tpu.enqueue_indirect_dma source(%arg10 : memref<128x128xf32, #tpu.memory_space<vmem>>) target(%dma_start3A_131 : memref<10240x128xf32, #tpu.memory_space<vmem_shared>>) offsets(%dma_start3A_128 : memref<128xi32, #tpu.memory_space<vmem>>) semaphore(%arg17 : memref<!tpu.dma_semaphore, #tpu.memory_space<semaphore_mem>>) {add = true}
      %add3A_132 = arith.constant 2 : i32
      %add3A_133 = arith.addi %add3A_118, %add3A_132 : i32
      %lt3A_134 = arith.constant 80 : i32
      %lt3A_135 = arith.cmpi slt, %add3A_133, %lt3A_134 : i32
      %convert_element_type3A_136 = arith.extui %lt3A_135 : i1 to i32
      %cond3A_137 = arith.constant 0 : i32
      %cond3A_138 = arith.cmpi ne, %convert_element_type3A_136, %cond3A_137 : i32
      scf.if %cond3A_138 {
        %add3A_152 = arith.constant 2 : i32
        %add3A_153 = arith.addi %add3A_118, %add3A_152 : i32
        %add3A_154 = arith.addi %mul3A_9, %add3A_153 : i32
        %dma_start3A_155 = arith.constant 1 : i32
        %dma_start3A_156 = arith.constant 0 : i32
        %dma_start3A_157 = tpu.memref_slice %arg8[%dma_start3A_155, %dma_start3A_156] : memref<2x128xi32, #tpu.memory_space<vmem>> -> memref<1x128xi32, #tpu.memory_space<vmem>>
        %dma_start3A_158 = tpu.memref_squeeze %dma_start3A_157 : memref<1x128xi32, #tpu.memory_space<vmem>> -> memref<128xi32, #tpu.memory_space<vmem>>
        %dma_start3A_159 = arith.constant 0 : i32
        %dma_start3A_160 = tpu.memref_slice %arg3[%add3A_154, %dma_start3A_159] : memref<2560x128xi32, #tpu.memory_space<hbm>> -> memref<1x128xi32, #tpu.memory_space<hbm>>
        %dma_start3A_161 = tpu.memref_squeeze %dma_start3A_160 : memref<1x128xi32, #tpu.memory_space<hbm>> -> memref<128xi32, #tpu.memory_space<hbm>>
        %dma_start3A_162 = arith.constant 0 : i32
        %dma_start3A_163 = tpu.memref_slice %arg8[%dma_start3A_155, %dma_start3A_162] : memref<2x128xi32, #tpu.memory_space<vmem>> -> memref<1x128xi32, #tpu.memory_space<vmem>>
        %dma_start3A_164 = tpu.memref_squeeze %dma_start3A_163 : memref<1x128xi32, #tpu.memory_space<vmem>> -> memref<128xi32, #tpu.memory_space<vmem>>
        %dma_start3A_165 = arith.constant 0 : i32
        %dma_start3A_166 = tpu.memref_slice %arg3[%add3A_154, %dma_start3A_165] : memref<2560x128xi32, #tpu.memory_space<hbm>> -> memref<1x128xi32, #tpu.memory_space<hbm>>
        %dma_start3A_167 = tpu.memref_squeeze %dma_start3A_166 : memref<1x128xi32, #tpu.memory_space<hbm>> -> memref<128xi32, #tpu.memory_space<hbm>>
        tpu.enqueue_dma source(%dma_start3A_167 : memref<128xi32, #tpu.memory_space<hbm>>) target(%dma_start3A_164 : memref<128xi32, #tpu.memory_space<vmem>>) target_semaphore(%arg13 : memref<!tpu.dma_semaphore, #tpu.memory_space<semaphore_mem>>)
      } else {
      }
      %gt3A_139 = arith.constant 0 : i32
      %gt3A_140 = arith.cmpi sgt, %add3A_118, %gt3A_139 : i32
      %convert_element_type3A_141 = arith.extui %gt3A_140 : i1 to i32
      %cond3A_142 = arith.constant 0 : i32
      %cond3A_143 = arith.cmpi ne, %convert_element_type3A_141, %cond3A_142 : i32
      scf.if %cond3A_143 {
        %sub3A = arith.constant 1 : i32
        %sub3A_152 = arith.subi %add3A_118, %sub3A : i32
        %dma_wait3A_153 = arith.constant 0 : i32
        %dma_wait3A_154 = tpu.memref_slice %arg7[%sub3A_152, %dma_wait3A_153] : memref<80x128xi32, #tpu.memory_space<vmem>> -> memref<1x128xi32, #tpu.memory_space<vmem>>
        %dma_wait3A_155 = tpu.memref_squeeze %dma_wait3A_154 : memref<1x128xi32, #tpu.memory_space<vmem>> -> memref<128xi32, #tpu.memory_space<vmem>>
        %dma_wait3A_156 = arith.constant 0 : i32
        %dma_wait3A_157 = arith.constant 0 : i32
        %dma_wait3A_158 = tpu.memref_slice %arg11[%dma_wait3A_156, %dma_wait3A_157] : memref<10240x128xf32, #tpu.memory_space<vmem_shared>> -> memref<10240x128xf32, #tpu.memory_space<vmem_shared>>
        tpu.wait_indirect_dma semaphore(%arg16 : memref<!tpu.dma_semaphore, #tpu.memory_space<semaphore_mem>>) src(%arg9 : memref<128x128xf32, #tpu.memory_space<vmem>>) dst(%dma_wait3A_158 : memref<10240x128xf32, #tpu.memory_space<vmem_shared>>)
      } else {
      }
      %add3A_144 = arith.constant 1 : i32
      %add3A_145 = arith.addi %add3A_118, %add3A_144 : i32
      %lt3A_146 = arith.constant 80 : i32
      %lt3A_147 = arith.cmpi slt, %add3A_145, %lt3A_146 : i32
      %convert_element_type3A_148 = arith.extui %lt3A_147 : i1 to i32
      %cond3A_149 = arith.constant 0 : i32
      %cond3A_150 = arith.cmpi ne, %convert_element_type3A_148, %cond3A_149 : i32
      scf.if %cond3A_150 {
        %add3A_152 = arith.constant 1 : i32
        %add3A_153 = arith.addi %add3A_118, %add3A_152 : i32
        %add3A_154 = arith.addi %mul3A_9, %add3A_153 : i32
        %dma_wait3A_155 = arith.constant 0 : i32
        %dma_wait3A_156 = arith.constant 0 : i32
        %dma_wait3A_157 = tpu.memref_slice %arg8[%dma_wait3A_155, %dma_wait3A_156] : memref<2x128xi32, #tpu.memory_space<vmem>> -> memref<1x128xi32, #tpu.memory_space<vmem>>
        %dma_wait3A_158 = tpu.memref_squeeze %dma_wait3A_157 : memref<1x128xi32, #tpu.memory_space<vmem>> -> memref<128xi32, #tpu.memory_space<vmem>>
        %dma_wait3A_159 = arith.constant 0 : i32
        %dma_wait3A_160 = tpu.memref_slice %arg3[%add3A_154, %dma_wait3A_159] : memref<2560x128xi32, #tpu.memory_space<hbm>> -> memref<1x128xi32, #tpu.memory_space<hbm>>
        %dma_wait3A_161 = tpu.memref_squeeze %dma_wait3A_160 : memref<1x128xi32, #tpu.memory_space<hbm>> -> memref<128xi32, #tpu.memory_space<hbm>>
        %dma_wait3A_162 = arith.constant 0 : i32
        %dma_wait3A_163 = tpu.memref_slice %arg8[%dma_wait3A_155, %dma_wait3A_162] : memref<2x128xi32, #tpu.memory_space<vmem>> -> memref<1x128xi32, #tpu.memory_space<vmem>>
        %dma_wait3A_164 = tpu.memref_squeeze %dma_wait3A_163 : memref<1x128xi32, #tpu.memory_space<vmem>> -> memref<128xi32, #tpu.memory_space<vmem>>
        %dma_wait3A_165 = arith.constant 0 : i32
        %dma_wait3A_166 = tpu.memref_slice %arg3[%add3A_154, %dma_wait3A_165] : memref<2560x128xi32, #tpu.memory_space<hbm>> -> memref<1x128xi32, #tpu.memory_space<hbm>>
        %dma_wait3A_167 = tpu.memref_squeeze %dma_wait3A_166 : memref<1x128xi32, #tpu.memory_space<hbm>> -> memref<128xi32, #tpu.memory_space<hbm>>
        tpu.wait_dma2 semaphore(%arg12 : memref<!tpu.dma_semaphore, #tpu.memory_space<semaphore_mem>>) src(%dma_wait3A_167 : memref<128xi32, #tpu.memory_space<hbm>>) dst(%dma_wait3A_164 : memref<128xi32, #tpu.memory_space<vmem>>)
        %dma_start3A_168 = arith.constant 0 : i32
        %dma_start3A_169 = arith.constant 0 : i32
        %dma_start3A_170 = tpu.memref_slice %arg8[%dma_start3A_168, %dma_start3A_169] : memref<2x128xi32, #tpu.memory_space<vmem>> -> memref<1x128xi32, #tpu.memory_space<vmem>>
        %dma_start3A_171 = tpu.memref_squeeze %dma_start3A_170 : memref<1x128xi32, #tpu.memory_space<vmem>> -> memref<128xi32, #tpu.memory_space<vmem>>
        %dma_start3A_172 = arith.constant 0 : i32
        %dma_start3A_173 = arith.constant 0 : i32
        %dma_start3A_174 = tpu.memref_slice %arg2[%dma_start3A_172, %dma_start3A_173] : memref<10240x128xf32, #tpu.memory_space<hbm>> -> memref<10240x128xf32, #tpu.memory_space<hbm>>
        tpu.enqueue_indirect_dma source(%dma_start3A_174 : memref<10240x128xf32, #tpu.memory_space<hbm>>) target(%arg9 : memref<128x128xf32, #tpu.memory_space<vmem>>) offsets(%dma_start3A_171 : memref<128xi32, #tpu.memory_space<vmem>>) semaphore(%arg14 : memref<!tpu.dma_semaphore, #tpu.memory_space<semaphore_mem>>)
      } else {
      }
      %scan3A_151 = arith.constant 0 : i32
      scf.yield %scan3A_151 : i32
    }
    %scan3A_65 = arith.constant 40 : i32
    %dma_wait3A_66 = arith.constant 79 : i32
    %dma_wait3A_67 = arith.constant 0 : i32
    %dma_wait3A_68 = tpu.memref_slice %arg7[%dma_wait3A_66, %dma_wait3A_67] : memref<80x128xi32, #tpu.memory_space<vmem>> -> memref<1x128xi32, #tpu.memory_space<vmem>>
    %dma_wait3A_69 = tpu.memref_squeeze %dma_wait3A_68 : memref<1x128xi32, #tpu.memory_space<vmem>> -> memref<128xi32, #tpu.memory_space<vmem>>
    %dma_wait3A_70 = arith.constant 0 : i32
    %dma_wait3A_71 = arith.constant 0 : i32
    %dma_wait3A_72 = tpu.memref_slice %arg11[%dma_wait3A_70, %dma_wait3A_71] : memref<10240x128xf32, #tpu.memory_space<vmem_shared>> -> memref<10240x128xf32, #tpu.memory_space<vmem_shared>>
    tpu.wait_indirect_dma semaphore(%arg17 : memref<!tpu.dma_semaphore, #tpu.memory_space<semaphore_mem>>) src(%arg10 : memref<128x128xf32, #tpu.memory_space<vmem>>) dst(%dma_wait3A_72 : memref<10240x128xf32, #tpu.memory_space<vmem_shared>>)
    %barrier3A_73 = arith.constant 0 : index
    tpu.barrier barrier_id(%barrier3A_73)
    %mul3A_74 = arith.constant 640 : i32
    %mul3A_75 = arith.muli %arg1, %mul3A_74 : i32
    %mul3A_76 = arith.constant 10240 : i32
    %mul3A_77 = arith.muli %arg0, %mul3A_76 : i32
    %mul3A_78 = arith.constant 640 : i32
    %mul3A_79 = arith.muli %arg1, %mul3A_78 : i32
    %add3A_80 = arith.addi %mul3A_77, %mul3A_79 : i32
    "tpu.region"() ({
      %run_scoped3A = tpu.sem_alloc : memref<!tpu.dma_semaphore, #tpu.memory_space<semaphore_mem>>
      %dma_start3A_81 = arith.constant 0 : i32
      %dma_start3A_82 = tpu.memref_slice %arg6[%add3A_80, %dma_start3A_81] : memref<20480x128xf32, #tpu.memory_space<hbm>> -> memref<640x128xf32, #tpu.memory_space<hbm>>
      %dma_start3A_83 = arith.constant 0 : i32
      %dma_start3A_84 = tpu.memref_slice %arg11[%mul3A_75, %dma_start3A_83] : memref<10240x128xf32, #tpu.memory_space<vmem_shared>> -> memref<640x128xf32, #tpu.memory_space<vmem_shared>>
      tpu.enqueue_dma source(%dma_start3A_84 : memref<640x128xf32, #tpu.memory_space<vmem_shared>>) target(%dma_start3A_82 : memref<640x128xf32, #tpu.memory_space<hbm>>) target_semaphore(%run_scoped3A : memref<!tpu.dma_semaphore, #tpu.memory_space<semaphore_mem>>)
      %dma_wait3A_85 = arith.constant 0 : i32
      %dma_wait3A_86 = tpu.memref_slice %arg6[%add3A_80, %dma_wait3A_85] : memref<20480x128xf32, #tpu.memory_space<hbm>> -> memref<640x128xf32, #tpu.memory_space<hbm>>
      %dma_wait3A_87 = arith.constant 0 : i32
      %dma_wait3A_88 = tpu.memref_slice %arg11[%mul3A_75, %dma_wait3A_87] : memref<10240x128xf32, #tpu.memory_space<vmem_shared>> -> memref<640x128xf32, #tpu.memory_space<vmem_shared>>
      tpu.wait_dma2 semaphore(%run_scoped3A : memref<!tpu.dma_semaphore, #tpu.memory_space<semaphore_mem>>) src(%dma_wait3A_88 : memref<640x128xf32, #tpu.memory_space<vmem_shared>>) dst(%dma_wait3A_86 : memref<640x128xf32, #tpu.memory_space<hbm>>)
      tpu.yield
    }) : () -> ()
    return
  }
}

#map = affine_map<(d0, d1) -> (0, 0)>
module attributes {stable_mosaic.version = 14 : i64} {
  func.func @_spmm_body(%arg0: i32, %arg1: i32, %arg2: memref<10240x128xf32, #tpu.memory_space<hbm>>, %arg3: memref<2560x128xi32, #tpu.memory_space<hbm>>, %arg4: memref<2560x128xi32, #tpu.memory_space<hbm>>, %arg5: memref<10240x128xf32, #tpu.memory_space<hbm>>, %arg6: memref<20480x128xf32, #tpu.memory_space<hbm>>, %arg7: memref<80x128xi32, #tpu.memory_space<vmem>>, %arg8: memref<2x128xi32, #tpu.memory_space<vmem>>, %arg9: memref<128x128xf32, #tpu.memory_space<vmem>>, %arg10: memref<128x128xf32, #tpu.memory_space<vmem>>, %arg11: memref<10240x128xf32, #tpu.memory_space<vmem_shared>>, %arg12: memref<!tpu.dma_semaphore, #tpu.memory_space<semaphore_mem>>, %arg13: memref<!tpu.dma_semaphore, #tpu.memory_space<semaphore_mem>>, %arg14: memref<!tpu.dma_semaphore, #tpu.memory_space<semaphore_mem>>, %arg15: memref<!tpu.dma_semaphore, #tpu.memory_space<semaphore_mem>>, %arg16: memref<!tpu.dma_semaphore, #tpu.memory_space<semaphore_mem>>, %arg17: memref<!tpu.dma_semaphore, #tpu.memory_space<semaphore_mem>>) attributes {dimension_semantics = [#tpu.dimension_semantics<core_parallel>, #tpu.dimension_semantics<subcore_parallel>], iteration_bounds = array<i64: 2, 16>, scalar_prefetch = 0 : i64, scratch_operands = 11 : i64, tpu.core_type = #tpu.core_type<sc_vector_subcore>, window_params = [{transform_indices = #map}, {transform_indices = #map}, {transform_indices = #map}, {transform_indices = #map}, {transform_indices = #map}]} {
    %eq3A = arith.constant 0 : i32
    %eq3A_0 = arith.cmpi eq, %arg0, %eq3A : i32
    %convert_element_type3A = arith.extui %eq3A_0 : i1 to i32
    %cond3A = arith.constant 0 : i32
    %cond3A_1 = arith.cmpi ne, %convert_element_type3A, %cond3A : i32
    scf.if %cond3A_1 {
      %mul3A_81 = arith.constant 640 : i32
      %mul3A_82 = arith.muli %arg1, %mul3A_81 : i32
      %mul3A_83 = arith.constant 640 : i32
      %mul3A_84 = arith.muli %arg1, %mul3A_83 : i32
      "tpu.region"() ({
        %run_scoped3A = tpu.sem_alloc : memref<!tpu.dma_semaphore, #tpu.memory_space<semaphore_mem>>
        %dma_start3A_85 = arith.constant 0 : i32
        %dma_start3A_86 = tpu.memref_slice %arg11[%mul3A_84, %dma_start3A_85] : memref<10240x128xf32, #tpu.memory_space<vmem_shared>> -> memref<640x128xf32, #tpu.memory_space<vmem_shared>>
        %dma_start3A_87 = arith.constant 0 : i32
        %dma_start3A_88 = tpu.memref_slice %arg2[%mul3A_82, %dma_start3A_87] : memref<10240x128xf32, #tpu.memory_space<hbm>> -> memref<640x128xf32, #tpu.memory_space<hbm>>
        tpu.enqueue_dma source(%dma_start3A_88 : memref<640x128xf32, #tpu.memory_space<hbm>>) target(%dma_start3A_86 : memref<640x128xf32, #tpu.memory_space<vmem_shared>>) target_semaphore(%run_scoped3A : memref<!tpu.dma_semaphore, #tpu.memory_space<semaphore_mem>>)
        %dma_wait3A_89 = arith.constant 0 : i32
        %dma_wait3A_90 = tpu.memref_slice %arg11[%mul3A_84, %dma_wait3A_89] : memref<10240x128xf32, #tpu.memory_space<vmem_shared>> -> memref<640x128xf32, #tpu.memory_space<vmem_shared>>
        %dma_wait3A_91 = arith.constant 0 : i32
        %dma_wait3A_92 = tpu.memref_slice %arg2[%mul3A_82, %dma_wait3A_91] : memref<10240x128xf32, #tpu.memory_space<hbm>> -> memref<640x128xf32, #tpu.memory_space<hbm>>
        tpu.wait_dma2 semaphore(%run_scoped3A : memref<!tpu.dma_semaphore, #tpu.memory_space<semaphore_mem>>) src(%dma_wait3A_92 : memref<640x128xf32, #tpu.memory_space<hbm>>) dst(%dma_wait3A_90 : memref<640x128xf32, #tpu.memory_space<vmem_shared>>)
        tpu.yield
      }) : () -> ()
    } else {
    }
    %eq3A_2 = arith.constant 1 : i32
    %eq3A_3 = arith.cmpi eq, %arg0, %eq3A_2 : i32
    %convert_element_type3A_4 = arith.extui %eq3A_3 : i1 to i32
    %cond3A_5 = arith.constant 0 : i32
    %cond3A_6 = arith.cmpi ne, %convert_element_type3A_4, %cond3A_5 : i32
    scf.if %cond3A_6 {
      %mul3A_81 = arith.constant 640 : i32
      %mul3A_82 = arith.muli %arg1, %mul3A_81 : i32
      %mul3A_83 = arith.constant 640 : i32
      %mul3A_84 = arith.muli %arg1, %mul3A_83 : i32
      "tpu.region"() ({
        %run_scoped3A = tpu.sem_alloc : memref<!tpu.dma_semaphore, #tpu.memory_space<semaphore_mem>>
        %dma_start3A_85 = arith.constant 0 : i32
        %dma_start3A_86 = tpu.memref_slice %arg11[%mul3A_84, %dma_start3A_85] : memref<10240x128xf32, #tpu.memory_space<vmem_shared>> -> memref<640x128xf32, #tpu.memory_space<vmem_shared>>
        %dma_start3A_87 = arith.constant 0 : i32
        %dma_start3A_88 = tpu.memref_slice %arg5[%mul3A_82, %dma_start3A_87] : memref<10240x128xf32, #tpu.memory_space<hbm>> -> memref<640x128xf32, #tpu.memory_space<hbm>>
        tpu.enqueue_dma source(%dma_start3A_88 : memref<640x128xf32, #tpu.memory_space<hbm>>) target(%dma_start3A_86 : memref<640x128xf32, #tpu.memory_space<vmem_shared>>) target_semaphore(%run_scoped3A : memref<!tpu.dma_semaphore, #tpu.memory_space<semaphore_mem>>)
        %dma_wait3A_89 = arith.constant 0 : i32
        %dma_wait3A_90 = tpu.memref_slice %arg11[%mul3A_84, %dma_wait3A_89] : memref<10240x128xf32, #tpu.memory_space<vmem_shared>> -> memref<640x128xf32, #tpu.memory_space<vmem_shared>>
        %dma_wait3A_91 = arith.constant 0 : i32
        %dma_wait3A_92 = tpu.memref_slice %arg5[%mul3A_82, %dma_wait3A_91] : memref<10240x128xf32, #tpu.memory_space<hbm>> -> memref<640x128xf32, #tpu.memory_space<hbm>>
        tpu.wait_dma2 semaphore(%run_scoped3A : memref<!tpu.dma_semaphore, #tpu.memory_space<semaphore_mem>>) src(%dma_wait3A_92 : memref<640x128xf32, #tpu.memory_space<hbm>>) dst(%dma_wait3A_90 : memref<640x128xf32, #tpu.memory_space<vmem_shared>>)
        tpu.yield
      }) : () -> ()
    } else {
    }
    %mul3A = arith.constant 16 : i32
    %mul3A_7 = arith.muli %arg0, %mul3A : i32
    %add3A = arith.addi %mul3A_7, %arg1 : i32
    %mul3A_8 = arith.constant 80 : i32
    %mul3A_9 = arith.muli %add3A, %mul3A_8 : i32
    "tpu.region"() ({
      %run_scoped3A = tpu.sem_alloc : memref<!tpu.dma_semaphore, #tpu.memory_space<semaphore_mem>>
      %dma_start3A_81 = arith.constant 0 : i32
      %dma_start3A_82 = tpu.memref_slice %arg4[%mul3A_9, %dma_start3A_81] : memref<2560x128xi32, #tpu.memory_space<hbm>> -> memref<80x128xi32, #tpu.memory_space<hbm>>
      %dma_start3A_83 = arith.constant 0 : i32
      %dma_start3A_84 = tpu.memref_slice %arg4[%mul3A_9, %dma_start3A_83] : memref<2560x128xi32, #tpu.memory_space<hbm>> -> memref<80x128xi32, #tpu.memory_space<hbm>>
      tpu.enqueue_dma source(%dma_start3A_84 : memref<80x128xi32, #tpu.memory_space<hbm>>) target(%arg7 : memref<80x128xi32, #tpu.memory_space<vmem>>) target_semaphore(%run_scoped3A : memref<!tpu.dma_semaphore, #tpu.memory_space<semaphore_mem>>)
      %dma_wait3A_85 = arith.constant 0 : i32
      %dma_wait3A_86 = tpu.memref_slice %arg4[%mul3A_9, %dma_wait3A_85] : memref<2560x128xi32, #tpu.memory_space<hbm>> -> memref<80x128xi32, #tpu.memory_space<hbm>>
      %dma_wait3A_87 = arith.constant 0 : i32
      %dma_wait3A_88 = tpu.memref_slice %arg4[%mul3A_9, %dma_wait3A_87] : memref<2560x128xi32, #tpu.memory_space<hbm>> -> memref<80x128xi32, #tpu.memory_space<hbm>>
      tpu.wait_dma2 semaphore(%run_scoped3A : memref<!tpu.dma_semaphore, #tpu.memory_space<semaphore_mem>>) src(%dma_wait3A_88 : memref<80x128xi32, #tpu.memory_space<hbm>>) dst(%arg7 : memref<80x128xi32, #tpu.memory_space<vmem>>)
      tpu.yield
    }) : () -> ()
    %barrier3A = arith.constant 0 : index
    tpu.barrier barrier_id(%barrier3A)
    %add3A_10 = arith.constant 0 : i32
    %add3A_11 = arith.addi %mul3A_9, %add3A_10 : i32
    %dma_start3A = arith.constant 0 : i32
    %dma_start3A_12 = arith.constant 0 : i32
    %dma_start3A_13 = tpu.memref_slice %arg8[%dma_start3A, %dma_start3A_12] : memref<2x128xi32, #tpu.memory_space<vmem>> -> memref<1x128xi32, #tpu.memory_space<vmem>>
    %dma_start3A_14 = tpu.memref_squeeze %dma_start3A_13 : memref<1x128xi32, #tpu.memory_space<vmem>> -> memref<128xi32, #tpu.memory_space<vmem>>
    %dma_start3A_15 = arith.constant 0 : i32
    %dma_start3A_16 = tpu.memref_slice %arg3[%add3A_11, %dma_start3A_15] : memref<2560x128xi32, #tpu.memory_space<hbm>> -> memref<1x128xi32, #tpu.memory_space<hbm>>
    %dma_start3A_17 = tpu.memref_squeeze %dma_start3A_16 : memref<1x128xi32, #tpu.memory_space<hbm>> -> memref<128xi32, #tpu.memory_space<hbm>>
    %dma_start3A_18 = arith.constant 0 : i32
    %dma_start3A_19 = tpu.memref_slice %arg8[%dma_start3A, %dma_start3A_18] : memref<2x128xi32, #tpu.memory_space<vmem>> -> memref<1x128xi32, #tpu.memory_space<vmem>>
    %dma_start3A_20 = tpu.memref_squeeze %dma_start3A_19 : memref<1x128xi32, #tpu.memory_space<vmem>> -> memref<128xi32, #tpu.memory_space<vmem>>
    %dma_start3A_21 = arith.constant 0 : i32
    %dma_start3A_22 = tpu.memref_slice %arg3[%add3A_11, %dma_start3A_21] : memref<2560x128xi32, #tpu.memory_space<hbm>> -> memref<1x128xi32, #tpu.memory_space<hbm>>
    %dma_start3A_23 = tpu.memref_squeeze %dma_start3A_22 : memref<1x128xi32, #tpu.memory_space<hbm>> -> memref<128xi32, #tpu.memory_space<hbm>>
    tpu.enqueue_dma source(%dma_start3A_23 : memref<128xi32, #tpu.memory_space<hbm>>) target(%dma_start3A_20 : memref<128xi32, #tpu.memory_space<vmem>>) target_semaphore(%arg12 : memref<!tpu.dma_semaphore, #tpu.memory_space<semaphore_mem>>)
    %add3A_24 = arith.constant 1 : i32
    %add3A_25 = arith.addi %mul3A_9, %add3A_24 : i32
    %dma_start3A_26 = arith.constant 1 : i32
    %dma_start3A_27 = arith.constant 0 : i32
    %dma_start3A_28 = tpu.memref_slice %arg8[%dma_start3A_26, %dma_start3A_27] : memref<2x128xi32, #tpu.memory_space<vmem>> -> memref<1x128xi32, #tpu.memory_space<vmem>>
    %dma_start3A_29 = tpu.memref_squeeze %dma_start3A_28 : memref<1x128xi32, #tpu.memory_space<vmem>> -> memref<128xi32, #tpu.memory_space<vmem>>
    %dma_start3A_30 = arith.constant 0 : i32
    %dma_start3A_31 = tpu.memref_slice %arg3[%add3A_25, %dma_start3A_30] : memref<2560x128xi32, #tpu.memory_space<hbm>> -> memref<1x128xi32, #tpu.memory_space<hbm>>
    %dma_start3A_32 = tpu.memref_squeeze %dma_start3A_31 : memref<1x128xi32, #tpu.memory_space<hbm>> -> memref<128xi32, #tpu.memory_space<hbm>>
    %dma_start3A_33 = arith.constant 0 : i32
    %dma_start3A_34 = tpu.memref_slice %arg8[%dma_start3A_26, %dma_start3A_33] : memref<2x128xi32, #tpu.memory_space<vmem>> -> memref<1x128xi32, #tpu.memory_space<vmem>>
    %dma_start3A_35 = tpu.memref_squeeze %dma_start3A_34 : memref<1x128xi32, #tpu.memory_space<vmem>> -> memref<128xi32, #tpu.memory_space<vmem>>
    %dma_start3A_36 = arith.constant 0 : i32
    %dma_start3A_37 = tpu.memref_slice %arg3[%add3A_25, %dma_start3A_36] : memref<2560x128xi32, #tpu.memory_space<hbm>> -> memref<1x128xi32, #tpu.memory_space<hbm>>
    %dma_start3A_38 = tpu.memref_squeeze %dma_start3A_37 : memref<1x128xi32, #tpu.memory_space<hbm>> -> memref<128xi32, #tpu.memory_space<hbm>>
    tpu.enqueue_dma source(%dma_start3A_38 : memref<128xi32, #tpu.memory_space<hbm>>) target(%dma_start3A_35 : memref<128xi32, #tpu.memory_space<vmem>>) target_semaphore(%arg13 : memref<!tpu.dma_semaphore, #tpu.memory_space<semaphore_mem>>)
    %add3A_39 = arith.constant 0 : i32
    %add3A_40 = arith.addi %mul3A_9, %add3A_39 : i32
    %dma_wait3A = arith.constant 0 : i32
    %dma_wait3A_41 = arith.constant 0 : i32
    %dma_wait3A_42 = tpu.memref_slice %arg8[%dma_wait3A, %dma_wait3A_41] : memref<2x128xi32, #tpu.memory_space<vmem>> -> memref<1x128xi32, #tpu.memory_space<vmem>>
    %dma_wait3A_43 = tpu.memref_squeeze %dma_wait3A_42 : memref<1x128xi32, #tpu.memory_space<vmem>> -> memref<128xi32, #tpu.memory_space<vmem>>
    %dma_wait3A_44 = arith.constant 0 : i32
    %dma_wait3A_45 = tpu.memref_slice %arg3[%add3A_40, %dma_wait3A_44] : memref<2560x128xi32, #tpu.memory_space<hbm>> -> memref<1x128xi32, #tpu.memory_space<hbm>>
    %dma_wait3A_46 = tpu.memref_squeeze %dma_wait3A_45 : memref<1x128xi32, #tpu.memory_space<hbm>> -> memref<128xi32, #tpu.memory_space<hbm>>
    %dma_wait3A_47 = arith.constant 0 : i32
    %dma_wait3A_48 = tpu.memref_slice %arg8[%dma_wait3A, %dma_wait3A_47] : memref<2x128xi32, #tpu.memory_space<vmem>> -> memref<1x128xi32, #tpu.memory_space<vmem>>
    %dma_wait3A_49 = tpu.memref_squeeze %dma_wait3A_48 : memref<1x128xi32, #tpu.memory_space<vmem>> -> memref<128xi32, #tpu.memory_space<vmem>>
    %dma_wait3A_50 = arith.constant 0 : i32
    %dma_wait3A_51 = tpu.memref_slice %arg3[%add3A_40, %dma_wait3A_50] : memref<2560x128xi32, #tpu.memory_space<hbm>> -> memref<1x128xi32, #tpu.memory_space<hbm>>
    %dma_wait3A_52 = tpu.memref_squeeze %dma_wait3A_51 : memref<1x128xi32, #tpu.memory_space<hbm>> -> memref<128xi32, #tpu.memory_space<hbm>>
    tpu.wait_dma2 semaphore(%arg12 : memref<!tpu.dma_semaphore, #tpu.memory_space<semaphore_mem>>) src(%dma_wait3A_52 : memref<128xi32, #tpu.memory_space<hbm>>) dst(%dma_wait3A_49 : memref<128xi32, #tpu.memory_space<vmem>>)
    %dma_start3A_53 = arith.constant 0 : i32
    %dma_start3A_54 = arith.constant 0 : i32
    %dma_start3A_55 = tpu.memref_slice %arg8[%dma_start3A_53, %dma_start3A_54] : memref<2x128xi32, #tpu.memory_space<vmem>> -> memref<1x128xi32, #tpu.memory_space<vmem>>
    %dma_start3A_56 = tpu.memref_squeeze %dma_start3A_55 : memref<1x128xi32, #tpu.memory_space<vmem>> -> memref<128xi32, #tpu.memory_space<vmem>>
    %dma_start3A_57 = arith.constant 0 : i32
    %dma_start3A_58 = arith.constant 0 : i32
    %dma_start3A_59 = tpu.memref_slice %arg2[%dma_start3A_57, %dma_start3A_58] : memref<10240x128xf32, #tpu.memory_space<hbm>> -> memref<10240x128xf32, #tpu.memory_space<hbm>>
    tpu.enqueue_indirect_dma source(%dma_start3A_59 : memref<10240x128xf32, #tpu.memory_space<hbm>>) target(%arg9 : memref<128x128xf32, #tpu.memory_space<vmem>>) offsets(%dma_start3A_56 : memref<128xi32, #tpu.memory_space<vmem>>) semaphore(%arg14 : memref<!tpu.dma_semaphore, #tpu.memory_space<semaphore_mem>>)
    %scan3A = arith.constant 0 : i32
    %scan3A_60 = arith.constant 0 : i32
    %scan3A_61 = arith.constant 40 : i32
    %scan3A_62 = arith.addi %scan3A_60, %scan3A_61 : i32
    %scan3A_63 = arith.constant 1 : i32
    %scan3A_64 = scf.for %scan3A_81 = %scan3A_60 to %scan3A_62 step %scan3A_63 iter_args(%scan3A_82 = %scan3A) -> (i32)  : i32 {
      %mul3A_83 = arith.constant 2 : i32
      %mul3A_84 = arith.muli %mul3A_83, %scan3A_81 : i32
      %dma_wait3A_85 = arith.constant 0 : i32
      %dma_wait3A_86 = arith.constant 0 : i32
      %dma_wait3A_87 = tpu.memref_slice %arg8[%dma_wait3A_85, %dma_wait3A_86] : memref<2x128xi32, #tpu.memory_space<vmem>> -> memref<1x128xi32, #tpu.memory_space<vmem>>
      %dma_wait3A_88 = tpu.memref_squeeze %dma_wait3A_87 : memref<1x128xi32, #tpu.memory_space<vmem>> -> memref<128xi32, #tpu.memory_space<vmem>>
      %dma_wait3A_89 = arith.constant 0 : i32
      %dma_wait3A_90 = arith.constant 0 : i32
      %dma_wait3A_91 = tpu.memref_slice %arg2[%dma_wait3A_89, %dma_wait3A_90] : memref<10240x128xf32, #tpu.memory_space<hbm>> -> memref<10240x128xf32, #tpu.memory_space<hbm>>
      tpu.wait_indirect_dma semaphore(%arg14 : memref<!tpu.dma_semaphore, #tpu.memory_space<semaphore_mem>>) src(%dma_wait3A_91 : memref<10240x128xf32, #tpu.memory_space<hbm>>) dst(%arg9 : memref<128x128xf32, #tpu.memory_space<vmem>>)
      %dma_start3A_92 = arith.constant 0 : i32
      %dma_start3A_93 = tpu.memref_slice %arg7[%mul3A_84, %dma_start3A_92] : memref<80x128xi32, #tpu.memory_space<vmem>> -> memref<1x128xi32, #tpu.memory_space<vmem>>
      %dma_start3A_94 = tpu.memref_squeeze %dma_start3A_93 : memref<1x128xi32, #tpu.memory_space<vmem>> -> memref<128xi32, #tpu.memory_space<vmem>>
      %dma_start3A_95 = arith.constant 0 : i32
      %dma_start3A_96 = arith.constant 0 : i32
      %dma_start3A_97 = tpu.memref_slice %arg11[%dma_start3A_95, %dma_start3A_96] : memref<10240x128xf32, #tpu.memory_space<vmem_shared>> -> memref<10240x128xf32, #tpu.memory_space<vmem_shared>>
      tpu.enqueue_indirect_dma source(%arg9 : memref<128x128xf32, #tpu.memory_space<vmem>>) target(%dma_start3A_97 : memref<10240x128xf32, #tpu.memory_space<vmem_shared>>) offsets(%dma_start3A_94 : memref<128xi32, #tpu.memory_space<vmem>>) semaphore(%arg16 : memref<!tpu.dma_semaphore, #tpu.memory_space<semaphore_mem>>) {add = true}
      %add3A_98 = arith.constant 2 : i32
      %add3A_99 = arith.addi %mul3A_84, %add3A_98 : i32
      %lt3A = arith.constant 80 : i32
      %lt3A_100 = arith.cmpi slt, %add3A_99, %lt3A : i32
      %convert_element_type3A_101 = arith.extui %lt3A_100 : i1 to i32
      %cond3A_102 = arith.constant 0 : i32
      %cond3A_103 = arith.cmpi ne, %convert_element_type3A_101, %cond3A_102 : i32
      scf.if %cond3A_103 {
        %add3A_152 = arith.constant 2 : i32
        %add3A_153 = arith.addi %mul3A_84, %add3A_152 : i32
        %add3A_154 = arith.addi %mul3A_9, %add3A_153 : i32
        %dma_start3A_155 = arith.constant 0 : i32
        %dma_start3A_156 = arith.constant 0 : i32
        %dma_start3A_157 = tpu.memref_slice %arg8[%dma_start3A_155, %dma_start3A_156] : memref<2x128xi32, #tpu.memory_space<vmem>> -> memref<1x128xi32, #tpu.memory_space<vmem>>
        %dma_start3A_158 = tpu.memref_squeeze %dma_start3A_157 : memref<1x128xi32, #tpu.memory_space<vmem>> -> memref<128xi32, #tpu.memory_space<vmem>>
        %dma_start3A_159 = arith.constant 0 : i32
        %dma_start3A_160 = tpu.memref_slice %arg3[%add3A_154, %dma_start3A_159] : memref<2560x128xi32, #tpu.memory_space<hbm>> -> memref<1x128xi32, #tpu.memory_space<hbm>>
        %dma_start3A_161 = tpu.memref_squeeze %dma_start3A_160 : memref<1x128xi32, #tpu.memory_space<hbm>> -> memref<128xi32, #tpu.memory_space<hbm>>
        %dma_start3A_162 = arith.constant 0 : i32
        %dma_start3A_163 = tpu.memref_slice %arg8[%dma_start3A_155, %dma_start3A_162] : memref<2x128xi32, #tpu.memory_space<vmem>> -> memref<1x128xi32, #tpu.memory_space<vmem>>
        %dma_start3A_164 = tpu.memref_squeeze %dma_start3A_163 : memref<1x128xi32, #tpu.memory_space<vmem>> -> memref<128xi32, #tpu.memory_space<vmem>>
        %dma_start3A_165 = arith.constant 0 : i32
        %dma_start3A_166 = tpu.memref_slice %arg3[%add3A_154, %dma_start3A_165] : memref<2560x128xi32, #tpu.memory_space<hbm>> -> memref<1x128xi32, #tpu.memory_space<hbm>>
        %dma_start3A_167 = tpu.memref_squeeze %dma_start3A_166 : memref<1x128xi32, #tpu.memory_space<hbm>> -> memref<128xi32, #tpu.memory_space<hbm>>
        tpu.enqueue_dma source(%dma_start3A_167 : memref<128xi32, #tpu.memory_space<hbm>>) target(%dma_start3A_164 : memref<128xi32, #tpu.memory_space<vmem>>) target_semaphore(%arg12 : memref<!tpu.dma_semaphore, #tpu.memory_space<semaphore_mem>>)
      } else {
      }
      %gt3A = arith.constant 0 : i32
      %gt3A_104 = arith.cmpi sgt, %mul3A_84, %gt3A : i32
      %convert_element_type3A_105 = arith.extui %gt3A_104 : i1 to i32
      %cond3A_106 = arith.constant 0 : i32
      %cond3A_107 = arith.cmpi ne, %convert_element_type3A_105, %cond3A_106 : i32
      scf.if %cond3A_107 {
        %sub3A = arith.constant 1 : i32
        %sub3A_152 = arith.subi %mul3A_84, %sub3A : i32
        %dma_wait3A_153 = arith.constant 0 : i32
        %dma_wait3A_154 = tpu.memref_slice %arg7[%sub3A_152, %dma_wait3A_153] : memref<80x128xi32, #tpu.memory_space<vmem>> -> memref<1x128xi32, #tpu.memory_space<vmem>>
        %dma_wait3A_155 = tpu.memref_squeeze %dma_wait3A_154 : memref<1x128xi32, #tpu.memory_space<vmem>> -> memref<128xi32, #tpu.memory_space<vmem>>
        %dma_wait3A_156 = arith.constant 0 : i32
        %dma_wait3A_157 = arith.constant 0 : i32
        %dma_wait3A_158 = tpu.memref_slice %arg11[%dma_wait3A_156, %dma_wait3A_157] : memref<10240x128xf32, #tpu.memory_space<vmem_shared>> -> memref<10240x128xf32, #tpu.memory_space<vmem_shared>>
        tpu.wait_indirect_dma semaphore(%arg17 : memref<!tpu.dma_semaphore, #tpu.memory_space<semaphore_mem>>) src(%arg10 : memref<128x128xf32, #tpu.memory_space<vmem>>) dst(%dma_wait3A_158 : memref<10240x128xf32, #tpu.memory_space<vmem_shared>>)
      } else {
      }
      %add3A_108 = arith.constant 1 : i32
      %add3A_109 = arith.addi %mul3A_84, %add3A_108 : i32
      %lt3A_110 = arith.constant 80 : i32
      %lt3A_111 = arith.cmpi slt, %add3A_109, %lt3A_110 : i32
      %convert_element_type3A_112 = arith.extui %lt3A_111 : i1 to i32
      %cond3A_113 = arith.constant 0 : i32
      %cond3A_114 = arith.cmpi ne, %convert_element_type3A_112, %cond3A_113 : i32
      scf.if %cond3A_114 {
        %add3A_152 = arith.constant 1 : i32
        %add3A_153 = arith.addi %mul3A_84, %add3A_152 : i32
        %add3A_154 = arith.addi %mul3A_9, %add3A_153 : i32
        %dma_wait3A_155 = arith.constant 1 : i32
        %dma_wait3A_156 = arith.constant 0 : i32
        %dma_wait3A_157 = tpu.memref_slice %arg8[%dma_wait3A_155, %dma_wait3A_156] : memref<2x128xi32, #tpu.memory_space<vmem>> -> memref<1x128xi32, #tpu.memory_space<vmem>>
        %dma_wait3A_158 = tpu.memref_squeeze %dma_wait3A_157 : memref<1x128xi32, #tpu.memory_space<vmem>> -> memref<128xi32, #tpu.memory_space<vmem>>
        %dma_wait3A_159 = arith.constant 0 : i32
        %dma_wait3A_160 = tpu.memref_slice %arg3[%add3A_154, %dma_wait3A_159] : memref<2560x128xi32, #tpu.memory_space<hbm>> -> memref<1x128xi32, #tpu.memory_space<hbm>>
        %dma_wait3A_161 = tpu.memref_squeeze %dma_wait3A_160 : memref<1x128xi32, #tpu.memory_space<hbm>> -> memref<128xi32, #tpu.memory_space<hbm>>
        %dma_wait3A_162 = arith.constant 0 : i32
        %dma_wait3A_163 = tpu.memref_slice %arg8[%dma_wait3A_155, %dma_wait3A_162] : memref<2x128xi32, #tpu.memory_space<vmem>> -> memref<1x128xi32, #tpu.memory_space<vmem>>
        %dma_wait3A_164 = tpu.memref_squeeze %dma_wait3A_163 : memref<1x128xi32, #tpu.memory_space<vmem>> -> memref<128xi32, #tpu.memory_space<vmem>>
        %dma_wait3A_165 = arith.constant 0 : i32
        %dma_wait3A_166 = tpu.memref_slice %arg3[%add3A_154, %dma_wait3A_165] : memref<2560x128xi32, #tpu.memory_space<hbm>> -> memref<1x128xi32, #tpu.memory_space<hbm>>
        %dma_wait3A_167 = tpu.memref_squeeze %dma_wait3A_166 : memref<1x128xi32, #tpu.memory_space<hbm>> -> memref<128xi32, #tpu.memory_space<hbm>>
        tpu.wait_dma2 semaphore(%arg13 : memref<!tpu.dma_semaphore, #tpu.memory_space<semaphore_mem>>) src(%dma_wait3A_167 : memref<128xi32, #tpu.memory_space<hbm>>) dst(%dma_wait3A_164 : memref<128xi32, #tpu.memory_space<vmem>>)
        %dma_start3A_168 = arith.constant 1 : i32
        %dma_start3A_169 = arith.constant 0 : i32
        %dma_start3A_170 = tpu.memref_slice %arg8[%dma_start3A_168, %dma_start3A_169] : memref<2x128xi32, #tpu.memory_space<vmem>> -> memref<1x128xi32, #tpu.memory_space<vmem>>
        %dma_start3A_171 = tpu.memref_squeeze %dma_start3A_170 : memref<1x128xi32, #tpu.memory_space<vmem>> -> memref<128xi32, #tpu.memory_space<vmem>>
        %dma_start3A_172 = arith.constant 0 : i32
        %dma_start3A_173 = arith.constant 0 : i32
        %dma_start3A_174 = tpu.memref_slice %arg2[%dma_start3A_172, %dma_start3A_173] : memref<10240x128xf32, #tpu.memory_space<hbm>> -> memref<10240x128xf32, #tpu.memory_space<hbm>>
        tpu.enqueue_indirect_dma source(%dma_start3A_174 : memref<10240x128xf32, #tpu.memory_space<hbm>>) target(%arg10 : memref<128x128xf32, #tpu.memory_space<vmem>>) offsets(%dma_start3A_171 : memref<128xi32, #tpu.memory_space<vmem>>) semaphore(%arg15 : memref<!tpu.dma_semaphore, #tpu.memory_space<semaphore_mem>>)
      } else {
      }
      %mul3A_115 = arith.constant 2 : i32
      %mul3A_116 = arith.muli %mul3A_115, %scan3A_81 : i32
      %add3A_117 = arith.constant 1 : i32
      %add3A_118 = arith.addi %mul3A_116, %add3A_117 : i32
      %dma_wait3A_119 = arith.constant 1 : i32
      %dma_wait3A_120 = arith.constant 0 : i32
      %dma_wait3A_121 = tpu.memref_slice %arg8[%dma_wait3A_119, %dma_wait3A_120] : memref<2x128xi32, #tpu.memory_space<vmem>> -> memref<1x128xi32, #tpu.memory_space<vmem>>
      %dma_wait3A_122 = tpu.memref_squeeze %dma_wait3A_121 : memref<1x128xi32, #tpu.memory_space<vmem>> -> memref<128xi32, #tpu.memory_space<vmem>>
      %dma_wait3A_123 = arith.constant 0 : i32
      %dma_wait3A_124 = arith.constant 0 : i32
      %dma_wait3A_125 = tpu.memref_slice %arg2[%dma_wait3A_123, %dma_wait3A_124] : memref<10240x128xf32, #tpu.memory_space<hbm>> -> memref<10240x128xf32, #tpu.memory_space<hbm>>
      tpu.wait_indirect_dma semaphore(%arg15 : memref<!tpu.dma_semaphore, #tpu.memory_space<semaphore_mem>>) src(%dma_wait3A_125 : memref<10240x128xf32, #tpu.memory_space<hbm>>) dst(%arg10 : memref<128x128xf32, #tpu.memory_space<vmem>>)
      %dma_start3A_126 = arith.constant 0 : i32
      %dma_start3A_127 = tpu.memref_slice %arg7[%add3A_118, %dma_start3A_126] : memref<80x128xi32, #tpu.memory_space<vmem>> -> memref<1x128xi32, #tpu.memory_space<vmem>>
      %dma_start3A_128 = tpu.memref_squeeze %dma_start3A_127 : memref<1x128xi32, #tpu.memory_space<vmem>> -> memref<128xi32, #tpu.memory_space<vmem>>
      %dma_start3A_129 = arith.constant 0 : i32
      %dma_start3A_130 = arith.constant 0 : i32
      %dma_start3A_131 = tpu.memref_slice %arg11[%dma_start3A_129, %dma_start3A_130] : memref<10240x128xf32, #tpu.memory_space<vmem_shared>> -> memref<10240x128xf32, #tpu.memory_space<vmem_shared>>
      tpu.enqueue_indirect_dma source(%arg10 : memref<128x128xf32, #tpu.memory_space<vmem>>) target(%dma_start3A_131 : memref<10240x128xf32, #tpu.memory_space<vmem_shared>>) offsets(%dma_start3A_128 : memref<128xi32, #tpu.memory_space<vmem>>) semaphore(%arg17 : memref<!tpu.dma_semaphore, #tpu.memory_space<semaphore_mem>>) {add = true}
      %add3A_132 = arith.constant 2 : i32
      %add3A_133 = arith.addi %add3A_118, %add3A_132 : i32
      %lt3A_134 = arith.constant 80 : i32
      %lt3A_135 = arith.cmpi slt, %add3A_133, %lt3A_134 : i32
      %convert_element_type3A_136 = arith.extui %lt3A_135 : i1 to i32
      %cond3A_137 = arith.constant 0 : i32
      %cond3A_138 = arith.cmpi ne, %convert_element_type3A_136, %cond3A_137 : i32
      scf.if %cond3A_138 {
        %add3A_152 = arith.constant 2 : i32
        %add3A_153 = arith.addi %add3A_118, %add3A_152 : i32
        %add3A_154 = arith.addi %mul3A_9, %add3A_153 : i32
        %dma_start3A_155 = arith.constant 1 : i32
        %dma_start3A_156 = arith.constant 0 : i32
        %dma_start3A_157 = tpu.memref_slice %arg8[%dma_start3A_155, %dma_start3A_156] : memref<2x128xi32, #tpu.memory_space<vmem>> -> memref<1x128xi32, #tpu.memory_space<vmem>>
        %dma_start3A_158 = tpu.memref_squeeze %dma_start3A_157 : memref<1x128xi32, #tpu.memory_space<vmem>> -> memref<128xi32, #tpu.memory_space<vmem>>
        %dma_start3A_159 = arith.constant 0 : i32
        %dma_start3A_160 = tpu.memref_slice %arg3[%add3A_154, %dma_start3A_159] : memref<2560x128xi32, #tpu.memory_space<hbm>> -> memref<1x128xi32, #tpu.memory_space<hbm>>
        %dma_start3A_161 = tpu.memref_squeeze %dma_start3A_160 : memref<1x128xi32, #tpu.memory_space<hbm>> -> memref<128xi32, #tpu.memory_space<hbm>>
        %dma_start3A_162 = arith.constant 0 : i32
        %dma_start3A_163 = tpu.memref_slice %arg8[%dma_start3A_155, %dma_start3A_162] : memref<2x128xi32, #tpu.memory_space<vmem>> -> memref<1x128xi32, #tpu.memory_space<vmem>>
        %dma_start3A_164 = tpu.memref_squeeze %dma_start3A_163 : memref<1x128xi32, #tpu.memory_space<vmem>> -> memref<128xi32, #tpu.memory_space<vmem>>
        %dma_start3A_165 = arith.constant 0 : i32
        %dma_start3A_166 = tpu.memref_slice %arg3[%add3A_154, %dma_start3A_165] : memref<2560x128xi32, #tpu.memory_space<hbm>> -> memref<1x128xi32, #tpu.memory_space<hbm>>
        %dma_start3A_167 = tpu.memref_squeeze %dma_start3A_166 : memref<1x128xi32, #tpu.memory_space<hbm>> -> memref<128xi32, #tpu.memory_space<hbm>>
        tpu.enqueue_dma source(%dma_start3A_167 : memref<128xi32, #tpu.memory_space<hbm>>) target(%dma_start3A_164 : memref<128xi32, #tpu.memory_space<vmem>>) target_semaphore(%arg13 : memref<!tpu.dma_semaphore, #tpu.memory_space<semaphore_mem>>)
      } else {
      }
      %gt3A_139 = arith.constant 0 : i32
      %gt3A_140 = arith.cmpi sgt, %add3A_118, %gt3A_139 : i32
      %convert_element_type3A_141 = arith.extui %gt3A_140 : i1 to i32
      %cond3A_142 = arith.constant 0 : i32
      %cond3A_143 = arith.cmpi ne, %convert_element_type3A_141, %cond3A_142 : i32
      scf.if %cond3A_143 {
        %sub3A = arith.constant 1 : i32
        %sub3A_152 = arith.subi %add3A_118, %sub3A : i32
        %dma_wait3A_153 = arith.constant 0 : i32
        %dma_wait3A_154 = tpu.memref_slice %arg7[%sub3A_152, %dma_wait3A_153] : memref<80x128xi32, #tpu.memory_space<vmem>> -> memref<1x128xi32, #tpu.memory_space<vmem>>
        %dma_wait3A_155 = tpu.memref_squeeze %dma_wait3A_154 : memref<1x128xi32, #tpu.memory_space<vmem>> -> memref<128xi32, #tpu.memory_space<vmem>>
        %dma_wait3A_156 = arith.constant 0 : i32
        %dma_wait3A_157 = arith.constant 0 : i32
        %dma_wait3A_158 = tpu.memref_slice %arg11[%dma_wait3A_156, %dma_wait3A_157] : memref<10240x128xf32, #tpu.memory_space<vmem_shared>> -> memref<10240x128xf32, #tpu.memory_space<vmem_shared>>
        tpu.wait_indirect_dma semaphore(%arg16 : memref<!tpu.dma_semaphore, #tpu.memory_space<semaphore_mem>>) src(%arg9 : memref<128x128xf32, #tpu.memory_space<vmem>>) dst(%dma_wait3A_158 : memref<10240x128xf32, #tpu.memory_space<vmem_shared>>)
      } else {
      }
      %add3A_144 = arith.constant 1 : i32
      %add3A_145 = arith.addi %add3A_118, %add3A_144 : i32
      %lt3A_146 = arith.constant 80 : i32
      %lt3A_147 = arith.cmpi slt, %add3A_145, %lt3A_146 : i32
      %convert_element_type3A_148 = arith.extui %lt3A_147 : i1 to i32
      %cond3A_149 = arith.constant 0 : i32
      %cond3A_150 = arith.cmpi ne, %convert_element_type3A_148, %cond3A_149 : i32
      scf.if %cond3A_150 {
        %add3A_152 = arith.constant 1 : i32
        %add3A_153 = arith.addi %add3A_118, %add3A_152 : i32
        %add3A_154 = arith.addi %mul3A_9, %add3A_153 : i32
        %dma_wait3A_155 = arith.constant 0 : i32
        %dma_wait3A_156 = arith.constant 0 : i32
        %dma_wait3A_157 = tpu.memref_slice %arg8[%dma_wait3A_155, %dma_wait3A_156] : memref<2x128xi32, #tpu.memory_space<vmem>> -> memref<1x128xi32, #tpu.memory_space<vmem>>
        %dma_wait3A_158 = tpu.memref_squeeze %dma_wait3A_157 : memref<1x128xi32, #tpu.memory_space<vmem>> -> memref<128xi32, #tpu.memory_space<vmem>>
        %dma_wait3A_159 = arith.constant 0 : i32
        %dma_wait3A_160 = tpu.memref_slice %arg3[%add3A_154, %dma_wait3A_159] : memref<2560x128xi32, #tpu.memory_space<hbm>> -> memref<1x128xi32, #tpu.memory_space<hbm>>
        %dma_wait3A_161 = tpu.memref_squeeze %dma_wait3A_160 : memref<1x128xi32, #tpu.memory_space<hbm>> -> memref<128xi32, #tpu.memory_space<hbm>>
        %dma_wait3A_162 = arith.constant 0 : i32
        %dma_wait3A_163 = tpu.memref_slice %arg8[%dma_wait3A_155, %dma_wait3A_162] : memref<2x128xi32, #tpu.memory_space<vmem>> -> memref<1x128xi32, #tpu.memory_space<vmem>>
        %dma_wait3A_164 = tpu.memref_squeeze %dma_wait3A_163 : memref<1x128xi32, #tpu.memory_space<vmem>> -> memref<128xi32, #tpu.memory_space<vmem>>
        %dma_wait3A_165 = arith.constant 0 : i32
        %dma_wait3A_166 = tpu.memref_slice %arg3[%add3A_154, %dma_wait3A_165] : memref<2560x128xi32, #tpu.memory_space<hbm>> -> memref<1x128xi32, #tpu.memory_space<hbm>>
        %dma_wait3A_167 = tpu.memref_squeeze %dma_wait3A_166 : memref<1x128xi32, #tpu.memory_space<hbm>> -> memref<128xi32, #tpu.memory_space<hbm>>
        tpu.wait_dma2 semaphore(%arg12 : memref<!tpu.dma_semaphore, #tpu.memory_space<semaphore_mem>>) src(%dma_wait3A_167 : memref<128xi32, #tpu.memory_space<hbm>>) dst(%dma_wait3A_164 : memref<128xi32, #tpu.memory_space<vmem>>)
        %dma_start3A_168 = arith.constant 0 : i32
        %dma_start3A_169 = arith.constant 0 : i32
        %dma_start3A_170 = tpu.memref_slice %arg8[%dma_start3A_168, %dma_start3A_169] : memref<2x128xi32, #tpu.memory_space<vmem>> -> memref<1x128xi32, #tpu.memory_space<vmem>>
        %dma_start3A_171 = tpu.memref_squeeze %dma_start3A_170 : memref<1x128xi32, #tpu.memory_space<vmem>> -> memref<128xi32, #tpu.memory_space<vmem>>
        %dma_start3A_172 = arith.constant 0 : i32
        %dma_start3A_173 = arith.constant 0 : i32
        %dma_start3A_174 = tpu.memref_slice %arg2[%dma_start3A_172, %dma_start3A_173] : memref<10240x128xf32, #tpu.memory_space<hbm>> -> memref<10240x128xf32, #tpu.memory_space<hbm>>
        tpu.enqueue_indirect_dma source(%dma_start3A_174 : memref<10240x128xf32, #tpu.memory_space<hbm>>) target(%arg9 : memref<128x128xf32, #tpu.memory_space<vmem>>) offsets(%dma_start3A_171 : memref<128xi32, #tpu.memory_space<vmem>>) semaphore(%arg14 : memref<!tpu.dma_semaphore, #tpu.memory_space<semaphore_mem>>)
      } else {
      }
      %scan3A_151 = arith.constant 0 : i32
      scf.yield %scan3A_151 : i32
    }
    %scan3A_65 = arith.constant 40 : i32
    %dma_wait3A_66 = arith.constant 79 : i32
    %dma_wait3A_67 = arith.constant 0 : i32
    %dma_wait3A_68 = tpu.memref_slice %arg7[%dma_wait3A_66, %dma_wait3A_67] : memref<80x128xi32, #tpu.memory_space<vmem>> -> memref<1x128xi32, #tpu.memory_space<vmem>>
    %dma_wait3A_69 = tpu.memref_squeeze %dma_wait3A_68 : memref<1x128xi32, #tpu.memory_space<vmem>> -> memref<128xi32, #tpu.memory_space<vmem>>
    %dma_wait3A_70 = arith.constant 0 : i32
    %dma_wait3A_71 = arith.constant 0 : i32
    %dma_wait3A_72 = tpu.memref_slice %arg11[%dma_wait3A_70, %dma_wait3A_71] : memref<10240x128xf32, #tpu.memory_space<vmem_shared>> -> memref<10240x128xf32, #tpu.memory_space<vmem_shared>>
    tpu.wait_indirect_dma semaphore(%arg17 : memref<!tpu.dma_semaphore, #tpu.memory_space<semaphore_mem>>) src(%arg10 : memref<128x128xf32, #tpu.memory_space<vmem>>) dst(%dma_wait3A_72 : memref<10240x128xf32, #tpu.memory_space<vmem_shared>>)
    %barrier3A_73 = arith.constant 0 : index
    tpu.barrier barrier_id(%barrier3A_73)
    %mul3A_74 = arith.constant 640 : i32
    %mul3A_75 = arith.muli %arg1, %mul3A_74 : i32
    %mul3A_76 = arith.constant 10240 : i32
    %mul3A_77 = arith.muli %arg0, %mul3A_76 : i32
    %mul3A_78 = arith.constant 640 : i32
    %mul3A_79 = arith.muli %arg1, %mul3A_78 : i32
    %add3A_80 = arith.addi %mul3A_77, %mul3A_79 : i32
    "tpu.region"() ({
      %run_scoped3A = tpu.sem_alloc : memref<!tpu.dma_semaphore, #tpu.memory_space<semaphore_mem>>
      %dma_start3A_81 = arith.constant 0 : i32
      %dma_start3A_82 = tpu.memref_slice %arg6[%add3A_80, %dma_start3A_81] : memref<20480x128xf32, #tpu.memory_space<hbm>> -> memref<640x128xf32, #tpu.memory_space<hbm>>
      %dma_start3A_83 = arith.constant 0 : i32
      %dma_start3A_84 = tpu.memref_slice %arg11[%mul3A_75, %dma_start3A_83] : memref<10240x128xf32, #tpu.memory_space<vmem_shared>> -> memref<640x128xf32, #tpu.memory_space<vmem_shared>>
      tpu.enqueue_dma source(%dma_start3A_84 : memref<640x128xf32, #tpu.memory_space<vmem_shared>>) target(%dma_start3A_82 : memref<640x128xf32, #tpu.memory_space<hbm>>) target_semaphore(%run_scoped3A : memref<!tpu.dma_semaphore, #tpu.memory_space<semaphore_mem>>)
      %dma_wait3A_85 = arith.constant 0 : i32
      %dma_wait3A_86 = tpu.memref_slice %arg6[%add3A_80, %dma_wait3A_85] : memref<20480x128xf32, #tpu.memory_space<hbm>> -> memref<640x128xf32, #tpu.memory_space<hbm>>
      %dma_wait3A_87 = arith.constant 0 : i32
      %dma_wait3A_88 = tpu.memref_slice %arg11[%mul3A_75, %dma_wait3A_87] : memref<10240x128xf32, #tpu.memory_space<vmem_shared>> -> memref<640x128xf32, #tpu.memory_space<vmem_shared>>
      tpu.wait_dma2 semaphore(%run_scoped3A : memref<!tpu.dma_semaphore, #tpu.memory_space<semaphore_mem>>) src(%dma_wait3A_88 : memref<640x128xf32, #tpu.memory_space<vmem_shared>>) dst(%dma_wait3A_86 : memref<640x128xf32, #tpu.memory_space<hbm>>)
      tpu.yield
    }) : () -> ()
    return
  }
}

#map = affine_map<(d0, d1) -> (0, 0)>
module attributes {stable_mosaic.version = 14 : i64} {
  func.func @_spmm_body(%arg0: i32, %arg1: i32, %arg2: memref<10240x128xf32, #tpu.memory_space<hbm>>, %arg3: memref<2560x128xi32, #tpu.memory_space<hbm>>, %arg4: memref<2560x128xi32, #tpu.memory_space<hbm>>, %arg5: memref<10240x128xf32, #tpu.memory_space<hbm>>, %arg6: memref<20480x128xf32, #tpu.memory_space<hbm>>, %arg7: memref<80x128xi32, #tpu.memory_space<vmem>>, %arg8: memref<2x128xi32, #tpu.memory_space<vmem>>, %arg9: memref<128x128xf32, #tpu.memory_space<vmem>>, %arg10: memref<128x128xf32, #tpu.memory_space<vmem>>, %arg11: memref<10240x128xf32, #tpu.memory_space<vmem_shared>>, %arg12: memref<!tpu.dma_semaphore, #tpu.memory_space<semaphore_mem>>, %arg13: memref<!tpu.dma_semaphore, #tpu.memory_space<semaphore_mem>>, %arg14: memref<!tpu.dma_semaphore, #tpu.memory_space<semaphore_mem>>, %arg15: memref<!tpu.dma_semaphore, #tpu.memory_space<semaphore_mem>>, %arg16: memref<!tpu.dma_semaphore, #tpu.memory_space<semaphore_mem>>, %arg17: memref<!tpu.dma_semaphore, #tpu.memory_space<semaphore_mem>>) attributes {dimension_semantics = [#tpu.dimension_semantics<core_parallel>, #tpu.dimension_semantics<subcore_parallel>], iteration_bounds = array<i64: 2, 16>, scalar_prefetch = 0 : i64, scratch_operands = 11 : i64, tpu.core_type = #tpu.core_type<sc_vector_subcore>, window_params = [{transform_indices = #map}, {transform_indices = #map}, {transform_indices = #map}, {transform_indices = #map}, {transform_indices = #map}]} {
    %eq3A = arith.constant 0 : i32
    %eq3A_0 = arith.cmpi eq, %arg0, %eq3A : i32
    %convert_element_type3A = arith.extui %eq3A_0 : i1 to i32
    %cond3A = arith.constant 0 : i32
    %cond3A_1 = arith.cmpi ne, %convert_element_type3A, %cond3A : i32
    scf.if %cond3A_1 {
      %mul3A_81 = arith.constant 640 : i32
      %mul3A_82 = arith.muli %arg1, %mul3A_81 : i32
      %mul3A_83 = arith.constant 640 : i32
      %mul3A_84 = arith.muli %arg1, %mul3A_83 : i32
      "tpu.region"() ({
        %run_scoped3A = tpu.sem_alloc : memref<!tpu.dma_semaphore, #tpu.memory_space<semaphore_mem>>
        %dma_start3A_85 = arith.constant 0 : i32
        %dma_start3A_86 = tpu.memref_slice %arg11[%mul3A_84, %dma_start3A_85] : memref<10240x128xf32, #tpu.memory_space<vmem_shared>> -> memref<640x128xf32, #tpu.memory_space<vmem_shared>>
        %dma_start3A_87 = arith.constant 0 : i32
        %dma_start3A_88 = tpu.memref_slice %arg2[%mul3A_82, %dma_start3A_87] : memref<10240x128xf32, #tpu.memory_space<hbm>> -> memref<640x128xf32, #tpu.memory_space<hbm>>
        tpu.enqueue_dma source(%dma_start3A_88 : memref<640x128xf32, #tpu.memory_space<hbm>>) target(%dma_start3A_86 : memref<640x128xf32, #tpu.memory_space<vmem_shared>>) target_semaphore(%run_scoped3A : memref<!tpu.dma_semaphore, #tpu.memory_space<semaphore_mem>>)
        %dma_wait3A_89 = arith.constant 0 : i32
        %dma_wait3A_90 = tpu.memref_slice %arg11[%mul3A_84, %dma_wait3A_89] : memref<10240x128xf32, #tpu.memory_space<vmem_shared>> -> memref<640x128xf32, #tpu.memory_space<vmem_shared>>
        %dma_wait3A_91 = arith.constant 0 : i32
        %dma_wait3A_92 = tpu.memref_slice %arg2[%mul3A_82, %dma_wait3A_91] : memref<10240x128xf32, #tpu.memory_space<hbm>> -> memref<640x128xf32, #tpu.memory_space<hbm>>
        tpu.wait_dma2 semaphore(%run_scoped3A : memref<!tpu.dma_semaphore, #tpu.memory_space<semaphore_mem>>) src(%dma_wait3A_92 : memref<640x128xf32, #tpu.memory_space<hbm>>) dst(%dma_wait3A_90 : memref<640x128xf32, #tpu.memory_space<vmem_shared>>)
        tpu.yield
      }) : () -> ()
    } else {
    }
    %eq3A_2 = arith.constant 1 : i32
    %eq3A_3 = arith.cmpi eq, %arg0, %eq3A_2 : i32
    %convert_element_type3A_4 = arith.extui %eq3A_3 : i1 to i32
    %cond3A_5 = arith.constant 0 : i32
    %cond3A_6 = arith.cmpi ne, %convert_element_type3A_4, %cond3A_5 : i32
    scf.if %cond3A_6 {
      %mul3A_81 = arith.constant 640 : i32
      %mul3A_82 = arith.muli %arg1, %mul3A_81 : i32
      %mul3A_83 = arith.constant 640 : i32
      %mul3A_84 = arith.muli %arg1, %mul3A_83 : i32
      "tpu.region"() ({
        %run_scoped3A = tpu.sem_alloc : memref<!tpu.dma_semaphore, #tpu.memory_space<semaphore_mem>>
        %dma_start3A_85 = arith.constant 0 : i32
        %dma_start3A_86 = tpu.memref_slice %arg11[%mul3A_84, %dma_start3A_85] : memref<10240x128xf32, #tpu.memory_space<vmem_shared>> -> memref<640x128xf32, #tpu.memory_space<vmem_shared>>
        %dma_start3A_87 = arith.constant 0 : i32
        %dma_start3A_88 = tpu.memref_slice %arg5[%mul3A_82, %dma_start3A_87] : memref<10240x128xf32, #tpu.memory_space<hbm>> -> memref<640x128xf32, #tpu.memory_space<hbm>>
        tpu.enqueue_dma source(%dma_start3A_88 : memref<640x128xf32, #tpu.memory_space<hbm>>) target(%dma_start3A_86 : memref<640x128xf32, #tpu.memory_space<vmem_shared>>) target_semaphore(%run_scoped3A : memref<!tpu.dma_semaphore, #tpu.memory_space<semaphore_mem>>)
        %dma_wait3A_89 = arith.constant 0 : i32
        %dma_wait3A_90 = tpu.memref_slice %arg11[%mul3A_84, %dma_wait3A_89] : memref<10240x128xf32, #tpu.memory_space<vmem_shared>> -> memref<640x128xf32, #tpu.memory_space<vmem_shared>>
        %dma_wait3A_91 = arith.constant 0 : i32
        %dma_wait3A_92 = tpu.memref_slice %arg5[%mul3A_82, %dma_wait3A_91] : memref<10240x128xf32, #tpu.memory_space<hbm>> -> memref<640x128xf32, #tpu.memory_space<hbm>>
        tpu.wait_dma2 semaphore(%run_scoped3A : memref<!tpu.dma_semaphore, #tpu.memory_space<semaphore_mem>>) src(%dma_wait3A_92 : memref<640x128xf32, #tpu.memory_space<hbm>>) dst(%dma_wait3A_90 : memref<640x128xf32, #tpu.memory_space<vmem_shared>>)
        tpu.yield
      }) : () -> ()
    } else {
    }
    %mul3A = arith.constant 16 : i32
    %mul3A_7 = arith.muli %arg0, %mul3A : i32
    %add3A = arith.addi %mul3A_7, %arg1 : i32
    %mul3A_8 = arith.constant 80 : i32
    %mul3A_9 = arith.muli %add3A, %mul3A_8 : i32
    "tpu.region"() ({
      %run_scoped3A = tpu.sem_alloc : memref<!tpu.dma_semaphore, #tpu.memory_space<semaphore_mem>>
      %dma_start3A_81 = arith.constant 0 : i32
      %dma_start3A_82 = tpu.memref_slice %arg4[%mul3A_9, %dma_start3A_81] : memref<2560x128xi32, #tpu.memory_space<hbm>> -> memref<80x128xi32, #tpu.memory_space<hbm>>
      %dma_start3A_83 = arith.constant 0 : i32
      %dma_start3A_84 = tpu.memref_slice %arg4[%mul3A_9, %dma_start3A_83] : memref<2560x128xi32, #tpu.memory_space<hbm>> -> memref<80x128xi32, #tpu.memory_space<hbm>>
      tpu.enqueue_dma source(%dma_start3A_84 : memref<80x128xi32, #tpu.memory_space<hbm>>) target(%arg7 : memref<80x128xi32, #tpu.memory_space<vmem>>) target_semaphore(%run_scoped3A : memref<!tpu.dma_semaphore, #tpu.memory_space<semaphore_mem>>)
      %dma_wait3A_85 = arith.constant 0 : i32
      %dma_wait3A_86 = tpu.memref_slice %arg4[%mul3A_9, %dma_wait3A_85] : memref<2560x128xi32, #tpu.memory_space<hbm>> -> memref<80x128xi32, #tpu.memory_space<hbm>>
      %dma_wait3A_87 = arith.constant 0 : i32
      %dma_wait3A_88 = tpu.memref_slice %arg4[%mul3A_9, %dma_wait3A_87] : memref<2560x128xi32, #tpu.memory_space<hbm>> -> memref<80x128xi32, #tpu.memory_space<hbm>>
      tpu.wait_dma2 semaphore(%run_scoped3A : memref<!tpu.dma_semaphore, #tpu.memory_space<semaphore_mem>>) src(%dma_wait3A_88 : memref<80x128xi32, #tpu.memory_space<hbm>>) dst(%arg7 : memref<80x128xi32, #tpu.memory_space<vmem>>)
      tpu.yield
    }) : () -> ()
    %barrier3A = arith.constant 0 : index
    tpu.barrier barrier_id(%barrier3A)
    %add3A_10 = arith.constant 0 : i32
    %add3A_11 = arith.addi %mul3A_9, %add3A_10 : i32
    %dma_start3A = arith.constant 0 : i32
    %dma_start3A_12 = arith.constant 0 : i32
    %dma_start3A_13 = tpu.memref_slice %arg8[%dma_start3A, %dma_start3A_12] : memref<2x128xi32, #tpu.memory_space<vmem>> -> memref<1x128xi32, #tpu.memory_space<vmem>>
    %dma_start3A_14 = tpu.memref_squeeze %dma_start3A_13 : memref<1x128xi32, #tpu.memory_space<vmem>> -> memref<128xi32, #tpu.memory_space<vmem>>
    %dma_start3A_15 = arith.constant 0 : i32
    %dma_start3A_16 = tpu.memref_slice %arg3[%add3A_11, %dma_start3A_15] : memref<2560x128xi32, #tpu.memory_space<hbm>> -> memref<1x128xi32, #tpu.memory_space<hbm>>
    %dma_start3A_17 = tpu.memref_squeeze %dma_start3A_16 : memref<1x128xi32, #tpu.memory_space<hbm>> -> memref<128xi32, #tpu.memory_space<hbm>>
    %dma_start3A_18 = arith.constant 0 : i32
    %dma_start3A_19 = tpu.memref_slice %arg8[%dma_start3A, %dma_start3A_18] : memref<2x128xi32, #tpu.memory_space<vmem>> -> memref<1x128xi32, #tpu.memory_space<vmem>>
    %dma_start3A_20 = tpu.memref_squeeze %dma_start3A_19 : memref<1x128xi32, #tpu.memory_space<vmem>> -> memref<128xi32, #tpu.memory_space<vmem>>
    %dma_start3A_21 = arith.constant 0 : i32
    %dma_start3A_22 = tpu.memref_slice %arg3[%add3A_11, %dma_start3A_21] : memref<2560x128xi32, #tpu.memory_space<hbm>> -> memref<1x128xi32, #tpu.memory_space<hbm>>
    %dma_start3A_23 = tpu.memref_squeeze %dma_start3A_22 : memref<1x128xi32, #tpu.memory_space<hbm>> -> memref<128xi32, #tpu.memory_space<hbm>>
    tpu.enqueue_dma source(%dma_start3A_23 : memref<128xi32, #tpu.memory_space<hbm>>) target(%dma_start3A_20 : memref<128xi32, #tpu.memory_space<vmem>>) target_semaphore(%arg12 : memref<!tpu.dma_semaphore, #tpu.memory_space<semaphore_mem>>)
    %add3A_24 = arith.constant 1 : i32
    %add3A_25 = arith.addi %mul3A_9, %add3A_24 : i32
    %dma_start3A_26 = arith.constant 1 : i32
    %dma_start3A_27 = arith.constant 0 : i32
    %dma_start3A_28 = tpu.memref_slice %arg8[%dma_start3A_26, %dma_start3A_27] : memref<2x128xi32, #tpu.memory_space<vmem>> -> memref<1x128xi32, #tpu.memory_space<vmem>>
    %dma_start3A_29 = tpu.memref_squeeze %dma_start3A_28 : memref<1x128xi32, #tpu.memory_space<vmem>> -> memref<128xi32, #tpu.memory_space<vmem>>
    %dma_start3A_30 = arith.constant 0 : i32
    %dma_start3A_31 = tpu.memref_slice %arg3[%add3A_25, %dma_start3A_30] : memref<2560x128xi32, #tpu.memory_space<hbm>> -> memref<1x128xi32, #tpu.memory_space<hbm>>
    %dma_start3A_32 = tpu.memref_squeeze %dma_start3A_31 : memref<1x128xi32, #tpu.memory_space<hbm>> -> memref<128xi32, #tpu.memory_space<hbm>>
    %dma_start3A_33 = arith.constant 0 : i32
    %dma_start3A_34 = tpu.memref_slice %arg8[%dma_start3A_26, %dma_start3A_33] : memref<2x128xi32, #tpu.memory_space<vmem>> -> memref<1x128xi32, #tpu.memory_space<vmem>>
    %dma_start3A_35 = tpu.memref_squeeze %dma_start3A_34 : memref<1x128xi32, #tpu.memory_space<vmem>> -> memref<128xi32, #tpu.memory_space<vmem>>
    %dma_start3A_36 = arith.constant 0 : i32
    %dma_start3A_37 = tpu.memref_slice %arg3[%add3A_25, %dma_start3A_36] : memref<2560x128xi32, #tpu.memory_space<hbm>> -> memref<1x128xi32, #tpu.memory_space<hbm>>
    %dma_start3A_38 = tpu.memref_squeeze %dma_start3A_37 : memref<1x128xi32, #tpu.memory_space<hbm>> -> memref<128xi32, #tpu.memory_space<hbm>>
    tpu.enqueue_dma source(%dma_start3A_38 : memref<128xi32, #tpu.memory_space<hbm>>) target(%dma_start3A_35 : memref<128xi32, #tpu.memory_space<vmem>>) target_semaphore(%arg13 : memref<!tpu.dma_semaphore, #tpu.memory_space<semaphore_mem>>)
    %add3A_39 = arith.constant 0 : i32
    %add3A_40 = arith.addi %mul3A_9, %add3A_39 : i32
    %dma_wait3A = arith.constant 0 : i32
    %dma_wait3A_41 = arith.constant 0 : i32
    %dma_wait3A_42 = tpu.memref_slice %arg8[%dma_wait3A, %dma_wait3A_41] : memref<2x128xi32, #tpu.memory_space<vmem>> -> memref<1x128xi32, #tpu.memory_space<vmem>>
    %dma_wait3A_43 = tpu.memref_squeeze %dma_wait3A_42 : memref<1x128xi32, #tpu.memory_space<vmem>> -> memref<128xi32, #tpu.memory_space<vmem>>
    %dma_wait3A_44 = arith.constant 0 : i32
    %dma_wait3A_45 = tpu.memref_slice %arg3[%add3A_40, %dma_wait3A_44] : memref<2560x128xi32, #tpu.memory_space<hbm>> -> memref<1x128xi32, #tpu.memory_space<hbm>>
    %dma_wait3A_46 = tpu.memref_squeeze %dma_wait3A_45 : memref<1x128xi32, #tpu.memory_space<hbm>> -> memref<128xi32, #tpu.memory_space<hbm>>
    %dma_wait3A_47 = arith.constant 0 : i32
    %dma_wait3A_48 = tpu.memref_slice %arg8[%dma_wait3A, %dma_wait3A_47] : memref<2x128xi32, #tpu.memory_space<vmem>> -> memref<1x128xi32, #tpu.memory_space<vmem>>
    %dma_wait3A_49 = tpu.memref_squeeze %dma_wait3A_48 : memref<1x128xi32, #tpu.memory_space<vmem>> -> memref<128xi32, #tpu.memory_space<vmem>>
    %dma_wait3A_50 = arith.constant 0 : i32
    %dma_wait3A_51 = tpu.memref_slice %arg3[%add3A_40, %dma_wait3A_50] : memref<2560x128xi32, #tpu.memory_space<hbm>> -> memref<1x128xi32, #tpu.memory_space<hbm>>
    %dma_wait3A_52 = tpu.memref_squeeze %dma_wait3A_51 : memref<1x128xi32, #tpu.memory_space<hbm>> -> memref<128xi32, #tpu.memory_space<hbm>>
    tpu.wait_dma2 semaphore(%arg12 : memref<!tpu.dma_semaphore, #tpu.memory_space<semaphore_mem>>) src(%dma_wait3A_52 : memref<128xi32, #tpu.memory_space<hbm>>) dst(%dma_wait3A_49 : memref<128xi32, #tpu.memory_space<vmem>>)
    %dma_start3A_53 = arith.constant 0 : i32
    %dma_start3A_54 = arith.constant 0 : i32
    %dma_start3A_55 = tpu.memref_slice %arg8[%dma_start3A_53, %dma_start3A_54] : memref<2x128xi32, #tpu.memory_space<vmem>> -> memref<1x128xi32, #tpu.memory_space<vmem>>
    %dma_start3A_56 = tpu.memref_squeeze %dma_start3A_55 : memref<1x128xi32, #tpu.memory_space<vmem>> -> memref<128xi32, #tpu.memory_space<vmem>>
    %dma_start3A_57 = arith.constant 0 : i32
    %dma_start3A_58 = arith.constant 0 : i32
    %dma_start3A_59 = tpu.memref_slice %arg2[%dma_start3A_57, %dma_start3A_58] : memref<10240x128xf32, #tpu.memory_space<hbm>> -> memref<10240x128xf32, #tpu.memory_space<hbm>>
    tpu.enqueue_indirect_dma source(%dma_start3A_59 : memref<10240x128xf32, #tpu.memory_space<hbm>>) target(%arg9 : memref<128x128xf32, #tpu.memory_space<vmem>>) offsets(%dma_start3A_56 : memref<128xi32, #tpu.memory_space<vmem>>) semaphore(%arg14 : memref<!tpu.dma_semaphore, #tpu.memory_space<semaphore_mem>>)
    %scan3A = arith.constant 0 : i32
    %scan3A_60 = arith.constant 0 : i32
    %scan3A_61 = arith.constant 40 : i32
    %scan3A_62 = arith.addi %scan3A_60, %scan3A_61 : i32
    %scan3A_63 = arith.constant 1 : i32
    %scan3A_64 = scf.for %scan3A_81 = %scan3A_60 to %scan3A_62 step %scan3A_63 iter_args(%scan3A_82 = %scan3A) -> (i32)  : i32 {
      %mul3A_83 = arith.constant 2 : i32
      %mul3A_84 = arith.muli %mul3A_83, %scan3A_81 : i32
      %dma_wait3A_85 = arith.constant 0 : i32
      %dma_wait3A_86 = arith.constant 0 : i32
      %dma_wait3A_87 = tpu.memref_slice %arg8[%dma_wait3A_85, %dma_wait3A_86] : memref<2x128xi32, #tpu.memory_space<vmem>> -> memref<1x128xi32, #tpu.memory_space<vmem>>
      %dma_wait3A_88 = tpu.memref_squeeze %dma_wait3A_87 : memref<1x128xi32, #tpu.memory_space<vmem>> -> memref<128xi32, #tpu.memory_space<vmem>>
      %dma_wait3A_89 = arith.constant 0 : i32
      %dma_wait3A_90 = arith.constant 0 : i32
      %dma_wait3A_91 = tpu.memref_slice %arg2[%dma_wait3A_89, %dma_wait3A_90] : memref<10240x128xf32, #tpu.memory_space<hbm>> -> memref<10240x128xf32, #tpu.memory_space<hbm>>
      tpu.wait_indirect_dma semaphore(%arg14 : memref<!tpu.dma_semaphore, #tpu.memory_space<semaphore_mem>>) src(%dma_wait3A_91 : memref<10240x128xf32, #tpu.memory_space<hbm>>) dst(%arg9 : memref<128x128xf32, #tpu.memory_space<vmem>>)
      %dma_start3A_92 = arith.constant 0 : i32
      %dma_start3A_93 = tpu.memref_slice %arg7[%mul3A_84, %dma_start3A_92] : memref<80x128xi32, #tpu.memory_space<vmem>> -> memref<1x128xi32, #tpu.memory_space<vmem>>
      %dma_start3A_94 = tpu.memref_squeeze %dma_start3A_93 : memref<1x128xi32, #tpu.memory_space<vmem>> -> memref<128xi32, #tpu.memory_space<vmem>>
      %dma_start3A_95 = arith.constant 0 : i32
      %dma_start3A_96 = arith.constant 0 : i32
      %dma_start3A_97 = tpu.memref_slice %arg11[%dma_start3A_95, %dma_start3A_96] : memref<10240x128xf32, #tpu.memory_space<vmem_shared>> -> memref<10240x128xf32, #tpu.memory_space<vmem_shared>>
      tpu.enqueue_indirect_dma source(%arg9 : memref<128x128xf32, #tpu.memory_space<vmem>>) target(%dma_start3A_97 : memref<10240x128xf32, #tpu.memory_space<vmem_shared>>) offsets(%dma_start3A_94 : memref<128xi32, #tpu.memory_space<vmem>>) semaphore(%arg16 : memref<!tpu.dma_semaphore, #tpu.memory_space<semaphore_mem>>) {add = true}
      %add3A_98 = arith.constant 2 : i32
      %add3A_99 = arith.addi %mul3A_84, %add3A_98 : i32
      %lt3A = arith.constant 80 : i32
      %lt3A_100 = arith.cmpi slt, %add3A_99, %lt3A : i32
      %convert_element_type3A_101 = arith.extui %lt3A_100 : i1 to i32
      %cond3A_102 = arith.constant 0 : i32
      %cond3A_103 = arith.cmpi ne, %convert_element_type3A_101, %cond3A_102 : i32
      scf.if %cond3A_103 {
        %add3A_152 = arith.constant 2 : i32
        %add3A_153 = arith.addi %mul3A_84, %add3A_152 : i32
        %add3A_154 = arith.addi %mul3A_9, %add3A_153 : i32
        %dma_start3A_155 = arith.constant 0 : i32
        %dma_start3A_156 = arith.constant 0 : i32
        %dma_start3A_157 = tpu.memref_slice %arg8[%dma_start3A_155, %dma_start3A_156] : memref<2x128xi32, #tpu.memory_space<vmem>> -> memref<1x128xi32, #tpu.memory_space<vmem>>
        %dma_start3A_158 = tpu.memref_squeeze %dma_start3A_157 : memref<1x128xi32, #tpu.memory_space<vmem>> -> memref<128xi32, #tpu.memory_space<vmem>>
        %dma_start3A_159 = arith.constant 0 : i32
        %dma_start3A_160 = tpu.memref_slice %arg3[%add3A_154, %dma_start3A_159] : memref<2560x128xi32, #tpu.memory_space<hbm>> -> memref<1x128xi32, #tpu.memory_space<hbm>>
        %dma_start3A_161 = tpu.memref_squeeze %dma_start3A_160 : memref<1x128xi32, #tpu.memory_space<hbm>> -> memref<128xi32, #tpu.memory_space<hbm>>
        %dma_start3A_162 = arith.constant 0 : i32
        %dma_start3A_163 = tpu.memref_slice %arg8[%dma_start3A_155, %dma_start3A_162] : memref<2x128xi32, #tpu.memory_space<vmem>> -> memref<1x128xi32, #tpu.memory_space<vmem>>
        %dma_start3A_164 = tpu.memref_squeeze %dma_start3A_163 : memref<1x128xi32, #tpu.memory_space<vmem>> -> memref<128xi32, #tpu.memory_space<vmem>>
        %dma_start3A_165 = arith.constant 0 : i32
        %dma_start3A_166 = tpu.memref_slice %arg3[%add3A_154, %dma_start3A_165] : memref<2560x128xi32, #tpu.memory_space<hbm>> -> memref<1x128xi32, #tpu.memory_space<hbm>>
        %dma_start3A_167 = tpu.memref_squeeze %dma_start3A_166 : memref<1x128xi32, #tpu.memory_space<hbm>> -> memref<128xi32, #tpu.memory_space<hbm>>
        tpu.enqueue_dma source(%dma_start3A_167 : memref<128xi32, #tpu.memory_space<hbm>>) target(%dma_start3A_164 : memref<128xi32, #tpu.memory_space<vmem>>) target_semaphore(%arg12 : memref<!tpu.dma_semaphore, #tpu.memory_space<semaphore_mem>>)
      } else {
      }
      %gt3A = arith.constant 0 : i32
      %gt3A_104 = arith.cmpi sgt, %mul3A_84, %gt3A : i32
      %convert_element_type3A_105 = arith.extui %gt3A_104 : i1 to i32
      %cond3A_106 = arith.constant 0 : i32
      %cond3A_107 = arith.cmpi ne, %convert_element_type3A_105, %cond3A_106 : i32
      scf.if %cond3A_107 {
        %sub3A = arith.constant 1 : i32
        %sub3A_152 = arith.subi %mul3A_84, %sub3A : i32
        %dma_wait3A_153 = arith.constant 0 : i32
        %dma_wait3A_154 = tpu.memref_slice %arg7[%sub3A_152, %dma_wait3A_153] : memref<80x128xi32, #tpu.memory_space<vmem>> -> memref<1x128xi32, #tpu.memory_space<vmem>>
        %dma_wait3A_155 = tpu.memref_squeeze %dma_wait3A_154 : memref<1x128xi32, #tpu.memory_space<vmem>> -> memref<128xi32, #tpu.memory_space<vmem>>
        %dma_wait3A_156 = arith.constant 0 : i32
        %dma_wait3A_157 = arith.constant 0 : i32
        %dma_wait3A_158 = tpu.memref_slice %arg11[%dma_wait3A_156, %dma_wait3A_157] : memref<10240x128xf32, #tpu.memory_space<vmem_shared>> -> memref<10240x128xf32, #tpu.memory_space<vmem_shared>>
        tpu.wait_indirect_dma semaphore(%arg17 : memref<!tpu.dma_semaphore, #tpu.memory_space<semaphore_mem>>) src(%arg10 : memref<128x128xf32, #tpu.memory_space<vmem>>) dst(%dma_wait3A_158 : memref<10240x128xf32, #tpu.memory_space<vmem_shared>>)
      } else {
      }
      %add3A_108 = arith.constant 1 : i32
      %add3A_109 = arith.addi %mul3A_84, %add3A_108 : i32
      %lt3A_110 = arith.constant 80 : i32
      %lt3A_111 = arith.cmpi slt, %add3A_109, %lt3A_110 : i32
      %convert_element_type3A_112 = arith.extui %lt3A_111 : i1 to i32
      %cond3A_113 = arith.constant 0 : i32
      %cond3A_114 = arith.cmpi ne, %convert_element_type3A_112, %cond3A_113 : i32
      scf.if %cond3A_114 {
        %add3A_152 = arith.constant 1 : i32
        %add3A_153 = arith.addi %mul3A_84, %add3A_152 : i32
        %add3A_154 = arith.addi %mul3A_9, %add3A_153 : i32
        %dma_wait3A_155 = arith.constant 1 : i32
        %dma_wait3A_156 = arith.constant 0 : i32
        %dma_wait3A_157 = tpu.memref_slice %arg8[%dma_wait3A_155, %dma_wait3A_156] : memref<2x128xi32, #tpu.memory_space<vmem>> -> memref<1x128xi32, #tpu.memory_space<vmem>>
        %dma_wait3A_158 = tpu.memref_squeeze %dma_wait3A_157 : memref<1x128xi32, #tpu.memory_space<vmem>> -> memref<128xi32, #tpu.memory_space<vmem>>
        %dma_wait3A_159 = arith.constant 0 : i32
        %dma_wait3A_160 = tpu.memref_slice %arg3[%add3A_154, %dma_wait3A_159] : memref<2560x128xi32, #tpu.memory_space<hbm>> -> memref<1x128xi32, #tpu.memory_space<hbm>>
        %dma_wait3A_161 = tpu.memref_squeeze %dma_wait3A_160 : memref<1x128xi32, #tpu.memory_space<hbm>> -> memref<128xi32, #tpu.memory_space<hbm>>
        %dma_wait3A_162 = arith.constant 0 : i32
        %dma_wait3A_163 = tpu.memref_slice %arg8[%dma_wait3A_155, %dma_wait3A_162] : memref<2x128xi32, #tpu.memory_space<vmem>> -> memref<1x128xi32, #tpu.memory_space<vmem>>
        %dma_wait3A_164 = tpu.memref_squeeze %dma_wait3A_163 : memref<1x128xi32, #tpu.memory_space<vmem>> -> memref<128xi32, #tpu.memory_space<vmem>>
        %dma_wait3A_165 = arith.constant 0 : i32
        %dma_wait3A_166 = tpu.memref_slice %arg3[%add3A_154, %dma_wait3A_165] : memref<2560x128xi32, #tpu.memory_space<hbm>> -> memref<1x128xi32, #tpu.memory_space<hbm>>
        %dma_wait3A_167 = tpu.memref_squeeze %dma_wait3A_166 : memref<1x128xi32, #tpu.memory_space<hbm>> -> memref<128xi32, #tpu.memory_space<hbm>>
        tpu.wait_dma2 semaphore(%arg13 : memref<!tpu.dma_semaphore, #tpu.memory_space<semaphore_mem>>) src(%dma_wait3A_167 : memref<128xi32, #tpu.memory_space<hbm>>) dst(%dma_wait3A_164 : memref<128xi32, #tpu.memory_space<vmem>>)
        %dma_start3A_168 = arith.constant 1 : i32
        %dma_start3A_169 = arith.constant 0 : i32
        %dma_start3A_170 = tpu.memref_slice %arg8[%dma_start3A_168, %dma_start3A_169] : memref<2x128xi32, #tpu.memory_space<vmem>> -> memref<1x128xi32, #tpu.memory_space<vmem>>
        %dma_start3A_171 = tpu.memref_squeeze %dma_start3A_170 : memref<1x128xi32, #tpu.memory_space<vmem>> -> memref<128xi32, #tpu.memory_space<vmem>>
        %dma_start3A_172 = arith.constant 0 : i32
        %dma_start3A_173 = arith.constant 0 : i32
        %dma_start3A_174 = tpu.memref_slice %arg2[%dma_start3A_172, %dma_start3A_173] : memref<10240x128xf32, #tpu.memory_space<hbm>> -> memref<10240x128xf32, #tpu.memory_space<hbm>>
        tpu.enqueue_indirect_dma source(%dma_start3A_174 : memref<10240x128xf32, #tpu.memory_space<hbm>>) target(%arg10 : memref<128x128xf32, #tpu.memory_space<vmem>>) offsets(%dma_start3A_171 : memref<128xi32, #tpu.memory_space<vmem>>) semaphore(%arg15 : memref<!tpu.dma_semaphore, #tpu.memory_space<semaphore_mem>>)
      } else {
      }
      %mul3A_115 = arith.constant 2 : i32
      %mul3A_116 = arith.muli %mul3A_115, %scan3A_81 : i32
      %add3A_117 = arith.constant 1 : i32
      %add3A_118 = arith.addi %mul3A_116, %add3A_117 : i32
      %dma_wait3A_119 = arith.constant 1 : i32
      %dma_wait3A_120 = arith.constant 0 : i32
      %dma_wait3A_121 = tpu.memref_slice %arg8[%dma_wait3A_119, %dma_wait3A_120] : memref<2x128xi32, #tpu.memory_space<vmem>> -> memref<1x128xi32, #tpu.memory_space<vmem>>
      %dma_wait3A_122 = tpu.memref_squeeze %dma_wait3A_121 : memref<1x128xi32, #tpu.memory_space<vmem>> -> memref<128xi32, #tpu.memory_space<vmem>>
      %dma_wait3A_123 = arith.constant 0 : i32
      %dma_wait3A_124 = arith.constant 0 : i32
      %dma_wait3A_125 = tpu.memref_slice %arg2[%dma_wait3A_123, %dma_wait3A_124] : memref<10240x128xf32, #tpu.memory_space<hbm>> -> memref<10240x128xf32, #tpu.memory_space<hbm>>
      tpu.wait_indirect_dma semaphore(%arg15 : memref<!tpu.dma_semaphore, #tpu.memory_space<semaphore_mem>>) src(%dma_wait3A_125 : memref<10240x128xf32, #tpu.memory_space<hbm>>) dst(%arg10 : memref<128x128xf32, #tpu.memory_space<vmem>>)
      %dma_start3A_126 = arith.constant 0 : i32
      %dma_start3A_127 = tpu.memref_slice %arg7[%add3A_118, %dma_start3A_126] : memref<80x128xi32, #tpu.memory_space<vmem>> -> memref<1x128xi32, #tpu.memory_space<vmem>>
      %dma_start3A_128 = tpu.memref_squeeze %dma_start3A_127 : memref<1x128xi32, #tpu.memory_space<vmem>> -> memref<128xi32, #tpu.memory_space<vmem>>
      %dma_start3A_129 = arith.constant 0 : i32
      %dma_start3A_130 = arith.constant 0 : i32
      %dma_start3A_131 = tpu.memref_slice %arg11[%dma_start3A_129, %dma_start3A_130] : memref<10240x128xf32, #tpu.memory_space<vmem_shared>> -> memref<10240x128xf32, #tpu.memory_space<vmem_shared>>
      tpu.enqueue_indirect_dma source(%arg10 : memref<128x128xf32, #tpu.memory_space<vmem>>) target(%dma_start3A_131 : memref<10240x128xf32, #tpu.memory_space<vmem_shared>>) offsets(%dma_start3A_128 : memref<128xi32, #tpu.memory_space<vmem>>) semaphore(%arg17 : memref<!tpu.dma_semaphore, #tpu.memory_space<semaphore_mem>>) {add = true}
      %add3A_132 = arith.constant 2 : i32
      %add3A_133 = arith.addi %add3A_118, %add3A_132 : i32
      %lt3A_134 = arith.constant 80 : i32
      %lt3A_135 = arith.cmpi slt, %add3A_133, %lt3A_134 : i32
      %convert_element_type3A_136 = arith.extui %lt3A_135 : i1 to i32
      %cond3A_137 = arith.constant 0 : i32
      %cond3A_138 = arith.cmpi ne, %convert_element_type3A_136, %cond3A_137 : i32
      scf.if %cond3A_138 {
        %add3A_152 = arith.constant 2 : i32
        %add3A_153 = arith.addi %add3A_118, %add3A_152 : i32
        %add3A_154 = arith.addi %mul3A_9, %add3A_153 : i32
        %dma_start3A_155 = arith.constant 1 : i32
        %dma_start3A_156 = arith.constant 0 : i32
        %dma_start3A_157 = tpu.memref_slice %arg8[%dma_start3A_155, %dma_start3A_156] : memref<2x128xi32, #tpu.memory_space<vmem>> -> memref<1x128xi32, #tpu.memory_space<vmem>>
        %dma_start3A_158 = tpu.memref_squeeze %dma_start3A_157 : memref<1x128xi32, #tpu.memory_space<vmem>> -> memref<128xi32, #tpu.memory_space<vmem>>
        %dma_start3A_159 = arith.constant 0 : i32
        %dma_start3A_160 = tpu.memref_slice %arg3[%add3A_154, %dma_start3A_159] : memref<2560x128xi32, #tpu.memory_space<hbm>> -> memref<1x128xi32, #tpu.memory_space<hbm>>
        %dma_start3A_161 = tpu.memref_squeeze %dma_start3A_160 : memref<1x128xi32, #tpu.memory_space<hbm>> -> memref<128xi32, #tpu.memory_space<hbm>>
        %dma_start3A_162 = arith.constant 0 : i32
        %dma_start3A_163 = tpu.memref_slice %arg8[%dma_start3A_155, %dma_start3A_162] : memref<2x128xi32, #tpu.memory_space<vmem>> -> memref<1x128xi32, #tpu.memory_space<vmem>>
        %dma_start3A_164 = tpu.memref_squeeze %dma_start3A_163 : memref<1x128xi32, #tpu.memory_space<vmem>> -> memref<128xi32, #tpu.memory_space<vmem>>
        %dma_start3A_165 = arith.constant 0 : i32
        %dma_start3A_166 = tpu.memref_slice %arg3[%add3A_154, %dma_start3A_165] : memref<2560x128xi32, #tpu.memory_space<hbm>> -> memref<1x128xi32, #tpu.memory_space<hbm>>
        %dma_start3A_167 = tpu.memref_squeeze %dma_start3A_166 : memref<1x128xi32, #tpu.memory_space<hbm>> -> memref<128xi32, #tpu.memory_space<hbm>>
        tpu.enqueue_dma source(%dma_start3A_167 : memref<128xi32, #tpu.memory_space<hbm>>) target(%dma_start3A_164 : memref<128xi32, #tpu.memory_space<vmem>>) target_semaphore(%arg13 : memref<!tpu.dma_semaphore, #tpu.memory_space<semaphore_mem>>)
      } else {
      }
      %gt3A_139 = arith.constant 0 : i32
      %gt3A_140 = arith.cmpi sgt, %add3A_118, %gt3A_139 : i32
      %convert_element_type3A_141 = arith.extui %gt3A_140 : i1 to i32
      %cond3A_142 = arith.constant 0 : i32
      %cond3A_143 = arith.cmpi ne, %convert_element_type3A_141, %cond3A_142 : i32
      scf.if %cond3A_143 {
        %sub3A = arith.constant 1 : i32
        %sub3A_152 = arith.subi %add3A_118, %sub3A : i32
        %dma_wait3A_153 = arith.constant 0 : i32
        %dma_wait3A_154 = tpu.memref_slice %arg7[%sub3A_152, %dma_wait3A_153] : memref<80x128xi32, #tpu.memory_space<vmem>> -> memref<1x128xi32, #tpu.memory_space<vmem>>
        %dma_wait3A_155 = tpu.memref_squeeze %dma_wait3A_154 : memref<1x128xi32, #tpu.memory_space<vmem>> -> memref<128xi32, #tpu.memory_space<vmem>>
        %dma_wait3A_156 = arith.constant 0 : i32
        %dma_wait3A_157 = arith.constant 0 : i32
        %dma_wait3A_158 = tpu.memref_slice %arg11[%dma_wait3A_156, %dma_wait3A_157] : memref<10240x128xf32, #tpu.memory_space<vmem_shared>> -> memref<10240x128xf32, #tpu.memory_space<vmem_shared>>
        tpu.wait_indirect_dma semaphore(%arg16 : memref<!tpu.dma_semaphore, #tpu.memory_space<semaphore_mem>>) src(%arg9 : memref<128x128xf32, #tpu.memory_space<vmem>>) dst(%dma_wait3A_158 : memref<10240x128xf32, #tpu.memory_space<vmem_shared>>)
      } else {
      }
      %add3A_144 = arith.constant 1 : i32
      %add3A_145 = arith.addi %add3A_118, %add3A_144 : i32
      %lt3A_146 = arith.constant 80 : i32
      %lt3A_147 = arith.cmpi slt, %add3A_145, %lt3A_146 : i32
      %convert_element_type3A_148 = arith.extui %lt3A_147 : i1 to i32
      %cond3A_149 = arith.constant 0 : i32
      %cond3A_150 = arith.cmpi ne, %convert_element_type3A_148, %cond3A_149 : i32
      scf.if %cond3A_150 {
        %add3A_152 = arith.constant 1 : i32
        %add3A_153 = arith.addi %add3A_118, %add3A_152 : i32
        %add3A_154 = arith.addi %mul3A_9, %add3A_153 : i32
        %dma_wait3A_155 = arith.constant 0 : i32
        %dma_wait3A_156 = arith.constant 0 : i32
        %dma_wait3A_157 = tpu.memref_slice %arg8[%dma_wait3A_155, %dma_wait3A_156] : memref<2x128xi32, #tpu.memory_space<vmem>> -> memref<1x128xi32, #tpu.memory_space<vmem>>
        %dma_wait3A_158 = tpu.memref_squeeze %dma_wait3A_157 : memref<1x128xi32, #tpu.memory_space<vmem>> -> memref<128xi32, #tpu.memory_space<vmem>>
        %dma_wait3A_159 = arith.constant 0 : i32
        %dma_wait3A_160 = tpu.memref_slice %arg3[%add3A_154, %dma_wait3A_159] : memref<2560x128xi32, #tpu.memory_space<hbm>> -> memref<1x128xi32, #tpu.memory_space<hbm>>
        %dma_wait3A_161 = tpu.memref_squeeze %dma_wait3A_160 : memref<1x128xi32, #tpu.memory_space<hbm>> -> memref<128xi32, #tpu.memory_space<hbm>>
        %dma_wait3A_162 = arith.constant 0 : i32
        %dma_wait3A_163 = tpu.memref_slice %arg8[%dma_wait3A_155, %dma_wait3A_162] : memref<2x128xi32, #tpu.memory_space<vmem>> -> memref<1x128xi32, #tpu.memory_space<vmem>>
        %dma_wait3A_164 = tpu.memref_squeeze %dma_wait3A_163 : memref<1x128xi32, #tpu.memory_space<vmem>> -> memref<128xi32, #tpu.memory_space<vmem>>
        %dma_wait3A_165 = arith.constant 0 : i32
        %dma_wait3A_166 = tpu.memref_slice %arg3[%add3A_154, %dma_wait3A_165] : memref<2560x128xi32, #tpu.memory_space<hbm>> -> memref<1x128xi32, #tpu.memory_space<hbm>>
        %dma_wait3A_167 = tpu.memref_squeeze %dma_wait3A_166 : memref<1x128xi32, #tpu.memory_space<hbm>> -> memref<128xi32, #tpu.memory_space<hbm>>
        tpu.wait_dma2 semaphore(%arg12 : memref<!tpu.dma_semaphore, #tpu.memory_space<semaphore_mem>>) src(%dma_wait3A_167 : memref<128xi32, #tpu.memory_space<hbm>>) dst(%dma_wait3A_164 : memref<128xi32, #tpu.memory_space<vmem>>)
        %dma_start3A_168 = arith.constant 0 : i32
        %dma_start3A_169 = arith.constant 0 : i32
        %dma_start3A_170 = tpu.memref_slice %arg8[%dma_start3A_168, %dma_start3A_169] : memref<2x128xi32, #tpu.memory_space<vmem>> -> memref<1x128xi32, #tpu.memory_space<vmem>>
        %dma_start3A_171 = tpu.memref_squeeze %dma_start3A_170 : memref<1x128xi32, #tpu.memory_space<vmem>> -> memref<128xi32, #tpu.memory_space<vmem>>
        %dma_start3A_172 = arith.constant 0 : i32
        %dma_start3A_173 = arith.constant 0 : i32
        %dma_start3A_174 = tpu.memref_slice %arg2[%dma_start3A_172, %dma_start3A_173] : memref<10240x128xf32, #tpu.memory_space<hbm>> -> memref<10240x128xf32, #tpu.memory_space<hbm>>
        tpu.enqueue_indirect_dma source(%dma_start3A_174 : memref<10240x128xf32, #tpu.memory_space<hbm>>) target(%arg9 : memref<128x128xf32, #tpu.memory_space<vmem>>) offsets(%dma_start3A_171 : memref<128xi32, #tpu.memory_space<vmem>>) semaphore(%arg14 : memref<!tpu.dma_semaphore, #tpu.memory_space<semaphore_mem>>)
      } else {
      }
      %scan3A_151 = arith.constant 0 : i32
      scf.yield %scan3A_151 : i32
    }
    %scan3A_65 = arith.constant 40 : i32
    %dma_wait3A_66 = arith.constant 79 : i32
    %dma_wait3A_67 = arith.constant 0 : i32
    %dma_wait3A_68 = tpu.memref_slice %arg7[%dma_wait3A_66, %dma_wait3A_67] : memref<80x128xi32, #tpu.memory_space<vmem>> -> memref<1x128xi32, #tpu.memory_space<vmem>>
    %dma_wait3A_69 = tpu.memref_squeeze %dma_wait3A_68 : memref<1x128xi32, #tpu.memory_space<vmem>> -> memref<128xi32, #tpu.memory_space<vmem>>
    %dma_wait3A_70 = arith.constant 0 : i32
    %dma_wait3A_71 = arith.constant 0 : i32
    %dma_wait3A_72 = tpu.memref_slice %arg11[%dma_wait3A_70, %dma_wait3A_71] : memref<10240x128xf32, #tpu.memory_space<vmem_shared>> -> memref<10240x128xf32, #tpu.memory_space<vmem_shared>>
    tpu.wait_indirect_dma semaphore(%arg17 : memref<!tpu.dma_semaphore, #tpu.memory_space<semaphore_mem>>) src(%arg10 : memref<128x128xf32, #tpu.memory_space<vmem>>) dst(%dma_wait3A_72 : memref<10240x128xf32, #tpu.memory_space<vmem_shared>>)
    %barrier3A_73 = arith.constant 0 : index
    tpu.barrier barrier_id(%barrier3A_73)
    %mul3A_74 = arith.constant 640 : i32
    %mul3A_75 = arith.muli %arg1, %mul3A_74 : i32
    %mul3A_76 = arith.constant 10240 : i32
    %mul3A_77 = arith.muli %arg0, %mul3A_76 : i32
    %mul3A_78 = arith.constant 640 : i32
    %mul3A_79 = arith.muli %arg1, %mul3A_78 : i32
    %add3A_80 = arith.addi %mul3A_77, %mul3A_79 : i32
    "tpu.region"() ({
      %run_scoped3A = tpu.sem_alloc : memref<!tpu.dma_semaphore, #tpu.memory_space<semaphore_mem>>
      %dma_start3A_81 = arith.constant 0 : i32
      %dma_start3A_82 = tpu.memref_slice %arg6[%add3A_80, %dma_start3A_81] : memref<20480x128xf32, #tpu.memory_space<hbm>> -> memref<640x128xf32, #tpu.memory_space<hbm>>
      %dma_start3A_83 = arith.constant 0 : i32
      %dma_start3A_84 = tpu.memref_slice %arg11[%mul3A_75, %dma_start3A_83] : memref<10240x128xf32, #tpu.memory_space<vmem_shared>> -> memref<640x128xf32, #tpu.memory_space<vmem_shared>>
      tpu.enqueue_dma source(%dma_start3A_84 : memref<640x128xf32, #tpu.memory_space<vmem_shared>>) target(%dma_start3A_82 : memref<640x128xf32, #tpu.memory_space<hbm>>) target_semaphore(%run_scoped3A : memref<!tpu.dma_semaphore, #tpu.memory_space<semaphore_mem>>)
      %dma_wait3A_85 = arith.constant 0 : i32
      %dma_wait3A_86 = tpu.memref_slice %arg6[%add3A_80, %dma_wait3A_85] : memref<20480x128xf32, #tpu.memory_space<hbm>> -> memref<640x128xf32, #tpu.memory_space<hbm>>
      %dma_wait3A_87 = arith.constant 0 : i32
      %dma_wait3A_88 = tpu.memref_slice %arg11[%mul3A_75, %dma_wait3A_87] : memref<10240x128xf32, #tpu.memory_space<vmem_shared>> -> memref<640x128xf32, #tpu.memory_space<vmem_shared>>
      tpu.wait_dma2 semaphore(%run_scoped3A : memref<!tpu.dma_semaphore, #tpu.memory_space<semaphore_mem>>) src(%dma_wait3A_88 : memref<640x128xf32, #tpu.memory_space<vmem_shared>>) dst(%dma_wait3A_86 : memref<640x128xf32, #tpu.memory_space<hbm>>)
      tpu.yield
    }) : () -> ()
    return
  }
}

#map = affine_map<(d0, d1) -> (0, 0)>
module attributes {stable_mosaic.version = 14 : i64} {
  func.func @_spmm_body(%arg0: i32, %arg1: i32, %arg2: memref<10240x128xf32, #tpu.memory_space<hbm>>, %arg3: memref<2560x128xi32, #tpu.memory_space<hbm>>, %arg4: memref<2560x128xi32, #tpu.memory_space<hbm>>, %arg5: memref<10240x128xf32, #tpu.memory_space<hbm>>, %arg6: memref<20480x128xf32, #tpu.memory_space<hbm>>, %arg7: memref<80x128xi32, #tpu.memory_space<vmem>>, %arg8: memref<2x128xi32, #tpu.memory_space<vmem>>, %arg9: memref<128x128xf32, #tpu.memory_space<vmem>>, %arg10: memref<128x128xf32, #tpu.memory_space<vmem>>, %arg11: memref<10240x128xf32, #tpu.memory_space<vmem_shared>>, %arg12: memref<!tpu.dma_semaphore, #tpu.memory_space<semaphore_mem>>, %arg13: memref<!tpu.dma_semaphore, #tpu.memory_space<semaphore_mem>>, %arg14: memref<!tpu.dma_semaphore, #tpu.memory_space<semaphore_mem>>, %arg15: memref<!tpu.dma_semaphore, #tpu.memory_space<semaphore_mem>>, %arg16: memref<!tpu.dma_semaphore, #tpu.memory_space<semaphore_mem>>, %arg17: memref<!tpu.dma_semaphore, #tpu.memory_space<semaphore_mem>>) attributes {dimension_semantics = [#tpu.dimension_semantics<core_parallel>, #tpu.dimension_semantics<subcore_parallel>], iteration_bounds = array<i64: 2, 16>, scalar_prefetch = 0 : i64, scratch_operands = 11 : i64, tpu.core_type = #tpu.core_type<sc_vector_subcore>, window_params = [{transform_indices = #map}, {transform_indices = #map}, {transform_indices = #map}, {transform_indices = #map}, {transform_indices = #map}]} {
    %eq3A = arith.constant 0 : i32
    %eq3A_0 = arith.cmpi eq, %arg0, %eq3A : i32
    %convert_element_type3A = arith.extui %eq3A_0 : i1 to i32
    %cond3A = arith.constant 0 : i32
    %cond3A_1 = arith.cmpi ne, %convert_element_type3A, %cond3A : i32
    scf.if %cond3A_1 {
      %mul3A_81 = arith.constant 640 : i32
      %mul3A_82 = arith.muli %arg1, %mul3A_81 : i32
      %mul3A_83 = arith.constant 640 : i32
      %mul3A_84 = arith.muli %arg1, %mul3A_83 : i32
      "tpu.region"() ({
        %run_scoped3A = tpu.sem_alloc : memref<!tpu.dma_semaphore, #tpu.memory_space<semaphore_mem>>
        %dma_start3A_85 = arith.constant 0 : i32
        %dma_start3A_86 = tpu.memref_slice %arg11[%mul3A_84, %dma_start3A_85] : memref<10240x128xf32, #tpu.memory_space<vmem_shared>> -> memref<640x128xf32, #tpu.memory_space<vmem_shared>>
        %dma_start3A_87 = arith.constant 0 : i32
        %dma_start3A_88 = tpu.memref_slice %arg2[%mul3A_82, %dma_start3A_87] : memref<10240x128xf32, #tpu.memory_space<hbm>> -> memref<640x128xf32, #tpu.memory_space<hbm>>
        tpu.enqueue_dma source(%dma_start3A_88 : memref<640x128xf32, #tpu.memory_space<hbm>>) target(%dma_start3A_86 : memref<640x128xf32, #tpu.memory_space<vmem_shared>>) target_semaphore(%run_scoped3A : memref<!tpu.dma_semaphore, #tpu.memory_space<semaphore_mem>>)
        %dma_wait3A_89 = arith.constant 0 : i32
        %dma_wait3A_90 = tpu.memref_slice %arg11[%mul3A_84, %dma_wait3A_89] : memref<10240x128xf32, #tpu.memory_space<vmem_shared>> -> memref<640x128xf32, #tpu.memory_space<vmem_shared>>
        %dma_wait3A_91 = arith.constant 0 : i32
        %dma_wait3A_92 = tpu.memref_slice %arg2[%mul3A_82, %dma_wait3A_91] : memref<10240x128xf32, #tpu.memory_space<hbm>> -> memref<640x128xf32, #tpu.memory_space<hbm>>
        tpu.wait_dma2 semaphore(%run_scoped3A : memref<!tpu.dma_semaphore, #tpu.memory_space<semaphore_mem>>) src(%dma_wait3A_92 : memref<640x128xf32, #tpu.memory_space<hbm>>) dst(%dma_wait3A_90 : memref<640x128xf32, #tpu.memory_space<vmem_shared>>)
        tpu.yield
      }) : () -> ()
    } else {
    }
    %eq3A_2 = arith.constant 1 : i32
    %eq3A_3 = arith.cmpi eq, %arg0, %eq3A_2 : i32
    %convert_element_type3A_4 = arith.extui %eq3A_3 : i1 to i32
    %cond3A_5 = arith.constant 0 : i32
    %cond3A_6 = arith.cmpi ne, %convert_element_type3A_4, %cond3A_5 : i32
    scf.if %cond3A_6 {
      %mul3A_81 = arith.constant 640 : i32
      %mul3A_82 = arith.muli %arg1, %mul3A_81 : i32
      %mul3A_83 = arith.constant 640 : i32
      %mul3A_84 = arith.muli %arg1, %mul3A_83 : i32
      "tpu.region"() ({
        %run_scoped3A = tpu.sem_alloc : memref<!tpu.dma_semaphore, #tpu.memory_space<semaphore_mem>>
        %dma_start3A_85 = arith.constant 0 : i32
        %dma_start3A_86 = tpu.memref_slice %arg11[%mul3A_84, %dma_start3A_85] : memref<10240x128xf32, #tpu.memory_space<vmem_shared>> -> memref<640x128xf32, #tpu.memory_space<vmem_shared>>
        %dma_start3A_87 = arith.constant 0 : i32
        %dma_start3A_88 = tpu.memref_slice %arg5[%mul3A_82, %dma_start3A_87] : memref<10240x128xf32, #tpu.memory_space<hbm>> -> memref<640x128xf32, #tpu.memory_space<hbm>>
        tpu.enqueue_dma source(%dma_start3A_88 : memref<640x128xf32, #tpu.memory_space<hbm>>) target(%dma_start3A_86 : memref<640x128xf32, #tpu.memory_space<vmem_shared>>) target_semaphore(%run_scoped3A : memref<!tpu.dma_semaphore, #tpu.memory_space<semaphore_mem>>)
        %dma_wait3A_89 = arith.constant 0 : i32
        %dma_wait3A_90 = tpu.memref_slice %arg11[%mul3A_84, %dma_wait3A_89] : memref<10240x128xf32, #tpu.memory_space<vmem_shared>> -> memref<640x128xf32, #tpu.memory_space<vmem_shared>>
        %dma_wait3A_91 = arith.constant 0 : i32
        %dma_wait3A_92 = tpu.memref_slice %arg5[%mul3A_82, %dma_wait3A_91] : memref<10240x128xf32, #tpu.memory_space<hbm>> -> memref<640x128xf32, #tpu.memory_space<hbm>>
        tpu.wait_dma2 semaphore(%run_scoped3A : memref<!tpu.dma_semaphore, #tpu.memory_space<semaphore_mem>>) src(%dma_wait3A_92 : memref<640x128xf32, #tpu.memory_space<hbm>>) dst(%dma_wait3A_90 : memref<640x128xf32, #tpu.memory_space<vmem_shared>>)
        tpu.yield
      }) : () -> ()
    } else {
    }
    %mul3A = arith.constant 16 : i32
    %mul3A_7 = arith.muli %arg0, %mul3A : i32
    %add3A = arith.addi %mul3A_7, %arg1 : i32
    %mul3A_8 = arith.constant 80 : i32
    %mul3A_9 = arith.muli %add3A, %mul3A_8 : i32
    "tpu.region"() ({
      %run_scoped3A = tpu.sem_alloc : memref<!tpu.dma_semaphore, #tpu.memory_space<semaphore_mem>>
      %dma_start3A_81 = arith.constant 0 : i32
      %dma_start3A_82 = tpu.memref_slice %arg4[%mul3A_9, %dma_start3A_81] : memref<2560x128xi32, #tpu.memory_space<hbm>> -> memref<80x128xi32, #tpu.memory_space<hbm>>
      %dma_start3A_83 = arith.constant 0 : i32
      %dma_start3A_84 = tpu.memref_slice %arg4[%mul3A_9, %dma_start3A_83] : memref<2560x128xi32, #tpu.memory_space<hbm>> -> memref<80x128xi32, #tpu.memory_space<hbm>>
      tpu.enqueue_dma source(%dma_start3A_84 : memref<80x128xi32, #tpu.memory_space<hbm>>) target(%arg7 : memref<80x128xi32, #tpu.memory_space<vmem>>) target_semaphore(%run_scoped3A : memref<!tpu.dma_semaphore, #tpu.memory_space<semaphore_mem>>)
      %dma_wait3A_85 = arith.constant 0 : i32
      %dma_wait3A_86 = tpu.memref_slice %arg4[%mul3A_9, %dma_wait3A_85] : memref<2560x128xi32, #tpu.memory_space<hbm>> -> memref<80x128xi32, #tpu.memory_space<hbm>>
      %dma_wait3A_87 = arith.constant 0 : i32
      %dma_wait3A_88 = tpu.memref_slice %arg4[%mul3A_9, %dma_wait3A_87] : memref<2560x128xi32, #tpu.memory_space<hbm>> -> memref<80x128xi32, #tpu.memory_space<hbm>>
      tpu.wait_dma2 semaphore(%run_scoped3A : memref<!tpu.dma_semaphore, #tpu.memory_space<semaphore_mem>>) src(%dma_wait3A_88 : memref<80x128xi32, #tpu.memory_space<hbm>>) dst(%arg7 : memref<80x128xi32, #tpu.memory_space<vmem>>)
      tpu.yield
    }) : () -> ()
    %barrier3A = arith.constant 0 : index
    tpu.barrier barrier_id(%barrier3A)
    %add3A_10 = arith.constant 0 : i32
    %add3A_11 = arith.addi %mul3A_9, %add3A_10 : i32
    %dma_start3A = arith.constant 0 : i32
    %dma_start3A_12 = arith.constant 0 : i32
    %dma_start3A_13 = tpu.memref_slice %arg8[%dma_start3A, %dma_start3A_12] : memref<2x128xi32, #tpu.memory_space<vmem>> -> memref<1x128xi32, #tpu.memory_space<vmem>>
    %dma_start3A_14 = tpu.memref_squeeze %dma_start3A_13 : memref<1x128xi32, #tpu.memory_space<vmem>> -> memref<128xi32, #tpu.memory_space<vmem>>
    %dma_start3A_15 = arith.constant 0 : i32
    %dma_start3A_16 = tpu.memref_slice %arg3[%add3A_11, %dma_start3A_15] : memref<2560x128xi32, #tpu.memory_space<hbm>> -> memref<1x128xi32, #tpu.memory_space<hbm>>
    %dma_start3A_17 = tpu.memref_squeeze %dma_start3A_16 : memref<1x128xi32, #tpu.memory_space<hbm>> -> memref<128xi32, #tpu.memory_space<hbm>>
    %dma_start3A_18 = arith.constant 0 : i32
    %dma_start3A_19 = tpu.memref_slice %arg8[%dma_start3A, %dma_start3A_18] : memref<2x128xi32, #tpu.memory_space<vmem>> -> memref<1x128xi32, #tpu.memory_space<vmem>>
    %dma_start3A_20 = tpu.memref_squeeze %dma_start3A_19 : memref<1x128xi32, #tpu.memory_space<vmem>> -> memref<128xi32, #tpu.memory_space<vmem>>
    %dma_start3A_21 = arith.constant 0 : i32
    %dma_start3A_22 = tpu.memref_slice %arg3[%add3A_11, %dma_start3A_21] : memref<2560x128xi32, #tpu.memory_space<hbm>> -> memref<1x128xi32, #tpu.memory_space<hbm>>
    %dma_start3A_23 = tpu.memref_squeeze %dma_start3A_22 : memref<1x128xi32, #tpu.memory_space<hbm>> -> memref<128xi32, #tpu.memory_space<hbm>>
    tpu.enqueue_dma source(%dma_start3A_23 : memref<128xi32, #tpu.memory_space<hbm>>) target(%dma_start3A_20 : memref<128xi32, #tpu.memory_space<vmem>>) target_semaphore(%arg12 : memref<!tpu.dma_semaphore, #tpu.memory_space<semaphore_mem>>)
    %add3A_24 = arith.constant 1 : i32
    %add3A_25 = arith.addi %mul3A_9, %add3A_24 : i32
    %dma_start3A_26 = arith.constant 1 : i32
    %dma_start3A_27 = arith.constant 0 : i32
    %dma_start3A_28 = tpu.memref_slice %arg8[%dma_start3A_26, %dma_start3A_27] : memref<2x128xi32, #tpu.memory_space<vmem>> -> memref<1x128xi32, #tpu.memory_space<vmem>>
    %dma_start3A_29 = tpu.memref_squeeze %dma_start3A_28 : memref<1x128xi32, #tpu.memory_space<vmem>> -> memref<128xi32, #tpu.memory_space<vmem>>
    %dma_start3A_30 = arith.constant 0 : i32
    %dma_start3A_31 = tpu.memref_slice %arg3[%add3A_25, %dma_start3A_30] : memref<2560x128xi32, #tpu.memory_space<hbm>> -> memref<1x128xi32, #tpu.memory_space<hbm>>
    %dma_start3A_32 = tpu.memref_squeeze %dma_start3A_31 : memref<1x128xi32, #tpu.memory_space<hbm>> -> memref<128xi32, #tpu.memory_space<hbm>>
    %dma_start3A_33 = arith.constant 0 : i32
    %dma_start3A_34 = tpu.memref_slice %arg8[%dma_start3A_26, %dma_start3A_33] : memref<2x128xi32, #tpu.memory_space<vmem>> -> memref<1x128xi32, #tpu.memory_space<vmem>>
    %dma_start3A_35 = tpu.memref_squeeze %dma_start3A_34 : memref<1x128xi32, #tpu.memory_space<vmem>> -> memref<128xi32, #tpu.memory_space<vmem>>
    %dma_start3A_36 = arith.constant 0 : i32
    %dma_start3A_37 = tpu.memref_slice %arg3[%add3A_25, %dma_start3A_36] : memref<2560x128xi32, #tpu.memory_space<hbm>> -> memref<1x128xi32, #tpu.memory_space<hbm>>
    %dma_start3A_38 = tpu.memref_squeeze %dma_start3A_37 : memref<1x128xi32, #tpu.memory_space<hbm>> -> memref<128xi32, #tpu.memory_space<hbm>>
    tpu.enqueue_dma source(%dma_start3A_38 : memref<128xi32, #tpu.memory_space<hbm>>) target(%dma_start3A_35 : memref<128xi32, #tpu.memory_space<vmem>>) target_semaphore(%arg13 : memref<!tpu.dma_semaphore, #tpu.memory_space<semaphore_mem>>)
    %add3A_39 = arith.constant 0 : i32
    %add3A_40 = arith.addi %mul3A_9, %add3A_39 : i32
    %dma_wait3A = arith.constant 0 : i32
    %dma_wait3A_41 = arith.constant 0 : i32
    %dma_wait3A_42 = tpu.memref_slice %arg8[%dma_wait3A, %dma_wait3A_41] : memref<2x128xi32, #tpu.memory_space<vmem>> -> memref<1x128xi32, #tpu.memory_space<vmem>>
    %dma_wait3A_43 = tpu.memref_squeeze %dma_wait3A_42 : memref<1x128xi32, #tpu.memory_space<vmem>> -> memref<128xi32, #tpu.memory_space<vmem>>
    %dma_wait3A_44 = arith.constant 0 : i32
    %dma_wait3A_45 = tpu.memref_slice %arg3[%add3A_40, %dma_wait3A_44] : memref<2560x128xi32, #tpu.memory_space<hbm>> -> memref<1x128xi32, #tpu.memory_space<hbm>>
    %dma_wait3A_46 = tpu.memref_squeeze %dma_wait3A_45 : memref<1x128xi32, #tpu.memory_space<hbm>> -> memref<128xi32, #tpu.memory_space<hbm>>
    %dma_wait3A_47 = arith.constant 0 : i32
    %dma_wait3A_48 = tpu.memref_slice %arg8[%dma_wait3A, %dma_wait3A_47] : memref<2x128xi32, #tpu.memory_space<vmem>> -> memref<1x128xi32, #tpu.memory_space<vmem>>
    %dma_wait3A_49 = tpu.memref_squeeze %dma_wait3A_48 : memref<1x128xi32, #tpu.memory_space<vmem>> -> memref<128xi32, #tpu.memory_space<vmem>>
    %dma_wait3A_50 = arith.constant 0 : i32
    %dma_wait3A_51 = tpu.memref_slice %arg3[%add3A_40, %dma_wait3A_50] : memref<2560x128xi32, #tpu.memory_space<hbm>> -> memref<1x128xi32, #tpu.memory_space<hbm>>
    %dma_wait3A_52 = tpu.memref_squeeze %dma_wait3A_51 : memref<1x128xi32, #tpu.memory_space<hbm>> -> memref<128xi32, #tpu.memory_space<hbm>>
    tpu.wait_dma2 semaphore(%arg12 : memref<!tpu.dma_semaphore, #tpu.memory_space<semaphore_mem>>) src(%dma_wait3A_52 : memref<128xi32, #tpu.memory_space<hbm>>) dst(%dma_wait3A_49 : memref<128xi32, #tpu.memory_space<vmem>>)
    %dma_start3A_53 = arith.constant 0 : i32
    %dma_start3A_54 = arith.constant 0 : i32
    %dma_start3A_55 = tpu.memref_slice %arg8[%dma_start3A_53, %dma_start3A_54] : memref<2x128xi32, #tpu.memory_space<vmem>> -> memref<1x128xi32, #tpu.memory_space<vmem>>
    %dma_start3A_56 = tpu.memref_squeeze %dma_start3A_55 : memref<1x128xi32, #tpu.memory_space<vmem>> -> memref<128xi32, #tpu.memory_space<vmem>>
    %dma_start3A_57 = arith.constant 0 : i32
    %dma_start3A_58 = arith.constant 0 : i32
    %dma_start3A_59 = tpu.memref_slice %arg2[%dma_start3A_57, %dma_start3A_58] : memref<10240x128xf32, #tpu.memory_space<hbm>> -> memref<10240x128xf32, #tpu.memory_space<hbm>>
    tpu.enqueue_indirect_dma source(%dma_start3A_59 : memref<10240x128xf32, #tpu.memory_space<hbm>>) target(%arg9 : memref<128x128xf32, #tpu.memory_space<vmem>>) offsets(%dma_start3A_56 : memref<128xi32, #tpu.memory_space<vmem>>) semaphore(%arg14 : memref<!tpu.dma_semaphore, #tpu.memory_space<semaphore_mem>>)
    %scan3A = arith.constant 0 : i32
    %scan3A_60 = arith.constant 0 : i32
    %scan3A_61 = arith.constant 40 : i32
    %scan3A_62 = arith.addi %scan3A_60, %scan3A_61 : i32
    %scan3A_63 = arith.constant 1 : i32
    %scan3A_64 = scf.for %scan3A_81 = %scan3A_60 to %scan3A_62 step %scan3A_63 iter_args(%scan3A_82 = %scan3A) -> (i32)  : i32 {
      %mul3A_83 = arith.constant 2 : i32
      %mul3A_84 = arith.muli %mul3A_83, %scan3A_81 : i32
      %dma_wait3A_85 = arith.constant 0 : i32
      %dma_wait3A_86 = arith.constant 0 : i32
      %dma_wait3A_87 = tpu.memref_slice %arg8[%dma_wait3A_85, %dma_wait3A_86] : memref<2x128xi32, #tpu.memory_space<vmem>> -> memref<1x128xi32, #tpu.memory_space<vmem>>
      %dma_wait3A_88 = tpu.memref_squeeze %dma_wait3A_87 : memref<1x128xi32, #tpu.memory_space<vmem>> -> memref<128xi32, #tpu.memory_space<vmem>>
      %dma_wait3A_89 = arith.constant 0 : i32
      %dma_wait3A_90 = arith.constant 0 : i32
      %dma_wait3A_91 = tpu.memref_slice %arg2[%dma_wait3A_89, %dma_wait3A_90] : memref<10240x128xf32, #tpu.memory_space<hbm>> -> memref<10240x128xf32, #tpu.memory_space<hbm>>
      tpu.wait_indirect_dma semaphore(%arg14 : memref<!tpu.dma_semaphore, #tpu.memory_space<semaphore_mem>>) src(%dma_wait3A_91 : memref<10240x128xf32, #tpu.memory_space<hbm>>) dst(%arg9 : memref<128x128xf32, #tpu.memory_space<vmem>>)
      %dma_start3A_92 = arith.constant 0 : i32
      %dma_start3A_93 = tpu.memref_slice %arg7[%mul3A_84, %dma_start3A_92] : memref<80x128xi32, #tpu.memory_space<vmem>> -> memref<1x128xi32, #tpu.memory_space<vmem>>
      %dma_start3A_94 = tpu.memref_squeeze %dma_start3A_93 : memref<1x128xi32, #tpu.memory_space<vmem>> -> memref<128xi32, #tpu.memory_space<vmem>>
      %dma_start3A_95 = arith.constant 0 : i32
      %dma_start3A_96 = arith.constant 0 : i32
      %dma_start3A_97 = tpu.memref_slice %arg11[%dma_start3A_95, %dma_start3A_96] : memref<10240x128xf32, #tpu.memory_space<vmem_shared>> -> memref<10240x128xf32, #tpu.memory_space<vmem_shared>>
      tpu.enqueue_indirect_dma source(%arg9 : memref<128x128xf32, #tpu.memory_space<vmem>>) target(%dma_start3A_97 : memref<10240x128xf32, #tpu.memory_space<vmem_shared>>) offsets(%dma_start3A_94 : memref<128xi32, #tpu.memory_space<vmem>>) semaphore(%arg16 : memref<!tpu.dma_semaphore, #tpu.memory_space<semaphore_mem>>) {add = true}
      %add3A_98 = arith.constant 2 : i32
      %add3A_99 = arith.addi %mul3A_84, %add3A_98 : i32
      %lt3A = arith.constant 80 : i32
      %lt3A_100 = arith.cmpi slt, %add3A_99, %lt3A : i32
      %convert_element_type3A_101 = arith.extui %lt3A_100 : i1 to i32
      %cond3A_102 = arith.constant 0 : i32
      %cond3A_103 = arith.cmpi ne, %convert_element_type3A_101, %cond3A_102 : i32
      scf.if %cond3A_103 {
        %add3A_152 = arith.constant 2 : i32
        %add3A_153 = arith.addi %mul3A_84, %add3A_152 : i32
        %add3A_154 = arith.addi %mul3A_9, %add3A_153 : i32
        %dma_start3A_155 = arith.constant 0 : i32
        %dma_start3A_156 = arith.constant 0 : i32
        %dma_start3A_157 = tpu.memref_slice %arg8[%dma_start3A_155, %dma_start3A_156] : memref<2x128xi32, #tpu.memory_space<vmem>> -> memref<1x128xi32, #tpu.memory_space<vmem>>
        %dma_start3A_158 = tpu.memref_squeeze %dma_start3A_157 : memref<1x128xi32, #tpu.memory_space<vmem>> -> memref<128xi32, #tpu.memory_space<vmem>>
        %dma_start3A_159 = arith.constant 0 : i32
        %dma_start3A_160 = tpu.memref_slice %arg3[%add3A_154, %dma_start3A_159] : memref<2560x128xi32, #tpu.memory_space<hbm>> -> memref<1x128xi32, #tpu.memory_space<hbm>>
        %dma_start3A_161 = tpu.memref_squeeze %dma_start3A_160 : memref<1x128xi32, #tpu.memory_space<hbm>> -> memref<128xi32, #tpu.memory_space<hbm>>
        %dma_start3A_162 = arith.constant 0 : i32
        %dma_start3A_163 = tpu.memref_slice %arg8[%dma_start3A_155, %dma_start3A_162] : memref<2x128xi32, #tpu.memory_space<vmem>> -> memref<1x128xi32, #tpu.memory_space<vmem>>
        %dma_start3A_164 = tpu.memref_squeeze %dma_start3A_163 : memref<1x128xi32, #tpu.memory_space<vmem>> -> memref<128xi32, #tpu.memory_space<vmem>>
        %dma_start3A_165 = arith.constant 0 : i32
        %dma_start3A_166 = tpu.memref_slice %arg3[%add3A_154, %dma_start3A_165] : memref<2560x128xi32, #tpu.memory_space<hbm>> -> memref<1x128xi32, #tpu.memory_space<hbm>>
        %dma_start3A_167 = tpu.memref_squeeze %dma_start3A_166 : memref<1x128xi32, #tpu.memory_space<hbm>> -> memref<128xi32, #tpu.memory_space<hbm>>
        tpu.enqueue_dma source(%dma_start3A_167 : memref<128xi32, #tpu.memory_space<hbm>>) target(%dma_start3A_164 : memref<128xi32, #tpu.memory_space<vmem>>) target_semaphore(%arg12 : memref<!tpu.dma_semaphore, #tpu.memory_space<semaphore_mem>>)
      } else {
      }
      %gt3A = arith.constant 0 : i32
      %gt3A_104 = arith.cmpi sgt, %mul3A_84, %gt3A : i32
      %convert_element_type3A_105 = arith.extui %gt3A_104 : i1 to i32
      %cond3A_106 = arith.constant 0 : i32
      %cond3A_107 = arith.cmpi ne, %convert_element_type3A_105, %cond3A_106 : i32
      scf.if %cond3A_107 {
        %sub3A = arith.constant 1 : i32
        %sub3A_152 = arith.subi %mul3A_84, %sub3A : i32
        %dma_wait3A_153 = arith.constant 0 : i32
        %dma_wait3A_154 = tpu.memref_slice %arg7[%sub3A_152, %dma_wait3A_153] : memref<80x128xi32, #tpu.memory_space<vmem>> -> memref<1x128xi32, #tpu.memory_space<vmem>>
        %dma_wait3A_155 = tpu.memref_squeeze %dma_wait3A_154 : memref<1x128xi32, #tpu.memory_space<vmem>> -> memref<128xi32, #tpu.memory_space<vmem>>
        %dma_wait3A_156 = arith.constant 0 : i32
        %dma_wait3A_157 = arith.constant 0 : i32
        %dma_wait3A_158 = tpu.memref_slice %arg11[%dma_wait3A_156, %dma_wait3A_157] : memref<10240x128xf32, #tpu.memory_space<vmem_shared>> -> memref<10240x128xf32, #tpu.memory_space<vmem_shared>>
        tpu.wait_indirect_dma semaphore(%arg17 : memref<!tpu.dma_semaphore, #tpu.memory_space<semaphore_mem>>) src(%arg10 : memref<128x128xf32, #tpu.memory_space<vmem>>) dst(%dma_wait3A_158 : memref<10240x128xf32, #tpu.memory_space<vmem_shared>>)
      } else {
      }
      %add3A_108 = arith.constant 1 : i32
      %add3A_109 = arith.addi %mul3A_84, %add3A_108 : i32
      %lt3A_110 = arith.constant 80 : i32
      %lt3A_111 = arith.cmpi slt, %add3A_109, %lt3A_110 : i32
      %convert_element_type3A_112 = arith.extui %lt3A_111 : i1 to i32
      %cond3A_113 = arith.constant 0 : i32
      %cond3A_114 = arith.cmpi ne, %convert_element_type3A_112, %cond3A_113 : i32
      scf.if %cond3A_114 {
        %add3A_152 = arith.constant 1 : i32
        %add3A_153 = arith.addi %mul3A_84, %add3A_152 : i32
        %add3A_154 = arith.addi %mul3A_9, %add3A_153 : i32
        %dma_wait3A_155 = arith.constant 1 : i32
        %dma_wait3A_156 = arith.constant 0 : i32
        %dma_wait3A_157 = tpu.memref_slice %arg8[%dma_wait3A_155, %dma_wait3A_156] : memref<2x128xi32, #tpu.memory_space<vmem>> -> memref<1x128xi32, #tpu.memory_space<vmem>>
        %dma_wait3A_158 = tpu.memref_squeeze %dma_wait3A_157 : memref<1x128xi32, #tpu.memory_space<vmem>> -> memref<128xi32, #tpu.memory_space<vmem>>
        %dma_wait3A_159 = arith.constant 0 : i32
        %dma_wait3A_160 = tpu.memref_slice %arg3[%add3A_154, %dma_wait3A_159] : memref<2560x128xi32, #tpu.memory_space<hbm>> -> memref<1x128xi32, #tpu.memory_space<hbm>>
        %dma_wait3A_161 = tpu.memref_squeeze %dma_wait3A_160 : memref<1x128xi32, #tpu.memory_space<hbm>> -> memref<128xi32, #tpu.memory_space<hbm>>
        %dma_wait3A_162 = arith.constant 0 : i32
        %dma_wait3A_163 = tpu.memref_slice %arg8[%dma_wait3A_155, %dma_wait3A_162] : memref<2x128xi32, #tpu.memory_space<vmem>> -> memref<1x128xi32, #tpu.memory_space<vmem>>
        %dma_wait3A_164 = tpu.memref_squeeze %dma_wait3A_163 : memref<1x128xi32, #tpu.memory_space<vmem>> -> memref<128xi32, #tpu.memory_space<vmem>>
        %dma_wait3A_165 = arith.constant 0 : i32
        %dma_wait3A_166 = tpu.memref_slice %arg3[%add3A_154, %dma_wait3A_165] : memref<2560x128xi32, #tpu.memory_space<hbm>> -> memref<1x128xi32, #tpu.memory_space<hbm>>
        %dma_wait3A_167 = tpu.memref_squeeze %dma_wait3A_166 : memref<1x128xi32, #tpu.memory_space<hbm>> -> memref<128xi32, #tpu.memory_space<hbm>>
        tpu.wait_dma2 semaphore(%arg13 : memref<!tpu.dma_semaphore, #tpu.memory_space<semaphore_mem>>) src(%dma_wait3A_167 : memref<128xi32, #tpu.memory_space<hbm>>) dst(%dma_wait3A_164 : memref<128xi32, #tpu.memory_space<vmem>>)
        %dma_start3A_168 = arith.constant 1 : i32
        %dma_start3A_169 = arith.constant 0 : i32
        %dma_start3A_170 = tpu.memref_slice %arg8[%dma_start3A_168, %dma_start3A_169] : memref<2x128xi32, #tpu.memory_space<vmem>> -> memref<1x128xi32, #tpu.memory_space<vmem>>
        %dma_start3A_171 = tpu.memref_squeeze %dma_start3A_170 : memref<1x128xi32, #tpu.memory_space<vmem>> -> memref<128xi32, #tpu.memory_space<vmem>>
        %dma_start3A_172 = arith.constant 0 : i32
        %dma_start3A_173 = arith.constant 0 : i32
        %dma_start3A_174 = tpu.memref_slice %arg2[%dma_start3A_172, %dma_start3A_173] : memref<10240x128xf32, #tpu.memory_space<hbm>> -> memref<10240x128xf32, #tpu.memory_space<hbm>>
        tpu.enqueue_indirect_dma source(%dma_start3A_174 : memref<10240x128xf32, #tpu.memory_space<hbm>>) target(%arg10 : memref<128x128xf32, #tpu.memory_space<vmem>>) offsets(%dma_start3A_171 : memref<128xi32, #tpu.memory_space<vmem>>) semaphore(%arg15 : memref<!tpu.dma_semaphore, #tpu.memory_space<semaphore_mem>>)
      } else {
      }
      %mul3A_115 = arith.constant 2 : i32
      %mul3A_116 = arith.muli %mul3A_115, %scan3A_81 : i32
      %add3A_117 = arith.constant 1 : i32
      %add3A_118 = arith.addi %mul3A_116, %add3A_117 : i32
      %dma_wait3A_119 = arith.constant 1 : i32
      %dma_wait3A_120 = arith.constant 0 : i32
      %dma_wait3A_121 = tpu.memref_slice %arg8[%dma_wait3A_119, %dma_wait3A_120] : memref<2x128xi32, #tpu.memory_space<vmem>> -> memref<1x128xi32, #tpu.memory_space<vmem>>
      %dma_wait3A_122 = tpu.memref_squeeze %dma_wait3A_121 : memref<1x128xi32, #tpu.memory_space<vmem>> -> memref<128xi32, #tpu.memory_space<vmem>>
      %dma_wait3A_123 = arith.constant 0 : i32
      %dma_wait3A_124 = arith.constant 0 : i32
      %dma_wait3A_125 = tpu.memref_slice %arg2[%dma_wait3A_123, %dma_wait3A_124] : memref<10240x128xf32, #tpu.memory_space<hbm>> -> memref<10240x128xf32, #tpu.memory_space<hbm>>
      tpu.wait_indirect_dma semaphore(%arg15 : memref<!tpu.dma_semaphore, #tpu.memory_space<semaphore_mem>>) src(%dma_wait3A_125 : memref<10240x128xf32, #tpu.memory_space<hbm>>) dst(%arg10 : memref<128x128xf32, #tpu.memory_space<vmem>>)
      %dma_start3A_126 = arith.constant 0 : i32
      %dma_start3A_127 = tpu.memref_slice %arg7[%add3A_118, %dma_start3A_126] : memref<80x128xi32, #tpu.memory_space<vmem>> -> memref<1x128xi32, #tpu.memory_space<vmem>>
      %dma_start3A_128 = tpu.memref_squeeze %dma_start3A_127 : memref<1x128xi32, #tpu.memory_space<vmem>> -> memref<128xi32, #tpu.memory_space<vmem>>
      %dma_start3A_129 = arith.constant 0 : i32
      %dma_start3A_130 = arith.constant 0 : i32
      %dma_start3A_131 = tpu.memref_slice %arg11[%dma_start3A_129, %dma_start3A_130] : memref<10240x128xf32, #tpu.memory_space<vmem_shared>> -> memref<10240x128xf32, #tpu.memory_space<vmem_shared>>
      tpu.enqueue_indirect_dma source(%arg10 : memref<128x128xf32, #tpu.memory_space<vmem>>) target(%dma_start3A_131 : memref<10240x128xf32, #tpu.memory_space<vmem_shared>>) offsets(%dma_start3A_128 : memref<128xi32, #tpu.memory_space<vmem>>) semaphore(%arg17 : memref<!tpu.dma_semaphore, #tpu.memory_space<semaphore_mem>>) {add = true}
      %add3A_132 = arith.constant 2 : i32
      %add3A_133 = arith.addi %add3A_118, %add3A_132 : i32
      %lt3A_134 = arith.constant 80 : i32
      %lt3A_135 = arith.cmpi slt, %add3A_133, %lt3A_134 : i32
      %convert_element_type3A_136 = arith.extui %lt3A_135 : i1 to i32
      %cond3A_137 = arith.constant 0 : i32
      %cond3A_138 = arith.cmpi ne, %convert_element_type3A_136, %cond3A_137 : i32
      scf.if %cond3A_138 {
        %add3A_152 = arith.constant 2 : i32
        %add3A_153 = arith.addi %add3A_118, %add3A_152 : i32
        %add3A_154 = arith.addi %mul3A_9, %add3A_153 : i32
        %dma_start3A_155 = arith.constant 1 : i32
        %dma_start3A_156 = arith.constant 0 : i32
        %dma_start3A_157 = tpu.memref_slice %arg8[%dma_start3A_155, %dma_start3A_156] : memref<2x128xi32, #tpu.memory_space<vmem>> -> memref<1x128xi32, #tpu.memory_space<vmem>>
        %dma_start3A_158 = tpu.memref_squeeze %dma_start3A_157 : memref<1x128xi32, #tpu.memory_space<vmem>> -> memref<128xi32, #tpu.memory_space<vmem>>
        %dma_start3A_159 = arith.constant 0 : i32
        %dma_start3A_160 = tpu.memref_slice %arg3[%add3A_154, %dma_start3A_159] : memref<2560x128xi32, #tpu.memory_space<hbm>> -> memref<1x128xi32, #tpu.memory_space<hbm>>
        %dma_start3A_161 = tpu.memref_squeeze %dma_start3A_160 : memref<1x128xi32, #tpu.memory_space<hbm>> -> memref<128xi32, #tpu.memory_space<hbm>>
        %dma_start3A_162 = arith.constant 0 : i32
        %dma_start3A_163 = tpu.memref_slice %arg8[%dma_start3A_155, %dma_start3A_162] : memref<2x128xi32, #tpu.memory_space<vmem>> -> memref<1x128xi32, #tpu.memory_space<vmem>>
        %dma_start3A_164 = tpu.memref_squeeze %dma_start3A_163 : memref<1x128xi32, #tpu.memory_space<vmem>> -> memref<128xi32, #tpu.memory_space<vmem>>
        %dma_start3A_165 = arith.constant 0 : i32
        %dma_start3A_166 = tpu.memref_slice %arg3[%add3A_154, %dma_start3A_165] : memref<2560x128xi32, #tpu.memory_space<hbm>> -> memref<1x128xi32, #tpu.memory_space<hbm>>
        %dma_start3A_167 = tpu.memref_squeeze %dma_start3A_166 : memref<1x128xi32, #tpu.memory_space<hbm>> -> memref<128xi32, #tpu.memory_space<hbm>>
        tpu.enqueue_dma source(%dma_start3A_167 : memref<128xi32, #tpu.memory_space<hbm>>) target(%dma_start3A_164 : memref<128xi32, #tpu.memory_space<vmem>>) target_semaphore(%arg13 : memref<!tpu.dma_semaphore, #tpu.memory_space<semaphore_mem>>)
      } else {
      }
      %gt3A_139 = arith.constant 0 : i32
      %gt3A_140 = arith.cmpi sgt, %add3A_118, %gt3A_139 : i32
      %convert_element_type3A_141 = arith.extui %gt3A_140 : i1 to i32
      %cond3A_142 = arith.constant 0 : i32
      %cond3A_143 = arith.cmpi ne, %convert_element_type3A_141, %cond3A_142 : i32
      scf.if %cond3A_143 {
        %sub3A = arith.constant 1 : i32
        %sub3A_152 = arith.subi %add3A_118, %sub3A : i32
        %dma_wait3A_153 = arith.constant 0 : i32
        %dma_wait3A_154 = tpu.memref_slice %arg7[%sub3A_152, %dma_wait3A_153] : memref<80x128xi32, #tpu.memory_space<vmem>> -> memref<1x128xi32, #tpu.memory_space<vmem>>
        %dma_wait3A_155 = tpu.memref_squeeze %dma_wait3A_154 : memref<1x128xi32, #tpu.memory_space<vmem>> -> memref<128xi32, #tpu.memory_space<vmem>>
        %dma_wait3A_156 = arith.constant 0 : i32
        %dma_wait3A_157 = arith.constant 0 : i32
        %dma_wait3A_158 = tpu.memref_slice %arg11[%dma_wait3A_156, %dma_wait3A_157] : memref<10240x128xf32, #tpu.memory_space<vmem_shared>> -> memref<10240x128xf32, #tpu.memory_space<vmem_shared>>
        tpu.wait_indirect_dma semaphore(%arg16 : memref<!tpu.dma_semaphore, #tpu.memory_space<semaphore_mem>>) src(%arg9 : memref<128x128xf32, #tpu.memory_space<vmem>>) dst(%dma_wait3A_158 : memref<10240x128xf32, #tpu.memory_space<vmem_shared>>)
      } else {
      }
      %add3A_144 = arith.constant 1 : i32
      %add3A_145 = arith.addi %add3A_118, %add3A_144 : i32
      %lt3A_146 = arith.constant 80 : i32
      %lt3A_147 = arith.cmpi slt, %add3A_145, %lt3A_146 : i32
      %convert_element_type3A_148 = arith.extui %lt3A_147 : i1 to i32
      %cond3A_149 = arith.constant 0 : i32
      %cond3A_150 = arith.cmpi ne, %convert_element_type3A_148, %cond3A_149 : i32
      scf.if %cond3A_150 {
        %add3A_152 = arith.constant 1 : i32
        %add3A_153 = arith.addi %add3A_118, %add3A_152 : i32
        %add3A_154 = arith.addi %mul3A_9, %add3A_153 : i32
        %dma_wait3A_155 = arith.constant 0 : i32
        %dma_wait3A_156 = arith.constant 0 : i32
        %dma_wait3A_157 = tpu.memref_slice %arg8[%dma_wait3A_155, %dma_wait3A_156] : memref<2x128xi32, #tpu.memory_space<vmem>> -> memref<1x128xi32, #tpu.memory_space<vmem>>
        %dma_wait3A_158 = tpu.memref_squeeze %dma_wait3A_157 : memref<1x128xi32, #tpu.memory_space<vmem>> -> memref<128xi32, #tpu.memory_space<vmem>>
        %dma_wait3A_159 = arith.constant 0 : i32
        %dma_wait3A_160 = tpu.memref_slice %arg3[%add3A_154, %dma_wait3A_159] : memref<2560x128xi32, #tpu.memory_space<hbm>> -> memref<1x128xi32, #tpu.memory_space<hbm>>
        %dma_wait3A_161 = tpu.memref_squeeze %dma_wait3A_160 : memref<1x128xi32, #tpu.memory_space<hbm>> -> memref<128xi32, #tpu.memory_space<hbm>>
        %dma_wait3A_162 = arith.constant 0 : i32
        %dma_wait3A_163 = tpu.memref_slice %arg8[%dma_wait3A_155, %dma_wait3A_162] : memref<2x128xi32, #tpu.memory_space<vmem>> -> memref<1x128xi32, #tpu.memory_space<vmem>>
        %dma_wait3A_164 = tpu.memref_squeeze %dma_wait3A_163 : memref<1x128xi32, #tpu.memory_space<vmem>> -> memref<128xi32, #tpu.memory_space<vmem>>
        %dma_wait3A_165 = arith.constant 0 : i32
        %dma_wait3A_166 = tpu.memref_slice %arg3[%add3A_154, %dma_wait3A_165] : memref<2560x128xi32, #tpu.memory_space<hbm>> -> memref<1x128xi32, #tpu.memory_space<hbm>>
        %dma_wait3A_167 = tpu.memref_squeeze %dma_wait3A_166 : memref<1x128xi32, #tpu.memory_space<hbm>> -> memref<128xi32, #tpu.memory_space<hbm>>
        tpu.wait_dma2 semaphore(%arg12 : memref<!tpu.dma_semaphore, #tpu.memory_space<semaphore_mem>>) src(%dma_wait3A_167 : memref<128xi32, #tpu.memory_space<hbm>>) dst(%dma_wait3A_164 : memref<128xi32, #tpu.memory_space<vmem>>)
        %dma_start3A_168 = arith.constant 0 : i32
        %dma_start3A_169 = arith.constant 0 : i32
        %dma_start3A_170 = tpu.memref_slice %arg8[%dma_start3A_168, %dma_start3A_169] : memref<2x128xi32, #tpu.memory_space<vmem>> -> memref<1x128xi32, #tpu.memory_space<vmem>>
        %dma_start3A_171 = tpu.memref_squeeze %dma_start3A_170 : memref<1x128xi32, #tpu.memory_space<vmem>> -> memref<128xi32, #tpu.memory_space<vmem>>
        %dma_start3A_172 = arith.constant 0 : i32
        %dma_start3A_173 = arith.constant 0 : i32
        %dma_start3A_174 = tpu.memref_slice %arg2[%dma_start3A_172, %dma_start3A_173] : memref<10240x128xf32, #tpu.memory_space<hbm>> -> memref<10240x128xf32, #tpu.memory_space<hbm>>
        tpu.enqueue_indirect_dma source(%dma_start3A_174 : memref<10240x128xf32, #tpu.memory_space<hbm>>) target(%arg9 : memref<128x128xf32, #tpu.memory_space<vmem>>) offsets(%dma_start3A_171 : memref<128xi32, #tpu.memory_space<vmem>>) semaphore(%arg14 : memref<!tpu.dma_semaphore, #tpu.memory_space<semaphore_mem>>)
      } else {
      }
      %scan3A_151 = arith.constant 0 : i32
      scf.yield %scan3A_151 : i32
    }
    %scan3A_65 = arith.constant 40 : i32
    %dma_wait3A_66 = arith.constant 79 : i32
    %dma_wait3A_67 = arith.constant 0 : i32
    %dma_wait3A_68 = tpu.memref_slice %arg7[%dma_wait3A_66, %dma_wait3A_67] : memref<80x128xi32, #tpu.memory_space<vmem>> -> memref<1x128xi32, #tpu.memory_space<vmem>>
    %dma_wait3A_69 = tpu.memref_squeeze %dma_wait3A_68 : memref<1x128xi32, #tpu.memory_space<vmem>> -> memref<128xi32, #tpu.memory_space<vmem>>
    %dma_wait3A_70 = arith.constant 0 : i32
    %dma_wait3A_71 = arith.constant 0 : i32
    %dma_wait3A_72 = tpu.memref_slice %arg11[%dma_wait3A_70, %dma_wait3A_71] : memref<10240x128xf32, #tpu.memory_space<vmem_shared>> -> memref<10240x128xf32, #tpu.memory_space<vmem_shared>>
    tpu.wait_indirect_dma semaphore(%arg17 : memref<!tpu.dma_semaphore, #tpu.memory_space<semaphore_mem>>) src(%arg10 : memref<128x128xf32, #tpu.memory_space<vmem>>) dst(%dma_wait3A_72 : memref<10240x128xf32, #tpu.memory_space<vmem_shared>>)
    %barrier3A_73 = arith.constant 0 : index
    tpu.barrier barrier_id(%barrier3A_73)
    %mul3A_74 = arith.constant 640 : i32
    %mul3A_75 = arith.muli %arg1, %mul3A_74 : i32
    %mul3A_76 = arith.constant 10240 : i32
    %mul3A_77 = arith.muli %arg0, %mul3A_76 : i32
    %mul3A_78 = arith.constant 640 : i32
    %mul3A_79 = arith.muli %arg1, %mul3A_78 : i32
    %add3A_80 = arith.addi %mul3A_77, %mul3A_79 : i32
    "tpu.region"() ({
      %run_scoped3A = tpu.sem_alloc : memref<!tpu.dma_semaphore, #tpu.memory_space<semaphore_mem>>
      %dma_start3A_81 = arith.constant 0 : i32
      %dma_start3A_82 = tpu.memref_slice %arg6[%add3A_80, %dma_start3A_81] : memref<20480x128xf32, #tpu.memory_space<hbm>> -> memref<640x128xf32, #tpu.memory_space<hbm>>
      %dma_start3A_83 = arith.constant 0 : i32
      %dma_start3A_84 = tpu.memref_slice %arg11[%mul3A_75, %dma_start3A_83] : memref<10240x128xf32, #tpu.memory_space<vmem_shared>> -> memref<640x128xf32, #tpu.memory_space<vmem_shared>>
      tpu.enqueue_dma source(%dma_start3A_84 : memref<640x128xf32, #tpu.memory_space<vmem_shared>>) target(%dma_start3A_82 : memref<640x128xf32, #tpu.memory_space<hbm>>) target_semaphore(%run_scoped3A : memref<!tpu.dma_semaphore, #tpu.memory_space<semaphore_mem>>)
      %dma_wait3A_85 = arith.constant 0 : i32
      %dma_wait3A_86 = tpu.memref_slice %arg6[%add3A_80, %dma_wait3A_85] : memref<20480x128xf32, #tpu.memory_space<hbm>> -> memref<640x128xf32, #tpu.memory_space<hbm>>
      %dma_wait3A_87 = arith.constant 0 : i32
      %dma_wait3A_88 = tpu.memref_slice %arg11[%mul3A_75, %dma_wait3A_87] : memref<10240x128xf32, #tpu.memory_space<vmem_shared>> -> memref<640x128xf32, #tpu.memory_space<vmem_shared>>
      tpu.wait_dma2 semaphore(%run_scoped3A : memref<!tpu.dma_semaphore, #tpu.memory_space<semaphore_mem>>) src(%dma_wait3A_88 : memref<640x128xf32, #tpu.memory_space<vmem_shared>>) dst(%dma_wait3A_86 : memref<640x128xf32, #tpu.memory_space<hbm>>)
      tpu.yield
    }) : () -> ()
    return
  }
}

module attributes {stable_mosaic.version = 14 : i64} {
  func.func @_t1_body(%arg0: i32, %arg1: memref<2048x128xf32, #tpu.memory_space<vmem>>, %arg2: memref<128x128xf32, #tpu.memory_space<vmem>>, %arg3: memref<1x128xf32, #tpu.memory_space<vmem>>, %arg4: memref<128x128xf32, #tpu.memory_space<vmem>>, %arg5: memref<2048x128xf32, #tpu.memory_space<vmem>>, %arg6: memref<2048x128xf32, #tpu.memory_space<vmem>>, %arg7: memref<2048x128xf32, #tpu.memory_space<vmem>>, %arg8: memref<2048x128xf32, #tpu.memory_space<vmem>>, %arg9: memref<2048x1xf32, #tpu.memory_space<vmem>>) attributes {dimension_semantics = [#tpu.dimension_semantics<arbitrary>], iteration_bounds = array<i64: 5>, scalar_prefetch = 0 : i64, scratch_operands = 0 : i64, tpu.core_type = #tpu.core_type<tc>, window_params = [{transform_indices = @transform_0, window_bounds = array<i64: 2048, 128>}, {pipeline_mode = #tpu.pipeline_mode<synchronous>, transform_indices = @transform_1, window_bounds = array<i64: 128, 128>}, {pipeline_mode = #tpu.pipeline_mode<synchronous>, transform_indices = @transform_2, window_bounds = array<i64: 1, 128>}, {pipeline_mode = #tpu.pipeline_mode<synchronous>, transform_indices = @transform_3, window_bounds = array<i64: 128, 128>}, {transform_indices = @transform_4, window_bounds = array<i64: 2048, 128>}, {transform_indices = @transform_5, window_bounds = array<i64: 2048, 128>}, {transform_indices = @transform_6, window_bounds = array<i64: 2048, 128>}, {transform_indices = @transform_7, window_bounds = array<i64: 2048, 128>}, {transform_indices = @transform_8, window_bounds = array<i64: 2048, 1>}]} {
    %get3A = arith.constant 0 : index
    %get3A_0 = arith.constant 0 : index
    %get3A_1 = vector.load %arg5[%get3A, %get3A_0] : memref<2048x128xf32, #tpu.memory_space<vmem>>, vector<2048x1xf32>
    %add3A = arith.constant 1.000000e+00 : f32
    %add3A_2 = vector.broadcast %add3A : f32 to vector<2048x1xf32>
    %add3A_3 = arith.addf %add3A_2, %get3A_1 : vector<2048x1xf32>
    %get3A_4 = arith.constant 0 : index
    %get3A_5 = arith.constant 0 : index
    %get3A_6 = vector.load %arg6[%get3A_4, %get3A_5] : memref<2048x128xf32, #tpu.memory_space<vmem>>, vector<2048x1xf32>
    %add3A_7 = arith.addf %add3A_3, %get3A_6 : vector<2048x1xf32>
    %rsqrt3A = math.rsqrt %add3A_7 : vector<2048x1xf32>
    %get3A_8 = arith.constant 0 : index
    %get3A_9 = arith.constant 0 : index
    %get3A_10 = vector.load %arg1[%get3A_8, %get3A_9] : memref<2048x128xf32, #tpu.memory_space<vmem>>, vector<2048x128xf32>
    %get3A_11 = arith.constant 0 : index
    %get3A_12 = arith.constant 0 : index
    %get3A_13 = vector.load %arg2[%get3A_11, %get3A_12] : memref<128x128xf32, #tpu.memory_space<vmem>>, vector<128x128xf32>
    %dot_general3A = arith.constant dense<0.000000e+00> : vector<2048x128xf32>
    %dot_general3A_14 = tpu.matmul %get3A_10, %get3A_13, %dot_general3A {dimension_numbers = #tpu.dot_dimension_numbers<[1], [0], [0], [1], [0, 0, 1, 1], [], []>, transpose_lhs_hint = false} : vector<2048x128xf32>, vector<128x128xf32>, vector<2048x128xf32> -> vector<2048x128xf32>
    %get3A_15 = arith.constant 0 : index
    %get3A_16 = arith.constant 0 : index
    %get3A_17 = vector.load %arg3[%get3A_15, %get3A_16] : memref<1x128xf32, #tpu.memory_space<vmem>>, vector<1x128xf32>
    %add3A_18 = vector.broadcast %get3A_17 : vector<1x128xf32> to vector<2048x128xf32>
    %add3A_19 = arith.addf %dot_general3A_14, %add3A_18 : vector<2048x128xf32>
    %swap3A = arith.constant 0 : index
    %swap3A_20 = arith.constant 0 : index
    %swap3A_21 = vector.load %arg7[%swap3A, %swap3A_20] : memref<2048x128xf32, #tpu.memory_space<vmem>>, vector<2048x128xf32>
    tpu.vector_store %arg7[%swap3A, %swap3A_20], %add3A_19 {strides = array<i32>} : memref<2048x128xf32, #tpu.memory_space<vmem>>, vector<2048x128xf32>,
    %get3A_22 = arith.constant 0 : index
    %get3A_23 = arith.constant 0 : index
    %get3A_24 = vector.load %arg4[%get3A_22, %get3A_23] : memref<128x128xf32, #tpu.memory_space<vmem>>, vector<128x128xf32>
    %dot_general3A_25 = arith.constant dense<0.000000e+00> : vector<2048x128xf32>
    %dot_general3A_26 = tpu.matmul %add3A_19, %get3A_24, %dot_general3A_25 {dimension_numbers = #tpu.dot_dimension_numbers<[1], [0], [0], [1], [0, 0, 1, 1], [], []>, transpose_lhs_hint = false} : vector<2048x128xf32>, vector<128x128xf32>, vector<2048x128xf32> -> vector<2048x128xf32>
    %mul3A = vector.broadcast %rsqrt3A : vector<2048x1xf32> to vector<2048x128xf32>
    %mul3A_27 = arith.mulf %dot_general3A_26, %mul3A : vector<2048x128xf32>
    %swap3A_28 = arith.constant 0 : index
    %swap3A_29 = arith.constant 0 : index
    %swap3A_30 = vector.load %arg8[%swap3A_28, %swap3A_29] : memref<2048x128xf32, #tpu.memory_space<vmem>>, vector<2048x128xf32>
    tpu.vector_store %arg8[%swap3A_28, %swap3A_29], %mul3A_27 {strides = array<i32>} : memref<2048x128xf32, #tpu.memory_space<vmem>>, vector<2048x128xf32>,
    %swap3A_31 = arith.constant 0 : index
    %swap3A_32 = arith.constant 0 : index
    %swap3A_33 = vector.load %arg9[%swap3A_31, %swap3A_32] : memref<2048x1xf32, #tpu.memory_space<vmem>>, vector<2048x1xf32>
    tpu.vector_store %arg9[%swap3A_31, %swap3A_32], %rsqrt3A {strides = array<i32>} : memref<2048x1xf32, #tpu.memory_space<vmem>>, vector<2048x1xf32>,
    return
  }
  func.func @transform_0(%arg0: i32) -> (i32, i32) {
    %c0_i32 = arith.constant 0 : i32
    %c0_i32_0 = arith.constant 0 : i32
    return %arg0, %c0_i32 : i32, i32
  }
  func.func @transform_1(%arg0: i32) -> (i32, i32) {
    %c0_i32 = arith.constant 0 : i32
    %c0_i32_0 = arith.constant 0 : i32
    %c0_i32_1 = arith.constant 0 : i32
    return %c0_i32, %c0_i32_0 : i32, i32
  }
  func.func @transform_2(%arg0: i32) -> (i32, i32) {
    %c0_i32 = arith.constant 0 : i32
    %c0_i32_0 = arith.constant 0 : i32
    %c0_i32_1 = arith.constant 0 : i32
    return %c0_i32, %c0_i32_0 : i32, i32
  }
  func.func @transform_3(%arg0: i32) -> (i32, i32) {
    %c0_i32 = arith.constant 0 : i32
    %c0_i32_0 = arith.constant 0 : i32
    %c0_i32_1 = arith.constant 0 : i32
    return %c0_i32, %c0_i32_0 : i32, i32
  }
  func.func @transform_4(%arg0: i32) -> (i32, i32) {
    %c0_i32 = arith.constant 0 : i32
    %c0_i32_0 = arith.constant 0 : i32
    return %arg0, %c0_i32 : i32, i32
  }
  func.func @transform_5(%arg0: i32) -> (i32, i32) {
    %add3A = arith.constant 5 : i32
    %add3A_0 = arith.addi %add3A, %arg0 : i32
    %c0_i32 = arith.constant 0 : i32
    %c0_i32_1 = arith.constant 0 : i32
    return %add3A_0, %c0_i32 : i32, i32
  }
  func.func @transform_6(%arg0: i32) -> (i32, i32) {
    %c0_i32 = arith.constant 0 : i32
    %c0_i32_0 = arith.constant 0 : i32
    return %arg0, %c0_i32 : i32, i32
  }
  func.func @transform_7(%arg0: i32) -> (i32, i32) {
    %c0_i32 = arith.constant 0 : i32
    %c0_i32_0 = arith.constant 0 : i32
    return %arg0, %c0_i32 : i32, i32
  }
  func.func @transform_8(%arg0: i32) -> (i32, i32) {
    %c0_i32 = arith.constant 0 : i32
    %c0_i32_0 = arith.constant 0 : i32
    return %arg0, %c0_i32 : i32, i32
  }
}

module attributes {stable_mosaic.version = 14 : i64} {
  func.func @_t2_body(%arg0: i32, %arg1: memref<2048x128xf32, #tpu.memory_space<vmem>>, %arg2: memref<2048x128xf32, #tpu.memory_space<vmem>>, %arg3: memref<2048x128xf32, #tpu.memory_space<vmem>>, %arg4: memref<2048x1xf32, #tpu.memory_space<vmem>>, %arg5: memref<1x128xf32, #tpu.memory_space<vmem>>, %arg6: memref<1x128xf32, #tpu.memory_space<vmem>>, %arg7: memref<1x128xf32, #tpu.memory_space<vmem>>, %arg8: memref<128x128xf32, #tpu.memory_space<vmem>>, %arg9: memref<2048x128xf32, #tpu.memory_space<vmem>>, %arg10: memref<2048x128xf32, #tpu.memory_space<vmem>>) attributes {dimension_semantics = [#tpu.dimension_semantics<arbitrary>], iteration_bounds = array<i64: 5>, scalar_prefetch = 0 : i64, scratch_operands = 0 : i64, tpu.core_type = #tpu.core_type<tc>, window_params = [{transform_indices = @transform_0, window_bounds = array<i64: 2048, 128>}, {transform_indices = @transform_1, window_bounds = array<i64: 2048, 128>}, {transform_indices = @transform_2, window_bounds = array<i64: 2048, 128>}, {transform_indices = @transform_3, window_bounds = array<i64: 2048, 1>}, {pipeline_mode = #tpu.pipeline_mode<synchronous>, transform_indices = @transform_4, window_bounds = array<i64: 1, 128>}, {pipeline_mode = #tpu.pipeline_mode<synchronous>, transform_indices = @transform_5, window_bounds = array<i64: 1, 128>}, {pipeline_mode = #tpu.pipeline_mode<synchronous>, transform_indices = @transform_6, window_bounds = array<i64: 1, 128>}, {pipeline_mode = #tpu.pipeline_mode<synchronous>, transform_indices = @transform_7, window_bounds = array<i64: 128, 128>}, {transform_indices = @transform_8, window_bounds = array<i64: 2048, 128>}, {transform_indices = @transform_9, window_bounds = array<i64: 2048, 128>}]} {
    %get3A = arith.constant 0 : index
    %get3A_0 = arith.constant 0 : index
    %get3A_1 = vector.load %arg4[%get3A, %get3A_0] : memref<2048x1xf32, #tpu.memory_space<vmem>>, vector<2048x1xf32>
    %get3A_2 = arith.constant 0 : index
    %get3A_3 = arith.constant 0 : index
    %get3A_4 = vector.load %arg1[%get3A_2, %get3A_3] : memref<2048x128xf32, #tpu.memory_space<vmem>>, vector<2048x128xf32>
    %get3A_5 = arith.constant 0 : index
    %get3A_6 = arith.constant 0 : index
    %get3A_7 = vector.load %arg2[%get3A_5, %get3A_6] : memref<2048x128xf32, #tpu.memory_space<vmem>>, vector<2048x128xf32>
    %add3A = arith.addf %get3A_4, %get3A_7 : vector<2048x128xf32>
    %mul3A = vector.broadcast %get3A_1 : vector<2048x1xf32> to vector<2048x128xf32>
    %mul3A_8 = arith.mulf %mul3A, %add3A : vector<2048x128xf32>
    %get3A_9 = arith.constant 0 : index
    %get3A_10 = arith.constant 0 : index
    %get3A_11 = vector.load %arg5[%get3A_9, %get3A_10] : memref<1x128xf32, #tpu.memory_space<vmem>>, vector<1x128xf32>
    %add3A_12 = vector.broadcast %get3A_11 : vector<1x128xf32> to vector<2048x128xf32>
    %add3A_13 = arith.addf %mul3A_8, %add3A_12 : vector<2048x128xf32>
    %mul3A_14 = arith.constant 0.999994993 : f32
    %mul3A_15 = vector.broadcast %mul3A_14 : f32 to vector<2048x128xf32>
    %mul3A_16 = arith.mulf %add3A_13, %mul3A_15 : vector<2048x128xf32>
    %get3A_17 = arith.constant 0 : index
    %get3A_18 = arith.constant 0 : index
    %get3A_19 = vector.load %arg6[%get3A_17, %get3A_18] : memref<1x128xf32, #tpu.memory_space<vmem>>, vector<1x128xf32>
    %mul3A_20 = vector.broadcast %get3A_19 : vector<1x128xf32> to vector<2048x128xf32>
    %mul3A_21 = arith.mulf %mul3A_16, %mul3A_20 : vector<2048x128xf32>
    %get3A_22 = arith.constant 0 : index
    %get3A_23 = arith.constant 0 : index
    %get3A_24 = vector.load %arg7[%get3A_22, %get3A_23] : memref<1x128xf32, #tpu.memory_space<vmem>>, vector<1x128xf32>
    %add3A_25 = vector.broadcast %get3A_24 : vector<1x128xf32> to vector<2048x128xf32>
    %add3A_26 = arith.addf %mul3A_21, %add3A_25 : vector<2048x128xf32>
    %max3A = arith.constant 0.000000e+00 : f32
    %max3A_27 = vector.broadcast %max3A : f32 to vector<2048x128xf32>
    %max3A_28 = arith.maximumf %add3A_26, %max3A_27 : vector<2048x128xf32>
    %get3A_29 = arith.constant 0 : index
    %get3A_30 = arith.constant 0 : index
    %get3A_31 = vector.load %arg3[%get3A_29, %get3A_30] : memref<2048x128xf32, #tpu.memory_space<vmem>>, vector<2048x128xf32>
    %add3A_32 = arith.addf %max3A_28, %get3A_31 : vector<2048x128xf32>
    %swap3A = arith.constant 0 : index
    %swap3A_33 = arith.constant 0 : index
    %swap3A_34 = vector.load %arg9[%swap3A, %swap3A_33] : memref<2048x128xf32, #tpu.memory_space<vmem>>, vector<2048x128xf32>
    tpu.vector_store %arg9[%swap3A, %swap3A_33], %add3A_32 {strides = array<i32>} : memref<2048x128xf32, #tpu.memory_space<vmem>>, vector<2048x128xf32>,
    %get3A_35 = arith.constant 0 : index
    %get3A_36 = arith.constant 0 : index
    %get3A_37 = vector.load %arg8[%get3A_35, %get3A_36] : memref<128x128xf32, #tpu.memory_space<vmem>>, vector<128x128xf32>
    %dot_general3A = arith.constant dense<0.000000e+00> : vector<2048x128xf32>
    %dot_general3A_38 = tpu.matmul %add3A_32, %get3A_37, %dot_general3A {dimension_numbers = #tpu.dot_dimension_numbers<[1], [0], [0], [1], [0, 0, 1, 1], [], []>, transpose_lhs_hint = false} : vector<2048x128xf32>, vector<128x128xf32>, vector<2048x128xf32> -> vector<2048x128xf32>
    %mul3A_39 = vector.broadcast %get3A_1 : vector<2048x1xf32> to vector<2048x128xf32>
    %mul3A_40 = arith.mulf %dot_general3A_38, %mul3A_39 : vector<2048x128xf32>
    %swap3A_41 = arith.constant 0 : index
    %swap3A_42 = arith.constant 0 : index
    %swap3A_43 = vector.load %arg10[%swap3A_41, %swap3A_42] : memref<2048x128xf32, #tpu.memory_space<vmem>>, vector<2048x128xf32>
    tpu.vector_store %arg10[%swap3A_41, %swap3A_42], %mul3A_40 {strides = array<i32>} : memref<2048x128xf32, #tpu.memory_space<vmem>>, vector<2048x128xf32>,
    return
  }
  func.func @transform_0(%arg0: i32) -> (i32, i32) {
    %c0_i32 = arith.constant 0 : i32
    %c0_i32_0 = arith.constant 0 : i32
    return %arg0, %c0_i32 : i32, i32
  }
  func.func @transform_1(%arg0: i32) -> (i32, i32) {
    %add3A = arith.constant 5 : i32
    %add3A_0 = arith.addi %add3A, %arg0 : i32
    %c0_i32 = arith.constant 0 : i32
    %c0_i32_1 = arith.constant 0 : i32
    return %add3A_0, %c0_i32 : i32, i32
  }
  func.func @transform_2(%arg0: i32) -> (i32, i32) {
    %c0_i32 = arith.constant 0 : i32
    %c0_i32_0 = arith.constant 0 : i32
    return %arg0, %c0_i32 : i32, i32
  }
  func.func @transform_3(%arg0: i32) -> (i32, i32) {
    %c0_i32 = arith.constant 0 : i32
    %c0_i32_0 = arith.constant 0 : i32
    return %arg0, %c0_i32 : i32, i32
  }
  func.func @transform_4(%arg0: i32) -> (i32, i32) {
    %c0_i32 = arith.constant 0 : i32
    %c0_i32_0 = arith.constant 0 : i32
    %c0_i32_1 = arith.constant 0 : i32
    return %c0_i32, %c0_i32_0 : i32, i32
  }
  func.func @transform_5(%arg0: i32) -> (i32, i32) {
    %c0_i32 = arith.constant 0 : i32
    %c0_i32_0 = arith.constant 0 : i32
    %c0_i32_1 = arith.constant 0 : i32
    return %c0_i32, %c0_i32_0 : i32, i32
  }
  func.func @transform_6(%arg0: i32) -> (i32, i32) {
    %c0_i32 = arith.constant 0 : i32
    %c0_i32_0 = arith.constant 0 : i32
    %c0_i32_1 = arith.constant 0 : i32
    return %c0_i32, %c0_i32_0 : i32, i32
  }
  func.func @transform_7(%arg0: i32) -> (i32, i32) {
    %c0_i32 = arith.constant 0 : i32
    %c0_i32_0 = arith.constant 0 : i32
    %c0_i32_1 = arith.constant 0 : i32
    return %c0_i32, %c0_i32_0 : i32, i32
  }
  func.func @transform_8(%arg0: i32) -> (i32, i32) {
    %c0_i32 = arith.constant 0 : i32
    %c0_i32_0 = arith.constant 0 : i32
    return %arg0, %c0_i32 : i32, i32
  }
  func.func @transform_9(%arg0: i32) -> (i32, i32) {
    %c0_i32 = arith.constant 0 : i32
    %c0_i32_0 = arith.constant 0 : i32
    return %arg0, %c0_i32 : i32, i32
  }
}

module attributes {stable_mosaic.version = 14 : i64} {
  func.func @_t3_body(%arg0: i32, %arg1: memref<2048x128xf32, #tpu.memory_space<vmem>>, %arg2: memref<2048x128xf32, #tpu.memory_space<vmem>>, %arg3: memref<2048x128xf32, #tpu.memory_space<vmem>>, %arg4: memref<2048x1xf32, #tpu.memory_space<vmem>>, %arg5: memref<1x128xf32, #tpu.memory_space<vmem>>, %arg6: memref<1x128xf32, #tpu.memory_space<vmem>>, %arg7: memref<1x128xf32, #tpu.memory_space<vmem>>, %arg8: memref<128x128xf32, #tpu.memory_space<vmem>>, %arg9: memref<1x128xf32, #tpu.memory_space<vmem>>, %arg10: memref<128x128xf32, #tpu.memory_space<vmem>>, %arg11: memref<1x128xf32, #tpu.memory_space<vmem>>, %arg12: memref<1x128xf32, #tpu.memory_space<vmem>>, %arg13: memref<1x128xf32, #tpu.memory_space<vmem>>) attributes {dimension_semantics = [#tpu.dimension_semantics<arbitrary>], iteration_bounds = array<i64: 5>, scalar_prefetch = 0 : i64, scratch_operands = 1 : i64, tpu.core_type = #tpu.core_type<tc>, window_params = [{transform_indices = @transform_0, window_bounds = array<i64: 2048, 128>}, {transform_indices = @transform_1, window_bounds = array<i64: 2048, 128>}, {transform_indices = @transform_2, window_bounds = array<i64: 2048, 128>}, {transform_indices = @transform_3, window_bounds = array<i64: 2048, 1>}, {pipeline_mode = #tpu.pipeline_mode<synchronous>, transform_indices = @transform_4, window_bounds = array<i64: 1, 128>}, {pipeline_mode = #tpu.pipeline_mode<synchronous>, transform_indices = @transform_5, window_bounds = array<i64: 1, 128>}, {pipeline_mode = #tpu.pipeline_mode<synchronous>, transform_indices = @transform_6, window_bounds = array<i64: 1, 128>}, {pipeline_mode = #tpu.pipeline_mode<synchronous>, transform_indices = @transform_7, window_bounds = array<i64: 128, 128>}, {pipeline_mode = #tpu.pipeline_mode<synchronous>, transform_indices = @transform_8, window_bounds = array<i64: 1, 128>}, {pipeline_mode = #tpu.pipeline_mode<synchronous>, transform_indices = @transform_9, window_bounds = array<i64: 128, 128>}, {pipeline_mode = #tpu.pipeline_mode<synchronous>, transform_indices = @transform_10, window_bounds = array<i64: 1, 128>}, {pipeline_mode = #tpu.pipeline_mode<synchronous>, transform_indices = @transform_11, window_bounds = array<i64: 1, 128>}]} {
    %get3A = arith.constant 0 : index
    %get3A_0 = arith.constant 0 : index
    %get3A_1 = vector.load %arg4[%get3A, %get3A_0] : memref<2048x1xf32, #tpu.memory_space<vmem>>, vector<2048x1xf32>
    %get3A_2 = arith.constant 0 : index
    %get3A_3 = arith.constant 0 : index
    %get3A_4 = vector.load %arg1[%get3A_2, %get3A_3] : memref<2048x128xf32, #tpu.memory_space<vmem>>, vector<2048x128xf32>
    %get3A_5 = arith.constant 0 : index
    %get3A_6 = arith.constant 0 : index
    %get3A_7 = vector.load %arg2[%get3A_5, %get3A_6] : memref<2048x128xf32, #tpu.memory_space<vmem>>, vector<2048x128xf32>
    %add3A = arith.addf %get3A_4, %get3A_7 : vector<2048x128xf32>
    %mul3A = vector.broadcast %get3A_1 : vector<2048x1xf32> to vector<2048x128xf32>
    %mul3A_8 = arith.mulf %mul3A, %add3A : vector<2048x128xf32>
    %get3A_9 = arith.constant 0 : index
    %get3A_10 = arith.constant 0 : index
    %get3A_11 = vector.load %arg5[%get3A_9, %get3A_10] : memref<1x128xf32, #tpu.memory_space<vmem>>, vector<1x128xf32>
    %add3A_12 = vector.broadcast %get3A_11 : vector<1x128xf32> to vector<2048x128xf32>
    %add3A_13 = arith.addf %mul3A_8, %add3A_12 : vector<2048x128xf32>
    %mul3A_14 = arith.constant 0.999994993 : f32
    %mul3A_15 = vector.broadcast %mul3A_14 : f32 to vector<2048x128xf32>
    %mul3A_16 = arith.mulf %add3A_13, %mul3A_15 : vector<2048x128xf32>
    %get3A_17 = arith.constant 0 : index
    %get3A_18 = arith.constant 0 : index
    %get3A_19 = vector.load %arg6[%get3A_17, %get3A_18] : memref<1x128xf32, #tpu.memory_space<vmem>>, vector<1x128xf32>
    %mul3A_20 = vector.broadcast %get3A_19 : vector<1x128xf32> to vector<2048x128xf32>
    %mul3A_21 = arith.mulf %mul3A_16, %mul3A_20 : vector<2048x128xf32>
    %get3A_22 = arith.constant 0 : index
    %get3A_23 = arith.constant 0 : index
    %get3A_24 = vector.load %arg7[%get3A_22, %get3A_23] : memref<1x128xf32, #tpu.memory_space<vmem>>, vector<1x128xf32>
    %add3A_25 = vector.broadcast %get3A_24 : vector<1x128xf32> to vector<2048x128xf32>
    %add3A_26 = arith.addf %mul3A_21, %add3A_25 : vector<2048x128xf32>
    %max3A = arith.constant 0.000000e+00 : f32
    %max3A_27 = vector.broadcast %max3A : f32 to vector<2048x128xf32>
    %max3A_28 = arith.maximumf %add3A_26, %max3A_27 : vector<2048x128xf32>
    %get3A_29 = arith.constant 0 : index
    %get3A_30 = arith.constant 0 : index
    %get3A_31 = vector.load %arg3[%get3A_29, %get3A_30] : memref<2048x128xf32, #tpu.memory_space<vmem>>, vector<2048x128xf32>
    %add3A_32 = arith.addf %max3A_28, %get3A_31 : vector<2048x128xf32>
    %mul3A_33 = arith.constant 2048 : i32
    %mul3A_34 = arith.muli %arg0, %mul3A_33 : i32
    %iota3A = tpu.iota {dimensions = array<i32: 0>} : vector<2048x1xi32>
    %add3A_35 = vector.broadcast %mul3A_34 : i32 to vector<2048x1xi32>
    %add3A_36 = arith.addi %add3A_35, %iota3A : vector<2048x1xi32>
    %lt3A = arith.constant 10000 : i32
    %lt3A_37 = vector.broadcast %lt3A : i32 to vector<2048x1xi32>
    %lt3A_38 = arith.cmpi slt, %add3A_36, %lt3A_37 : vector<2048x1xi32>
    %jit3A = arith.constant 0.000000e+00 : f32
    %broadcast_in_dim3A = vector.shape_cast %lt3A_38 : vector<2048x1xi1> to vector<2048x1xi1>
    %broadcast_in_dim3A_39 = vector.broadcast %broadcast_in_dim3A : vector<2048x1xi1> to vector<2048x128xi1>
    %broadcast_in_dim3A_40 = vector.broadcast %jit3A : f32 to vector<2048x128xf32>
    %select_n3A = arith.select %broadcast_in_dim3A_39, %add3A_32, %broadcast_in_dim3A_40 : vector<2048x128xi1>, vector<2048x128xf32>
    %reduce_sum3A = arith.constant dense<0.000000e+00> : vector<128xf32>
    %reduce_sum3A_41 = vector.multi_reduction <add>, %select_n3A, %reduce_sum3A [0] : vector<2048x128xf32> to vector<128xf32>
    %broadcast_in_dim3A_42 = vector.shape_cast %reduce_sum3A_41 : vector<128xf32> to vector<1x128xf32>
    %eq3A = arith.constant 0 : i32
    %eq3A_43 = arith.cmpi eq, %arg0, %eq3A : i32
    %convert_element_type3A = arith.extui %eq3A_43 : i1 to i32
    %cond3A = arith.constant 0 : i32
    %cond3A_44 = arith.cmpi ne, %convert_element_type3A, %cond3A : i32
    scf.if %cond3A_44 {
      %swap3A = arith.constant 0 : index
      %swap3A_54 = arith.constant 0 : index
      %swap3A_55 = vector.load %arg13[%swap3A, %swap3A_54] : memref<1x128xf32, #tpu.memory_space<vmem>>, vector<1x128xf32>
      tpu.vector_store %arg13[%swap3A, %swap3A_54], %broadcast_in_dim3A_42 {strides = array<i32>} : memref<1x128xf32, #tpu.memory_space<vmem>>, vector<1x128xf32>,
    } else {
    }
    %gt3A = arith.constant 0 : i32
    %gt3A_45 = arith.cmpi sgt, %arg0, %gt3A : i32
    %convert_element_type3A_46 = arith.extui %gt3A_45 : i1 to i32
    %cond3A_47 = arith.constant 0 : i32
    %cond3A_48 = arith.cmpi ne, %convert_element_type3A_46, %cond3A_47 : i32
    scf.if %cond3A_48 {
      %get3A_54 = arith.constant 0 : index
      %get3A_55 = arith.constant 0 : index
      %get3A_56 = vector.load %arg13[%get3A_54, %get3A_55] : memref<1x128xf32, #tpu.memory_space<vmem>>, vector<1x128xf32>
      %add3A_57 = arith.addf %get3A_56, %broadcast_in_dim3A_42 : vector<1x128xf32>
      %swap3A = arith.constant 0 : index
      %swap3A_58 = arith.constant 0 : index
      %swap3A_59 = vector.load %arg13[%swap3A, %swap3A_58] : memref<1x128xf32, #tpu.memory_space<vmem>>, vector<1x128xf32>
      tpu.vector_store %arg13[%swap3A, %swap3A_58], %add3A_57 {strides = array<i32>} : memref<1x128xf32, #tpu.memory_space<vmem>>, vector<1x128xf32>,
    } else {
    }
    %eq3A_49 = arith.constant 4 : i32
    %eq3A_50 = arith.cmpi eq, %arg0, %eq3A_49 : i32
    %convert_element_type3A_51 = arith.extui %eq3A_50 : i1 to i32
    %cond3A_52 = arith.constant 0 : i32
    %cond3A_53 = arith.cmpi ne, %convert_element_type3A_51, %cond3A_52 : i32
    scf.if %cond3A_53 {
      %get3A_54 = arith.constant 0 : index
      %get3A_55 = arith.constant 0 : index
      %get3A_56 = vector.load %arg13[%get3A_54, %get3A_55] : memref<1x128xf32, #tpu.memory_space<vmem>>, vector<1x128xf32>
      %mul3A_57 = arith.constant 9.99999974E-5 : f32
      %mul3A_58 = vector.broadcast %mul3A_57 : f32 to vector<1x128xf32>
      %mul3A_59 = arith.mulf %get3A_56, %mul3A_58 : vector<1x128xf32>
      %get3A_60 = arith.constant 0 : index
      %get3A_61 = arith.constant 0 : index
      %get3A_62 = vector.load %arg8[%get3A_60, %get3A_61] : memref<128x128xf32, #tpu.memory_space<vmem>>, vector<128x128xf32>
      %dot_general3A = arith.constant dense<0.000000e+00> : vector<1x128xf32>
      %dot_general3A_63 = tpu.matmul %mul3A_59, %get3A_62, %dot_general3A {dimension_numbers = #tpu.dot_dimension_numbers<[1], [0], [0], [1], [0, 0, 1, 1], [], []>, transpose_lhs_hint = false} : vector<1x128xf32>, vector<128x128xf32>, vector<1x128xf32> -> vector<1x128xf32>
      %get3A_64 = arith.constant 0 : index
      %get3A_65 = arith.constant 0 : index
      %get3A_66 = vector.load %arg9[%get3A_64, %get3A_65] : memref<1x128xf32, #tpu.memory_space<vmem>>, vector<1x128xf32>
      %add3A_67 = arith.addf %dot_general3A_63, %get3A_66 : vector<1x128xf32>
      %max3A_68 = arith.constant 0.000000e+00 : f32
      %max3A_69 = vector.broadcast %max3A_68 : f32 to vector<1x128xf32>
      %max3A_70 = arith.maximumf %add3A_67, %max3A_69 : vector<1x128xf32>
      %get3A_71 = arith.constant 0 : index
      %get3A_72 = arith.constant 0 : index
      %get3A_73 = vector.load %arg10[%get3A_71, %get3A_72] : memref<128x128xf32, #tpu.memory_space<vmem>>, vector<128x128xf32>
      %dot_general3A_74 = arith.constant dense<0.000000e+00> : vector<1x128xf32>
      %dot_general3A_75 = tpu.matmul %max3A_70, %get3A_73, %dot_general3A_74 {dimension_numbers = #tpu.dot_dimension_numbers<[1], [0], [0], [1], [0, 0, 1, 1], [], []>, transpose_lhs_hint = false} : vector<1x128xf32>, vector<128x128xf32>, vector<1x128xf32> -> vector<1x128xf32>
      %get3A_76 = arith.constant 0 : index
      %get3A_77 = arith.constant 0 : index
      %get3A_78 = vector.load %arg11[%get3A_76, %get3A_77] : memref<1x128xf32, #tpu.memory_space<vmem>>, vector<1x128xf32>
      %add3A_79 = arith.addf %dot_general3A_75, %get3A_78 : vector<1x128xf32>
      %swap3A = arith.constant 0 : index
      %swap3A_80 = arith.constant 0 : index
      %swap3A_81 = vector.load %arg12[%swap3A, %swap3A_80] : memref<1x128xf32, #tpu.memory_space<vmem>>, vector<1x128xf32>
      tpu.vector_store %arg12[%swap3A, %swap3A_80], %add3A_79 {strides = array<i32>} : memref<1x128xf32, #tpu.memory_space<vmem>>, vector<1x128xf32>,
    } else {
    }
    return
  }
  func.func @transform_0(%arg0: i32) -> (i32, i32) {
    %c0_i32 = arith.constant 0 : i32
    %c0_i32_0 = arith.constant 0 : i32
    return %arg0, %c0_i32 : i32, i32
  }
  func.func @transform_1(%arg0: i32) -> (i32, i32) {
    %add3A = arith.constant 5 : i32
    %add3A_0 = arith.addi %add3A, %arg0 : i32
    %c0_i32 = arith.constant 0 : i32
    %c0_i32_1 = arith.constant 0 : i32
    return %add3A_0, %c0_i32 : i32, i32
  }
  func.func @transform_2(%arg0: i32) -> (i32, i32) {
    %c0_i32 = arith.constant 0 : i32
    %c0_i32_0 = arith.constant 0 : i32
    return %arg0, %c0_i32 : i32, i32
  }
  func.func @transform_3(%arg0: i32) -> (i32, i32) {
    %c0_i32 = arith.constant 0 : i32
    %c0_i32_0 = arith.constant 0 : i32
    return %arg0, %c0_i32 : i32, i32
  }
  func.func @transform_4(%arg0: i32) -> (i32, i32) {
    %c0_i32 = arith.constant 0 : i32
    %c0_i32_0 = arith.constant 0 : i32
    %c0_i32_1 = arith.constant 0 : i32
    return %c0_i32, %c0_i32_0 : i32, i32
  }
  func.func @transform_5(%arg0: i32) -> (i32, i32) {
    %c0_i32 = arith.constant 0 : i32
    %c0_i32_0 = arith.constant 0 : i32
    %c0_i32_1 = arith.constant 0 : i32
    return %c0_i32, %c0_i32_0 : i32, i32
  }
  func.func @transform_6(%arg0: i32) -> (i32, i32) {
    %c0_i32 = arith.constant 0 : i32
    %c0_i32_0 = arith.constant 0 : i32
    %c0_i32_1 = arith.constant 0 : i32
    return %c0_i32, %c0_i32_0 : i32, i32
  }
  func.func @transform_7(%arg0: i32) -> (i32, i32) {
    %c0_i32 = arith.constant 0 : i32
    %c0_i32_0 = arith.constant 0 : i32
    %c0_i32_1 = arith.constant 0 : i32
    return %c0_i32, %c0_i32_0 : i32, i32
  }
  func.func @transform_8(%arg0: i32) -> (i32, i32) {
    %c0_i32 = arith.constant 0 : i32
    %c0_i32_0 = arith.constant 0 : i32
    %c0_i32_1 = arith.constant 0 : i32
    return %c0_i32, %c0_i32_0 : i32, i32
  }
  func.func @transform_9(%arg0: i32) -> (i32, i32) {
    %c0_i32 = arith.constant 0 : i32
    %c0_i32_0 = arith.constant 0 : i32
    %c0_i32_1 = arith.constant 0 : i32
    return %c0_i32, %c0_i32_0 : i32, i32
  }
  func.func @transform_10(%arg0: i32) -> (i32, i32) {
    %c0_i32 = arith.constant 0 : i32
    %c0_i32_0 = arith.constant 0 : i32
    %c0_i32_1 = arith.constant 0 : i32
    return %c0_i32, %c0_i32_0 : i32, i32
  }
  func.func @transform_11(%arg0: i32) -> (i32, i32) {
    %c0_i32 = arith.constant 0 : i32
    %c0_i32_0 = arith.constant 0 : i32
    %c0_i32_1 = arith.constant 0 : i32
    return %c0_i32, %c0_i32_0 : i32, i32
  }
}

</mosaic_0001>

<sc_bundles>
// kernel: kernel.16.cloned.1.call-start
scs
__scs_entry_jumppad:
0x0: {  	(pc) =	sbr.rel $0x88, $3  }
0x1: {  	(tag) =	ssettag $0x0;
	lr =	simm.s32 $0x1  }
0x2: {  	[smem:$0x3F95] =	sst lr;
	_ =	strace $0xD0000000  }
0x3: {  	_ = 	snop  }
0x4: {  	_ = 	snop  }
0x5: {  	_ = 	snop  }
0x6: {  	_ = 	snop  }
0x7: {  	_ = 	snop  }
__scs_overlays_trampoline_lowered:
0x8: {  	[smem:$0x3FA4] =	sst s0  }
0x9: {  	[smem:$0x3FA5] =	sst s1  }
0xa: {  	[smem:$0x3FA6] =	sst s2  }
0xb: {  	[smem:$0x3FA7] =	sst s3  }
0xc: {  	[smem:$0x3FA8] =	sst s4  }
0xd: {  	[smem:$0x3FA9] =	sst s5  }
0xe: {  	[smem:$0x3FAA] =	sst s6  }
0xf: {  	[smem:$0x3FAB] =	sst s7  }
0x10: {  	[smem:$0x3FAC] =	sst s8  }
0x11: {  	[smem:$0x3FAD] =	sst s9;
	s0 =	simm.s32 @!p0 $0x0  }
0x12: {  	s1 =	sld [smem:$0x3F93];
	s0 =	simm.s32 @p0 $0x1  }
0x13: {  	[smem:$0x3FAE] =	sst s0;
	s0 =	simm.s32 @!p1 $0x0  }
0x14: {  	s2 =	sld [smem:$0x3F92];
	s0 =	simm.s32 @p1 $0x1  }
0x15: {  	[smem:$0x3FAF] =	sst s0;
	s0 =	simm.s32 @!p2 $0x0  }
0x16: {  	s3 =	sld [smem:$0x3FDB];
	s0 =	simm.s32 @p2 $0x1  }
0x17: {  	s4 =	simm.s32 $0x1BF5;
	[smem:$0x3FB1] =	sst s0  }
0x18: {  	s0 =	sld [smem:$0x3F94];
	_ =	swait.ge [sflag:s4], $0x0  }
0x19: {  	s7 =	sld [smem:$0x3F95]  }
0x1a: {  	s8 =	sadd.s32 $0xFFFFE003, lr  }
0x1b: {  	s9 =	sadd.s32 $0xFFFFFEF7, lr;
	s5 =	simm.s32 $0xFFFFFFFF;
	p2 =	slt.u32 s8, $0xFFFFF086  }
0x1c: {  	p1 =	slt.u32 s9, $0xF7A;
	s5 =	simm.s32 @!p2 $0x0  }
0x1d: {  	s5 =	simm.s32 @p1 $0x1;
	p0 =	seq.s32 s7, s2  }
0x1e: {  	s7 =	smul.u32 @!p0 $0xF7A, s2;
	p2 =	seq.s32 @!p0 s5, $0x0  }
0x1f: {  	s9 =	smul.u32 $0xF7A, s1;
	s8 =	simm.s32 @!p0 $0x1BF5;
	p2 =	por !p2, p0  }
0x20: {  	[sflag:s8] =	ssyncset.s32 @!p0 $0xFFFFF086;
	s6 =	sadd.s32 @!p0 s3, s7;
	s7 =	simm.s32 @!p0 $0x108  }
0x21: {  	s3 =	sadd.s32 s3, s9;
	s6 =	sadd.s32 @!p0 $0x88, s6;
	s7 =	simm.s32 @p2 $0x1082  }
0x22: {  	[simem:s7], [sflag:s8] =	dma.local @!p0 [hbm:s6], $0xF7A  }
0x23: {  	s9 =	sor.u32 $0xD0000000, s2;
	s6 =	simm.s32 $0x108;
	_ =	swait.ge @!p0 [sflag:s8], $0x0  }
0x24: {  	s3 =	sadd.s32 $0x88, s3;
	s6 =	simm.s32 @!p1 $0x1082;
	[sflag:s4] =	ssyncset.s32 $0xFFFFF086  }
0x25: {  	[simem:s6], [sflag:s4] =	dma.local [hbm:s3], $0xF7A  }
0x26: {  	[smem:$0x3F95] =	sst s1;
	(tag) =	ssettag s2;
	_ =	strace s9  }
0x27: {  	s1 =	sld [smem:$0x3FA5]  }
0x28: {  	s2 =	sld [smem:$0x3FA6]  }
0x29: {  	s4 =	sld [smem:$0x3FA8]  }
0x2a: {  	p0 =	seq.s32 s5, $0x0;
	s5 =	sld [smem:$0x3FA9]  }
0x2b: {  	s6 =	sld [smem:$0x3FAA]  }
0x2c: {  	s7 =	sld [smem:$0x3FAB]  }
0x2d: {  	s3 =	simm.s32 $0x108;
	s8 =	sld [smem:$0x3FAC]  }
0x2e: {  	s3 =	simm.s32 @!p0 $0x1082;
	s9 =	sld [smem:$0x3FAD]  }
0x2f: {  	lr =	sadd.s32 s0, s3;
	s0 =	sld [smem:$0x3FA4]  }
0x30: {  	s3 =	sld [smem:$0x3FA7]  }
0x31: {  	[smem:$0x3FB0] =	sst s10  }
0x32: {  	s10 =	sld [smem:$0x3FAE];
	_ =	sdelay $0x3  }
0x33: {  	p0 =	seq.s32 s10, $0x1;
	s10 =	sld [smem:$0x3FB0];
	_ =	sdelay $0x3  }
0x34: {  	[smem:$0x3FB0] =	sst s10  }
0x35: {  	s10 =	sld [smem:$0x3FAF];
	_ =	sdelay $0x3  }
0x36: {  	p1 =	seq.s32 s10, $0x1;
	s10 =	sld [smem:$0x3FB0];
	_ =	sdelay $0x3  }
0x37: {  	[smem:$0x3FB0] =	sst s10  }
0x38: {  	s10 =	sld [smem:$0x3FB1]  }
0x39: {  	_ = 	snop;
	(pc) =	sbr.ind lr, $3  }
0x3a: {  	_ = 	snop  }
0x3b: {  	_ = 	snop  }
0x3c: {  	p2 =	seq.s32 s10, $0x1;
	s10 =	sld [smem:$0x3FB0]  }
0x3d: {  	_ =	shalt  }
0x3e: {  	_ =	shalt  }
0x3f: {  	_ =	shalt  }
0x40: {  	_ =	shalt  }
0x41: {  	_ =	shalt  }
0x42: {  	_ =	shalt  }
0x43: {  	_ =	shalt  }
0x44: {  	_ =	shalt  }
0x45: {  	_ =	shalt  }
0x46: {  	_ =	shalt  }
0x47: {  	_ =	shalt  }
0x48: {  	_ =	shalt  }
0x49: {  	_ =	shalt  }
0x4a: {  	_ =	shalt  }
0x4b: {  	_ =	shalt  }
0x4c: {  	_ =	shalt  }
0x4d: {  	_ =	shalt  }
0x4e: {  	_ =	shalt  }
0x4f: {  	_ =	shalt  }
0x50: {  	_ =	shalt  }
0x51: {  	_ =	shalt  }
0x52: {  	_ =	shalt  }
0x53: {  	_ =	shalt  }
0x54: {  	_ =	shalt  }
0x55: {  	_ =	shalt  }
0x56: {  	_ =	shalt  }
0x57: {  	_ =	shalt  }
0x58: {  	_ =	shalt  }
0x59: {  	_ =	shalt  }
0x5a: {  	_ =	shalt  }
0x5b: {  	_ =	shalt  }
0x5c: {  	_ =	shalt  }
0x5d: {  	_ =	shalt  }
0x5e: {  	_ =	shalt  }
0x5f: {  	_ =	shalt  }
0x60: {  	_ =	shalt  }
0x61: {  	_ =	shalt  }
0x62: {  	_ =	shalt  }
0x63: {  	_ =	shalt  }
0x64: {  	_ =	shalt  }
0x65: {  	_ =	shalt  }
0x66: {  	_ =	shalt  }
0x67: {  	_ =	shalt  }
0x68: {  	_ =	shalt  }
0x69: {  	_ =	shalt  }
0x6a: {  	_ =	shalt  }
0x6b: {  	_ =	shalt  }
0x6c: {  	_ =	shalt  }
0x6d: {  	_ =	shalt  }
0x6e: {  	_ =	shalt  }
0x6f: {  	_ =	shalt  }
0x70: {  	_ =	shalt  }
0x71: {  	_ =	shalt  }
0x72: {  	_ =	shalt  }
0x73: {  	_ =	shalt  }
0x74: {  	_ =	shalt  }
0x75: {  	_ =	shalt  }
0x76: {  	_ =	shalt  }
0x77: {  	_ =	shalt  }
0x78: {  	_ =	shalt  }
0x79: {  	_ =	shalt  }
0x7a: {  	_ =	shalt  }
0x7b: {  	_ =	shalt  }
0x7c: {  	_ =	shalt  }
0x7d: {  	_ =	shalt  }
0x7e: {  	_ =	shalt  }
0x7f: {  	_ =	shalt  }
0x80: {  	_ =	shalt  }
0x81: {  	_ =	shalt  }
0x82: {  	_ =	shalt  }
0x83: {  	_ =	shalt  }
0x84: {  	_ =	shalt  }
0x85: {  	_ =	shalt  }
0x86: {  	_ =	shalt  }
0x87: {  	_ =	shalt  }
.Lfunc_end0:
.L_simem_size_0:
called_computation_lowered:
.L_overlay_start_0:
0x88: {  	s2 =	sld [smem:$0x3FD9]  }
0x89: {  	s3 =	sld [smem:$0x3FFE];
	_ =	sdelay $0x1  }
0x8a: {  	s1 =	srdreg.scid  }
0x8b: {  	s0 =	sand.u32 $0x1, s1  }
0x8c: {  	s16 =	sshll.u32 s0, $0xA;
	s2 =	sadd.s32 s3, s2  }
0x8d: {  	s2 =	sadd.s32 s2, s16  }
0x8e: {  	[smem:$0x3FBC] =	sst s2  }
0x8f: {  	_ = 	snop  }
0x90: {  	(tm) =	ssettm $0x1  }
0x91: {  	s17 =	sld [smem:$0x3FFB];
	_ =	sdelay $0x3  }
0x92: {  	_ =	strace s17  }
0x93: {  	s2 =	sld [smem:$0x3FFC];
	_ =	sdelay $0x3  }
0x94: {  	_ =	strace s2  }
0x95: {  	s2 =	sld [smem:$0x3FFD];
	_ =	sdelay $0x3  }
0x96: {  	_ =	strace s2  }
0x97: {  	_ =	strace $0x8FFFFFFF  }
0x98: {  	s18 =	sld [smem:$0x3FDB];
	_ =	sdelay $0x1  }
0x99: {  	s19 =	simm.s32 $_scs_section_size  }
0x9a: {  	s4 =	simm.s32 $_size__tile_overlayer_lowered;
	s5 =	simm.s32 $_tile_overlayer_lowered  }
0x9b: {  	s22 =	simm.s32 $0x1BFF;
	s21 =	sshll.u32 s5, $0x1;
	s2 =	sadd.s32 s19, s18  }
0x9c: {  	s6 =	simm.s32 $0x0;
	s20 =	sshll.u32 s4, $0x1;
	s4 =	sadd.s32 s21, s2  }
0x9d: {  	[timem:s6], [sflag:s22] =	dma.local [hbm:s4], s20  }
0x9e: {  	_ =	swait.ge [sflag:s22], s20  }
0x9f: {  	s3 =	ssub.s32 $0x0, s20;
	[sflag:s22] =	ssyncset.done $0x0  }
0xa0: {  	[sflag:s22] =	ssyncadd.s32 s3;
	_ =	sdelay $0x1  }
0xa1: {  	s23 =	simm.s32 $0x1B8B  }
0xa2: {  	_ =	swait.ge [sflag:s23], $0x1  }
0xa3: {  	[sflag:s23] =	ssyncset.done $0x0  }
0xa4: {  	s25 =	simm.s32 $0x1B8E;
	s24 =	sld [smem:$0x3FFE];
	[sflag:s23] =	ssyncadd.s32 $0xFFFFFFFF  }
0xa5: {  	s26 =	simm.s32 $execute0_lowered;
	[smem:$0x3FD2] =	sst s25  }
0xa6: {  	s4 =	sshll.u32 s26, $0x1;
	_ =	strace $0x80000046;
	[dreg:$0x1] =	wrdreg $0xFFFFFFFF  }
0xa7: {  	s28 =	simm.s32 $_size_execute0_lowered;
	s2 =	sadd.s32 s2, s4;
	[dreg:$0x0] =	wrdreg $0x0  }
0xa8: {  	s4 =	sshll.u32 s28, $0x1;
	[dreg:$0x2] =	wrdreg s2  }
0xa9: {  	[dreg:$0x3] =	wrdreg s4  }
0xaa: {  	[dreg:$0x4] =	wrdreg $0xC0  }
0xab: {  	_ =	task [dreg:s6], $0x5FFFF  }
0xac: {  	[dreg:$0x1] =	wrdreg $0xFFFFFFFF  }
0xad: {  	[dreg:$0x0] =	wrdreg $0x60  }
0xae: {  	[dreg:$0x2] =	wrdreg s24  }
0xaf: {  	[dreg:$0x3] =	wrdreg $0x68000  }
0xb0: {  	[dreg:$0x4] =	wrdreg $0x9  }
0xb1: {  	_ =	task.clear_ibuf [dreg:s6], $0x5FFFF;
	_ =	strace $0x90000046  }
0xb2: {  	s29 =	simm.s32 $0x9;
	_ =	strace $0x80000048  }
0xb3: {  	_ =	swait.ge [sflag:s29], $0x1  }
0xb4: {  	[sflag:s29] =	ssyncadd.s32 $0xFFFFFFFF  }
0xb5: {  	_ =	strace $0x90000048  }
0xb6: {  	_ =	sfence  }
0xb7: {  	s30 =	sld [smem:$0x0];
	_ =	sdelay $0x2  }
0xb8: {  	s31 =	sshll.u32 s1, $0xD;
	s1 =	sshrl.u32 s1, $0x2  }
0xb9: {  	s3 =	sand.u32 $0x4000, s31;
	s1 =	sadd.s32 s1, s30  }
0xba: {  	s0 =	sor.u32 s3, s0;
	s1 =	sshll.u32 s1, $0x11  }
0xbb: {  	s0 =	sor.u32 s1, s0  }
0xbc: {  	s0 =	sadd.s32 $0x8F2B, s0  }
0xbd: {  	[sflag:s0] =	ssyncadd.remote.s32 $0x1  }
0xbe: {  	_ =	sfence.sel $0xFFFF  }
0xbf: {  	[dreg:$0x0] =	wrdreg $0xFFFFFFFF;
	(pc) =	sbr.abs _section_cstart, $3  }
0xc0: {  	[dreg:$0x1] =	wrdreg $0xFFFFFFFF  }
0xc1: {  	_ =	task.clear_ibuf [dreg:s6], $0x2FFFF;
	_ =	strace $0x9FFFFFFF  }
0xc2: {  	(tm) =	ssettm $0x7FFFFFFF  }
0xc3: {  	_ =	shalt  }
tec
execute0_lowered:
.L_overlay_start_1:
0x0: {  	(tag) =	ssettag $0x1  }
0x1: {  	s0 =	srdreg.scid;
	s6 =	rddreg [dreg:$0x0]  }
0x2: {  	s2 =	rddreg [dreg:$0x1];
	s3 =	simm.s32 $0x0;
	s13 =	simm.s32 $0x80  }
0x3: {  	s14 =	simm.s32 $0x1;
	s5 =	sand.u32 $0x1, s0;
	s0 =	stileid.u32  }
0x4: {  	s15 =	simm.s32 $0x2;
	s16 =	simm.s32 $0x0;
	s7 =	smul.u32 $0x2800, s0  }
0x5: {  	[smem:$0x7FF] =	sst s3;
	s1 =	sshll.u32 s5, $0x4;
	s8 =	smul.u32 $0x28000, s5  }
0x6: {  	s11 =	smul.u32 $0x50000, s0;
	s5 =	ssub.s32 $0x2, s5;
	s31 =	sshll.u32 s0, $0x6  }
0x7: {  	s4 =	sor.u32 s0, s1;
	s1 =	rddreg [dreg:$0x2];
	_ =	strace $0x80000047  }
0x8: {  	s28 =	sshrl.u32 s5, $0x1;
	s4 =	smul.u32 $0x500, s4;
	s10 =	sadd.s32 s7, s6  }
0x9: {  	s7 =	sadd.s32 s7, s8;
	s29 =	sshrl.u32 s11, $0x2;
	s30 =	ssub.s32 s5, s28  }
0xa: {  	s11 =	simm.s32 $0x3;
	s8 =	sadd.s32 s7, s6;
	s12 =	sadd.s32 s29, s2  }
0xb: {  	s5 =	sadd.s32 $0x18800, s10;
	s9 =	sadd.s32 s4, s6;
	s4 =	sadd.s32 $0x40800, s6  }
0xc: {  	s6 =	sor.u32 $0x1C03, s31;
	s8 =	sadd.s32 $0x41000, s8;
	s10 =	sshrl.u32 s12, $0x3  }
0xd: {  	s12 =	simm.s32 $0x2800;
	s7 =	sadd.s32 $0x4800, s9;
	s9 =	smax.u32 s30, $0x1  }
.LBB2_1:
0xe: {  	[spmem:s10], [sflag:s6] =	dma.local [hbm:s5], $0x2800  }
0xf: {  	_ =	swait.ge [sflag:s11], $0x2800  }
0x10: {  	[sflag:s11] =	ssyncset.done $0x0  }
0x11: {  	[sflag:s11] =	ssyncadd.s32 $0xFFFFD800  }
0x12: {  	[tilespmem:s12], [sflag:$0x3] =	stream.linear.gather [hbm4b:s4+s3], $0x4000, $0x38;
	[tilespmem:$0x1A800] =	vst v63  }
0x13: {  	_ =	swait.ge [sflag:s11], $0x4000  }
0x14: {  	[sflag:s11] =	ssyncset.done $0x0  }
0x15: {  	[sflag:s11] =	ssyncadd.s32 $0xFFFFC000  }
0x16: {  	[tilespmem:s3], [sflag:$0x3] =	stream.linear.gather [hbm4b:s7+s3], $0x2800, $0x38;
	[tilespmem:$0x1A800] =	vst v63  }
0x17: {  	_ =	swait.ge [sflag:s11], $0x2800  }
0x18: {  	[sflag:s11] =	ssyncset.done $0x0  }
0x19: {  	[sflag:s11] =	ssyncadd.s32 $0xFFFFD800  }
0x1a: {  	[bflag:$0x0] =	sbarrier.arrive $0xFFFF  }
0x1b: {  	[spmem:s2] =	stream.indirect.scatter.add.f32 [tilespmem:s12], [sflag:$0x1], $0x80, s3, s13, $0xb8;
	[tilespmem:$0x1A800] =	vst v63  }
0x1c: {  	_ = 	snop  }
0x1d: {  	[spmem:s2] =	stream.indirect.scatter.add.f32 [tilespmem:s12], [sflag:$0x2], $0x80, s13, s13, $0xb8;
	[tilespmem:$0x1A800] =	vst v63  }
0x1e: {  	_ =	swait.ge [sflag:s14], $0x4000  }
0x1f: {  	[sflag:s14] =	ssyncset.done $0x0  }
0x20: {  	s17 =	simm.s32 $0x100;
	[sflag:s14] =	ssyncadd.s32 $0xFFFFC000  }
0x21: {  	[spmem:s2] =	stream.indirect.scatter.add.f32 [tilespmem:s12], [sflag:$0x1], $0x80, s17, s13, $0xb8;
	[tilespmem:$0x1A800] =	vst v63  }
0x22: {  	_ =	swait.ge [sflag:s15], $0x4000  }
0x23: {  	[sflag:s15] =	ssyncset.done $0x0  }
0x24: {  	s18 =	simm.s32 $0x180;
	s17 =	simm.s32 $0xFFFF6800;
	[sflag:s15] =	ssyncadd.s32 $0xFFFFC000  }
.LBB2_2:
0x25: {  	[spmem:s2] =	stream.indirect.scatter.add.f32 [tilespmem:s12], [sflag:$0x2], $0x80, s18, s13, $0xb8;
	[tilespmem:$0x1A800] =	vst v63  }
0x26: {  	s18 =	smov.u32 s17  }
0x27: {  	p0 =	sne.s32 s17, $0xFFFFFC00;
	s17 =	sadd.s32 $0x400, s17;
	_ =	swait.ge [sflag:s14], $0x4000  }
0x28: {  	s18 =	sshra.s32 s18, $0x2;
	[sflag:s14] =	ssyncset.done $0x0  }
.Ltmp0:
0x29: {  	s19 =	sadd.s32 $0x2800, s18;
	[sflag:s14] =	ssyncadd.s32 $0xFFFFC000;
	(pc) =	sbr.rel @p0 .LBB2_2-.Ltmp0, $4  }
0x2a: {  	[spmem:s2] =	stream.indirect.scatter.add.f32 [tilespmem:s12], [sflag:$0x1], $0x80, s19, s13, $0xb8;
	[tilespmem:$0x1A800] =	vst v63  }
0x2b: {  	_ =	swait.ge [sflag:s15], $0x4000  }
0x2c: {  	[sflag:s15] =	ssyncset.done $0x0  }
0x2d: {  	s18 =	sadd.s32 $0x2880, s18;
	[sflag:s15] =	ssyncadd.s32 $0xFFFFC000  }
0x2e: {  	[spmem:s2] =	stream.indirect.scatter.add.f32 [tilespmem:s12], [sflag:$0x2], $0x80, s18, s13, $0xb8;
	[tilespmem:$0x1A800] =	vst v63  }
0x2f: {  	_ =	swait.ge [sflag:s14], $0x4000  }
0x30: {  	[sflag:s14] =	ssyncset.done $0x0  }
0x31: {  	[sflag:s14] =	ssyncadd.s32 $0xFFFFC000  }
0x32: {  	_ =	swait.ge [sflag:s15], $0x4000  }
0x33: {  	s16 =	sadd.s32 $0x1, s16;
	[sflag:s15] =	ssyncset.done $0x0  }
0x34: {  	p0 =	sne.s32 s16, s9;
	[sflag:s15] =	ssyncadd.s32 $0xFFFFC000  }
.Ltmp1:
0x35: {  	[bflag:$0x0] =	sbarrier.arrive $0xFFFF;
	(pc) =	sbr.rel @p0 .LBB2_1-.Ltmp1, $4  }
0x36: {  	[hbm:s8], [sflag:s6] =	dma.local [spmem:s10], $0x2800  }
0x37: {  	_ =	swait.ge [sflag:s11], $0x2800  }
0x38: {  	[sflag:s11] =	ssyncset.done $0x0  }
0x39: {  	[sflag:s11] =	ssyncadd.s32 $0xFFFFD800  }
0x3a: {  	_ =	sfence.sel $0x180000  }
0x3b: {  	[bflag:$0x0] =	sbarrier.arrive $0xFFFF  }
0x3c: {  	p0 =	sne.s32 s0, $0x0;
	_ =	strace $0x90000047  }
0x3d: {  	s0 =	sadd.s32 @!p0 $0x100000, s1;
	[bflag:$0x2] =	sbarrier.arrive $0xFFFF  }
0x3e: {  	[sflag:s0] =	ssyncadd.tile.s32 @!p0 $0x1;
	_ =	shalt  }
.Lfunc_end2:
_tile_overlayer_lowered:
.L_overlay_start_2:
0x3f: {  	(tag) =	ssettag $0x2  }
0x40: {  	s0 =	rddreg [dreg:$0x0];
	s2 =	stileid.u32  }
0x41: {  	s1 =	rddreg [dreg:$0x1];
	p0 =	sne.s32 s2, $0x0  }
0x42: {  	s3 =	rddreg [dreg:$0x2];
	[bflag:$0x3] =	sbarrier.arrive $0xFFFF;
	s2 =	simm.s32 @!p0 $0x1C03  }
0x43: {  	[timem:s3], [sflag:s2] =	dma.local @!p0 [hbm:s0], s1  }
0x44: {  	s0 =	simm.s32 @!p0 $0x3  }
0x45: {  	_ =	swait.ge @!p0 [sflag:s0], s1  }
0x46: {  	s1 =	ssub.s32 @!p0 $0x0, s1;
	[sflag:s0] =	ssyncset.done @!p0 $0x0  }
0x47: {  	[sflag:s0] =	ssyncadd.s32 @!p0 s1  }
0x48: {  	[bflag:$0x3] =	sbarrier.arrive $0xFFFF  }
0x49: {  	_ =	shalt  }

// kernel: kernel.19.cloned.1.call-start
scs
__scs_entry_jumppad:
0x0: {  	(pc) =	sbr.rel $0x88, $3  }
0x1: {  	(tag) =	ssettag $0x0;
	lr =	simm.s32 $0x1  }
0x2: {  	[smem:$0x3F95] =	sst lr;
	_ =	strace $0xD0000000  }
0x3: {  	_ = 	snop  }
0x4: {  	_ = 	snop  }
0x5: {  	_ = 	snop  }
0x6: {  	_ = 	snop  }
0x7: {  	_ = 	snop  }
__scs_overlays_trampoline_lowered:
0x8: {  	[smem:$0x3FA4] =	sst s0  }
0x9: {  	[smem:$0x3FA5] =	sst s1  }
0xa: {  	[smem:$0x3FA6] =	sst s2  }
0xb: {  	[smem:$0x3FA7] =	sst s3  }
0xc: {  	[smem:$0x3FA8] =	sst s4  }
0xd: {  	[smem:$0x3FA9] =	sst s5  }
0xe: {  	[smem:$0x3FAA] =	sst s6  }
0xf: {  	[smem:$0x3FAB] =	sst s7  }
0x10: {  	[smem:$0x3FAC] =	sst s8  }
0x11: {  	[smem:$0x3FAD] =	sst s9;
	s0 =	simm.s32 @!p0 $0x0  }
0x12: {  	s1 =	sld [smem:$0x3F93];
	s0 =	simm.s32 @p0 $0x1  }
0x13: {  	[smem:$0x3FAE] =	sst s0;
	s0 =	simm.s32 @!p1 $0x0  }
0x14: {  	s2 =	sld [smem:$0x3F92];
	s0 =	simm.s32 @p1 $0x1  }
0x15: {  	[smem:$0x3FAF] =	sst s0;
	s0 =	simm.s32 @!p2 $0x0  }
0x16: {  	s3 =	sld [smem:$0x3FDB];
	s0 =	simm.s32 @p2 $0x1  }
0x17: {  	s4 =	simm.s32 $0x1BF5;
	[smem:$0x3FB1] =	sst s0  }
0x18: {  	s0 =	sld [smem:$0x3F94];
	_ =	swait.ge [sflag:s4], $0x0  }
0x19: {  	s7 =	sld [smem:$0x3F95]  }
0x1a: {  	s8 =	sadd.s32 $0xFFFFE003, lr  }
0x1b: {  	s9 =	sadd.s32 $0xFFFFFEF7, lr;
	s5 =	simm.s32 $0xFFFFFFFF;
	p2 =	slt.u32 s8, $0xFFFFF086  }
0x1c: {  	p1 =	slt.u32 s9, $0xF7A;
	s5 =	simm.s32 @!p2 $0x0  }
0x1d: {  	s5 =	simm.s32 @p1 $0x1;
	p0 =	seq.s32 s7, s2  }
0x1e: {  	s7 =	smul.u32 @!p0 $0xF7A, s2;
	p2 =	seq.s32 @!p0 s5, $0x0  }
0x1f: {  	s9 =	smul.u32 $0xF7A, s1;
	s8 =	simm.s32 @!p0 $0x1BF5;
	p2 =	por !p2, p0  }
0x20: {  	[sflag:s8] =	ssyncset.s32 @!p0 $0xFFFFF086;
	s6 =	sadd.s32 @!p0 s3, s7;
	s7 =	simm.s32 @!p0 $0x108  }
0x21: {  	s3 =	sadd.s32 s3, s9;
	s6 =	sadd.s32 @!p0 $0x88, s6;
	s7 =	simm.s32 @p2 $0x1082  }
0x22: {  	[simem:s7], [sflag:s8] =	dma.local @!p0 [hbm:s6], $0xF7A  }
0x23: {  	s9 =	sor.u32 $0xD0000000, s2;
	s6 =	simm.s32 $0x108;
	_ =	swait.ge @!p0 [sflag:s8], $0x0  }
0x24: {  	s3 =	sadd.s32 $0x88, s3;
	s6 =	simm.s32 @!p1 $0x1082;
	[sflag:s4] =	ssyncset.s32 $0xFFFFF086  }
0x25: {  	[simem:s6], [sflag:s4] =	dma.local [hbm:s3], $0xF7A  }
0x26: {  	[smem:$0x3F95] =	sst s1;
	(tag) =	ssettag s2;
	_ =	strace s9  }
0x27: {  	s1 =	sld [smem:$0x3FA5]  }
0x28: {  	s2 =	sld [smem:$0x3FA6]  }
0x29: {  	s4 =	sld [smem:$0x3FA8]  }
0x2a: {  	p0 =	seq.s32 s5, $0x0;
	s5 =	sld [smem:$0x3FA9]  }
0x2b: {  	s6 =	sld [smem:$0x3FAA]  }
0x2c: {  	s7 =	sld [smem:$0x3FAB]  }
0x2d: {  	s3 =	simm.s32 $0x108;
	s8 =	sld [smem:$0x3FAC]  }
0x2e: {  	s3 =	simm.s32 @!p0 $0x1082;
	s9 =	sld [smem:$0x3FAD]  }
0x2f: {  	lr =	sadd.s32 s0, s3;
	s0 =	sld [smem:$0x3FA4]  }
0x30: {  	s3 =	sld [smem:$0x3FA7]  }
0x31: {  	[smem:$0x3FB0] =	sst s10  }
0x32: {  	s10 =	sld [smem:$0x3FAE];
	_ =	sdelay $0x3  }
0x33: {  	p0 =	seq.s32 s10, $0x1;
	s10 =	sld [smem:$0x3FB0];
	_ =	sdelay $0x3  }
0x34: {  	[smem:$0x3FB0] =	sst s10  }
0x35: {  	s10 =	sld [smem:$0x3FAF];
	_ =	sdelay $0x3  }
0x36: {  	p1 =	seq.s32 s10, $0x1;
	s10 =	sld [smem:$0x3FB0];
	_ =	sdelay $0x3  }
0x37: {  	[smem:$0x3FB0] =	sst s10  }
0x38: {  	s10 =	sld [smem:$0x3FB1]  }
0x39: {  	_ = 	snop;
	(pc) =	sbr.ind lr, $3  }
0x3a: {  	_ = 	snop  }
0x3b: {  	_ = 	snop  }
0x3c: {  	p2 =	seq.s32 s10, $0x1;
	s10 =	sld [smem:$0x3FB0]  }
0x3d: {  	_ =	shalt  }
0x3e: {  	_ =	shalt  }
0x3f: {  	_ =	shalt  }
0x40: {  	_ =	shalt  }
0x41: {  	_ =	shalt  }
0x42: {  	_ =	shalt  }
0x43: {  	_ =	shalt  }
0x44: {  	_ =	shalt  }
0x45: {  	_ =	shalt  }
0x46: {  	_ =	shalt  }
0x47: {  	_ =	shalt  }
0x48: {  	_ =	shalt  }
0x49: {  	_ =	shalt  }
0x4a: {  	_ =	shalt  }
0x4b: {  	_ =	shalt  }
0x4c: {  	_ =	shalt  }
0x4d: {  	_ =	shalt  }
0x4e: {  	_ =	shalt  }
0x4f: {  	_ =	shalt  }
0x50: {  	_ =	shalt  }
0x51: {  	_ =	shalt  }
0x52: {  	_ =	shalt  }
0x53: {  	_ =	shalt  }
0x54: {  	_ =	shalt  }
0x55: {  	_ =	shalt  }
0x56: {  	_ =	shalt  }
0x57: {  	_ =	shalt  }
0x58: {  	_ =	shalt  }
0x59: {  	_ =	shalt  }
0x5a: {  	_ =	shalt  }
0x5b: {  	_ =	shalt  }
0x5c: {  	_ =	shalt  }
0x5d: {  	_ =	shalt  }
0x5e: {  	_ =	shalt  }
0x5f: {  	_ =	shalt  }
0x60: {  	_ =	shalt  }
0x61: {  	_ =	shalt  }
0x62: {  	_ =	shalt  }
0x63: {  	_ =	shalt  }
0x64: {  	_ =	shalt  }
0x65: {  	_ =	shalt  }
0x66: {  	_ =	shalt  }
0x67: {  	_ =	shalt  }
0x68: {  	_ =	shalt  }
0x69: {  	_ =	shalt  }
0x6a: {  	_ =	shalt  }
0x6b: {  	_ =	shalt  }
0x6c: {  	_ =	shalt  }
0x6d: {  	_ =	shalt  }
0x6e: {  	_ =	shalt  }
0x6f: {  	_ =	shalt  }
0x70: {  	_ =	shalt  }
0x71: {  	_ =	shalt  }
0x72: {  	_ =	shalt  }
0x73: {  	_ =	shalt  }
0x74: {  	_ =	shalt  }
0x75: {  	_ =	shalt  }
0x76: {  	_ =	shalt  }
0x77: {  	_ =	shalt  }
0x78: {  	_ =	shalt  }
0x79: {  	_ =	shalt  }
0x7a: {  	_ =	shalt  }
0x7b: {  	_ =	shalt  }
0x7c: {  	_ =	shalt  }
0x7d: {  	_ =	shalt  }
0x7e: {  	_ =	shalt  }
0x7f: {  	_ =	shalt  }
0x80: {  	_ =	shalt  }
0x81: {  	_ =	shalt  }
0x82: {  	_ =	shalt  }
0x83: {  	_ =	shalt  }
0x84: {  	_ =	shalt  }
0x85: {  	_ =	shalt  }
0x86: {  	_ =	shalt  }
0x87: {  	_ =	shalt  }
.Lfunc_end0:
.L_simem_size_0:
called_computation.1_lowered:
.L_overlay_start_0:
0x88: {  	s2 =	sld [smem:$0x3FD9]  }
0x89: {  	s3 =	sld [smem:$0x3FFE];
	_ =	sdelay $0x1  }
0x8a: {  	s1 =	srdreg.scid  }
0x8b: {  	s0 =	sand.u32 $0x1, s1  }
0x8c: {  	s16 =	sshll.u32 s0, $0xA;
	s2 =	sadd.s32 s3, s2  }
0x8d: {  	s2 =	sadd.s32 s2, s16  }
0x8e: {  	[smem:$0x3FBC] =	sst s2  }
0x8f: {  	_ = 	snop  }
0x90: {  	(tm) =	ssettm $0x1  }
0x91: {  	s17 =	sld [smem:$0x3FFB];
	_ =	sdelay $0x3  }
0x92: {  	_ =	strace s17  }
0x93: {  	s2 =	sld [smem:$0x3FFC];
	_ =	sdelay $0x3  }
0x94: {  	_ =	strace s2  }
0x95: {  	s2 =	sld [smem:$0x3FFD];
	_ =	sdelay $0x3  }
0x96: {  	_ =	strace s2  }
0x97: {  	_ =	strace $0x8FFFFFFF  }
0x98: {  	s18 =	sld [smem:$0x3FDB];
	_ =	sdelay $0x1  }
0x99: {  	s19 =	simm.s32 $_scs_section_size  }
0x9a: {  	s4 =	simm.s32 $_size__tile_overlayer_lowered;
	s5 =	simm.s32 $_tile_overlayer_lowered  }
0x9b: {  	s22 =	simm.s32 $0x1BFF;
	s21 =	sshll.u32 s5, $0x1;
	s2 =	sadd.s32 s19, s18  }
0x9c: {  	s6 =	simm.s32 $0x0;
	s20 =	sshll.u32 s4, $0x1;
	s4 =	sadd.s32 s21, s2  }
0x9d: {  	[timem:s6], [sflag:s22] =	dma.local [hbm:s4], s20  }
0x9e: {  	_ =	swait.ge [sflag:s22], s20  }
0x9f: {  	s3 =	ssub.s32 $0x0, s20;
	[sflag:s22] =	ssyncset.done $0x0  }
0xa0: {  	[sflag:s22] =	ssyncadd.s32 s3;
	_ =	sdelay $0x1  }
0xa1: {  	s23 =	simm.s32 $0x1B8B  }
0xa2: {  	_ =	swait.ge [sflag:s23], $0x1  }
0xa3: {  	[sflag:s23] =	ssyncset.done $0x0  }
0xa4: {  	s25 =	simm.s32 $0x1B8E;
	s24 =	sld [smem:$0x3FFE];
	[sflag:s23] =	ssyncadd.s32 $0xFFFFFFFF  }
0xa5: {  	s26 =	simm.s32 $execute0_lowered;
	[smem:$0x3FD2] =	sst s25  }
0xa6: {  	s4 =	sshll.u32 s26, $0x1;
	_ =	strace $0x80000049;
	[dreg:$0x1] =	wrdreg $0xFFFFFFFF  }
0xa7: {  	s28 =	simm.s32 $_size_execute0_lowered;
	s2 =	sadd.s32 s2, s4;
	[dreg:$0x0] =	wrdreg $0x0  }
0xa8: {  	s4 =	sshll.u32 s28, $0x1;
	[dreg:$0x2] =	wrdreg s2  }
0xa9: {  	[dreg:$0x3] =	wrdreg s4  }
0xaa: {  	[dreg:$0x4] =	wrdreg $0xC0  }
0xab: {  	_ =	task [dreg:s6], $0x5FFFF  }
0xac: {  	[dreg:$0x1] =	wrdreg $0xFFFFFFFF  }
0xad: {  	[dreg:$0x0] =	wrdreg $0x60  }
0xae: {  	[dreg:$0x2] =	wrdreg s24  }
0xaf: {  	[dreg:$0x3] =	wrdreg $0xA9000  }
0xb0: {  	[dreg:$0x4] =	wrdreg $0x9  }
0xb1: {  	_ =	task.clear_ibuf [dreg:s6], $0x5FFFF;
	_ =	strace $0x90000049  }
0xb2: {  	s29 =	simm.s32 $0x9;
	_ =	strace $0x8000004B  }
0xb3: {  	_ =	swait.ge [sflag:s29], $0x1  }
0xb4: {  	[sflag:s29] =	ssyncadd.s32 $0xFFFFFFFF  }
0xb5: {  	_ =	strace $0x9000004B  }
0xb6: {  	_ =	sfence  }
0xb7: {  	s30 =	sld [smem:$0x0];
	_ =	sdelay $0x2  }
0xb8: {  	s31 =	sshll.u32 s1, $0xD;
	s1 =	sshrl.u32 s1, $0x2  }
0xb9: {  	s3 =	sand.u32 $0x4000, s31;
	s1 =	sadd.s32 s1, s30  }
0xba: {  	s0 =	sor.u32 s3, s0;
	s1 =	sshll.u32 s1, $0x11  }
0xbb: {  	s0 =	sor.u32 s1, s0  }
0xbc: {  	s0 =	sadd.s32 $0x8F2B, s0  }
0xbd: {  	[sflag:s0] =	ssyncadd.remote.s32 $0x1  }
0xbe: {  	_ =	sfence.sel $0xFFFF  }
0xbf: {  	[dreg:$0x0] =	wrdreg $0xFFFFFFFF;
	(pc) =	sbr.abs _section_cstart, $3  }
0xc0: {  	[dreg:$0x1] =	wrdreg $0xFFFFFFFF  }
0xc1: {  	_ =	task.clear_ibuf [dreg:s6], $0x2FFFF;
	_ =	strace $0x9FFFFFFF  }
0xc2: {  	(tm) =	ssettm $0x7FFFFFFF  }
0xc3: {  	_ =	shalt  }
tec
execute0_lowered:
.L_overlay_start_1:
0x0: {  	(tag) =	ssettag $0x1  }
0x1: {  	s0 =	srdreg.scid;
	s6 =	rddreg [dreg:$0x0]  }
0x2: {  	s2 =	rddreg [dreg:$0x1];
	s1 =	stileid.u32  }
0x3: {  	s3 =	simm.s32 $0x0;
	s18 =	simm.s32 $0x2800;
	s19 =	simm.s32 $0x2880  }
0x4: {  	s20 =	simm.s32 $0x1;
	s21 =	simm.s32 $0x80;
	s22 =	simm.s32 $0x2900  }
0x5: {  	s23 =	simm.s32 $0x3;
	s28 =	simm.s32 $0x5;
	s29 =	simm.s32 $0x6  }
0x6: {  	s30 =	simm.s32 $0x0;
	s0 =	sand.u32 $0x1, s0;
	s13 =	smul.u32 $0x2800, s1  }
0x7: {  	[smem:$0x7FF] =	sst s3;
	s5 =	sadd.s32 $0xE800, s6;
	s11 =	smul.u32 $0x50000, s1  }
0x8: {  	s12 =	sadd.s32 $0x18800, s6;
	s31 =	sshll.u32 s1, $0x6;
	s17 =	smul.u32 $0x500, s1  }
0x9: {  	s4 =	sshll.u32 s0, $0x4;
	_ =	strace $0x8000004A;
	s8 =	smul.u32 $0x28000, s0  }
0xa: {  	s10 =	ssub.s32 $0x2, s0;
	p0 =	seq.s32 s0, $0x1;
	s0 =	smul.u32 $0x5000, s0  }
0xb: {  	s4 =	sor.u32 s1, s4;
	s14 =	sshrl.u32 s10, $0x1;
	s24 =	sshrl.u32 s11, $0x2  }
0xc: {  	s7 =	smul.u32 $0x500, s4;
	s4 =	sadd.s32 $0x40800, s6;
	s8 =	sadd.s32 s13, s8  }
0xd: {  	s10 =	ssub.s32 s10, s14;
	s16 =	sadd.s32 s24, s2;
	s24 =	simm.s32 $0x2  }
0xe: {  	s15 =	sadd.s32 s8, s6;
	s10 =	smax.u32 s10, $0x1;
	s14 =	smov.u32 s4  }
0xf: {  	s16 =	sshrl.u32 s16, $0x3;
	s9 =	sadd.s32 s7, s6;
	s6 =	sadd.s32 s5, s7  }
.Ltmp0:
0x10: {  	s14 =	smov.u32 @p0 s12;
	s25 =	sadd.s32 $0x4800, s9;
	(pc) =	sbr.rel .LBB2_1-.Ltmp0, $4  }
0x11: {  	s26 =	sadd.s32 $0x10, s6;
	s9 =	sadd.s32 $0x91800, s15;
	s11 =	sadd.s32 $0x20, s6  }
0x12: {  	s12 =	sadd.s32 $0x30, s6;
	s13 =	sadd.s32 s14, s13;
	s14 =	sor.u32 $0x1C07, s31  }
0x13: {  	s15 =	sadd.s32 s17, s0;
	s17 =	simm.s32 $0x7;
	[dreg:$0x3] =	wrdreg s25  }
0x14: {  	[dreg:$0x4] =	wrdreg s26;
	s25 =	simm.s32 $0x6900;
	s26 =	simm.s32 $0x4  }
.LBB2_4:
0x15: {  	_ =	swait.ge [sflag:s28], $0x4000  }
0x16: {  	[sflag:s28] =	ssyncset.done $0x0  }
0x17: {  	[sflag:s28] =	ssyncadd.s32 $0xFFFFC000  }
0x18: {  	_ =	swait.ge [sflag:s29], $0x4000  }
0x19: {  	s30 =	sadd.s32 $0x1, s30;
	[sflag:s29] =	ssyncset.done $0x0  }
0x1a: {  	p0 =	sne.s32 s30, s10;
	[sflag:s29] =	ssyncadd.s32 $0xFFFFC000  }
.Ltmp1:
0x1b: {  	[bflag:$0x0] =	sbarrier.arrive $0xFFFF;
	(pc) =	sbr.rel @!p0 .LBB2_5-.Ltmp1, $4  }
0x1c: {  	[hbm:s9], [sflag:s14] =	dma.local [spmem:s16], $0x2800  }
0x1d: {  	_ =	swait.ge [sflag:s17], $0x2800  }
0x1e: {  	[sflag:s17] =	ssyncset.done $0x0  }
0x1f: {  	[sflag:s17] =	ssyncadd.s32 $0xFFFFD800  }
.LBB2_1:
0x20: {  	[spmem:s16], [sflag:s14] =	dma.local [hbm:s13], $0x2800  }
0x21: {  	_ =	swait.ge [sflag:s17], $0x2800  }
0x22: {  	[sflag:s17] =	ssyncset.done $0x0  }
0x23: {  	s0 =	rddreg [dreg:$0x3];
	[sflag:s17] =	ssyncadd.s32 $0xFFFFD800  }
0x24: {  	[tilespmem:s3], [sflag:$0x7] =	stream.linear.gather [hbm4b:s0+s3], $0x2800, $0x38;
	[tilespmem:$0x1E900] =	vst v63  }
0x25: {  	_ =	swait.ge [sflag:s17], $0x2800  }
0x26: {  	[sflag:s17] =	ssyncset.done $0x0  }
0x27: {  	[sflag:s17] =	ssyncadd.s32 $0xFFFFD800  }
0x28: {  	[bflag:$0x0] =	sbarrier.arrive $0xFFFF  }
0x29: {  	[tilespmem:s18], [sflag:$0x1] =	stream.linear.gather [hbm4b:s6+s3], $0x80, $0x38;
	[tilespmem:$0x1E900] =	vst v63  }
0x2a: {  	s8 =	rddreg [dreg:$0x4]  }
0x2b: {  	[tilespmem:s19], [sflag:$0x2] =	stream.linear.gather [hbm4b:s8+s3], $0x80, $0x38;
	[tilespmem:$0x1E900] =	vst v63  }
0x2c: {  	_ =	swait.ge [sflag:s20], $0x80  }
0x2d: {  	[sflag:s20] =	ssyncset.done $0x0  }
0x2e: {  	[sflag:s20] =	ssyncadd.s32 $0xFFFFFF80  }
0x2f: {  	[tilespmem:s22], [sflag:$0x3] =	stream.indirect.gather [hbm4b:s4+s21], $0x80, s18, s21, $0xb8;
	[tilespmem:$0x1E900] =	vst v63  }
0x30: {  	_ =	swait.ge [sflag:s23], $0x4000  }
0x31: {  	[sflag:s23] =	ssyncset.done $0x0  }
0x32: {  	[sflag:s23] =	ssyncadd.s32 $0xFFFFC000  }
0x33: {  	[spmem:s2] =	stream.indirect.scatter.add.f32 [tilespmem:s22], [sflag:$0x5], $0x80, s3, s21, $0xb8;
	[tilespmem:$0x1E900] =	vst v63  }
0x34: {  	_ = 	snop  }
0x35: {  	[tilespmem:s18], [sflag:$0x1] =	stream.linear.gather [hbm4b:s11+s3], $0x80, $0x38;
	[tilespmem:$0x1E900] =	vst v63  }
0x36: {  	_ =	swait.ge [sflag:s24], $0x80  }
0x37: {  	[sflag:s24] =	ssyncset.done $0x0  }
0x38: {  	[sflag:s24] =	ssyncadd.s32 $0xFFFFFF80  }
0x39: {  	[tilespmem:s25], [sflag:$0x4] =	stream.indirect.gather [hbm4b:s4+s21], $0x80, s19, s21, $0xb8;
	[tilespmem:$0x1E900] =	vst v63  }
0x3a: {  	_ =	swait.ge [sflag:s26], $0x4000  }
0x3b: {  	[sflag:s26] =	ssyncset.done $0x0  }
0x3c: {  	[sflag:s26] =	ssyncadd.s32 $0xFFFFC000  }
0x3d: {  	[spmem:s2] =	stream.indirect.scatter.add.f32 [tilespmem:s25], [sflag:$0x6], $0x80, s21, s21, $0xb8;
	[tilespmem:$0x1E900] =	vst v63  }
0x3e: {  	_ = 	snop  }
0x3f: {  	[tilespmem:s19], [sflag:$0x2] =	stream.linear.gather [hbm4b:s12+s3], $0x80, $0x38;
	[tilespmem:$0x1E900] =	vst v63  }
0x40: {  	_ =	swait.ge [sflag:s28], $0x4000  }
0x41: {  	[sflag:s28] =	ssyncset.done $0x0  }
0x42: {  	[sflag:s28] =	ssyncadd.s32 $0xFFFFC000  }
0x43: {  	_ =	swait.ge [sflag:s20], $0x80  }
0x44: {  	[sflag:s20] =	ssyncset.done $0x0  }
0x45: {  	s31 =	simm.s32 $0x180;
	s0 =	simm.s32 $0x50;
	[sflag:s20] =	ssyncadd.s32 $0xFFFFFF80  }
0x46: {  	[tilespmem:s22], [sflag:$0x3] =	stream.indirect.gather [hbm4b:s4+s21], $0x80, s18, s21, $0xb8;
	[tilespmem:$0x1E900] =	vst v63  }
.LBB2_2:
0x47: {  	_ =	swait.ge [sflag:s23], $0x4000  }
0x48: {  	[sflag:s23] =	ssyncset.done $0x0  }
0x49: {  	s1 =	sadd.s32 $0xFFFFFF80, s31;
	p0 =	seq.s32 s0, $0x510;
	[sflag:s23] =	ssyncadd.s32 $0xFFFFC000  }
0x4a: {  	[spmem:s2] =	stream.indirect.scatter.add.f32 [tilespmem:s22], [sflag:$0x5], $0x80, s1, s21, $0xb8;
	[tilespmem:$0x1E900] =	vst v63  }
0x4b: {  	s1 =	sadd.s32 @!p0 $0xFFFFFFF0, s0  }
0x4c: {  	s7 =	sadd.s32 @!p0 s15, s1;
	s1 =	sand.u32 @!p0 $0x60, s1  }
0x4d: {  	s7 =	sand.u32 @!p0 $0xFFFFF80, s7;
	s1 =	sadd.s32 @!p0 s5, s1  }
0x4e: {  	s8 =	simm.s32 @!p0 $0x2800;
	s1 =	sadd.s32 @!p0 s7, s1;
	s7 =	simm.s32 @!p0 $0x0  }
0x4f: {  	[tilespmem:s8], [sflag:$0x1] =	stream.linear.gather @!p0 [hbm4b:s1+s7], $0x80, $0x38;
	[tilespmem:$0x1E900] =	vst v63  }
0x50: {  	_ =	swait.ge [sflag:s29], $0x4000  }
0x51: {  	[sflag:s29] =	ssyncset.done $0x0  }
0x52: {  	[sflag:s29] =	ssyncadd.s32 $0xFFFFC000  }
0x53: {  	_ =	swait.ge [sflag:s24], $0x80  }
0x54: {  	[sflag:s24] =	ssyncset.done $0x0  }
0x55: {  	[sflag:s24] =	ssyncadd.s32 $0xFFFFFF80  }
0x56: {  	[tilespmem:s25], [sflag:$0x4] =	stream.indirect.gather [hbm4b:s4+s21], $0x80, s19, s21, $0xb8;
	[tilespmem:$0x1E900] =	vst v63  }
.Ltmp2:
0x57: {  	_ = 	snop;
	(pc) =	sbr.rel @p0 .LBB2_4-.Ltmp2, $4  }
0x58: {  	_ =	swait.ge [sflag:s26], $0x4000  }
0x59: {  	[sflag:s26] =	ssyncset.done $0x0  }
0x5a: {  	[sflag:s26] =	ssyncadd.s32 $0xFFFFC000  }
0x5b: {  	[spmem:s2] =	stream.indirect.scatter.add.f32 [tilespmem:s25], [sflag:$0x6], $0x80, s31, s21, $0xb8;
	[tilespmem:$0x1E900] =	vst v63  }
0x5c: {  	s1 =	sadd.s32 s0, s15;
	s7 =	sand.u32 $0x70, s0  }
0x5d: {  	s1 =	sand.u32 $0xFFFFF80, s1;
	s7 =	sadd.s32 s5, s7  }
0x5e: {  	s1 =	sadd.s32 s1, s7  }
0x5f: {  	[tilespmem:s19], [sflag:$0x2] =	stream.linear.gather [hbm4b:s1+s3], $0x80, $0x38;
	[tilespmem:$0x1E900] =	vst v63  }
0x60: {  	_ =	swait.ge [sflag:s28], $0x4000  }
0x61: {  	[sflag:s28] =	ssyncset.done $0x0  }
.Ltmp3:
0x62: {  	[sflag:s28] =	ssyncadd.s32 $0xFFFFC000;
	(pc) =	sbr.rel .LBB2_2-.Ltmp3, $4  }
0x63: {  	_ =	swait.ge [sflag:s20], $0x80  }
0x64: {  	[sflag:s20] =	ssyncset.done $0x0  }
0x65: {  	s31 =	sadd.s32 $0x100, s31;
	s0 =	sadd.s32 $0x20, s0;
	[sflag:s20] =	ssyncadd.s32 $0xFFFFFF80  }
0x66: {  	[tilespmem:s22], [sflag:$0x3] =	stream.indirect.gather [hbm4b:s4+s21], $0x80, s18, s21, $0xb8;
	[tilespmem:$0x1E900] =	vst v63  }
.LBB2_5:
0x67: {  	_ =	sfence.sel $0x180000  }
0x68: {  	[bflag:$0x0] =	sbarrier.arrive $0xFFFF  }
0x69: {  	_ =	strace $0x9000004A  }
0x6a: {  	s0 =	stileid.u32;
	[bflag:$0x2] =	sbarrier.arrive $0xFFFF  }
0x6b: {  	p0 =	sne.s32 s0, $0x0;
	s0 =	rddreg [dreg:$0x2]  }
0x6c: {  	s0 =	sadd.s32 @!p0 $0x100000, s0  }
0x6d: {  	[sflag:s0] =	ssyncadd.tile.s32 @!p0 $0x1;
	_ =	shalt  }
.Lfunc_end2:
_tile_overlayer_lowered:
.L_overlay_start_2:
0x6e: {  	(tag) =	ssettag $0x2  }
0x6f: {  	s0 =	rddreg [dreg:$0x0];
	s2 =	stileid.u32  }
0x70: {  	s1 =	rddreg [dreg:$0x1];
	p0 =	sne.s32 s2, $0x0  }
0x71: {  	s3 =	rddreg [dreg:$0x2];
	[bflag:$0x3] =	sbarrier.arrive $0xFFFF;
	s2 =	simm.s32 @!p0 $0x1C07  }
0x72: {  	[timem:s3], [sflag:s2] =	dma.local @!p0 [hbm:s0], s1  }
0x73: {  	s0 =	simm.s32 @!p0 $0x7  }
0x74: {  	_ =	swait.ge @!p0 [sflag:s0], s1  }
0x75: {  	s1 =	ssub.s32 @!p0 $0x0, s1;
	[sflag:s0] =	ssyncset.done @!p0 $0x0  }
0x76: {  	[sflag:s0] =	ssyncadd.s32 @!p0 s1  }
0x77: {  	[bflag:$0x3] =	sbarrier.arrive $0xFFFF  }
0x78: {  	_ =	shalt  }

// kernel: kernel.22.cloned.1.call-start
scs
__scs_entry_jumppad:
0x0: {  	(pc) =	sbr.rel $0x88, $3  }
0x1: {  	(tag) =	ssettag $0x0;
	lr =	simm.s32 $0x1  }
0x2: {  	[smem:$0x3F95] =	sst lr;
	_ =	strace $0xD0000000  }
0x3: {  	_ = 	snop  }
0x4: {  	_ = 	snop  }
0x5: {  	_ = 	snop  }
0x6: {  	_ = 	snop  }
0x7: {  	_ = 	snop  }
__scs_overlays_trampoline_lowered:
0x8: {  	[smem:$0x3FA4] =	sst s0  }
0x9: {  	[smem:$0x3FA5] =	sst s1  }
0xa: {  	[smem:$0x3FA6] =	sst s2  }
0xb: {  	[smem:$0x3FA7] =	sst s3  }
0xc: {  	[smem:$0x3FA8] =	sst s4  }
0xd: {  	[smem:$0x3FA9] =	sst s5  }
0xe: {  	[smem:$0x3FAA] =	sst s6  }
0xf: {  	[smem:$0x3FAB] =	sst s7  }
0x10: {  	[smem:$0x3FAC] =	sst s8  }
0x11: {  	[smem:$0x3FAD] =	sst s9;
	s0 =	simm.s32 @!p0 $0x0  }
0x12: {  	s1 =	sld [smem:$0x3F93];
	s0 =	simm.s32 @p0 $0x1  }
0x13: {  	[smem:$0x3FAE] =	sst s0;
	s0 =	simm.s32 @!p1 $0x0  }
0x14: {  	s2 =	sld [smem:$0x3F92];
	s0 =	simm.s32 @p1 $0x1  }
0x15: {  	[smem:$0x3FAF] =	sst s0;
	s0 =	simm.s32 @!p2 $0x0  }
0x16: {  	s3 =	sld [smem:$0x3FDB];
	s0 =	simm.s32 @p2 $0x1  }
0x17: {  	s4 =	simm.s32 $0x1BF5;
	[smem:$0x3FB1] =	sst s0  }
0x18: {  	s0 =	sld [smem:$0x3F94];
	_ =	swait.ge [sflag:s4], $0x0  }
0x19: {  	s7 =	sld [smem:$0x3F95]  }
0x1a: {  	s8 =	sadd.s32 $0xFFFFE003, lr  }
0x1b: {  	s9 =	sadd.s32 $0xFFFFFEF7, lr;
	s5 =	simm.s32 $0xFFFFFFFF;
	p2 =	slt.u32 s8, $0xFFFFF086  }
0x1c: {  	p1 =	slt.u32 s9, $0xF7A;
	s5 =	simm.s32 @!p2 $0x0  }
0x1d: {  	s5 =	simm.s32 @p1 $0x1;
	p0 =	seq.s32 s7, s2  }
0x1e: {  	s7 =	smul.u32 @!p0 $0xF7A, s2;
	p2 =	seq.s32 @!p0 s5, $0x0  }
0x1f: {  	s9 =	smul.u32 $0xF7A, s1;
	s8 =	simm.s32 @!p0 $0x1BF5;
	p2 =	por !p2, p0  }
0x20: {  	[sflag:s8] =	ssyncset.s32 @!p0 $0xFFFFF086;
	s6 =	sadd.s32 @!p0 s3, s7;
	s7 =	simm.s32 @!p0 $0x108  }
0x21: {  	s3 =	sadd.s32 s3, s9;
	s6 =	sadd.s32 @!p0 $0x88, s6;
	s7 =	simm.s32 @p2 $0x1082  }
0x22: {  	[simem:s7], [sflag:s8] =	dma.local @!p0 [hbm:s6], $0xF7A  }
0x23: {  	s9 =	sor.u32 $0xD0000000, s2;
	s6 =	simm.s32 $0x108;
	_ =	swait.ge @!p0 [sflag:s8], $0x0  }
0x24: {  	s3 =	sadd.s32 $0x88, s3;
	s6 =	simm.s32 @!p1 $0x1082;
	[sflag:s4] =	ssyncset.s32 $0xFFFFF086  }
0x25: {  	[simem:s6], [sflag:s4] =	dma.local [hbm:s3], $0xF7A  }
0x26: {  	[smem:$0x3F95] =	sst s1;
	(tag) =	ssettag s2;
	_ =	strace s9  }
0x27: {  	s1 =	sld [smem:$0x3FA5]  }
0x28: {  	s2 =	sld [smem:$0x3FA6]  }
0x29: {  	s4 =	sld [smem:$0x3FA8]  }
0x2a: {  	p0 =	seq.s32 s5, $0x0;
	s5 =	sld [smem:$0x3FA9]  }
0x2b: {  	s6 =	sld [smem:$0x3FAA]  }
0x2c: {  	s7 =	sld [smem:$0x3FAB]  }
0x2d: {  	s3 =	simm.s32 $0x108;
	s8 =	sld [smem:$0x3FAC]  }
0x2e: {  	s3 =	simm.s32 @!p0 $0x1082;
	s9 =	sld [smem:$0x3FAD]  }
0x2f: {  	lr =	sadd.s32 s0, s3;
	s0 =	sld [smem:$0x3FA4]  }
0x30: {  	s3 =	sld [smem:$0x3FA7]  }
0x31: {  	[smem:$0x3FB0] =	sst s10  }
0x32: {  	s10 =	sld [smem:$0x3FAE];
	_ =	sdelay $0x3  }
0x33: {  	p0 =	seq.s32 s10, $0x1;
	s10 =	sld [smem:$0x3FB0];
	_ =	sdelay $0x3  }
0x34: {  	[smem:$0x3FB0] =	sst s10  }
0x35: {  	s10 =	sld [smem:$0x3FAF];
	_ =	sdelay $0x3  }
0x36: {  	p1 =	seq.s32 s10, $0x1;
	s10 =	sld [smem:$0x3FB0];
	_ =	sdelay $0x3  }
0x37: {  	[smem:$0x3FB0] =	sst s10  }
0x38: {  	s10 =	sld [smem:$0x3FB1]  }
0x39: {  	_ = 	snop;
	(pc) =	sbr.ind lr, $3  }
0x3a: {  	_ = 	snop  }
0x3b: {  	_ = 	snop  }
0x3c: {  	p2 =	seq.s32 s10, $0x1;
	s10 =	sld [smem:$0x3FB0]  }
0x3d: {  	_ =	shalt  }
0x3e: {  	_ =	shalt  }
0x3f: {  	_ =	shalt  }
0x40: {  	_ =	shalt  }
0x41: {  	_ =	shalt  }
0x42: {  	_ =	shalt  }
0x43: {  	_ =	shalt  }
0x44: {  	_ =	shalt  }
0x45: {  	_ =	shalt  }
0x46: {  	_ =	shalt  }
0x47: {  	_ =	shalt  }
0x48: {  	_ =	shalt  }
0x49: {  	_ =	shalt  }
0x4a: {  	_ =	shalt  }
0x4b: {  	_ =	shalt  }
0x4c: {  	_ =	shalt  }
0x4d: {  	_ =	shalt  }
0x4e: {  	_ =	shalt  }
0x4f: {  	_ =	shalt  }
0x50: {  	_ =	shalt  }
0x51: {  	_ =	shalt  }
0x52: {  	_ =	shalt  }
0x53: {  	_ =	shalt  }
0x54: {  	_ =	shalt  }
0x55: {  	_ =	shalt  }
0x56: {  	_ =	shalt  }
0x57: {  	_ =	shalt  }
0x58: {  	_ =	shalt  }
0x59: {  	_ =	shalt  }
0x5a: {  	_ =	shalt  }
0x5b: {  	_ =	shalt  }
0x5c: {  	_ =	shalt  }
0x5d: {  	_ =	shalt  }
0x5e: {  	_ =	shalt  }
0x5f: {  	_ =	shalt  }
0x60: {  	_ =	shalt  }
0x61: {  	_ =	shalt  }
0x62: {  	_ =	shalt  }
0x63: {  	_ =	shalt  }
0x64: {  	_ =	shalt  }
0x65: {  	_ =	shalt  }
0x66: {  	_ =	shalt  }
0x67: {  	_ =	shalt  }
0x68: {  	_ =	shalt  }
0x69: {  	_ =	shalt  }
0x6a: {  	_ =	shalt  }
0x6b: {  	_ =	shalt  }
0x6c: {  	_ =	shalt  }
0x6d: {  	_ =	shalt  }
0x6e: {  	_ =	shalt  }
0x6f: {  	_ =	shalt  }
0x70: {  	_ =	shalt  }
0x71: {  	_ =	shalt  }
0x72: {  	_ =	shalt  }
0x73: {  	_ =	shalt  }
0x74: {  	_ =	shalt  }
0x75: {  	_ =	shalt  }
0x76: {  	_ =	shalt  }
0x77: {  	_ =	shalt  }
0x78: {  	_ =	shalt  }
0x79: {  	_ =	shalt  }
0x7a: {  	_ =	shalt  }
0x7b: {  	_ =	shalt  }
0x7c: {  	_ =	shalt  }
0x7d: {  	_ =	shalt  }
0x7e: {  	_ =	shalt  }
0x7f: {  	_ =	shalt  }
0x80: {  	_ =	shalt  }
0x81: {  	_ =	shalt  }
0x82: {  	_ =	shalt  }
0x83: {  	_ =	shalt  }
0x84: {  	_ =	shalt  }
0x85: {  	_ =	shalt  }
0x86: {  	_ =	shalt  }
0x87: {  	_ =	shalt  }
.Lfunc_end0:
.L_simem_size_0:
called_computation.2_lowered:
.L_overlay_start_0:
0x88: {  	s2 =	sld [smem:$0x3FD9]  }
0x89: {  	s3 =	sld [smem:$0x3FFE];
	_ =	sdelay $0x1  }
0x8a: {  	s1 =	srdreg.scid  }
0x8b: {  	s0 =	sand.u32 $0x1, s1  }
0x8c: {  	s16 =	sshll.u32 s0, $0xA;
	s2 =	sadd.s32 s3, s2  }
0x8d: {  	s2 =	sadd.s32 s2, s16  }
0x8e: {  	[smem:$0x3FBC] =	sst s2  }
0x8f: {  	_ = 	snop  }
0x90: {  	(tm) =	ssettm $0x1  }
0x91: {  	s17 =	sld [smem:$0x3FFB];
	_ =	sdelay $0x3  }
0x92: {  	_ =	strace s17  }
0x93: {  	s2 =	sld [smem:$0x3FFC];
	_ =	sdelay $0x3  }
0x94: {  	_ =	strace s2  }
0x95: {  	s2 =	sld [smem:$0x3FFD];
	_ =	sdelay $0x3  }
0x96: {  	_ =	strace s2  }
0x97: {  	_ =	strace $0x8FFFFFFF  }
0x98: {  	s18 =	sld [smem:$0x3FDB];
	_ =	sdelay $0x1  }
0x99: {  	s19 =	simm.s32 $_scs_section_size  }
0x9a: {  	s4 =	simm.s32 $_size__tile_overlayer_lowered;
	s5 =	simm.s32 $_tile_overlayer_lowered  }
0x9b: {  	s22 =	simm.s32 $0x1BFF;
	s21 =	sshll.u32 s5, $0x1;
	s2 =	sadd.s32 s19, s18  }
0x9c: {  	s6 =	simm.s32 $0x0;
	s20 =	sshll.u32 s4, $0x1;
	s4 =	sadd.s32 s21, s2  }
0x9d: {  	[timem:s6], [sflag:s22] =	dma.local [hbm:s4], s20  }
0x9e: {  	_ =	swait.ge [sflag:s22], s20  }
0x9f: {  	s3 =	ssub.s32 $0x0, s20;
	[sflag:s22] =	ssyncset.done $0x0  }
0xa0: {  	[sflag:s22] =	ssyncadd.s32 s3;
	_ =	sdelay $0x1  }
0xa1: {  	s23 =	simm.s32 $0x1B8B  }
0xa2: {  	_ =	swait.ge [sflag:s23], $0x1  }
0xa3: {  	[sflag:s23] =	ssyncset.done $0x0  }
0xa4: {  	s25 =	simm.s32 $0x1B8E;
	s24 =	sld [smem:$0x3FFE];
	[sflag:s23] =	ssyncadd.s32 $0xFFFFFFFF  }
0xa5: {  	s26 =	simm.s32 $execute0_lowered;
	[smem:$0x3FD2] =	sst s25  }
0xa6: {  	s4 =	sshll.u32 s26, $0x1;
	_ =	strace $0x8000004C;
	[dreg:$0x1] =	wrdreg $0xFFFFFFFF  }
0xa7: {  	s28 =	simm.s32 $_size_execute0_lowered;
	s2 =	sadd.s32 s2, s4;
	[dreg:$0x0] =	wrdreg $0x0  }
0xa8: {  	s4 =	sshll.u32 s28, $0x1;
	[dreg:$0x2] =	wrdreg s2  }
0xa9: {  	[dreg:$0x3] =	wrdreg s4  }
0xaa: {  	[dreg:$0x4] =	wrdreg $0xC0  }
0xab: {  	_ =	task [dreg:s6], $0x5FFFF  }
0xac: {  	[dreg:$0x1] =	wrdreg $0xFFFFFFFF  }
0xad: {  	[dreg:$0x0] =	wrdreg $0x60  }
0xae: {  	[dreg:$0x2] =	wrdreg s24  }
0xaf: {  	[dreg:$0x3] =	wrdreg $0xA9000  }
0xb0: {  	[dreg:$0x4] =	wrdreg $0x9  }
0xb1: {  	_ =	task.clear_ibuf [dreg:s6], $0x5FFFF;
	_ =	strace $0x9000004C  }
0xb2: {  	s29 =	simm.s32 $0x9;
	_ =	strace $0x8000004E  }
0xb3: {  	_ =	swait.ge [sflag:s29], $0x1  }
0xb4: {  	[sflag:s29] =	ssyncadd.s32 $0xFFFFFFFF  }
0xb5: {  	_ =	strace $0x9000004E  }
0xb6: {  	_ =	sfence  }
0xb7: {  	s30 =	sld [smem:$0x0];
	_ =	sdelay $0x2  }
0xb8: {  	s31 =	sshll.u32 s1, $0xD;
	s1 =	sshrl.u32 s1, $0x2  }
0xb9: {  	s3 =	sand.u32 $0x4000, s31;
	s1 =	sadd.s32 s1, s30  }
0xba: {  	s0 =	sor.u32 s3, s0;
	s1 =	sshll.u32 s1, $0x11  }
0xbb: {  	s0 =	sor.u32 s1, s0  }
0xbc: {  	s0 =	sadd.s32 $0x8F2B, s0  }
0xbd: {  	[sflag:s0] =	ssyncadd.remote.s32 $0x1  }
0xbe: {  	_ =	sfence.sel $0xFFFF  }
0xbf: {  	[dreg:$0x0] =	wrdreg $0xFFFFFFFF;
	(pc) =	sbr.abs _section_cstart, $3  }
0xc0: {  	[dreg:$0x1] =	wrdreg $0xFFFFFFFF  }
0xc1: {  	_ =	task.clear_ibuf [dreg:s6], $0x2FFFF;
	_ =	strace $0x9FFFFFFF  }
0xc2: {  	(tm) =	ssettm $0x7FFFFFFF  }
0xc3: {  	_ =	shalt  }
tec
execute0_lowered:
.L_overlay_start_1:
0x0: {  	(tag) =	ssettag $0x1  }
0x1: {  	s0 =	srdreg.scid;
	s6 =	rddreg [dreg:$0x0]  }
0x2: {  	s2 =	rddreg [dreg:$0x1];
	s1 =	stileid.u32  }
0x3: {  	s3 =	simm.s32 $0x0;
	s18 =	simm.s32 $0x2800;
	s19 =	simm.s32 $0x2880  }
0x4: {  	s20 =	simm.s32 $0x1;
	s21 =	simm.s32 $0x80;
	s22 =	simm.s32 $0x2900  }
0x5: {  	s23 =	simm.s32 $0x3;
	s28 =	simm.s32 $0x5;
	s29 =	simm.s32 $0x6  }
0x6: {  	s30 =	simm.s32 $0x0;
	s0 =	sand.u32 $0x1, s0;
	s13 =	smul.u32 $0x2800, s1  }
0x7: {  	[smem:$0x7FF] =	sst s3;
	s5 =	sadd.s32 $0xE800, s6;
	s11 =	smul.u32 $0x50000, s1  }
0x8: {  	s12 =	sadd.s32 $0x18800, s6;
	s31 =	sshll.u32 s1, $0x6;
	s17 =	smul.u32 $0x500, s1  }
0x9: {  	s4 =	sshll.u32 s0, $0x4;
	_ =	strace $0x8000004D;
	s8 =	smul.u32 $0x28000, s0  }
0xa: {  	s10 =	ssub.s32 $0x2, s0;
	p0 =	seq.s32 s0, $0x1;
	s0 =	smul.u32 $0x5000, s0  }
0xb: {  	s4 =	sor.u32 s1, s4;
	s14 =	sshrl.u32 s10, $0x1;
	s24 =	sshrl.u32 s11, $0x2  }
0xc: {  	s7 =	smul.u32 $0x500, s4;
	s4 =	sadd.s32 $0x40800, s6;
	s8 =	sadd.s32 s13, s8  }
0xd: {  	s10 =	ssub.s32 s10, s14;
	s16 =	sadd.s32 s24, s2;
	s24 =	simm.s32 $0x2  }
0xe: {  	s15 =	sadd.s32 s8, s6;
	s10 =	smax.u32 s10, $0x1;
	s14 =	smov.u32 s4  }
0xf: {  	s16 =	sshrl.u32 s16, $0x3;
	s9 =	sadd.s32 s7, s6;
	s6 =	sadd.s32 s5, s7  }
.Ltmp0:
0x10: {  	s14 =	smov.u32 @p0 s12;
	s25 =	sadd.s32 $0x4800, s9;
	(pc) =	sbr.rel .LBB2_1-.Ltmp0, $4  }
0x11: {  	s26 =	sadd.s32 $0x10, s6;
	s9 =	sadd.s32 $0x91800, s15;
	s11 =	sadd.s32 $0x20, s6  }
0x12: {  	s12 =	sadd.s32 $0x30, s6;
	s13 =	sadd.s32 s14, s13;
	s14 =	sor.u32 $0x1C07, s31  }
0x13: {  	s15 =	sadd.s32 s17, s0;
	s17 =	simm.s32 $0x7;
	[dreg:$0x3] =	wrdreg s25  }
0x14: {  	[dreg:$0x4] =	wrdreg s26;
	s25 =	simm.s32 $0x6900;
	s26 =	simm.s32 $0x4  }
.LBB2_4:
0x15: {  	_ =	swait.ge [sflag:s28], $0x4000  }
0x16: {  	[sflag:s28] =	ssyncset.done $0x0  }
0x17: {  	[sflag:s28] =	ssyncadd.s32 $0xFFFFC000  }
0x18: {  	_ =	swait.ge [sflag:s29], $0x4000  }
0x19: {  	s30 =	sadd.s32 $0x1, s30;
	[sflag:s29] =	ssyncset.done $0x0  }
0x1a: {  	p0 =	sne.s32 s30, s10;
	[sflag:s29] =	ssyncadd.s32 $0xFFFFC000  }
.Ltmp1:
0x1b: {  	[bflag:$0x0] =	sbarrier.arrive $0xFFFF;
	(pc) =	sbr.rel @!p0 .LBB2_5-.Ltmp1, $4  }
0x1c: {  	[hbm:s9], [sflag:s14] =	dma.local [spmem:s16], $0x2800  }
0x1d: {  	_ =	swait.ge [sflag:s17], $0x2800  }
0x1e: {  	[sflag:s17] =	ssyncset.done $0x0  }
0x1f: {  	[sflag:s17] =	ssyncadd.s32 $0xFFFFD800  }
.LBB2_1:
0x20: {  	[spmem:s16], [sflag:s14] =	dma.local [hbm:s13], $0x2800  }
0x21: {  	_ =	swait.ge [sflag:s17], $0x2800  }
0x22: {  	[sflag:s17] =	ssyncset.done $0x0  }
0x23: {  	s0 =	rddreg [dreg:$0x3];
	[sflag:s17] =	ssyncadd.s32 $0xFFFFD800  }
0x24: {  	[tilespmem:s3], [sflag:$0x7] =	stream.linear.gather [hbm4b:s0+s3], $0x2800, $0x38;
	[tilespmem:$0x1E900] =	vst v63  }
0x25: {  	_ =	swait.ge [sflag:s17], $0x2800  }
0x26: {  	[sflag:s17] =	ssyncset.done $0x0  }
0x27: {  	[sflag:s17] =	ssyncadd.s32 $0xFFFFD800  }
0x28: {  	[bflag:$0x0] =	sbarrier.arrive $0xFFFF  }
0x29: {  	[tilespmem:s18], [sflag:$0x1] =	stream.linear.gather [hbm4b:s6+s3], $0x80, $0x38;
	[tilespmem:$0x1E900] =	vst v63  }
0x2a: {  	s8 =	rddreg [dreg:$0x4]  }
0x2b: {  	[tilespmem:s19], [sflag:$0x2] =	stream.linear.gather [hbm4b:s8+s3], $0x80, $0x38;
	[tilespmem:$0x1E900] =	vst v63  }
0x2c: {  	_ =	swait.ge [sflag:s20], $0x80  }
0x2d: {  	[sflag:s20] =	ssyncset.done $0x0  }
0x2e: {  	[sflag:s20] =	ssyncadd.s32 $0xFFFFFF80  }
0x2f: {  	[tilespmem:s22], [sflag:$0x3] =	stream.indirect.gather [hbm4b:s4+s21], $0x80, s18, s21, $0xb8;
	[tilespmem:$0x1E900] =	vst v63  }
0x30: {  	_ =	swait.ge [sflag:s23], $0x4000  }
0x31: {  	[sflag:s23] =	ssyncset.done $0x0  }
0x32: {  	[sflag:s23] =	ssyncadd.s32 $0xFFFFC000  }
0x33: {  	[spmem:s2] =	stream.indirect.scatter.add.f32 [tilespmem:s22], [sflag:$0x5], $0x80, s3, s21, $0xb8;
	[tilespmem:$0x1E900] =	vst v63  }
0x34: {  	_ = 	snop  }
0x35: {  	[tilespmem:s18], [sflag:$0x1] =	stream.linear.gather [hbm4b:s11+s3], $0x80, $0x38;
	[tilespmem:$0x1E900] =	vst v63  }
0x36: {  	_ =	swait.ge [sflag:s24], $0x80  }
0x37: {  	[sflag:s24] =	ssyncset.done $0x0  }
0x38: {  	[sflag:s24] =	ssyncadd.s32 $0xFFFFFF80  }
0x39: {  	[tilespmem:s25], [sflag:$0x4] =	stream.indirect.gather [hbm4b:s4+s21], $0x80, s19, s21, $0xb8;
	[tilespmem:$0x1E900] =	vst v63  }
0x3a: {  	_ =	swait.ge [sflag:s26], $0x4000  }
0x3b: {  	[sflag:s26] =	ssyncset.done $0x0  }
0x3c: {  	[sflag:s26] =	ssyncadd.s32 $0xFFFFC000  }
0x3d: {  	[spmem:s2] =	stream.indirect.scatter.add.f32 [tilespmem:s25], [sflag:$0x6], $0x80, s21, s21, $0xb8;
	[tilespmem:$0x1E900] =	vst v63  }
0x3e: {  	_ = 	snop  }
0x3f: {  	[tilespmem:s19], [sflag:$0x2] =	stream.linear.gather [hbm4b:s12+s3], $0x80, $0x38;
	[tilespmem:$0x1E900] =	vst v63  }
0x40: {  	_ =	swait.ge [sflag:s28], $0x4000  }
0x41: {  	[sflag:s28] =	ssyncset.done $0x0  }
0x42: {  	[sflag:s28] =	ssyncadd.s32 $0xFFFFC000  }
0x43: {  	_ =	swait.ge [sflag:s20], $0x80  }
0x44: {  	[sflag:s20] =	ssyncset.done $0x0  }
0x45: {  	s31 =	simm.s32 $0x180;
	s0 =	simm.s32 $0x50;
	[sflag:s20] =	ssyncadd.s32 $0xFFFFFF80  }
0x46: {  	[tilespmem:s22], [sflag:$0x3] =	stream.indirect.gather [hbm4b:s4+s21], $0x80, s18, s21, $0xb8;
	[tilespmem:$0x1E900] =	vst v63  }
.LBB2_2:
0x47: {  	_ =	swait.ge [sflag:s23], $0x4000  }
0x48: {  	[sflag:s23] =	ssyncset.done $0x0  }
0x49: {  	s1 =	sadd.s32 $0xFFFFFF80, s31;
	p0 =	seq.s32 s0, $0x510;
	[sflag:s23] =	ssyncadd.s32 $0xFFFFC000  }
0x4a: {  	[spmem:s2] =	stream.indirect.scatter.add.f32 [tilespmem:s22], [sflag:$0x5], $0x80, s1, s21, $0xb8;
	[tilespmem:$0x1E900] =	vst v63  }
0x4b: {  	s1 =	sadd.s32 @!p0 $0xFFFFFFF0, s0  }
0x4c: {  	s7 =	sadd.s32 @!p0 s15, s1;
	s1 =	sand.u32 @!p0 $0x60, s1  }
0x4d: {  	s7 =	sand.u32 @!p0 $0xFFFFF80, s7;
	s1 =	sadd.s32 @!p0 s5, s1  }
0x4e: {  	s8 =	simm.s32 @!p0 $0x2800;
	s1 =	sadd.s32 @!p0 s7, s1;
	s7 =	simm.s32 @!p0 $0x0  }
0x4f: {  	[tilespmem:s8], [sflag:$0x1] =	stream.linear.gather @!p0 [hbm4b:s1+s7], $0x80, $0x38;
	[tilespmem:$0x1E900] =	vst v63  }
0x50: {  	_ =	swait.ge [sflag:s29], $0x4000  }
0x51: {  	[sflag:s29] =	ssyncset.done $0x0  }
0x52: {  	[sflag:s29] =	ssyncadd.s32 $0xFFFFC000  }
0x53: {  	_ =	swait.ge [sflag:s24], $0x80  }
0x54: {  	[sflag:s24] =	ssyncset.done $0x0  }
0x55: {  	[sflag:s24] =	ssyncadd.s32 $0xFFFFFF80  }
0x56: {  	[tilespmem:s25], [sflag:$0x4] =	stream.indirect.gather [hbm4b:s4+s21], $0x80, s19, s21, $0xb8;
	[tilespmem:$0x1E900] =	vst v63  }
.Ltmp2:
0x57: {  	_ = 	snop;
	(pc) =	sbr.rel @p0 .LBB2_4-.Ltmp2, $4  }
0x58: {  	_ =	swait.ge [sflag:s26], $0x4000  }
0x59: {  	[sflag:s26] =	ssyncset.done $0x0  }
0x5a: {  	[sflag:s26] =	ssyncadd.s32 $0xFFFFC000  }
0x5b: {  	[spmem:s2] =	stream.indirect.scatter.add.f32 [tilespmem:s25], [sflag:$0x6], $0x80, s31, s21, $0xb8;
	[tilespmem:$0x1E900] =	vst v63  }
0x5c: {  	s1 =	sadd.s32 s0, s15;
	s7 =	sand.u32 $0x70, s0  }
0x5d: {  	s1 =	sand.u32 $0xFFFFF80, s1;
	s7 =	sadd.s32 s5, s7  }
0x5e: {  	s1 =	sadd.s32 s1, s7  }
0x5f: {  	[tilespmem:s19], [sflag:$0x2] =	stream.linear.gather [hbm4b:s1+s3], $0x80, $0x38;
	[tilespmem:$0x1E900] =	vst v63  }
0x60: {  	_ =	swait.ge [sflag:s28], $0x4000  }
0x61: {  	[sflag:s28] =	ssyncset.done $0x0  }
.Ltmp3:
0x62: {  	[sflag:s28] =	ssyncadd.s32 $0xFFFFC000;
	(pc) =	sbr.rel .LBB2_2-.Ltmp3, $4  }
0x63: {  	_ =	swait.ge [sflag:s20], $0x80  }
0x64: {  	[sflag:s20] =	ssyncset.done $0x0  }
0x65: {  	s31 =	sadd.s32 $0x100, s31;
	s0 =	sadd.s32 $0x20, s0;
	[sflag:s20] =	ssyncadd.s32 $0xFFFFFF80  }
0x66: {  	[tilespmem:s22], [sflag:$0x3] =	stream.indirect.gather [hbm4b:s4+s21], $0x80, s18, s21, $0xb8;
	[tilespmem:$0x1E900] =	vst v63  }
.LBB2_5:
0x67: {  	_ =	sfence.sel $0x180000  }
0x68: {  	[bflag:$0x0] =	sbarrier.arrive $0xFFFF  }
0x69: {  	_ =	strace $0x9000004D  }
0x6a: {  	s0 =	stileid.u32;
	[bflag:$0x2] =	sbarrier.arrive $0xFFFF  }
0x6b: {  	p0 =	sne.s32 s0, $0x0;
	s0 =	rddreg [dreg:$0x2]  }
0x6c: {  	s0 =	sadd.s32 @!p0 $0x100000, s0  }
0x6d: {  	[sflag:s0] =	ssyncadd.tile.s32 @!p0 $0x1;
	_ =	shalt  }
.Lfunc_end2:
_tile_overlayer_lowered:
.L_overlay_start_2:
0x6e: {  	(tag) =	ssettag $0x2  }
0x6f: {  	s0 =	rddreg [dreg:$0x0];
	s2 =	stileid.u32  }
0x70: {  	s1 =	rddreg [dreg:$0x1];
	p0 =	sne.s32 s2, $0x0  }
0x71: {  	s3 =	rddreg [dreg:$0x2];
	[bflag:$0x3] =	sbarrier.arrive $0xFFFF;
	s2 =	simm.s32 @!p0 $0x1C07  }
0x72: {  	[timem:s3], [sflag:s2] =	dma.local @!p0 [hbm:s0], s1  }
0x73: {  	s0 =	simm.s32 @!p0 $0x7  }
0x74: {  	_ =	swait.ge @!p0 [sflag:s0], s1  }
0x75: {  	s1 =	ssub.s32 @!p0 $0x0, s1;
	[sflag:s0] =	ssyncset.done @!p0 $0x0  }
0x76: {  	[sflag:s0] =	ssyncadd.s32 @!p0 s1  }
0x77: {  	[bflag:$0x3] =	sbarrier.arrive $0xFFFF  }
0x78: {  	_ =	shalt  }

// kernel: kernel.25.cloned.1.call-start
scs
__scs_entry_jumppad:
0x0: {  	(pc) =	sbr.rel $0x88, $3  }
0x1: {  	(tag) =	ssettag $0x0;
	lr =	simm.s32 $0x1  }
0x2: {  	[smem:$0x3F95] =	sst lr;
	_ =	strace $0xD0000000  }
0x3: {  	_ = 	snop  }
0x4: {  	_ = 	snop  }
0x5: {  	_ = 	snop  }
0x6: {  	_ = 	snop  }
0x7: {  	_ = 	snop  }
__scs_overlays_trampoline_lowered:
0x8: {  	[smem:$0x3FA4] =	sst s0  }
0x9: {  	[smem:$0x3FA5] =	sst s1  }
0xa: {  	[smem:$0x3FA6] =	sst s2  }
0xb: {  	[smem:$0x3FA7] =	sst s3  }
0xc: {  	[smem:$0x3FA8] =	sst s4  }
0xd: {  	[smem:$0x3FA9] =	sst s5  }
0xe: {  	[smem:$0x3FAA] =	sst s6  }
0xf: {  	[smem:$0x3FAB] =	sst s7  }
0x10: {  	[smem:$0x3FAC] =	sst s8  }
0x11: {  	[smem:$0x3FAD] =	sst s9;
	s0 =	simm.s32 @!p0 $0x0  }
0x12: {  	s1 =	sld [smem:$0x3F93];
	s0 =	simm.s32 @p0 $0x1  }
0x13: {  	[smem:$0x3FAE] =	sst s0;
	s0 =	simm.s32 @!p1 $0x0  }
0x14: {  	s2 =	sld [smem:$0x3F92];
	s0 =	simm.s32 @p1 $0x1  }
0x15: {  	[smem:$0x3FAF] =	sst s0;
	s0 =	simm.s32 @!p2 $0x0  }
0x16: {  	s3 =	sld [smem:$0x3FDB];
	s0 =	simm.s32 @p2 $0x1  }
0x17: {  	s4 =	simm.s32 $0x1BF5;
	[smem:$0x3FB1] =	sst s0  }
0x18: {  	s0 =	sld [smem:$0x3F94];
	_ =	swait.ge [sflag:s4], $0x0  }
0x19: {  	s7 =	sld [smem:$0x3F95]  }
0x1a: {  	s8 =	sadd.s32 $0xFFFFE003, lr  }
0x1b: {  	s9 =	sadd.s32 $0xFFFFFEF7, lr;
	s5 =	simm.s32 $0xFFFFFFFF;
	p2 =	slt.u32 s8, $0xFFFFF086  }
0x1c: {  	p1 =	slt.u32 s9, $0xF7A;
	s5 =	simm.s32 @!p2 $0x0  }
0x1d: {  	s5 =	simm.s32 @p1 $0x1;
	p0 =	seq.s32 s7, s2  }
0x1e: {  	s7 =	smul.u32 @!p0 $0xF7A, s2;
	p2 =	seq.s32 @!p0 s5, $0x0  }
0x1f: {  	s9 =	smul.u32 $0xF7A, s1;
	s8 =	simm.s32 @!p0 $0x1BF5;
	p2 =	por !p2, p0  }
0x20: {  	[sflag:s8] =	ssyncset.s32 @!p0 $0xFFFFF086;
	s6 =	sadd.s32 @!p0 s3, s7;
	s7 =	simm.s32 @!p0 $0x108  }
0x21: {  	s3 =	sadd.s32 s3, s9;
	s6 =	sadd.s32 @!p0 $0x88, s6;
	s7 =	simm.s32 @p2 $0x1082  }
0x22: {  	[simem:s7], [sflag:s8] =	dma.local @!p0 [hbm:s6], $0xF7A  }
0x23: {  	s9 =	sor.u32 $0xD0000000, s2;
	s6 =	simm.s32 $0x108;
	_ =	swait.ge @!p0 [sflag:s8], $0x0  }
0x24: {  	s3 =	sadd.s32 $0x88, s3;
	s6 =	simm.s32 @!p1 $0x1082;
	[sflag:s4] =	ssyncset.s32 $0xFFFFF086  }
0x25: {  	[simem:s6], [sflag:s4] =	dma.local [hbm:s3], $0xF7A  }
0x26: {  	[smem:$0x3F95] =	sst s1;
	(tag) =	ssettag s2;
	_ =	strace s9  }
0x27: {  	s1 =	sld [smem:$0x3FA5]  }
0x28: {  	s2 =	sld [smem:$0x3FA6]  }
0x29: {  	s4 =	sld [smem:$0x3FA8]  }
0x2a: {  	p0 =	seq.s32 s5, $0x0;
	s5 =	sld [smem:$0x3FA9]  }
0x2b: {  	s6 =	sld [smem:$0x3FAA]  }
0x2c: {  	s7 =	sld [smem:$0x3FAB]  }
0x2d: {  	s3 =	simm.s32 $0x108;
	s8 =	sld [smem:$0x3FAC]  }
0x2e: {  	s3 =	simm.s32 @!p0 $0x1082;
	s9 =	sld [smem:$0x3FAD]  }
0x2f: {  	lr =	sadd.s32 s0, s3;
	s0 =	sld [smem:$0x3FA4]  }
0x30: {  	s3 =	sld [smem:$0x3FA7]  }
0x31: {  	[smem:$0x3FB0] =	sst s10  }
0x32: {  	s10 =	sld [smem:$0x3FAE];
	_ =	sdelay $0x3  }
0x33: {  	p0 =	seq.s32 s10, $0x1;
	s10 =	sld [smem:$0x3FB0];
	_ =	sdelay $0x3  }
0x34: {  	[smem:$0x3FB0] =	sst s10  }
0x35: {  	s10 =	sld [smem:$0x3FAF];
	_ =	sdelay $0x3  }
0x36: {  	p1 =	seq.s32 s10, $0x1;
	s10 =	sld [smem:$0x3FB0];
	_ =	sdelay $0x3  }
0x37: {  	[smem:$0x3FB0] =	sst s10  }
0x38: {  	s10 =	sld [smem:$0x3FB1]  }
0x39: {  	_ = 	snop;
	(pc) =	sbr.ind lr, $3  }
0x3a: {  	_ = 	snop  }
0x3b: {  	_ = 	snop  }
0x3c: {  	p2 =	seq.s32 s10, $0x1;
	s10 =	sld [smem:$0x3FB0]  }
0x3d: {  	_ =	shalt  }
0x3e: {  	_ =	shalt  }
0x3f: {  	_ =	shalt  }
0x40: {  	_ =	shalt  }
0x41: {  	_ =	shalt  }
0x42: {  	_ =	shalt  }
0x43: {  	_ =	shalt  }
0x44: {  	_ =	shalt  }
0x45: {  	_ =	shalt  }
0x46: {  	_ =	shalt  }
0x47: {  	_ =	shalt  }
0x48: {  	_ =	shalt  }
0x49: {  	_ =	shalt  }
0x4a: {  	_ =	shalt  }
0x4b: {  	_ =	shalt  }
0x4c: {  	_ =	shalt  }
0x4d: {  	_ =	shalt  }
0x4e: {  	_ =	shalt  }
0x4f: {  	_ =	shalt  }
0x50: {  	_ =	shalt  }
0x51: {  	_ =	shalt  }
0x52: {  	_ =	shalt  }
0x53: {  	_ =	shalt  }
0x54: {  	_ =	shalt  }
0x55: {  	_ =	shalt  }
0x56: {  	_ =	shalt  }
0x57: {  	_ =	shalt  }
0x58: {  	_ =	shalt  }
0x59: {  	_ =	shalt  }
0x5a: {  	_ =	shalt  }
0x5b: {  	_ =	shalt  }
0x5c: {  	_ =	shalt  }
0x5d: {  	_ =	shalt  }
0x5e: {  	_ =	shalt  }
0x5f: {  	_ =	shalt  }
0x60: {  	_ =	shalt  }
0x61: {  	_ =	shalt  }
0x62: {  	_ =	shalt  }
0x63: {  	_ =	shalt  }
0x64: {  	_ =	shalt  }
0x65: {  	_ =	shalt  }
0x66: {  	_ =	shalt  }
0x67: {  	_ =	shalt  }
0x68: {  	_ =	shalt  }
0x69: {  	_ =	shalt  }
0x6a: {  	_ =	shalt  }
0x6b: {  	_ =	shalt  }
0x6c: {  	_ =	shalt  }
0x6d: {  	_ =	shalt  }
0x6e: {  	_ =	shalt  }
0x6f: {  	_ =	shalt  }
0x70: {  	_ =	shalt  }
0x71: {  	_ =	shalt  }
0x72: {  	_ =	shalt  }
0x73: {  	_ =	shalt  }
0x74: {  	_ =	shalt  }
0x75: {  	_ =	shalt  }
0x76: {  	_ =	shalt  }
0x77: {  	_ =	shalt  }
0x78: {  	_ =	shalt  }
0x79: {  	_ =	shalt  }
0x7a: {  	_ =	shalt  }
0x7b: {  	_ =	shalt  }
0x7c: {  	_ =	shalt  }
0x7d: {  	_ =	shalt  }
0x7e: {  	_ =	shalt  }
0x7f: {  	_ =	shalt  }
0x80: {  	_ =	shalt  }
0x81: {  	_ =	shalt  }
0x82: {  	_ =	shalt  }
0x83: {  	_ =	shalt  }
0x84: {  	_ =	shalt  }
0x85: {  	_ =	shalt  }
0x86: {  	_ =	shalt  }
0x87: {  	_ =	shalt  }
.Lfunc_end0:
.L_simem_size_0:
called_computation.3_lowered:
.L_overlay_start_0:
0x88: {  	s2 =	sld [smem:$0x3FD9]  }
0x89: {  	s3 =	sld [smem:$0x3FFE];
	_ =	sdelay $0x1  }
0x8a: {  	s1 =	srdreg.scid  }
0x8b: {  	s0 =	sand.u32 $0x1, s1  }
0x8c: {  	s16 =	sshll.u32 s0, $0xA;
	s2 =	sadd.s32 s3, s2  }
0x8d: {  	s2 =	sadd.s32 s2, s16  }
0x8e: {  	[smem:$0x3FBC] =	sst s2  }
0x8f: {  	_ = 	snop  }
0x90: {  	(tm) =	ssettm $0x1  }
0x91: {  	s17 =	sld [smem:$0x3FFB];
	_ =	sdelay $0x3  }
0x92: {  	_ =	strace s17  }
0x93: {  	s2 =	sld [smem:$0x3FFC];
	_ =	sdelay $0x3  }
0x94: {  	_ =	strace s2  }
0x95: {  	s2 =	sld [smem:$0x3FFD];
	_ =	sdelay $0x3  }
0x96: {  	_ =	strace s2  }
0x97: {  	_ =	strace $0x8FFFFFFF  }
0x98: {  	s18 =	sld [smem:$0x3FDB];
	_ =	sdelay $0x1  }
0x99: {  	s19 =	simm.s32 $_scs_section_size  }
0x9a: {  	s4 =	simm.s32 $_size__tile_overlayer_lowered;
	s5 =	simm.s32 $_tile_overlayer_lowered  }
0x9b: {  	s22 =	simm.s32 $0x1BFF;
	s21 =	sshll.u32 s5, $0x1;
	s2 =	sadd.s32 s19, s18  }
0x9c: {  	s6 =	simm.s32 $0x0;
	s20 =	sshll.u32 s4, $0x1;
	s4 =	sadd.s32 s21, s2  }
0x9d: {  	[timem:s6], [sflag:s22] =	dma.local [hbm:s4], s20  }
0x9e: {  	_ =	swait.ge [sflag:s22], s20  }
0x9f: {  	s3 =	ssub.s32 $0x0, s20;
	[sflag:s22] =	ssyncset.done $0x0  }
0xa0: {  	[sflag:s22] =	ssyncadd.s32 s3;
	_ =	sdelay $0x1  }
0xa1: {  	s23 =	simm.s32 $0x1B8B  }
0xa2: {  	_ =	swait.ge [sflag:s23], $0x1  }
0xa3: {  	[sflag:s23] =	ssyncset.done $0x0  }
0xa4: {  	s25 =	simm.s32 $0x1B8E;
	s24 =	sld [smem:$0x3FFE];
	[sflag:s23] =	ssyncadd.s32 $0xFFFFFFFF  }
0xa5: {  	s26 =	simm.s32 $execute0_lowered;
	[smem:$0x3FD2] =	sst s25  }
0xa6: {  	s4 =	sshll.u32 s26, $0x1;
	_ =	strace $0x8000004F;
	[dreg:$0x1] =	wrdreg $0xFFFFFFFF  }
0xa7: {  	s28 =	simm.s32 $_size_execute0_lowered;
	s2 =	sadd.s32 s2, s4;
	[dreg:$0x0] =	wrdreg $0x0  }
0xa8: {  	s4 =	sshll.u32 s28, $0x1;
	[dreg:$0x2] =	wrdreg s2  }
0xa9: {  	[dreg:$0x3] =	wrdreg s4  }
0xaa: {  	[dreg:$0x4] =	wrdreg $0xC0  }
0xab: {  	_ =	task [dreg:s6], $0x5FFFF  }
0xac: {  	[dreg:$0x1] =	wrdreg $0xFFFFFFFF  }
0xad: {  	[dreg:$0x0] =	wrdreg $0x60  }
0xae: {  	[dreg:$0x2] =	wrdreg s24  }
0xaf: {  	[dreg:$0x3] =	wrdreg $0xA9000  }
0xb0: {  	[dreg:$0x4] =	wrdreg $0x9  }
0xb1: {  	_ =	task.clear_ibuf [dreg:s6], $0x5FFFF;
	_ =	strace $0x9000004F  }
0xb2: {  	s29 =	simm.s32 $0x9;
	_ =	strace $0x80000051  }
0xb3: {  	_ =	swait.ge [sflag:s29], $0x1  }
0xb4: {  	[sflag:s29] =	ssyncadd.s32 $0xFFFFFFFF  }
0xb5: {  	_ =	strace $0x90000051  }
0xb6: {  	_ =	sfence  }
0xb7: {  	s30 =	sld [smem:$0x0];
	_ =	sdelay $0x2  }
0xb8: {  	s31 =	sshll.u32 s1, $0xD;
	s1 =	sshrl.u32 s1, $0x2  }
0xb9: {  	s3 =	sand.u32 $0x4000, s31;
	s1 =	sadd.s32 s1, s30  }
0xba: {  	s0 =	sor.u32 s3, s0;
	s1 =	sshll.u32 s1, $0x11  }
0xbb: {  	s0 =	sor.u32 s1, s0  }
0xbc: {  	s0 =	sadd.s32 $0x8F2B, s0  }
0xbd: {  	[sflag:s0] =	ssyncadd.remote.s32 $0x1  }
0xbe: {  	_ =	sfence.sel $0xFFFF  }
0xbf: {  	[dreg:$0x0] =	wrdreg $0xFFFFFFFF;
	(pc) =	sbr.abs _section_cstart, $3  }
0xc0: {  	[dreg:$0x1] =	wrdreg $0xFFFFFFFF  }
0xc1: {  	_ =	task.clear_ibuf [dreg:s6], $0x2FFFF;
	_ =	strace $0x9FFFFFFF  }
0xc2: {  	(tm) =	ssettm $0x7FFFFFFF  }
0xc3: {  	_ =	shalt  }
tec
execute0_lowered:
.L_overlay_start_1:
0x0: {  	(tag) =	ssettag $0x1  }
0x1: {  	s0 =	srdreg.scid;
	s6 =	rddreg [dreg:$0x0]  }
0x2: {  	s2 =	rddreg [dreg:$0x1];
	s1 =	stileid.u32  }
0x3: {  	s3 =	simm.s32 $0x0;
	s18 =	simm.s32 $0x2800;
	s19 =	simm.s32 $0x2880  }
0x4: {  	s20 =	simm.s32 $0x1;
	s21 =	simm.s32 $0x80;
	s22 =	simm.s32 $0x2900  }
0x5: {  	s23 =	simm.s32 $0x3;
	s28 =	simm.s32 $0x5;
	s29 =	simm.s32 $0x6  }
0x6: {  	s30 =	simm.s32 $0x0;
	s0 =	sand.u32 $0x1, s0;
	s13 =	smul.u32 $0x2800, s1  }
0x7: {  	[smem:$0x7FF] =	sst s3;
	s5 =	sadd.s32 $0xE800, s6;
	s11 =	smul.u32 $0x50000, s1  }
0x8: {  	s12 =	sadd.s32 $0x18800, s6;
	s31 =	sshll.u32 s1, $0x6;
	s17 =	smul.u32 $0x500, s1  }
0x9: {  	s4 =	sshll.u32 s0, $0x4;
	_ =	strace $0x80000050;
	s8 =	smul.u32 $0x28000, s0  }
0xa: {  	s10 =	ssub.s32 $0x2, s0;
	p0 =	seq.s32 s0, $0x1;
	s0 =	smul.u32 $0x5000, s0  }
0xb: {  	s4 =	sor.u32 s1, s4;
	s14 =	sshrl.u32 s10, $0x1;
	s24 =	sshrl.u32 s11, $0x2  }
0xc: {  	s7 =	smul.u32 $0x500, s4;
	s4 =	sadd.s32 $0x40800, s6;
	s8 =	sadd.s32 s13, s8  }
0xd: {  	s10 =	ssub.s32 s10, s14;
	s16 =	sadd.s32 s24, s2;
	s24 =	simm.s32 $0x2  }
0xe: {  	s15 =	sadd.s32 s8, s6;
	s10 =	smax.u32 s10, $0x1;
	s14 =	smov.u32 s4  }
0xf: {  	s16 =	sshrl.u32 s16, $0x3;
	s9 =	sadd.s32 s7, s6;
	s6 =	sadd.s32 s5, s7  }
.Ltmp0:
0x10: {  	s14 =	smov.u32 @p0 s12;
	s25 =	sadd.s32 $0x4800, s9;
	(pc) =	sbr.rel .LBB2_1-.Ltmp0, $4  }
0x11: {  	s26 =	sadd.s32 $0x10, s6;
	s9 =	sadd.s32 $0x91800, s15;
	s11 =	sadd.s32 $0x20, s6  }
0x12: {  	s12 =	sadd.s32 $0x30, s6;
	s13 =	sadd.s32 s14, s13;
	s14 =	sor.u32 $0x1C07, s31  }
0x13: {  	s15 =	sadd.s32 s17, s0;
	s17 =	simm.s32 $0x7;
	[dreg:$0x3] =	wrdreg s25  }
0x14: {  	[dreg:$0x4] =	wrdreg s26;
	s25 =	simm.s32 $0x6900;
	s26 =	simm.s32 $0x4  }
.LBB2_4:
0x15: {  	_ =	swait.ge [sflag:s28], $0x4000  }
0x16: {  	[sflag:s28] =	ssyncset.done $0x0  }
0x17: {  	[sflag:s28] =	ssyncadd.s32 $0xFFFFC000  }
0x18: {  	_ =	swait.ge [sflag:s29], $0x4000  }
0x19: {  	s30 =	sadd.s32 $0x1, s30;
	[sflag:s29] =	ssyncset.done $0x0  }
0x1a: {  	p0 =	sne.s32 s30, s10;
	[sflag:s29] =	ssyncadd.s32 $0xFFFFC000  }
.Ltmp1:
0x1b: {  	[bflag:$0x0] =	sbarrier.arrive $0xFFFF;
	(pc) =	sbr.rel @!p0 .LBB2_5-.Ltmp1, $4  }
0x1c: {  	[hbm:s9], [sflag:s14] =	dma.local [spmem:s16], $0x2800  }
0x1d: {  	_ =	swait.ge [sflag:s17], $0x2800  }
0x1e: {  	[sflag:s17] =	ssyncset.done $0x0  }
0x1f: {  	[sflag:s17] =	ssyncadd.s32 $0xFFFFD800  }
.LBB2_1:
0x20: {  	[spmem:s16], [sflag:s14] =	dma.local [hbm:s13], $0x2800  }
0x21: {  	_ =	swait.ge [sflag:s17], $0x2800  }
0x22: {  	[sflag:s17] =	ssyncset.done $0x0  }
0x23: {  	s0 =	rddreg [dreg:$0x3];
	[sflag:s17] =	ssyncadd.s32 $0xFFFFD800  }
0x24: {  	[tilespmem:s3], [sflag:$0x7] =	stream.linear.gather [hbm4b:s0+s3], $0x2800, $0x38;
	[tilespmem:$0x1E900] =	vst v63  }
0x25: {  	_ =	swait.ge [sflag:s17], $0x2800  }
0x26: {  	[sflag:s17] =	ssyncset.done $0x0  }
0x27: {  	[sflag:s17] =	ssyncadd.s32 $0xFFFFD800  }
0x28: {  	[bflag:$0x0] =	sbarrier.arrive $0xFFFF  }
0x29: {  	[tilespmem:s18], [sflag:$0x1] =	stream.linear.gather [hbm4b:s6+s3], $0x80, $0x38;
	[tilespmem:$0x1E900] =	vst v63  }
0x2a: {  	s8 =	rddreg [dreg:$0x4]  }
0x2b: {  	[tilespmem:s19], [sflag:$0x2] =	stream.linear.gather [hbm4b:s8+s3], $0x80, $0x38;
	[tilespmem:$0x1E900] =	vst v63  }
0x2c: {  	_ =	swait.ge [sflag:s20], $0x80  }
0x2d: {  	[sflag:s20] =	ssyncset.done $0x0  }
0x2e: {  	[sflag:s20] =	ssyncadd.s32 $0xFFFFFF80  }
0x2f: {  	[tilespmem:s22], [sflag:$0x3] =	stream.indirect.gather [hbm4b:s4+s21], $0x80, s18, s21, $0xb8;
	[tilespmem:$0x1E900] =	vst v63  }
0x30: {  	_ =	swait.ge [sflag:s23], $0x4000  }
0x31: {  	[sflag:s23] =	ssyncset.done $0x0  }
0x32: {  	[sflag:s23] =	ssyncadd.s32 $0xFFFFC000  }
0x33: {  	[spmem:s2] =	stream.indirect.scatter.add.f32 [tilespmem:s22], [sflag:$0x5], $0x80, s3, s21, $0xb8;
	[tilespmem:$0x1E900] =	vst v63  }
0x34: {  	_ = 	snop  }
0x35: {  	[tilespmem:s18], [sflag:$0x1] =	stream.linear.gather [hbm4b:s11+s3], $0x80, $0x38;
	[tilespmem:$0x1E900] =	vst v63  }
0x36: {  	_ =	swait.ge [sflag:s24], $0x80  }
0x37: {  	[sflag:s24] =	ssyncset.done $0x0  }
0x38: {  	[sflag:s24] =	ssyncadd.s32 $0xFFFFFF80  }
0x39: {  	[tilespmem:s25], [sflag:$0x4] =	stream.indirect.gather [hbm4b:s4+s21], $0x80, s19, s21, $0xb8;
	[tilespmem:$0x1E900] =	vst v63  }
0x3a: {  	_ =	swait.ge [sflag:s26], $0x4000  }
0x3b: {  	[sflag:s26] =	ssyncset.done $0x0  }
0x3c: {  	[sflag:s26] =	ssyncadd.s32 $0xFFFFC000  }
0x3d: {  	[spmem:s2] =	stream.indirect.scatter.add.f32 [tilespmem:s25], [sflag:$0x6], $0x80, s21, s21, $0xb8;
	[tilespmem:$0x1E900] =	vst v63  }
0x3e: {  	_ = 	snop  }
0x3f: {  	[tilespmem:s19], [sflag:$0x2] =	stream.linear.gather [hbm4b:s12+s3], $0x80, $0x38;
	[tilespmem:$0x1E900] =	vst v63  }
0x40: {  	_ =	swait.ge [sflag:s28], $0x4000  }
0x41: {  	[sflag:s28] =	ssyncset.done $0x0  }
0x42: {  	[sflag:s28] =	ssyncadd.s32 $0xFFFFC000  }
0x43: {  	_ =	swait.ge [sflag:s20], $0x80  }
0x44: {  	[sflag:s20] =	ssyncset.done $0x0  }
0x45: {  	s31 =	simm.s32 $0x180;
	s0 =	simm.s32 $0x50;
	[sflag:s20] =	ssyncadd.s32 $0xFFFFFF80  }
0x46: {  	[tilespmem:s22], [sflag:$0x3] =	stream.indirect.gather [hbm4b:s4+s21], $0x80, s18, s21, $0xb8;
	[tilespmem:$0x1E900] =	vst v63  }
.LBB2_2:
0x47: {  	_ =	swait.ge [sflag:s23], $0x4000  }
0x48: {  	[sflag:s23] =	ssyncset.done $0x0  }
0x49: {  	s1 =	sadd.s32 $0xFFFFFF80, s31;
	p0 =	seq.s32 s0, $0x510;
	[sflag:s23] =	ssyncadd.s32 $0xFFFFC000  }
0x4a: {  	[spmem:s2] =	stream.indirect.scatter.add.f32 [tilespmem:s22], [sflag:$0x5], $0x80, s1, s21, $0xb8;
	[tilespmem:$0x1E900] =	vst v63  }
0x4b: {  	s1 =	sadd.s32 @!p0 $0xFFFFFFF0, s0  }
0x4c: {  	s7 =	sadd.s32 @!p0 s15, s1;
	s1 =	sand.u32 @!p0 $0x60, s1  }
0x4d: {  	s7 =	sand.u32 @!p0 $0xFFFFF80, s7;
	s1 =	sadd.s32 @!p0 s5, s1  }
0x4e: {  	s8 =	simm.s32 @!p0 $0x2800;
	s1 =	sadd.s32 @!p0 s7, s1;
	s7 =	simm.s32 @!p0 $0x0  }
0x4f: {  	[tilespmem:s8], [sflag:$0x1] =	stream.linear.gather @!p0 [hbm4b:s1+s7], $0x80, $0x38;
	[tilespmem:$0x1E900] =	vst v63  }
0x50: {  	_ =	swait.ge [sflag:s29], $0x4000  }
0x51: {  	[sflag:s29] =	ssyncset.done $0x0  }
0x52: {  	[sflag:s29] =	ssyncadd.s32 $0xFFFFC000  }
0x53: {  	_ =	swait.ge [sflag:s24], $0x80  }
0x54: {  	[sflag:s24] =	ssyncset.done $0x0  }
0x55: {  	[sflag:s24] =	ssyncadd.s32 $0xFFFFFF80  }
0x56: {  	[tilespmem:s25], [sflag:$0x4] =	stream.indirect.gather [hbm4b:s4+s21], $0x80, s19, s21, $0xb8;
	[tilespmem:$0x1E900] =	vst v63  }
.Ltmp2:
0x57: {  	_ = 	snop;
	(pc) =	sbr.rel @p0 .LBB2_4-.Ltmp2, $4  }
0x58: {  	_ =	swait.ge [sflag:s26], $0x4000  }
0x59: {  	[sflag:s26] =	ssyncset.done $0x0  }
0x5a: {  	[sflag:s26] =	ssyncadd.s32 $0xFFFFC000  }
0x5b: {  	[spmem:s2] =	stream.indirect.scatter.add.f32 [tilespmem:s25], [sflag:$0x6], $0x80, s31, s21, $0xb8;
	[tilespmem:$0x1E900] =	vst v63  }
0x5c: {  	s1 =	sadd.s32 s0, s15;
	s7 =	sand.u32 $0x70, s0  }
0x5d: {  	s1 =	sand.u32 $0xFFFFF80, s1;
	s7 =	sadd.s32 s5, s7  }
0x5e: {  	s1 =	sadd.s32 s1, s7  }
0x5f: {  	[tilespmem:s19], [sflag:$0x2] =	stream.linear.gather [hbm4b:s1+s3], $0x80, $0x38;
	[tilespmem:$0x1E900] =	vst v63  }
0x60: {  	_ =	swait.ge [sflag:s28], $0x4000  }
0x61: {  	[sflag:s28] =	ssyncset.done $0x0  }
.Ltmp3:
0x62: {  	[sflag:s28] =	ssyncadd.s32 $0xFFFFC000;
	(pc) =	sbr.rel .LBB2_2-.Ltmp3, $4  }
0x63: {  	_ =	swait.ge [sflag:s20], $0x80  }
0x64: {  	[sflag:s20] =	ssyncset.done $0x0  }
0x65: {  	s31 =	sadd.s32 $0x100, s31;
	s0 =	sadd.s32 $0x20, s0;
	[sflag:s20] =	ssyncadd.s32 $0xFFFFFF80  }
0x66: {  	[tilespmem:s22], [sflag:$0x3] =	stream.indirect.gather [hbm4b:s4+s21], $0x80, s18, s21, $0xb8;
	[tilespmem:$0x1E900] =	vst v63  }
.LBB2_5:
0x67: {  	_ =	sfence.sel $0x180000  }
0x68: {  	[bflag:$0x0] =	sbarrier.arrive $0xFFFF  }
0x69: {  	_ =	strace $0x90000050  }
0x6a: {  	s0 =	stileid.u32;
	[bflag:$0x2] =	sbarrier.arrive $0xFFFF  }
0x6b: {  	p0 =	sne.s32 s0, $0x0;
	s0 =	rddreg [dreg:$0x2]  }
0x6c: {  	s0 =	sadd.s32 @!p0 $0x100000, s0  }
0x6d: {  	[sflag:s0] =	ssyncadd.tile.s32 @!p0 $0x1;
	_ =	shalt  }
.Lfunc_end2:
_tile_overlayer_lowered:
.L_overlay_start_2:
0x6e: {  	(tag) =	ssettag $0x2  }
0x6f: {  	s0 =	rddreg [dreg:$0x0];
	s2 =	stileid.u32  }
0x70: {  	s1 =	rddreg [dreg:$0x1];
	p0 =	sne.s32 s2, $0x0  }
0x71: {  	s3 =	rddreg [dreg:$0x2];
	[bflag:$0x3] =	sbarrier.arrive $0xFFFF;
	s2 =	simm.s32 @!p0 $0x1C07  }
0x72: {  	[timem:s3], [sflag:s2] =	dma.local @!p0 [hbm:s0], s1  }
0x73: {  	s0 =	simm.s32 @!p0 $0x7  }
0x74: {  	_ =	swait.ge @!p0 [sflag:s0], s1  }
0x75: {  	s1 =	ssub.s32 @!p0 $0x0, s1;
	[sflag:s0] =	ssyncset.done @!p0 $0x0  }
0x76: {  	[sflag:s0] =	ssyncadd.s32 @!p0 s1  }
0x77: {  	[bflag:$0x3] =	sbarrier.arrive $0xFFFF  }
0x78: {  	_ =	shalt  }

// kernel: kernel.28.cloned.1.call-start
scs
__scs_entry_jumppad:
0x0: {  	(pc) =	sbr.rel $0x88, $3  }
0x1: {  	(tag) =	ssettag $0x0;
	lr =	simm.s32 $0x1  }
0x2: {  	[smem:$0x3F95] =	sst lr;
	_ =	strace $0xD0000000  }
0x3: {  	_ = 	snop  }
0x4: {  	_ = 	snop  }
0x5: {  	_ = 	snop  }
0x6: {  	_ = 	snop  }
0x7: {  	_ = 	snop  }
__scs_overlays_trampoline_lowered:
0x8: {  	[smem:$0x3FA4] =	sst s0  }
0x9: {  	[smem:$0x3FA5] =	sst s1  }
0xa: {  	[smem:$0x3FA6] =	sst s2  }
0xb: {  	[smem:$0x3FA7] =	sst s3  }
0xc: {  	[smem:$0x3FA8] =	sst s4  }
0xd: {  	[smem:$0x3FA9] =	sst s5  }
0xe: {  	[smem:$0x3FAA] =	sst s6  }
0xf: {  	[smem:$0x3FAB] =	sst s7  }
0x10: {  	[smem:$0x3FAC] =	sst s8  }
0x11: {  	[smem:$0x3FAD] =	sst s9;
	s0 =	simm.s32 @!p0 $0x0  }
0x12: {  	s1 =	sld [smem:$0x3F93];
	s0 =	simm.s32 @p0 $0x1  }
0x13: {  	[smem:$0x3FAE] =	sst s0;
	s0 =	simm.s32 @!p1 $0x0  }
0x14: {  	s2 =	sld [smem:$0x3F92];
	s0 =	simm.s32 @p1 $0x1  }
0x15: {  	[smem:$0x3FAF] =	sst s0;
	s0 =	simm.s32 @!p2 $0x0  }
0x16: {  	s3 =	sld [smem:$0x3FDB];
	s0 =	simm.s32 @p2 $0x1  }
0x17: {  	s4 =	simm.s32 $0x1BF5;
	[smem:$0x3FB1] =	sst s0  }
0x18: {  	s0 =	sld [smem:$0x3F94];
	_ =	swait.ge [sflag:s4], $0x0  }
0x19: {  	s7 =	sld [smem:$0x3F95]  }
0x1a: {  	s8 =	sadd.s32 $0xFFFFE003, lr  }
0x1b: {  	s9 =	sadd.s32 $0xFFFFFEF7, lr;
	s5 =	simm.s32 $0xFFFFFFFF;
	p2 =	slt.u32 s8, $0xFFFFF086  }
0x1c: {  	p1 =	slt.u32 s9, $0xF7A;
	s5 =	simm.s32 @!p2 $0x0  }
0x1d: {  	s5 =	simm.s32 @p1 $0x1;
	p0 =	seq.s32 s7, s2  }
0x1e: {  	s7 =	smul.u32 @!p0 $0xF7A, s2;
	p2 =	seq.s32 @!p0 s5, $0x0  }
0x1f: {  	s9 =	smul.u32 $0xF7A, s1;
	s8 =	simm.s32 @!p0 $0x1BF5;
	p2 =	por !p2, p0  }
0x20: {  	[sflag:s8] =	ssyncset.s32 @!p0 $0xFFFFF086;
	s6 =	sadd.s32 @!p0 s3, s7;
	s7 =	simm.s32 @!p0 $0x108  }
0x21: {  	s3 =	sadd.s32 s3, s9;
	s6 =	sadd.s32 @!p0 $0x88, s6;
	s7 =	simm.s32 @p2 $0x1082  }
0x22: {  	[simem:s7], [sflag:s8] =	dma.local @!p0 [hbm:s6], $0xF7A  }
0x23: {  	s9 =	sor.u32 $0xD0000000, s2;
	s6 =	simm.s32 $0x108;
	_ =	swait.ge @!p0 [sflag:s8], $0x0  }
0x24: {  	s3 =	sadd.s32 $0x88, s3;
	s6 =	simm.s32 @!p1 $0x1082;
	[sflag:s4] =	ssyncset.s32 $0xFFFFF086  }
0x25: {  	[simem:s6], [sflag:s4] =	dma.local [hbm:s3], $0xF7A  }
0x26: {  	[smem:$0x3F95] =	sst s1;
	(tag) =	ssettag s2;
	_ =	strace s9  }
0x27: {  	s1 =	sld [smem:$0x3FA5]  }
0x28: {  	s2 =	sld [smem:$0x3FA6]  }
0x29: {  	s4 =	sld [smem:$0x3FA8]  }
0x2a: {  	p0 =	seq.s32 s5, $0x0;
	s5 =	sld [smem:$0x3FA9]  }
0x2b: {  	s6 =	sld [smem:$0x3FAA]  }
0x2c: {  	s7 =	sld [smem:$0x3FAB]  }
0x2d: {  	s3 =	simm.s32 $0x108;
	s8 =	sld [smem:$0x3FAC]  }
0x2e: {  	s3 =	simm.s32 @!p0 $0x1082;
	s9 =	sld [smem:$0x3FAD]  }
0x2f: {  	lr =	sadd.s32 s0, s3;
	s0 =	sld [smem:$0x3FA4]  }
0x30: {  	s3 =	sld [smem:$0x3FA7]  }
0x31: {  	[smem:$0x3FB0] =	sst s10  }
0x32: {  	s10 =	sld [smem:$0x3FAE];
	_ =	sdelay $0x3  }
0x33: {  	p0 =	seq.s32 s10, $0x1;
	s10 =	sld [smem:$0x3FB0];
	_ =	sdelay $0x3  }
0x34: {  	[smem:$0x3FB0] =	sst s10  }
0x35: {  	s10 =	sld [smem:$0x3FAF];
	_ =	sdelay $0x3  }
0x36: {  	p1 =	seq.s32 s10, $0x1;
	s10 =	sld [smem:$0x3FB0];
	_ =	sdelay $0x3  }
0x37: {  	[smem:$0x3FB0] =	sst s10  }
0x38: {  	s10 =	sld [smem:$0x3FB1]  }
0x39: {  	_ = 	snop;
	(pc) =	sbr.ind lr, $3  }
0x3a: {  	_ = 	snop  }
0x3b: {  	_ = 	snop  }
0x3c: {  	p2 =	seq.s32 s10, $0x1;
	s10 =	sld [smem:$0x3FB0]  }
0x3d: {  	_ =	shalt  }
0x3e: {  	_ =	shalt  }
0x3f: {  	_ =	shalt  }
0x40: {  	_ =	shalt  }
0x41: {  	_ =	shalt  }
0x42: {  	_ =	shalt  }
0x43: {  	_ =	shalt  }
0x44: {  	_ =	shalt  }
0x45: {  	_ =	shalt  }
0x46: {  	_ =	shalt  }
0x47: {  	_ =	shalt  }
0x48: {  	_ =	shalt  }
0x49: {  	_ =	shalt  }
0x4a: {  	_ =	shalt  }
0x4b: {  	_ =	shalt  }
0x4c: {  	_ =	shalt  }
0x4d: {  	_ =	shalt  }
0x4e: {  	_ =	shalt  }
0x4f: {  	_ =	shalt  }
0x50: {  	_ =	shalt  }
0x51: {  	_ =	shalt  }
0x52: {  	_ =	shalt  }
0x53: {  	_ =	shalt  }
0x54: {  	_ =	shalt  }
0x55: {  	_ =	shalt  }
0x56: {  	_ =	shalt  }
0x57: {  	_ =	shalt  }
0x58: {  	_ =	shalt  }
0x59: {  	_ =	shalt  }
0x5a: {  	_ =	shalt  }
0x5b: {  	_ =	shalt  }
0x5c: {  	_ =	shalt  }
0x5d: {  	_ =	shalt  }
0x5e: {  	_ =	shalt  }
0x5f: {  	_ =	shalt  }
0x60: {  	_ =	shalt  }
0x61: {  	_ =	shalt  }
0x62: {  	_ =	shalt  }
0x63: {  	_ =	shalt  }
0x64: {  	_ =	shalt  }
0x65: {  	_ =	shalt  }
0x66: {  	_ =	shalt  }
0x67: {  	_ =	shalt  }
0x68: {  	_ =	shalt  }
0x69: {  	_ =	shalt  }
0x6a: {  	_ =	shalt  }
0x6b: {  	_ =	shalt  }
0x6c: {  	_ =	shalt  }
0x6d: {  	_ =	shalt  }
0x6e: {  	_ =	shalt  }
0x6f: {  	_ =	shalt  }
0x70: {  	_ =	shalt  }
0x71: {  	_ =	shalt  }
0x72: {  	_ =	shalt  }
0x73: {  	_ =	shalt  }
0x74: {  	_ =	shalt  }
0x75: {  	_ =	shalt  }
0x76: {  	_ =	shalt  }
0x77: {  	_ =	shalt  }
0x78: {  	_ =	shalt  }
0x79: {  	_ =	shalt  }
0x7a: {  	_ =	shalt  }
0x7b: {  	_ =	shalt  }
0x7c: {  	_ =	shalt  }
0x7d: {  	_ =	shalt  }
0x7e: {  	_ =	shalt  }
0x7f: {  	_ =	shalt  }
0x80: {  	_ =	shalt  }
0x81: {  	_ =	shalt  }
0x82: {  	_ =	shalt  }
0x83: {  	_ =	shalt  }
0x84: {  	_ =	shalt  }
0x85: {  	_ =	shalt  }
0x86: {  	_ =	shalt  }
0x87: {  	_ =	shalt  }
.Lfunc_end0:
.L_simem_size_0:
called_computation.4_lowered:
.L_overlay_start_0:
0x88: {  	s2 =	sld [smem:$0x3FD9]  }
0x89: {  	s3 =	sld [smem:$0x3FFE];
	_ =	sdelay $0x1  }
0x8a: {  	s1 =	srdreg.scid  }
0x8b: {  	s0 =	sand.u32 $0x1, s1  }
0x8c: {  	s16 =	sshll.u32 s0, $0xA;
	s2 =	sadd.s32 s3, s2  }
0x8d: {  	s2 =	sadd.s32 s2, s16  }
0x8e: {  	[smem:$0x3FBC] =	sst s2  }
0x8f: {  	_ = 	snop  }
0x90: {  	(tm) =	ssettm $0x1  }
0x91: {  	s17 =	sld [smem:$0x3FFB];
	_ =	sdelay $0x3  }
0x92: {  	_ =	strace s17  }
0x93: {  	s2 =	sld [smem:$0x3FFC];
	_ =	sdelay $0x3  }
0x94: {  	_ =	strace s2  }
0x95: {  	s2 =	sld [smem:$0x3FFD];
	_ =	sdelay $0x3  }
0x96: {  	_ =	strace s2  }
0x97: {  	_ =	strace $0x8FFFFFFF  }
0x98: {  	s18 =	sld [smem:$0x3FDB];
	_ =	sdelay $0x1  }
0x99: {  	s19 =	simm.s32 $_scs_section_size  }
0x9a: {  	s4 =	simm.s32 $_size__tile_overlayer_lowered;
	s5 =	simm.s32 $_tile_overlayer_lowered  }
0x9b: {  	s22 =	simm.s32 $0x1BFF;
	s21 =	sshll.u32 s5, $0x1;
	s2 =	sadd.s32 s19, s18  }
0x9c: {  	s6 =	simm.s32 $0x0;
	s20 =	sshll.u32 s4, $0x1;
	s4 =	sadd.s32 s21, s2  }
0x9d: {  	[timem:s6], [sflag:s22] =	dma.local [hbm:s4], s20  }
0x9e: {  	_ =	swait.ge [sflag:s22], s20  }
0x9f: {  	s3 =	ssub.s32 $0x0, s20;
	[sflag:s22] =	ssyncset.done $0x0  }
0xa0: {  	[sflag:s22] =	ssyncadd.s32 s3;
	_ =	sdelay $0x1  }
0xa1: {  	s23 =	simm.s32 $0x1B8B  }
0xa2: {  	_ =	swait.ge [sflag:s23], $0x1  }
0xa3: {  	[sflag:s23] =	ssyncset.done $0x0  }
0xa4: {  	s25 =	simm.s32 $0x1B8E;
	s24 =	sld [smem:$0x3FFE];
	[sflag:s23] =	ssyncadd.s32 $0xFFFFFFFF  }
0xa5: {  	s26 =	simm.s32 $execute0_lowered;
	[smem:$0x3FD2] =	sst s25  }
0xa6: {  	s4 =	sshll.u32 s26, $0x1;
	_ =	strace $0x80000052;
	[dreg:$0x1] =	wrdreg $0xFFFFFFFF  }
0xa7: {  	s28 =	simm.s32 $_size_execute0_lowered;
	s2 =	sadd.s32 s2, s4;
	[dreg:$0x0] =	wrdreg $0x0  }
0xa8: {  	s4 =	sshll.u32 s28, $0x1;
	[dreg:$0x2] =	wrdreg s2  }
0xa9: {  	[dreg:$0x3] =	wrdreg s4  }
0xaa: {  	[dreg:$0x4] =	wrdreg $0xC0  }
0xab: {  	_ =	task [dreg:s6], $0x5FFFF  }
0xac: {  	[dreg:$0x1] =	wrdreg $0xFFFFFFFF  }
0xad: {  	[dreg:$0x0] =	wrdreg $0x60  }
0xae: {  	[dreg:$0x2] =	wrdreg s24  }
0xaf: {  	[dreg:$0x3] =	wrdreg $0xA9000  }
0xb0: {  	[dreg:$0x4] =	wrdreg $0x9  }
0xb1: {  	_ =	task.clear_ibuf [dreg:s6], $0x5FFFF;
	_ =	strace $0x90000052  }
0xb2: {  	s29 =	simm.s32 $0x9;
	_ =	strace $0x80000054  }
0xb3: {  	_ =	swait.ge [sflag:s29], $0x1  }
0xb4: {  	[sflag:s29] =	ssyncadd.s32 $0xFFFFFFFF  }
0xb5: {  	_ =	strace $0x90000054  }
0xb6: {  	_ =	sfence  }
0xb7: {  	s30 =	sld [smem:$0x0];
	_ =	sdelay $0x2  }
0xb8: {  	s31 =	sshll.u32 s1, $0xD;
	s1 =	sshrl.u32 s1, $0x2  }
0xb9: {  	s3 =	sand.u32 $0x4000, s31;
	s1 =	sadd.s32 s1, s30  }
0xba: {  	s0 =	sor.u32 s3, s0;
	s1 =	sshll.u32 s1, $0x11  }
0xbb: {  	s0 =	sor.u32 s1, s0  }
0xbc: {  	s0 =	sadd.s32 $0x8F2B, s0  }
0xbd: {  	[sflag:s0] =	ssyncadd.remote.s32 $0x1  }
0xbe: {  	_ =	sfence.sel $0xFFFF  }
0xbf: {  	[dreg:$0x0] =	wrdreg $0xFFFFFFFF;
	(pc) =	sbr.abs _section_cstart, $3  }
0xc0: {  	[dreg:$0x1] =	wrdreg $0xFFFFFFFF  }
0xc1: {  	_ =	task.clear_ibuf [dreg:s6], $0x2FFFF;
	_ =	strace $0x9FFFFFFF  }
0xc2: {  	(tm) =	ssettm $0x7FFFFFFF  }
0xc3: {  	_ =	shalt  }
tec
execute0_lowered:
.L_overlay_start_1:
0x0: {  	(tag) =	ssettag $0x1  }
0x1: {  	s0 =	srdreg.scid;
	s6 =	rddreg [dreg:$0x0]  }
0x2: {  	s2 =	rddreg [dreg:$0x1];
	s1 =	stileid.u32  }
0x3: {  	s3 =	simm.s32 $0x0;
	s18 =	simm.s32 $0x2800;
	s19 =	simm.s32 $0x2880  }
0x4: {  	s20 =	simm.s32 $0x1;
	s21 =	simm.s32 $0x80;
	s22 =	simm.s32 $0x2900  }
0x5: {  	s23 =	simm.s32 $0x3;
	s28 =	simm.s32 $0x5;
	s29 =	simm.s32 $0x6  }
0x6: {  	s30 =	simm.s32 $0x0;
	s0 =	sand.u32 $0x1, s0;
	s13 =	smul.u32 $0x2800, s1  }
0x7: {  	[smem:$0x7FF] =	sst s3;
	s5 =	sadd.s32 $0xE800, s6;
	s11 =	smul.u32 $0x50000, s1  }
0x8: {  	s12 =	sadd.s32 $0x18800, s6;
	s31 =	sshll.u32 s1, $0x6;
	s17 =	smul.u32 $0x500, s1  }
0x9: {  	s4 =	sshll.u32 s0, $0x4;
	_ =	strace $0x80000053;
	s8 =	smul.u32 $0x28000, s0  }
0xa: {  	s10 =	ssub.s32 $0x2, s0;
	p0 =	seq.s32 s0, $0x1;
	s0 =	smul.u32 $0x5000, s0  }
0xb: {  	s4 =	sor.u32 s1, s4;
	s14 =	sshrl.u32 s10, $0x1;
	s24 =	sshrl.u32 s11, $0x2  }
0xc: {  	s7 =	smul.u32 $0x500, s4;
	s4 =	sadd.s32 $0x40800, s6;
	s8 =	sadd.s32 s13, s8  }
0xd: {  	s10 =	ssub.s32 s10, s14;
	s16 =	sadd.s32 s24, s2;
	s24 =	simm.s32 $0x2  }
0xe: {  	s15 =	sadd.s32 s8, s6;
	s10 =	smax.u32 s10, $0x1;
	s14 =	smov.u32 s4  }
0xf: {  	s16 =	sshrl.u32 s16, $0x3;
	s9 =	sadd.s32 s7, s6;
	s6 =	sadd.s32 s5, s7  }
.Ltmp0:
0x10: {  	s14 =	smov.u32 @p0 s12;
	s25 =	sadd.s32 $0x4800, s9;
	(pc) =	sbr.rel .LBB2_1-.Ltmp0, $4  }
0x11: {  	s26 =	sadd.s32 $0x10, s6;
	s9 =	sadd.s32 $0x91800, s15;
	s11 =	sadd.s32 $0x20, s6  }
0x12: {  	s12 =	sadd.s32 $0x30, s6;
	s13 =	sadd.s32 s14, s13;
	s14 =	sor.u32 $0x1C07, s31  }
0x13: {  	s15 =	sadd.s32 s17, s0;
	s17 =	simm.s32 $0x7;
	[dreg:$0x3] =	wrdreg s25  }
0x14: {  	[dreg:$0x4] =	wrdreg s26;
	s25 =	simm.s32 $0x6900;
	s26 =	simm.s32 $0x4  }
.LBB2_4:
0x15: {  	_ =	swait.ge [sflag:s28], $0x4000  }
0x16: {  	[sflag:s28] =	ssyncset.done $0x0  }
0x17: {  	[sflag:s28] =	ssyncadd.s32 $0xFFFFC000  }
0x18: {  	_ =	swait.ge [sflag:s29], $0x4000  }
0x19: {  	s30 =	sadd.s32 $0x1, s30;
	[sflag:s29] =	ssyncset.done $0x0  }
0x1a: {  	p0 =	sne.s32 s30, s10;
	[sflag:s29] =	ssyncadd.s32 $0xFFFFC000  }
.Ltmp1:
0x1b: {  	[bflag:$0x0] =	sbarrier.arrive $0xFFFF;
	(pc) =	sbr.rel @!p0 .LBB2_5-.Ltmp1, $4  }
0x1c: {  	[hbm:s9], [sflag:s14] =	dma.local [spmem:s16], $0x2800  }
0x1d: {  	_ =	swait.ge [sflag:s17], $0x2800  }
0x1e: {  	[sflag:s17] =	ssyncset.done $0x0  }
0x1f: {  	[sflag:s17] =	ssyncadd.s32 $0xFFFFD800  }
.LBB2_1:
0x20: {  	[spmem:s16], [sflag:s14] =	dma.local [hbm:s13], $0x2800  }
0x21: {  	_ =	swait.ge [sflag:s17], $0x2800  }
0x22: {  	[sflag:s17] =	ssyncset.done $0x0  }
0x23: {  	s0 =	rddreg [dreg:$0x3];
	[sflag:s17] =	ssyncadd.s32 $0xFFFFD800  }
0x24: {  	[tilespmem:s3], [sflag:$0x7] =	stream.linear.gather [hbm4b:s0+s3], $0x2800, $0x38;
	[tilespmem:$0x1E900] =	vst v63  }
0x25: {  	_ =	swait.ge [sflag:s17], $0x2800  }
0x26: {  	[sflag:s17] =	ssyncset.done $0x0  }
0x27: {  	[sflag:s17] =	ssyncadd.s32 $0xFFFFD800  }
0x28: {  	[bflag:$0x0] =	sbarrier.arrive $0xFFFF  }
0x29: {  	[tilespmem:s18], [sflag:$0x1] =	stream.linear.gather [hbm4b:s6+s3], $0x80, $0x38;
	[tilespmem:$0x1E900] =	vst v63  }
0x2a: {  	s8 =	rddreg [dreg:$0x4]  }
0x2b: {  	[tilespmem:s19], [sflag:$0x2] =	stream.linear.gather [hbm4b:s8+s3], $0x80, $0x38;
	[tilespmem:$0x1E900] =	vst v63  }
0x2c: {  	_ =	swait.ge [sflag:s20], $0x80  }
0x2d: {  	[sflag:s20] =	ssyncset.done $0x0  }
0x2e: {  	[sflag:s20] =	ssyncadd.s32 $0xFFFFFF80  }
0x2f: {  	[tilespmem:s22], [sflag:$0x3] =	stream.indirect.gather [hbm4b:s4+s21], $0x80, s18, s21, $0xb8;
	[tilespmem:$0x1E900] =	vst v63  }
0x30: {  	_ =	swait.ge [sflag:s23], $0x4000  }
0x31: {  	[sflag:s23] =	ssyncset.done $0x0  }
0x32: {  	[sflag:s23] =	ssyncadd.s32 $0xFFFFC000  }
0x33: {  	[spmem:s2] =	stream.indirect.scatter.add.f32 [tilespmem:s22], [sflag:$0x5], $0x80, s3, s21, $0xb8;
	[tilespmem:$0x1E900] =	vst v63  }
0x34: {  	_ = 	snop  }
0x35: {  	[tilespmem:s18], [sflag:$0x1] =	stream.linear.gather [hbm4b:s11+s3], $0x80, $0x38;
	[tilespmem:$0x1E900] =	vst v63  }
0x36: {  	_ =	swait.ge [sflag:s24], $0x80  }
0x37: {  	[sflag:s24] =	ssyncset.done $0x0  }
0x38: {  	[sflag:s24] =	ssyncadd.s32 $0xFFFFFF80  }
0x39: {  	[tilespmem:s25], [sflag:$0x4] =	stream.indirect.gather [hbm4b:s4+s21], $0x80, s19, s21, $0xb8;
	[tilespmem:$0x1E900] =	vst v63  }
0x3a: {  	_ =	swait.ge [sflag:s26], $0x4000  }
0x3b: {  	[sflag:s26] =	ssyncset.done $0x0  }
0x3c: {  	[sflag:s26] =	ssyncadd.s32 $0xFFFFC000  }
0x3d: {  	[spmem:s2] =	stream.indirect.scatter.add.f32 [tilespmem:s25], [sflag:$0x6], $0x80, s21, s21, $0xb8;
	[tilespmem:$0x1E900] =	vst v63  }
0x3e: {  	_ = 	snop  }
0x3f: {  	[tilespmem:s19], [sflag:$0x2] =	stream.linear.gather [hbm4b:s12+s3], $0x80, $0x38;
	[tilespmem:$0x1E900] =	vst v63  }
0x40: {  	_ =	swait.ge [sflag:s28], $0x4000  }
0x41: {  	[sflag:s28] =	ssyncset.done $0x0  }
0x42: {  	[sflag:s28] =	ssyncadd.s32 $0xFFFFC000  }
0x43: {  	_ =	swait.ge [sflag:s20], $0x80  }
0x44: {  	[sflag:s20] =	ssyncset.done $0x0  }
0x45: {  	s31 =	simm.s32 $0x180;
	s0 =	simm.s32 $0x50;
	[sflag:s20] =	ssyncadd.s32 $0xFFFFFF80  }
0x46: {  	[tilespmem:s22], [sflag:$0x3] =	stream.indirect.gather [hbm4b:s4+s21], $0x80, s18, s21, $0xb8;
	[tilespmem:$0x1E900] =	vst v63  }
.LBB2_2:
0x47: {  	_ =	swait.ge [sflag:s23], $0x4000  }
0x48: {  	[sflag:s23] =	ssyncset.done $0x0  }
0x49: {  	s1 =	sadd.s32 $0xFFFFFF80, s31;
	p0 =	seq.s32 s0, $0x510;
	[sflag:s23] =	ssyncadd.s32 $0xFFFFC000  }
0x4a: {  	[spmem:s2] =	stream.indirect.scatter.add.f32 [tilespmem:s22], [sflag:$0x5], $0x80, s1, s21, $0xb8;
	[tilespmem:$0x1E900] =	vst v63  }
0x4b: {  	s1 =	sadd.s32 @!p0 $0xFFFFFFF0, s0  }
0x4c: {  	s7 =	sadd.s32 @!p0 s15, s1;
	s1 =	sand.u32 @!p0 $0x60, s1  }
0x4d: {  	s7 =	sand.u32 @!p0 $0xFFFFF80, s7;
	s1 =	sadd.s32 @!p0 s5, s1  }
0x4e: {  	s8 =	simm.s32 @!p0 $0x2800;
	s1 =	sadd.s32 @!p0 s7, s1;
	s7 =	simm.s32 @!p0 $0x0  }
0x4f: {  	[tilespmem:s8], [sflag:$0x1] =	stream.linear.gather @!p0 [hbm4b:s1+s7], $0x80, $0x38;
	[tilespmem:$0x1E900] =	vst v63  }
0x50: {  	_ =	swait.ge [sflag:s29], $0x4000  }
0x51: {  	[sflag:s29] =	ssyncset.done $0x0  }
0x52: {  	[sflag:s29] =	ssyncadd.s32 $0xFFFFC000  }
0x53: {  	_ =	swait.ge [sflag:s24], $0x80  }
0x54: {  	[sflag:s24] =	ssyncset.done $0x0  }
0x55: {  	[sflag:s24] =	ssyncadd.s32 $0xFFFFFF80  }
0x56: {  	[tilespmem:s25], [sflag:$0x4] =	stream.indirect.gather [hbm4b:s4+s21], $0x80, s19, s21, $0xb8;
	[tilespmem:$0x1E900] =	vst v63  }
.Ltmp2:
0x57: {  	_ = 	snop;
	(pc) =	sbr.rel @p0 .LBB2_4-.Ltmp2, $4  }
0x58: {  	_ =	swait.ge [sflag:s26], $0x4000  }
0x59: {  	[sflag:s26] =	ssyncset.done $0x0  }
0x5a: {  	[sflag:s26] =	ssyncadd.s32 $0xFFFFC000  }
0x5b: {  	[spmem:s2] =	stream.indirect.scatter.add.f32 [tilespmem:s25], [sflag:$0x6], $0x80, s31, s21, $0xb8;
	[tilespmem:$0x1E900] =	vst v63  }
0x5c: {  	s1 =	sadd.s32 s0, s15;
	s7 =	sand.u32 $0x70, s0  }
0x5d: {  	s1 =	sand.u32 $0xFFFFF80, s1;
	s7 =	sadd.s32 s5, s7  }
0x5e: {  	s1 =	sadd.s32 s1, s7  }
0x5f: {  	[tilespmem:s19], [sflag:$0x2] =	stream.linear.gather [hbm4b:s1+s3], $0x80, $0x38;
	[tilespmem:$0x1E900] =	vst v63  }
0x60: {  	_ =	swait.ge [sflag:s28], $0x4000  }
0x61: {  	[sflag:s28] =	ssyncset.done $0x0  }
.Ltmp3:
0x62: {  	[sflag:s28] =	ssyncadd.s32 $0xFFFFC000;
	(pc) =	sbr.rel .LBB2_2-.Ltmp3, $4  }
0x63: {  	_ =	swait.ge [sflag:s20], $0x80  }
0x64: {  	[sflag:s20] =	ssyncset.done $0x0  }
0x65: {  	s31 =	sadd.s32 $0x100, s31;
	s0 =	sadd.s32 $0x20, s0;
	[sflag:s20] =	ssyncadd.s32 $0xFFFFFF80  }
0x66: {  	[tilespmem:s22], [sflag:$0x3] =	stream.indirect.gather [hbm4b:s4+s21], $0x80, s18, s21, $0xb8;
	[tilespmem:$0x1E900] =	vst v63  }
.LBB2_5:
0x67: {  	_ =	sfence.sel $0x180000  }
0x68: {  	[bflag:$0x0] =	sbarrier.arrive $0xFFFF  }
0x69: {  	_ =	strace $0x90000053  }
0x6a: {  	s0 =	stileid.u32;
	[bflag:$0x2] =	sbarrier.arrive $0xFFFF  }
0x6b: {  	p0 =	sne.s32 s0, $0x0;
	s0 =	rddreg [dreg:$0x2]  }
0x6c: {  	s0 =	sadd.s32 @!p0 $0x100000, s0  }
0x6d: {  	[sflag:s0] =	ssyncadd.tile.s32 @!p0 $0x1;
	_ =	shalt  }
.Lfunc_end2:
_tile_overlayer_lowered:
.L_overlay_start_2:
0x6e: {  	(tag) =	ssettag $0x2  }
0x6f: {  	s0 =	rddreg [dreg:$0x0];
	s2 =	stileid.u32  }
0x70: {  	s1 =	rddreg [dreg:$0x1];
	p0 =	sne.s32 s2, $0x0  }
0x71: {  	s3 =	rddreg [dreg:$0x2];
	[bflag:$0x3] =	sbarrier.arrive $0xFFFF;
	s2 =	simm.s32 @!p0 $0x1C07  }
0x72: {  	[timem:s3], [sflag:s2] =	dma.local @!p0 [hbm:s0], s1  }
0x73: {  	s0 =	simm.s32 @!p0 $0x7  }
0x74: {  	_ =	swait.ge @!p0 [sflag:s0], s1  }
0x75: {  	s1 =	ssub.s32 @!p0 $0x0, s1;
	[sflag:s0] =	ssyncset.done @!p0 $0x0  }
0x76: {  	[sflag:s0] =	ssyncadd.s32 @!p0 s1  }
0x77: {  	[bflag:$0x3] =	sbarrier.arrive $0xFFFF  }
0x78: {  	_ =	shalt  }

// kernel: kernel.31.cloned.1.call-start
scs
__scs_entry_jumppad:
0x0: {  	(pc) =	sbr.rel $0x88, $3  }
0x1: {  	(tag) =	ssettag $0x0;
	lr =	simm.s32 $0x1  }
0x2: {  	[smem:$0x3F95] =	sst lr;
	_ =	strace $0xD0000000  }
0x3: {  	_ = 	snop  }
0x4: {  	_ = 	snop  }
0x5: {  	_ = 	snop  }
0x6: {  	_ = 	snop  }
0x7: {  	_ = 	snop  }
__scs_overlays_trampoline_lowered:
0x8: {  	[smem:$0x3FA4] =	sst s0  }
0x9: {  	[smem:$0x3FA5] =	sst s1  }
0xa: {  	[smem:$0x3FA6] =	sst s2  }
0xb: {  	[smem:$0x3FA7] =	sst s3  }
0xc: {  	[smem:$0x3FA8] =	sst s4  }
0xd: {  	[smem:$0x3FA9] =	sst s5  }
0xe: {  	[smem:$0x3FAA] =	sst s6  }
0xf: {  	[smem:$0x3FAB] =	sst s7  }
0x10: {  	[smem:$0x3FAC] =	sst s8  }
0x11: {  	[smem:$0x3FAD] =	sst s9;
	s0 =	simm.s32 @!p0 $0x0  }
0x12: {  	s1 =	sld [smem:$0x3F93];
	s0 =	simm.s32 @p0 $0x1  }
0x13: {  	[smem:$0x3FAE] =	sst s0;
	s0 =	simm.s32 @!p1 $0x0  }
0x14: {  	s2 =	sld [smem:$0x3F92];
	s0 =	simm.s32 @p1 $0x1  }
0x15: {  	[smem:$0x3FAF] =	sst s0;
	s0 =	simm.s32 @!p2 $0x0  }
0x16: {  	s3 =	sld [smem:$0x3FDB];
	s0 =	simm.s32 @p2 $0x1  }
0x17: {  	s4 =	simm.s32 $0x1BF5;
	[smem:$0x3FB1] =	sst s0  }
0x18: {  	s0 =	sld [smem:$0x3F94];
	_ =	swait.ge [sflag:s4], $0x0  }
0x19: {  	s7 =	sld [smem:$0x3F95]  }
0x1a: {  	s8 =	sadd.s32 $0xFFFFE003, lr  }
0x1b: {  	s9 =	sadd.s32 $0xFFFFFEF7, lr;
	s5 =	simm.s32 $0xFFFFFFFF;
	p2 =	slt.u32 s8, $0xFFFFF086  }
0x1c: {  	p1 =	slt.u32 s9, $0xF7A;
	s5 =	simm.s32 @!p2 $0x0  }
0x1d: {  	s5 =	simm.s32 @p1 $0x1;
	p0 =	seq.s32 s7, s2  }
0x1e: {  	s7 =	smul.u32 @!p0 $0xF7A, s2;
	p2 =	seq.s32 @!p0 s5, $0x0  }
0x1f: {  	s9 =	smul.u32 $0xF7A, s1;
	s8 =	simm.s32 @!p0 $0x1BF5;
	p2 =	por !p2, p0  }
0x20: {  	[sflag:s8] =	ssyncset.s32 @!p0 $0xFFFFF086;
	s6 =	sadd.s32 @!p0 s3, s7;
	s7 =	simm.s32 @!p0 $0x108  }
0x21: {  	s3 =	sadd.s32 s3, s9;
	s6 =	sadd.s32 @!p0 $0x88, s6;
	s7 =	simm.s32 @p2 $0x1082  }
0x22: {  	[simem:s7], [sflag:s8] =	dma.local @!p0 [hbm:s6], $0xF7A  }
0x23: {  	s9 =	sor.u32 $0xD0000000, s2;
	s6 =	simm.s32 $0x108;
	_ =	swait.ge @!p0 [sflag:s8], $0x0  }
0x24: {  	s3 =	sadd.s32 $0x88, s3;
	s6 =	simm.s32 @!p1 $0x1082;
	[sflag:s4] =	ssyncset.s32 $0xFFFFF086  }
0x25: {  	[simem:s6], [sflag:s4] =	dma.local [hbm:s3], $0xF7A  }
0x26: {  	[smem:$0x3F95] =	sst s1;
	(tag) =	ssettag s2;
	_ =	strace s9  }
0x27: {  	s1 =	sld [smem:$0x3FA5]  }
0x28: {  	s2 =	sld [smem:$0x3FA6]  }
0x29: {  	s4 =	sld [smem:$0x3FA8]  }
0x2a: {  	p0 =	seq.s32 s5, $0x0;
	s5 =	sld [smem:$0x3FA9]  }
0x2b: {  	s6 =	sld [smem:$0x3FAA]  }
0x2c: {  	s7 =	sld [smem:$0x3FAB]  }
0x2d: {  	s3 =	simm.s32 $0x108;
	s8 =	sld [smem:$0x3FAC]  }
0x2e: {  	s3 =	simm.s32 @!p0 $0x1082;
	s9 =	sld [smem:$0x3FAD]  }
0x2f: {  	lr =	sadd.s32 s0, s3;
	s0 =	sld [smem:$0x3FA4]  }
0x30: {  	s3 =	sld [smem:$0x3FA7]  }
0x31: {  	[smem:$0x3FB0] =	sst s10  }
0x32: {  	s10 =	sld [smem:$0x3FAE];
	_ =	sdelay $0x3  }
0x33: {  	p0 =	seq.s32 s10, $0x1;
	s10 =	sld [smem:$0x3FB0];
	_ =	sdelay $0x3  }
0x34: {  	[smem:$0x3FB0] =	sst s10  }
0x35: {  	s10 =	sld [smem:$0x3FAF];
	_ =	sdelay $0x3  }
0x36: {  	p1 =	seq.s32 s10, $0x1;
	s10 =	sld [smem:$0x3FB0];
	_ =	sdelay $0x3  }
0x37: {  	[smem:$0x3FB0] =	sst s10  }
0x38: {  	s10 =	sld [smem:$0x3FB1]  }
0x39: {  	_ = 	snop;
	(pc) =	sbr.ind lr, $3  }
0x3a: {  	_ = 	snop  }
0x3b: {  	_ = 	snop  }
0x3c: {  	p2 =	seq.s32 s10, $0x1;
	s10 =	sld [smem:$0x3FB0]  }
0x3d: {  	_ =	shalt  }
0x3e: {  	_ =	shalt  }
0x3f: {  	_ =	shalt  }
0x40: {  	_ =	shalt  }
0x41: {  	_ =	shalt  }
0x42: {  	_ =	shalt  }
0x43: {  	_ =	shalt  }
0x44: {  	_ =	shalt  }
0x45: {  	_ =	shalt  }
0x46: {  	_ =	shalt  }
0x47: {  	_ =	shalt  }
0x48: {  	_ =	shalt  }
0x49: {  	_ =	shalt  }
0x4a: {  	_ =	shalt  }
0x4b: {  	_ =	shalt  }
0x4c: {  	_ =	shalt  }
0x4d: {  	_ =	shalt  }
0x4e: {  	_ =	shalt  }
0x4f: {  	_ =	shalt  }
0x50: {  	_ =	shalt  }
0x51: {  	_ =	shalt  }
0x52: {  	_ =	shalt  }
0x53: {  	_ =	shalt  }
0x54: {  	_ =	shalt  }
0x55: {  	_ =	shalt  }
0x56: {  	_ =	shalt  }
0x57: {  	_ =	shalt  }
0x58: {  	_ =	shalt  }
0x59: {  	_ =	shalt  }
0x5a: {  	_ =	shalt  }
0x5b: {  	_ =	shalt  }
0x5c: {  	_ =	shalt  }
0x5d: {  	_ =	shalt  }
0x5e: {  	_ =	shalt  }
0x5f: {  	_ =	shalt  }
0x60: {  	_ =	shalt  }
0x61: {  	_ =	shalt  }
0x62: {  	_ =	shalt  }
0x63: {  	_ =	shalt  }
0x64: {  	_ =	shalt  }
0x65: {  	_ =	shalt  }
0x66: {  	_ =	shalt  }
0x67: {  	_ =	shalt  }
0x68: {  	_ =	shalt  }
0x69: {  	_ =	shalt  }
0x6a: {  	_ =	shalt  }
0x6b: {  	_ =	shalt  }
0x6c: {  	_ =	shalt  }
0x6d: {  	_ =	shalt  }
0x6e: {  	_ =	shalt  }
0x6f: {  	_ =	shalt  }
0x70: {  	_ =	shalt  }
0x71: {  	_ =	shalt  }
0x72: {  	_ =	shalt  }
0x73: {  	_ =	shalt  }
0x74: {  	_ =	shalt  }
0x75: {  	_ =	shalt  }
0x76: {  	_ =	shalt  }
0x77: {  	_ =	shalt  }
0x78: {  	_ =	shalt  }
0x79: {  	_ =	shalt  }
0x7a: {  	_ =	shalt  }
0x7b: {  	_ =	shalt  }
0x7c: {  	_ =	shalt  }
0x7d: {  	_ =	shalt  }
0x7e: {  	_ =	shalt  }
0x7f: {  	_ =	shalt  }
0x80: {  	_ =	shalt  }
0x81: {  	_ =	shalt  }
0x82: {  	_ =	shalt  }
0x83: {  	_ =	shalt  }
0x84: {  	_ =	shalt  }
0x85: {  	_ =	shalt  }
0x86: {  	_ =	shalt  }
0x87: {  	_ =	shalt  }
.Lfunc_end0:
.L_simem_size_0:
called_computation.5_lowered:
.L_overlay_start_0:
0x88: {  	s2 =	sld [smem:$0x3FD9]  }
0x89: {  	s3 =	sld [smem:$0x3FFE];
	_ =	sdelay $0x1  }
0x8a: {  	s1 =	srdreg.scid  }
0x8b: {  	s0 =	sand.u32 $0x1, s1  }
0x8c: {  	s16 =	sshll.u32 s0, $0xA;
	s2 =	sadd.s32 s3, s2  }
0x8d: {  	s2 =	sadd.s32 s2, s16  }
0x8e: {  	[smem:$0x3FBC] =	sst s2  }
0x8f: {  	_ = 	snop  }
0x90: {  	(tm) =	ssettm $0x1  }
0x91: {  	s17 =	sld [smem:$0x3FFB];
	_ =	sdelay $0x3  }
0x92: {  	_ =	strace s17  }
0x93: {  	s2 =	sld [smem:$0x3FFC];
	_ =	sdelay $0x3  }
0x94: {  	_ =	strace s2  }
0x95: {  	s2 =	sld [smem:$0x3FFD];
	_ =	sdelay $0x3  }
0x96: {  	_ =	strace s2  }
0x97: {  	_ =	strace $0x8FFFFFFF  }
0x98: {  	s18 =	sld [smem:$0x3FDB];
	_ =	sdelay $0x1  }
0x99: {  	s19 =	simm.s32 $_scs_section_size  }
0x9a: {  	s4 =	simm.s32 $_size__tile_overlayer_lowered;
	s5 =	simm.s32 $_tile_overlayer_lowered  }
0x9b: {  	s22 =	simm.s32 $0x1BFF;
	s21 =	sshll.u32 s5, $0x1;
	s2 =	sadd.s32 s19, s18  }
0x9c: {  	s6 =	simm.s32 $0x0;
	s20 =	sshll.u32 s4, $0x1;
	s4 =	sadd.s32 s21, s2  }
0x9d: {  	[timem:s6], [sflag:s22] =	dma.local [hbm:s4], s20  }
0x9e: {  	_ =	swait.ge [sflag:s22], s20  }
0x9f: {  	s3 =	ssub.s32 $0x0, s20;
	[sflag:s22] =	ssyncset.done $0x0  }
0xa0: {  	[sflag:s22] =	ssyncadd.s32 s3;
	_ =	sdelay $0x1  }
0xa1: {  	s23 =	simm.s32 $0x1B8B  }
0xa2: {  	_ =	swait.ge [sflag:s23], $0x1  }
0xa3: {  	[sflag:s23] =	ssyncset.done $0x0  }
0xa4: {  	s25 =	simm.s32 $0x1B8E;
	s24 =	sld [smem:$0x3FFE];
	[sflag:s23] =	ssyncadd.s32 $0xFFFFFFFF  }
0xa5: {  	s26 =	simm.s32 $execute0_lowered;
	[smem:$0x3FD2] =	sst s25  }
0xa6: {  	s4 =	sshll.u32 s26, $0x1;
	_ =	strace $0x80000055;
	[dreg:$0x1] =	wrdreg $0xFFFFFFFF  }
0xa7: {  	s28 =	simm.s32 $_size_execute0_lowered;
	s2 =	sadd.s32 s2, s4;
	[dreg:$0x0] =	wrdreg $0x0  }
0xa8: {  	s4 =	sshll.u32 s28, $0x1;
	[dreg:$0x2] =	wrdreg s2  }
0xa9: {  	[dreg:$0x3] =	wrdreg s4  }
0xaa: {  	[dreg:$0x4] =	wrdreg $0xC0  }
0xab: {  	_ =	task [dreg:s6], $0x5FFFF  }
0xac: {  	[dreg:$0x1] =	wrdreg $0xFFFFFFFF  }
0xad: {  	[dreg:$0x0] =	wrdreg $0x60  }
0xae: {  	[dreg:$0x2] =	wrdreg s24  }
0xaf: {  	[dreg:$0x3] =	wrdreg $0xA9000  }
0xb0: {  	[dreg:$0x4] =	wrdreg $0x9  }
0xb1: {  	_ =	task.clear_ibuf [dreg:s6], $0x5FFFF;
	_ =	strace $0x90000055  }
0xb2: {  	s29 =	simm.s32 $0x9;
	_ =	strace $0x80000057  }
0xb3: {  	_ =	swait.ge [sflag:s29], $0x1  }
0xb4: {  	[sflag:s29] =	ssyncadd.s32 $0xFFFFFFFF  }
0xb5: {  	_ =	strace $0x90000057  }
0xb6: {  	_ =	sfence  }
0xb7: {  	s30 =	sld [smem:$0x0];
	_ =	sdelay $0x2  }
0xb8: {  	s31 =	sshll.u32 s1, $0xD;
	s1 =	sshrl.u32 s1, $0x2  }
0xb9: {  	s3 =	sand.u32 $0x4000, s31;
	s1 =	sadd.s32 s1, s30  }
0xba: {  	s0 =	sor.u32 s3, s0;
	s1 =	sshll.u32 s1, $0x11  }
0xbb: {  	s0 =	sor.u32 s1, s0  }
0xbc: {  	s0 =	sadd.s32 $0x8F2B, s0  }
0xbd: {  	[sflag:s0] =	ssyncadd.remote.s32 $0x1  }
0xbe: {  	_ =	sfence.sel $0xFFFF  }
0xbf: {  	[dreg:$0x0] =	wrdreg $0xFFFFFFFF;
	(pc) =	sbr.abs _section_cstart, $3  }
0xc0: {  	[dreg:$0x1] =	wrdreg $0xFFFFFFFF  }
0xc1: {  	_ =	task.clear_ibuf [dreg:s6], $0x2FFFF;
	_ =	strace $0x9FFFFFFF  }
0xc2: {  	(tm) =	ssettm $0x7FFFFFFF  }
0xc3: {  	_ =	shalt  }
tec
execute0_lowered:
.L_overlay_start_1:
0x0: {  	(tag) =	ssettag $0x1  }
0x1: {  	s0 =	srdreg.scid;
	s6 =	rddreg [dreg:$0x0]  }
0x2: {  	s2 =	rddreg [dreg:$0x1];
	s1 =	stileid.u32  }
0x3: {  	s3 =	simm.s32 $0x0;
	s18 =	simm.s32 $0x2800;
	s19 =	simm.s32 $0x2880  }
0x4: {  	s20 =	simm.s32 $0x1;
	s21 =	simm.s32 $0x80;
	s22 =	simm.s32 $0x2900  }
0x5: {  	s23 =	simm.s32 $0x3;
	s28 =	simm.s32 $0x5;
	s29 =	simm.s32 $0x6  }
0x6: {  	s30 =	simm.s32 $0x0;
	s0 =	sand.u32 $0x1, s0;
	s13 =	smul.u32 $0x2800, s1  }
0x7: {  	[smem:$0x7FF] =	sst s3;
	s5 =	sadd.s32 $0xE800, s6;
	s11 =	smul.u32 $0x50000, s1  }
0x8: {  	s12 =	sadd.s32 $0x18800, s6;
	s31 =	sshll.u32 s1, $0x6;
	s17 =	smul.u32 $0x500, s1  }
0x9: {  	s4 =	sshll.u32 s0, $0x4;
	_ =	strace $0x80000056;
	s8 =	smul.u32 $0x28000, s0  }
0xa: {  	s10 =	ssub.s32 $0x2, s0;
	p0 =	seq.s32 s0, $0x1;
	s0 =	smul.u32 $0x5000, s0  }
0xb: {  	s4 =	sor.u32 s1, s4;
	s14 =	sshrl.u32 s10, $0x1;
	s24 =	sshrl.u32 s11, $0x2  }
0xc: {  	s7 =	smul.u32 $0x500, s4;
	s4 =	sadd.s32 $0x40800, s6;
	s8 =	sadd.s32 s13, s8  }
0xd: {  	s10 =	ssub.s32 s10, s14;
	s16 =	sadd.s32 s24, s2;
	s24 =	simm.s32 $0x2  }
0xe: {  	s15 =	sadd.s32 s8, s6;
	s10 =	smax.u32 s10, $0x1;
	s14 =	smov.u32 s4  }
0xf: {  	s16 =	sshrl.u32 s16, $0x3;
	s9 =	sadd.s32 s7, s6;
	s6 =	sadd.s32 s5, s7  }
.Ltmp0:
0x10: {  	s14 =	smov.u32 @p0 s12;
	s25 =	sadd.s32 $0x4800, s9;
	(pc) =	sbr.rel .LBB2_1-.Ltmp0, $4  }
0x11: {  	s26 =	sadd.s32 $0x10, s6;
	s9 =	sadd.s32 $0x91800, s15;
	s11 =	sadd.s32 $0x20, s6  }
0x12: {  	s12 =	sadd.s32 $0x30, s6;
	s13 =	sadd.s32 s14, s13;
	s14 =	sor.u32 $0x1C07, s31  }
0x13: {  	s15 =	sadd.s32 s17, s0;
	s17 =	simm.s32 $0x7;
	[dreg:$0x3] =	wrdreg s25  }
0x14: {  	[dreg:$0x4] =	wrdreg s26;
	s25 =	simm.s32 $0x6900;
	s26 =	simm.s32 $0x4  }
.LBB2_4:
0x15: {  	_ =	swait.ge [sflag:s28], $0x4000  }
0x16: {  	[sflag:s28] =	ssyncset.done $0x0  }
0x17: {  	[sflag:s28] =	ssyncadd.s32 $0xFFFFC000  }
0x18: {  	_ =	swait.ge [sflag:s29], $0x4000  }
0x19: {  	s30 =	sadd.s32 $0x1, s30;
	[sflag:s29] =	ssyncset.done $0x0  }
0x1a: {  	p0 =	sne.s32 s30, s10;
	[sflag:s29] =	ssyncadd.s32 $0xFFFFC000  }
.Ltmp1:
0x1b: {  	[bflag:$0x0] =	sbarrier.arrive $0xFFFF;
	(pc) =	sbr.rel @!p0 .LBB2_5-.Ltmp1, $4  }
0x1c: {  	[hbm:s9], [sflag:s14] =	dma.local [spmem:s16], $0x2800  }
0x1d: {  	_ =	swait.ge [sflag:s17], $0x2800  }
0x1e: {  	[sflag:s17] =	ssyncset.done $0x0  }
0x1f: {  	[sflag:s17] =	ssyncadd.s32 $0xFFFFD800  }
.LBB2_1:
0x20: {  	[spmem:s16], [sflag:s14] =	dma.local [hbm:s13], $0x2800  }
0x21: {  	_ =	swait.ge [sflag:s17], $0x2800  }
0x22: {  	[sflag:s17] =	ssyncset.done $0x0  }
0x23: {  	s0 =	rddreg [dreg:$0x3];
	[sflag:s17] =	ssyncadd.s32 $0xFFFFD800  }
0x24: {  	[tilespmem:s3], [sflag:$0x7] =	stream.linear.gather [hbm4b:s0+s3], $0x2800, $0x38;
	[tilespmem:$0x1E900] =	vst v63  }
0x25: {  	_ =	swait.ge [sflag:s17], $0x2800  }
0x26: {  	[sflag:s17] =	ssyncset.done $0x0  }
0x27: {  	[sflag:s17] =	ssyncadd.s32 $0xFFFFD800  }
0x28: {  	[bflag:$0x0] =	sbarrier.arrive $0xFFFF  }
0x29: {  	[tilespmem:s18], [sflag:$0x1] =	stream.linear.gather [hbm4b:s6+s3], $0x80, $0x38;
	[tilespmem:$0x1E900] =	vst v63  }
0x2a: {  	s8 =	rddreg [dreg:$0x4]  }
0x2b: {  	[tilespmem:s19], [sflag:$0x2] =	stream.linear.gather [hbm4b:s8+s3], $0x80, $0x38;
	[tilespmem:$0x1E900] =	vst v63  }
0x2c: {  	_ =	swait.ge [sflag:s20], $0x80  }
0x2d: {  	[sflag:s20] =	ssyncset.done $0x0  }
0x2e: {  	[sflag:s20] =	ssyncadd.s32 $0xFFFFFF80  }
0x2f: {  	[tilespmem:s22], [sflag:$0x3] =	stream.indirect.gather [hbm4b:s4+s21], $0x80, s18, s21, $0xb8;
	[tilespmem:$0x1E900] =	vst v63  }
0x30: {  	_ =	swait.ge [sflag:s23], $0x4000  }
0x31: {  	[sflag:s23] =	ssyncset.done $0x0  }
0x32: {  	[sflag:s23] =	ssyncadd.s32 $0xFFFFC000  }
0x33: {  	[spmem:s2] =	stream.indirect.scatter.add.f32 [tilespmem:s22], [sflag:$0x5], $0x80, s3, s21, $0xb8;
	[tilespmem:$0x1E900] =	vst v63  }
0x34: {  	_ = 	snop  }
0x35: {  	[tilespmem:s18], [sflag:$0x1] =	stream.linear.gather [hbm4b:s11+s3], $0x80, $0x38;
	[tilespmem:$0x1E900] =	vst v63  }
0x36: {  	_ =	swait.ge [sflag:s24], $0x80  }
0x37: {  	[sflag:s24] =	ssyncset.done $0x0  }
0x38: {  	[sflag:s24] =	ssyncadd.s32 $0xFFFFFF80  }
0x39: {  	[tilespmem:s25], [sflag:$0x4] =	stream.indirect.gather [hbm4b:s4+s21], $0x80, s19, s21, $0xb8;
	[tilespmem:$0x1E900] =	vst v63  }
0x3a: {  	_ =	swait.ge [sflag:s26], $0x4000  }
0x3b: {  	[sflag:s26] =	ssyncset.done $0x0  }
0x3c: {  	[sflag:s26] =	ssyncadd.s32 $0xFFFFC000  }
0x3d: {  	[spmem:s2] =	stream.indirect.scatter.add.f32 [tilespmem:s25], [sflag:$0x6], $0x80, s21, s21, $0xb8;
	[tilespmem:$0x1E900] =	vst v63  }
0x3e: {  	_ = 	snop  }
0x3f: {  	[tilespmem:s19], [sflag:$0x2] =	stream.linear.gather [hbm4b:s12+s3], $0x80, $0x38;
	[tilespmem:$0x1E900] =	vst v63  }
0x40: {  	_ =	swait.ge [sflag:s28], $0x4000  }
0x41: {  	[sflag:s28] =	ssyncset.done $0x0  }
0x42: {  	[sflag:s28] =	ssyncadd.s32 $0xFFFFC000  }
0x43: {  	_ =	swait.ge [sflag:s20], $0x80  }
0x44: {  	[sflag:s20] =	ssyncset.done $0x0  }
0x45: {  	s31 =	simm.s32 $0x180;
	s0 =	simm.s32 $0x50;
	[sflag:s20] =	ssyncadd.s32 $0xFFFFFF80  }
0x46: {  	[tilespmem:s22], [sflag:$0x3] =	stream.indirect.gather [hbm4b:s4+s21], $0x80, s18, s21, $0xb8;
	[tilespmem:$0x1E900] =	vst v63  }
.LBB2_2:
0x47: {  	_ =	swait.ge [sflag:s23], $0x4000  }
0x48: {  	[sflag:s23] =	ssyncset.done $0x0  }
0x49: {  	s1 =	sadd.s32 $0xFFFFFF80, s31;
	p0 =	seq.s32 s0, $0x510;
	[sflag:s23] =	ssyncadd.s32 $0xFFFFC000  }
0x4a: {  	[spmem:s2] =	stream.indirect.scatter.add.f32 [tilespmem:s22], [sflag:$0x5], $0x80, s1, s21, $0xb8;
	[tilespmem:$0x1E900] =	vst v63  }
0x4b: {  	s1 =	sadd.s32 @!p0 $0xFFFFFFF0, s0  }
0x4c: {  	s7 =	sadd.s32 @!p0 s15, s1;
	s1 =	sand.u32 @!p0 $0x60, s1  }
0x4d: {  	s7 =	sand.u32 @!p0 $0xFFFFF80, s7;
	s1 =	sadd.s32 @!p0 s5, s1  }
0x4e: {  	s8 =	simm.s32 @!p0 $0x2800;
	s1 =	sadd.s32 @!p0 s7, s1;
	s7 =	simm.s32 @!p0 $0x0  }
0x4f: {  	[tilespmem:s8], [sflag:$0x1] =	stream.linear.gather @!p0 [hbm4b:s1+s7], $0x80, $0x38;
	[tilespmem:$0x1E900] =	vst v63  }
0x50: {  	_ =	swait.ge [sflag:s29], $0x4000  }
0x51: {  	[sflag:s29] =	ssyncset.done $0x0  }
0x52: {  	[sflag:s29] =	ssyncadd.s32 $0xFFFFC000  }
0x53: {  	_ =	swait.ge [sflag:s24], $0x80  }
0x54: {  	[sflag:s24] =	ssyncset.done $0x0  }
0x55: {  	[sflag:s24] =	ssyncadd.s32 $0xFFFFFF80  }
0x56: {  	[tilespmem:s25], [sflag:$0x4] =	stream.indirect.gather [hbm4b:s4+s21], $0x80, s19, s21, $0xb8;
	[tilespmem:$0x1E900] =	vst v63  }
.Ltmp2:
0x57: {  	_ = 	snop;
	(pc) =	sbr.rel @p0 .LBB2_4-.Ltmp2, $4  }
0x58: {  	_ =	swait.ge [sflag:s26], $0x4000  }
0x59: {  	[sflag:s26] =	ssyncset.done $0x0  }
0x5a: {  	[sflag:s26] =	ssyncadd.s32 $0xFFFFC000  }
0x5b: {  	[spmem:s2] =	stream.indirect.scatter.add.f32 [tilespmem:s25], [sflag:$0x6], $0x80, s31, s21, $0xb8;
	[tilespmem:$0x1E900] =	vst v63  }
0x5c: {  	s1 =	sadd.s32 s0, s15;
	s7 =	sand.u32 $0x70, s0  }
0x5d: {  	s1 =	sand.u32 $0xFFFFF80, s1;
	s7 =	sadd.s32 s5, s7  }
0x5e: {  	s1 =	sadd.s32 s1, s7  }
0x5f: {  	[tilespmem:s19], [sflag:$0x2] =	stream.linear.gather [hbm4b:s1+s3], $0x80, $0x38;
	[tilespmem:$0x1E900] =	vst v63  }
0x60: {  	_ =	swait.ge [sflag:s28], $0x4000  }
0x61: {  	[sflag:s28] =	ssyncset.done $0x0  }
.Ltmp3:
0x62: {  	[sflag:s28] =	ssyncadd.s32 $0xFFFFC000;
	(pc) =	sbr.rel .LBB2_2-.Ltmp3, $4  }
0x63: {  	_ =	swait.ge [sflag:s20], $0x80  }
0x64: {  	[sflag:s20] =	ssyncset.done $0x0  }
0x65: {  	s31 =	sadd.s32 $0x100, s31;
	s0 =	sadd.s32 $0x20, s0;
	[sflag:s20] =	ssyncadd.s32 $0xFFFFFF80  }
0x66: {  	[tilespmem:s22], [sflag:$0x3] =	stream.indirect.gather [hbm4b:s4+s21], $0x80, s18, s21, $0xb8;
	[tilespmem:$0x1E900] =	vst v63  }
.LBB2_5:
0x67: {  	_ =	sfence.sel $0x180000  }
0x68: {  	[bflag:$0x0] =	sbarrier.arrive $0xFFFF  }
0x69: {  	_ =	strace $0x90000056  }
0x6a: {  	s0 =	stileid.u32;
	[bflag:$0x2] =	sbarrier.arrive $0xFFFF  }
0x6b: {  	p0 =	sne.s32 s0, $0x0;
	s0 =	rddreg [dreg:$0x2]  }
0x6c: {  	s0 =	sadd.s32 @!p0 $0x100000, s0  }
0x6d: {  	[sflag:s0] =	ssyncadd.tile.s32 @!p0 $0x1;
	_ =	shalt  }
.Lfunc_end2:
_tile_overlayer_lowered:
.L_overlay_start_2:
0x6e: {  	(tag) =	ssettag $0x2  }
0x6f: {  	s0 =	rddreg [dreg:$0x0];
	s2 =	stileid.u32  }
0x70: {  	s1 =	rddreg [dreg:$0x1];
	p0 =	sne.s32 s2, $0x0  }
0x71: {  	s3 =	rddreg [dreg:$0x2];
	[bflag:$0x3] =	sbarrier.arrive $0xFFFF;
	s2 =	simm.s32 @!p0 $0x1C07  }
0x72: {  	[timem:s3], [sflag:s2] =	dma.local @!p0 [hbm:s0], s1  }
0x73: {  	s0 =	simm.s32 @!p0 $0x7  }
0x74: {  	_ =	swait.ge @!p0 [sflag:s0], s1  }
0x75: {  	s1 =	ssub.s32 @!p0 $0x0, s1;
	[sflag:s0] =	ssyncset.done @!p0 $0x0  }
0x76: {  	[sflag:s0] =	ssyncadd.s32 @!p0 s1  }
0x77: {  	[bflag:$0x3] =	sbarrier.arrive $0xFFFF  }
0x78: {  	_ =	shalt  }

// kernel: kernel.34.cloned.1.call-start
scs
__scs_entry_jumppad:
0x0: {  	(pc) =	sbr.rel $0x88, $3  }
0x1: {  	(tag) =	ssettag $0x0;
	lr =	simm.s32 $0x1  }
0x2: {  	[smem:$0x3F95] =	sst lr;
	_ =	strace $0xD0000000  }
0x3: {  	_ = 	snop  }
0x4: {  	_ = 	snop  }
0x5: {  	_ = 	snop  }
0x6: {  	_ = 	snop  }
0x7: {  	_ = 	snop  }
__scs_overlays_trampoline_lowered:
0x8: {  	[smem:$0x3FA4] =	sst s0  }
0x9: {  	[smem:$0x3FA5] =	sst s1  }
0xa: {  	[smem:$0x3FA6] =	sst s2  }
0xb: {  	[smem:$0x3FA7] =	sst s3  }
0xc: {  	[smem:$0x3FA8] =	sst s4  }
0xd: {  	[smem:$0x3FA9] =	sst s5  }
0xe: {  	[smem:$0x3FAA] =	sst s6  }
0xf: {  	[smem:$0x3FAB] =	sst s7  }
0x10: {  	[smem:$0x3FAC] =	sst s8  }
0x11: {  	[smem:$0x3FAD] =	sst s9;
	s0 =	simm.s32 @!p0 $0x0  }
0x12: {  	s1 =	sld [smem:$0x3F93];
	s0 =	simm.s32 @p0 $0x1  }
0x13: {  	[smem:$0x3FAE] =	sst s0;
	s0 =	simm.s32 @!p1 $0x0  }
0x14: {  	s2 =	sld [smem:$0x3F92];
	s0 =	simm.s32 @p1 $0x1  }
0x15: {  	[smem:$0x3FAF] =	sst s0;
	s0 =	simm.s32 @!p2 $0x0  }
0x16: {  	s3 =	sld [smem:$0x3FDB];
	s0 =	simm.s32 @p2 $0x1  }
0x17: {  	s4 =	simm.s32 $0x1BF5;
	[smem:$0x3FB1] =	sst s0  }
0x18: {  	s0 =	sld [smem:$0x3F94];
	_ =	swait.ge [sflag:s4], $0x0  }
0x19: {  	s7 =	sld [smem:$0x3F95]  }
0x1a: {  	s8 =	sadd.s32 $0xFFFFE003, lr  }
0x1b: {  	s9 =	sadd.s32 $0xFFFFFEF7, lr;
	s5 =	simm.s32 $0xFFFFFFFF;
	p2 =	slt.u32 s8, $0xFFFFF086  }
0x1c: {  	p1 =	slt.u32 s9, $0xF7A;
	s5 =	simm.s32 @!p2 $0x0  }
0x1d: {  	s5 =	simm.s32 @p1 $0x1;
	p0 =	seq.s32 s7, s2  }
0x1e: {  	s7 =	smul.u32 @!p0 $0xF7A, s2;
	p2 =	seq.s32 @!p0 s5, $0x0  }
0x1f: {  	s9 =	smul.u32 $0xF7A, s1;
	s8 =	simm.s32 @!p0 $0x1BF5;
	p2 =	por !p2, p0  }
0x20: {  	[sflag:s8] =	ssyncset.s32 @!p0 $0xFFFFF086;
	s6 =	sadd.s32 @!p0 s3, s7;
	s7 =	simm.s32 @!p0 $0x108  }
0x21: {  	s3 =	sadd.s32 s3, s9;
	s6 =	sadd.s32 @!p0 $0x88, s6;
	s7 =	simm.s32 @p2 $0x1082  }
0x22: {  	[simem:s7], [sflag:s8] =	dma.local @!p0 [hbm:s6], $0xF7A  }
0x23: {  	s9 =	sor.u32 $0xD0000000, s2;
	s6 =	simm.s32 $0x108;
	_ =	swait.ge @!p0 [sflag:s8], $0x0  }
0x24: {  	s3 =	sadd.s32 $0x88, s3;
	s6 =	simm.s32 @!p1 $0x1082;
	[sflag:s4] =	ssyncset.s32 $0xFFFFF086  }
0x25: {  	[simem:s6], [sflag:s4] =	dma.local [hbm:s3], $0xF7A  }
0x26: {  	[smem:$0x3F95] =	sst s1;
	(tag) =	ssettag s2;
	_ =	strace s9  }
0x27: {  	s1 =	sld [smem:$0x3FA5]  }
0x28: {  	s2 =	sld [smem:$0x3FA6]  }
0x29: {  	s4 =	sld [smem:$0x3FA8]  }
0x2a: {  	p0 =	seq.s32 s5, $0x0;
	s5 =	sld [smem:$0x3FA9]  }
0x2b: {  	s6 =	sld [smem:$0x3FAA]  }
0x2c: {  	s7 =	sld [smem:$0x3FAB]  }
0x2d: {  	s3 =	simm.s32 $0x108;
	s8 =	sld [smem:$0x3FAC]  }
0x2e: {  	s3 =	simm.s32 @!p0 $0x1082;
	s9 =	sld [smem:$0x3FAD]  }
0x2f: {  	lr =	sadd.s32 s0, s3;
	s0 =	sld [smem:$0x3FA4]  }
0x30: {  	s3 =	sld [smem:$0x3FA7]  }
0x31: {  	[smem:$0x3FB0] =	sst s10  }
0x32: {  	s10 =	sld [smem:$0x3FAE];
	_ =	sdelay $0x3  }
0x33: {  	p0 =	seq.s32 s10, $0x1;
	s10 =	sld [smem:$0x3FB0];
	_ =	sdelay $0x3  }
0x34: {  	[smem:$0x3FB0] =	sst s10  }
0x35: {  	s10 =	sld [smem:$0x3FAF];
	_ =	sdelay $0x3  }
0x36: {  	p1 =	seq.s32 s10, $0x1;
	s10 =	sld [smem:$0x3FB0];
	_ =	sdelay $0x3  }
0x37: {  	[smem:$0x3FB0] =	sst s10  }
0x38: {  	s10 =	sld [smem:$0x3FB1]  }
0x39: {  	_ = 	snop;
	(pc) =	sbr.ind lr, $3  }
0x3a: {  	_ = 	snop  }
0x3b: {  	_ = 	snop  }
0x3c: {  	p2 =	seq.s32 s10, $0x1;
	s10 =	sld [smem:$0x3FB0]  }
0x3d: {  	_ =	shalt  }
0x3e: {  	_ =	shalt  }
0x3f: {  	_ =	shalt  }
0x40: {  	_ =	shalt  }
0x41: {  	_ =	shalt  }
0x42: {  	_ =	shalt  }
0x43: {  	_ =	shalt  }
0x44: {  	_ =	shalt  }
0x45: {  	_ =	shalt  }
0x46: {  	_ =	shalt  }
0x47: {  	_ =	shalt  }
0x48: {  	_ =	shalt  }
0x49: {  	_ =	shalt  }
0x4a: {  	_ =	shalt  }
0x4b: {  	_ =	shalt  }
0x4c: {  	_ =	shalt  }
0x4d: {  	_ =	shalt  }
0x4e: {  	_ =	shalt  }
0x4f: {  	_ =	shalt  }
0x50: {  	_ =	shalt  }
0x51: {  	_ =	shalt  }
0x52: {  	_ =	shalt  }
0x53: {  	_ =	shalt  }
0x54: {  	_ =	shalt  }
0x55: {  	_ =	shalt  }
0x56: {  	_ =	shalt  }
0x57: {  	_ =	shalt  }
0x58: {  	_ =	shalt  }
0x59: {  	_ =	shalt  }
0x5a: {  	_ =	shalt  }
0x5b: {  	_ =	shalt  }
0x5c: {  	_ =	shalt  }
0x5d: {  	_ =	shalt  }
0x5e: {  	_ =	shalt  }
0x5f: {  	_ =	shalt  }
0x60: {  	_ =	shalt  }
0x61: {  	_ =	shalt  }
0x62: {  	_ =	shalt  }
0x63: {  	_ =	shalt  }
0x64: {  	_ =	shalt  }
0x65: {  	_ =	shalt  }
0x66: {  	_ =	shalt  }
0x67: {  	_ =	shalt  }
0x68: {  	_ =	shalt  }
0x69: {  	_ =	shalt  }
0x6a: {  	_ =	shalt  }
0x6b: {  	_ =	shalt  }
0x6c: {  	_ =	shalt  }
0x6d: {  	_ =	shalt  }
0x6e: {  	_ =	shalt  }
0x6f: {  	_ =	shalt  }
0x70: {  	_ =	shalt  }
0x71: {  	_ =	shalt  }
0x72: {  	_ =	shalt  }
0x73: {  	_ =	shalt  }
0x74: {  	_ =	shalt  }
0x75: {  	_ =	shalt  }
0x76: {  	_ =	shalt  }
0x77: {  	_ =	shalt  }
0x78: {  	_ =	shalt  }
0x79: {  	_ =	shalt  }
0x7a: {  	_ =	shalt  }
0x7b: {  	_ =	shalt  }
0x7c: {  	_ =	shalt  }
0x7d: {  	_ =	shalt  }
0x7e: {  	_ =	shalt  }
0x7f: {  	_ =	shalt  }
0x80: {  	_ =	shalt  }
0x81: {  	_ =	shalt  }
0x82: {  	_ =	shalt  }
0x83: {  	_ =	shalt  }
0x84: {  	_ =	shalt  }
0x85: {  	_ =	shalt  }
0x86: {  	_ =	shalt  }
0x87: {  	_ =	shalt  }
.Lfunc_end0:
.L_simem_size_0:
called_computation.6_lowered:
.L_overlay_start_0:
0x88: {  	s2 =	sld [smem:$0x3FD9]  }
0x89: {  	s3 =	sld [smem:$0x3FFE];
	_ =	sdelay $0x1  }
0x8a: {  	s1 =	srdreg.scid  }
0x8b: {  	s0 =	sand.u32 $0x1, s1  }
0x8c: {  	s16 =	sshll.u32 s0, $0xA;
	s2 =	sadd.s32 s3, s2  }
0x8d: {  	s2 =	sadd.s32 s2, s16  }
0x8e: {  	[smem:$0x3FBC] =	sst s2  }
0x8f: {  	_ = 	snop  }
0x90: {  	(tm) =	ssettm $0x1  }
0x91: {  	s17 =	sld [smem:$0x3FFB];
	_ =	sdelay $0x3  }
0x92: {  	_ =	strace s17  }
0x93: {  	s2 =	sld [smem:$0x3FFC];
	_ =	sdelay $0x3  }
0x94: {  	_ =	strace s2  }
0x95: {  	s2 =	sld [smem:$0x3FFD];
	_ =	sdelay $0x3  }
0x96: {  	_ =	strace s2  }
0x97: {  	_ =	strace $0x8FFFFFFF  }
0x98: {  	s18 =	sld [smem:$0x3FDB];
	_ =	sdelay $0x1  }
0x99: {  	s19 =	simm.s32 $_scs_section_size  }
0x9a: {  	s4 =	simm.s32 $_size__tile_overlayer_lowered;
	s5 =	simm.s32 $_tile_overlayer_lowered  }
0x9b: {  	s22 =	simm.s32 $0x1BFF;
	s21 =	sshll.u32 s5, $0x1;
	s2 =	sadd.s32 s19, s18  }
0x9c: {  	s6 =	simm.s32 $0x0;
	s20 =	sshll.u32 s4, $0x1;
	s4 =	sadd.s32 s21, s2  }
0x9d: {  	[timem:s6], [sflag:s22] =	dma.local [hbm:s4], s20  }
0x9e: {  	_ =	swait.ge [sflag:s22], s20  }
0x9f: {  	s3 =	ssub.s32 $0x0, s20;
	[sflag:s22] =	ssyncset.done $0x0  }
0xa0: {  	[sflag:s22] =	ssyncadd.s32 s3;
	_ =	sdelay $0x1  }
0xa1: {  	s23 =	simm.s32 $0x1B8B  }
0xa2: {  	_ =	swait.ge [sflag:s23], $0x1  }
0xa3: {  	[sflag:s23] =	ssyncset.done $0x0  }
0xa4: {  	s25 =	simm.s32 $0x1B8E;
	s24 =	sld [smem:$0x3FFE];
	[sflag:s23] =	ssyncadd.s32 $0xFFFFFFFF  }
0xa5: {  	s26 =	simm.s32 $execute0_lowered;
	[smem:$0x3FD2] =	sst s25  }
0xa6: {  	s4 =	sshll.u32 s26, $0x1;
	_ =	strace $0x80000058;
	[dreg:$0x1] =	wrdreg $0xFFFFFFFF  }
0xa7: {  	s28 =	simm.s32 $_size_execute0_lowered;
	s2 =	sadd.s32 s2, s4;
	[dreg:$0x0] =	wrdreg $0x0  }
0xa8: {  	s4 =	sshll.u32 s28, $0x1;
	[dreg:$0x2] =	wrdreg s2  }
0xa9: {  	[dreg:$0x3] =	wrdreg s4  }
0xaa: {  	[dreg:$0x4] =	wrdreg $0xC0  }
0xab: {  	_ =	task [dreg:s6], $0x5FFFF  }
0xac: {  	[dreg:$0x1] =	wrdreg $0xFFFFFFFF  }
0xad: {  	[dreg:$0x0] =	wrdreg $0x60  }
0xae: {  	[dreg:$0x2] =	wrdreg s24  }
0xaf: {  	[dreg:$0x3] =	wrdreg $0xA9000  }
0xb0: {  	[dreg:$0x4] =	wrdreg $0x9  }
0xb1: {  	_ =	task.clear_ibuf [dreg:s6], $0x5FFFF;
	_ =	strace $0x90000058  }
0xb2: {  	s29 =	simm.s32 $0x9;
	_ =	strace $0x8000005A  }
0xb3: {  	_ =	swait.ge [sflag:s29], $0x1  }
0xb4: {  	[sflag:s29] =	ssyncadd.s32 $0xFFFFFFFF  }
0xb5: {  	_ =	strace $0x9000005A  }
0xb6: {  	_ =	sfence  }
0xb7: {  	s30 =	sld [smem:$0x0];
	_ =	sdelay $0x2  }
0xb8: {  	s31 =	sshll.u32 s1, $0xD;
	s1 =	sshrl.u32 s1, $0x2  }
0xb9: {  	s3 =	sand.u32 $0x4000, s31;
	s1 =	sadd.s32 s1, s30  }
0xba: {  	s0 =	sor.u32 s3, s0;
	s1 =	sshll.u32 s1, $0x11  }
0xbb: {  	s0 =	sor.u32 s1, s0  }
0xbc: {  	s0 =	sadd.s32 $0x8F2B, s0  }
0xbd: {  	[sflag:s0] =	ssyncadd.remote.s32 $0x1  }
0xbe: {  	_ =	sfence.sel $0xFFFF  }
0xbf: {  	[dreg:$0x0] =	wrdreg $0xFFFFFFFF;
	(pc) =	sbr.abs _section_cstart, $3  }
0xc0: {  	[dreg:$0x1] =	wrdreg $0xFFFFFFFF  }
0xc1: {  	_ =	task.clear_ibuf [dreg:s6], $0x2FFFF;
	_ =	strace $0x9FFFFFFF  }
0xc2: {  	(tm) =	ssettm $0x7FFFFFFF  }
0xc3: {  	_ =	shalt  }
tec
execute0_lowered:
.L_overlay_start_1:
0x0: {  	(tag) =	ssettag $0x1  }
0x1: {  	s0 =	srdreg.scid;
	s6 =	rddreg [dreg:$0x0]  }
0x2: {  	s2 =	rddreg [dreg:$0x1];
	s1 =	stileid.u32  }
0x3: {  	s3 =	simm.s32 $0x0;
	s18 =	simm.s32 $0x2800;
	s19 =	simm.s32 $0x2880  }
0x4: {  	s20 =	simm.s32 $0x1;
	s21 =	simm.s32 $0x80;
	s22 =	simm.s32 $0x2900  }
0x5: {  	s23 =	simm.s32 $0x3;
	s28 =	simm.s32 $0x5;
	s29 =	simm.s32 $0x6  }
0x6: {  	s30 =	simm.s32 $0x0;
	s0 =	sand.u32 $0x1, s0;
	s13 =	smul.u32 $0x2800, s1  }
0x7: {  	[smem:$0x7FF] =	sst s3;
	s5 =	sadd.s32 $0xE800, s6;
	s11 =	smul.u32 $0x50000, s1  }
0x8: {  	s12 =	sadd.s32 $0x18800, s6;
	s31 =	sshll.u32 s1, $0x6;
	s17 =	smul.u32 $0x500, s1  }
0x9: {  	s4 =	sshll.u32 s0, $0x4;
	_ =	strace $0x80000059;
	s8 =	smul.u32 $0x28000, s0  }
0xa: {  	s10 =	ssub.s32 $0x2, s0;
	p0 =	seq.s32 s0, $0x1;
	s0 =	smul.u32 $0x5000, s0  }
0xb: {  	s4 =	sor.u32 s1, s4;
	s14 =	sshrl.u32 s10, $0x1;
	s24 =	sshrl.u32 s11, $0x2  }
0xc: {  	s7 =	smul.u32 $0x500, s4;
	s4 =	sadd.s32 $0x40800, s6;
	s8 =	sadd.s32 s13, s8  }
0xd: {  	s10 =	ssub.s32 s10, s14;
	s16 =	sadd.s32 s24, s2;
	s24 =	simm.s32 $0x2  }
0xe: {  	s15 =	sadd.s32 s8, s6;
	s10 =	smax.u32 s10, $0x1;
	s14 =	smov.u32 s4  }
0xf: {  	s16 =	sshrl.u32 s16, $0x3;
	s9 =	sadd.s32 s7, s6;
	s6 =	sadd.s32 s5, s7  }
.Ltmp0:
0x10: {  	s14 =	smov.u32 @p0 s12;
	s25 =	sadd.s32 $0x4800, s9;
	(pc) =	sbr.rel .LBB2_1-.Ltmp0, $4  }
0x11: {  	s26 =	sadd.s32 $0x10, s6;
	s9 =	sadd.s32 $0x68800, s15;
	s11 =	sadd.s32 $0x20, s6  }
0x12: {  	s12 =	sadd.s32 $0x30, s6;
	s13 =	sadd.s32 s14, s13;
	s14 =	sor.u32 $0x1C07, s31  }
0x13: {  	s15 =	sadd.s32 s17, s0;
	s17 =	simm.s32 $0x7;
	[dreg:$0x3] =	wrdreg s25  }
0x14: {  	[dreg:$0x4] =	wrdreg s26;
	s25 =	simm.s32 $0x6900;
	s26 =	simm.s32 $0x4  }
.LBB2_4:
0x15: {  	_ =	swait.ge [sflag:s28], $0x4000  }
0x16: {  	[sflag:s28] =	ssyncset.done $0x0  }
0x17: {  	[sflag:s28] =	ssyncadd.s32 $0xFFFFC000  }
0x18: {  	_ =	swait.ge [sflag:s29], $0x4000  }
0x19: {  	s30 =	sadd.s32 $0x1, s30;
	[sflag:s29] =	ssyncset.done $0x0  }
0x1a: {  	p0 =	sne.s32 s30, s10;
	[sflag:s29] =	ssyncadd.s32 $0xFFFFC000  }
.Ltmp1:
0x1b: {  	[bflag:$0x0] =	sbarrier.arrive $0xFFFF;
	(pc) =	sbr.rel @!p0 .LBB2_5-.Ltmp1, $4  }
0x1c: {  	[hbm:s9], [sflag:s14] =	dma.local [spmem:s16], $0x2800  }
0x1d: {  	_ =	swait.ge [sflag:s17], $0x2800  }
0x1e: {  	[sflag:s17] =	ssyncset.done $0x0  }
0x1f: {  	[sflag:s17] =	ssyncadd.s32 $0xFFFFD800  }
.LBB2_1:
0x20: {  	[spmem:s16], [sflag:s14] =	dma.local [hbm:s13], $0x2800  }
0x21: {  	_ =	swait.ge [sflag:s17], $0x2800  }
0x22: {  	[sflag:s17] =	ssyncset.done $0x0  }
0x23: {  	s0 =	rddreg [dreg:$0x3];
	[sflag:s17] =	ssyncadd.s32 $0xFFFFD800  }
0x24: {  	[tilespmem:s3], [sflag:$0x7] =	stream.linear.gather [hbm4b:s0+s3], $0x2800, $0x38;
	[tilespmem:$0x1E900] =	vst v63  }
0x25: {  	_ =	swait.ge [sflag:s17], $0x2800  }
0x26: {  	[sflag:s17] =	ssyncset.done $0x0  }
0x27: {  	[sflag:s17] =	ssyncadd.s32 $0xFFFFD800  }
0x28: {  	[bflag:$0x0] =	sbarrier.arrive $0xFFFF  }
0x29: {  	[tilespmem:s18], [sflag:$0x1] =	stream.linear.gather [hbm4b:s6+s3], $0x80, $0x38;
	[tilespmem:$0x1E900] =	vst v63  }
0x2a: {  	s8 =	rddreg [dreg:$0x4]  }
0x2b: {  	[tilespmem:s19], [sflag:$0x2] =	stream.linear.gather [hbm4b:s8+s3], $0x80, $0x38;
	[tilespmem:$0x1E900] =	vst v63  }
0x2c: {  	_ =	swait.ge [sflag:s20], $0x80  }
0x2d: {  	[sflag:s20] =	ssyncset.done $0x0  }
0x2e: {  	[sflag:s20] =	ssyncadd.s32 $0xFFFFFF80  }
0x2f: {  	[tilespmem:s22], [sflag:$0x3] =	stream.indirect.gather [hbm4b:s4+s21], $0x80, s18, s21, $0xb8;
	[tilespmem:$0x1E900] =	vst v63  }
0x30: {  	_ =	swait.ge [sflag:s23], $0x4000  }
0x31: {  	[sflag:s23] =	ssyncset.done $0x0  }
0x32: {  	[sflag:s23] =	ssyncadd.s32 $0xFFFFC000  }
0x33: {  	[spmem:s2] =	stream.indirect.scatter.add.f32 [tilespmem:s22], [sflag:$0x5], $0x80, s3, s21, $0xb8;
	[tilespmem:$0x1E900] =	vst v63  }
0x34: {  	_ = 	snop  }
0x35: {  	[tilespmem:s18], [sflag:$0x1] =	stream.linear.gather [hbm4b:s11+s3], $0x80, $0x38;
	[tilespmem:$0x1E900] =	vst v63  }
0x36: {  	_ =	swait.ge [sflag:s24], $0x80  }
0x37: {  	[sflag:s24] =	ssyncset.done $0x0  }
0x38: {  	[sflag:s24] =	ssyncadd.s32 $0xFFFFFF80  }
0x39: {  	[tilespmem:s25], [sflag:$0x4] =	stream.indirect.gather [hbm4b:s4+s21], $0x80, s19, s21, $0xb8;
	[tilespmem:$0x1E900] =	vst v63  }
0x3a: {  	_ =	swait.ge [sflag:s26], $0x4000  }
0x3b: {  	[sflag:s26] =	ssyncset.done $0x0  }
0x3c: {  	[sflag:s26] =	ssyncadd.s32 $0xFFFFC000  }
0x3d: {  	[spmem:s2] =	stream.indirect.scatter.add.f32 [tilespmem:s25], [sflag:$0x6], $0x80, s21, s21, $0xb8;
	[tilespmem:$0x1E900] =	vst v63  }
0x3e: {  	_ = 	snop  }
0x3f: {  	[tilespmem:s19], [sflag:$0x2] =	stream.linear.gather [hbm4b:s12+s3], $0x80, $0x38;
	[tilespmem:$0x1E900] =	vst v63  }
0x40: {  	_ =	swait.ge [sflag:s28], $0x4000  }
0x41: {  	[sflag:s28] =	ssyncset.done $0x0  }
0x42: {  	[sflag:s28] =	ssyncadd.s32 $0xFFFFC000  }
0x43: {  	_ =	swait.ge [sflag:s20], $0x80  }
0x44: {  	[sflag:s20] =	ssyncset.done $0x0  }
0x45: {  	s31 =	simm.s32 $0x180;
	s0 =	simm.s32 $0x50;
	[sflag:s20] =	ssyncadd.s32 $0xFFFFFF80  }
0x46: {  	[tilespmem:s22], [sflag:$0x3] =	stream.indirect.gather [hbm4b:s4+s21], $0x80, s18, s21, $0xb8;
	[tilespmem:$0x1E900] =	vst v63  }
.LBB2_2:
0x47: {  	_ =	swait.ge [sflag:s23], $0x4000  }
0x48: {  	[sflag:s23] =	ssyncset.done $0x0  }
0x49: {  	s1 =	sadd.s32 $0xFFFFFF80, s31;
	p0 =	seq.s32 s0, $0x510;
	[sflag:s23] =	ssyncadd.s32 $0xFFFFC000  }
0x4a: {  	[spmem:s2] =	stream.indirect.scatter.add.f32 [tilespmem:s22], [sflag:$0x5], $0x80, s1, s21, $0xb8;
	[tilespmem:$0x1E900] =	vst v63  }
0x4b: {  	s1 =	sadd.s32 @!p0 $0xFFFFFFF0, s0  }
0x4c: {  	s7 =	sadd.s32 @!p0 s15, s1;
	s1 =	sand.u32 @!p0 $0x60, s1  }
0x4d: {  	s7 =	sand.u32 @!p0 $0xFFFFF80, s7;
	s1 =	sadd.s32 @!p0 s5, s1  }
0x4e: {  	s8 =	simm.s32 @!p0 $0x2800;
	s1 =	sadd.s32 @!p0 s7, s1;
	s7 =	simm.s32 @!p0 $0x0  }
0x4f: {  	[tilespmem:s8], [sflag:$0x1] =	stream.linear.gather @!p0 [hbm4b:s1+s7], $0x80, $0x38;
	[tilespmem:$0x1E900] =	vst v63  }
0x50: {  	_ =	swait.ge [sflag:s29], $0x4000  }
0x51: {  	[sflag:s29] =	ssyncset.done $0x0  }
0x52: {  	[sflag:s29] =	ssyncadd.s32 $0xFFFFC000  }
0x53: {  	_ =	swait.ge [sflag:s24], $0x80  }
0x54: {  	[sflag:s24] =	ssyncset.done $0x0  }
0x55: {  	[sflag:s24] =	ssyncadd.s32 $0xFFFFFF80  }
0x56: {  	[tilespmem:s25], [sflag:$0x4] =	stream.indirect.gather [hbm4b:s4+s21], $0x80, s19, s21, $0xb8;
	[tilespmem:$0x1E900] =	vst v63  }
.Ltmp2:
0x57: {  	_ = 	snop;
	(pc) =	sbr.rel @p0 .LBB2_4-.Ltmp2, $4  }
0x58: {  	_ =	swait.ge [sflag:s26], $0x4000  }
0x59: {  	[sflag:s26] =	ssyncset.done $0x0  }
0x5a: {  	[sflag:s26] =	ssyncadd.s32 $0xFFFFC000  }
0x5b: {  	[spmem:s2] =	stream.indirect.scatter.add.f32 [tilespmem:s25], [sflag:$0x6], $0x80, s31, s21, $0xb8;
	[tilespmem:$0x1E900] =	vst v63  }
0x5c: {  	s1 =	sadd.s32 s0, s15;
	s7 =	sand.u32 $0x70, s0  }
0x5d: {  	s1 =	sand.u32 $0xFFFFF80, s1;
	s7 =	sadd.s32 s5, s7  }
0x5e: {  	s1 =	sadd.s32 s1, s7  }
0x5f: {  	[tilespmem:s19], [sflag:$0x2] =	stream.linear.gather [hbm4b:s1+s3], $0x80, $0x38;
	[tilespmem:$0x1E900] =	vst v63  }
0x60: {  	_ =	swait.ge [sflag:s28], $0x4000  }
0x61: {  	[sflag:s28] =	ssyncset.done $0x0  }
.Ltmp3:
0x62: {  	[sflag:s28] =	ssyncadd.s32 $0xFFFFC000;
	(pc) =	sbr.rel .LBB2_2-.Ltmp3, $4  }
0x63: {  	_ =	swait.ge [sflag:s20], $0x80  }
0x64: {  	[sflag:s20] =	ssyncset.done $0x0  }
0x65: {  	s31 =	sadd.s32 $0x100, s31;
	s0 =	sadd.s32 $0x20, s0;
	[sflag:s20] =	ssyncadd.s32 $0xFFFFFF80  }
0x66: {  	[tilespmem:s22], [sflag:$0x3] =	stream.indirect.gather [hbm4b:s4+s21], $0x80, s18, s21, $0xb8;
	[tilespmem:$0x1E900] =	vst v63  }
.LBB2_5:
0x67: {  	_ =	sfence.sel $0x180000  }
0x68: {  	[bflag:$0x0] =	sbarrier.arrive $0xFFFF  }
0x69: {  	_ =	strace $0x90000059  }
0x6a: {  	s0 =	stileid.u32;
	[bflag:$0x2] =	sbarrier.arrive $0xFFFF  }
0x6b: {  	p0 =	sne.s32 s0, $0x0;
	s0 =	rddreg [dreg:$0x2]  }
0x6c: {  	s0 =	sadd.s32 @!p0 $0x100000, s0  }
0x6d: {  	[sflag:s0] =	ssyncadd.tile.s32 @!p0 $0x1;
	_ =	shalt  }
.Lfunc_end2:
_tile_overlayer_lowered:
.L_overlay_start_2:
0x6e: {  	(tag) =	ssettag $0x2  }
0x6f: {  	s0 =	rddreg [dreg:$0x0];
	s2 =	stileid.u32  }
0x70: {  	s1 =	rddreg [dreg:$0x1];
	p0 =	sne.s32 s2, $0x0  }
0x71: {  	s3 =	rddreg [dreg:$0x2];
	[bflag:$0x3] =	sbarrier.arrive $0xFFFF;
	s2 =	simm.s32 @!p0 $0x1C07  }
0x72: {  	[timem:s3], [sflag:s2] =	dma.local @!p0 [hbm:s0], s1  }
0x73: {  	s0 =	simm.s32 @!p0 $0x7  }
0x74: {  	_ =	swait.ge @!p0 [sflag:s0], s1  }
0x75: {  	s1 =	ssub.s32 @!p0 $0x0, s1;
	[sflag:s0] =	ssyncset.done @!p0 $0x0  }
0x76: {  	[sflag:s0] =	ssyncadd.s32 @!p0 s1  }
0x77: {  	[bflag:$0x3] =	sbarrier.arrive $0xFFFF  }
0x78: {  	_ =	shalt  }

</sc_bundles>
